<compile_context>
chip_gen: v7x
topology: tpu7x:2x2x1
jax: 0.10.2.dev20260603
libtpu: 0.0.44.dev20260713+nightly
codegen_flags: <defaults>
</compile_context>

<pallas_src>
import functools

import jax
import jax.numpy as jnp
from jax import lax
from jax.experimental import pallas as pl
from jax.experimental.pallas import tpu as pltpu
from jax.experimental.pallas import tpu_sc as plsc

_N, _C, _H, _W = 128, 3, 224, 224
_NC, _NS = 2, 16
_NW = _NC * _NS
_ROWS = _C * _H
_RPW = _ROWS // _NW
_NBUF = 4
_LA = 2


def _sc_copy(x_hbm, o_hbm, buf, in_sems, out_sems):
    wid = lax.axis_index("s") * _NC + lax.axis_index("c")
    base = wid * _RPW

    def start_in(q):
        r = base + q
        s = q % _NBUF
        return pltpu.async_copy(x_hbm.at[r // _H, r % _H], buf.at[s],
                                in_sems.at[s])

    def start_out(q):
        r = base + q
        s = q % _NBUF
        return pltpu.async_copy(buf.at[s], o_hbm.at[r // _H, r % _H],
                                out_sems.at[s])

    ins, outs = {}, {}
    for q in range(-_LA, _RPW):
        j = q + _LA
        if j < _RPW:
            if j >= _NBUF:
                outs[j - _NBUF].wait()
            ins[j] = start_in(j)
        if q >= 0:
            ins[q].wait()
            outs[q] = start_out(q)
    for q in range(max(_RPW - _NBUF, 0), _RPW):
        outs[q].wait()


def kernel(x):
    y = jnp.transpose(x, (1, 2, 3, 0))
    k = functools.partial(
        pl.kernel,
        mesh=plsc.VectorSubcoreMesh(core_axis_name="c", subcore_axis_name="s"),
        out_type=jax.ShapeDtypeStruct((_C, _H, _W, _N), jnp.float32),
        scratch_types=[
            pltpu.VMEM((_NBUF, _W, _N), jnp.float32),
            pltpu.SemaphoreType.DMA((_NBUF,)),
            pltpu.SemaphoreType.DMA((_NBUF,)),
        ],
    )(_sc_copy)
    out = k(y)
    return jnp.transpose(out, (3, 0, 1, 2))

# --- scband reference (transcript-rebuilt; emitter-appended) ---
"""Pipeline reference for scband-cut-mix-85856396247208 (READ-ONLY COPY).

The authoritative reference and input builder live on the scoring server;
editing this copy changes nothing except your own understanding.
"""

import jax, jax.numpy as jnp
import numpy as np

# CutMix(batch_dim=0) is constructed and forward(x) is called immediately.
# __init__ -> reset() sets mix_values=None and mix_index=None. sample() is NOT
# called by the harness, so the guard `self.mix_values is None` in forward()
# triggers and forward returns x unchanged (identity pass-through). This is the
# faithful behavior of the module as exercised: no bbox cut, no index_select.

def setup_inputs(seed: int = 0) -> dict:
    key = jax.random.key(seed)
    x = jax.random.normal(key, (128, 3, 224, 224), dtype=jnp.float32)
    return {"x": x}

def reference(x):
    # forward: if not self.training or self.mix_values is None: return x
    # mix_values is None at construction -> identity.
    return x

if __name__ == "__main__":
    import jax
    _d = setup_inputs()
    print(jax.jit(kernel)(*tuple(_d.values())))

</pallas_src>

<mosaic_0001>
#map = affine_map<(d0, d1) -> (0, 0, 0, 0)>
module attributes {stable_mosaic.version = 14 : i64} {
  func.func @_sc_copy(%arg0: i32, %arg1: i32, %arg2: memref<3x224x224x128xf32, #tpu.memory_space<hbm>>, %arg3: memref<3x224x224x128xf32, #tpu.memory_space<hbm>>, %arg4: memref<4x224x128xf32, #tpu.memory_space<vmem>>, %arg5: memref<4x!tpu.dma_semaphore, #tpu.memory_space<semaphore_mem>>, %arg6: memref<4x!tpu.dma_semaphore, #tpu.memory_space<semaphore_mem>>) attributes {dimension_semantics = [#tpu.dimension_semantics<core_parallel>, #tpu.dimension_semantics<subcore_parallel>], iteration_bounds = array<i64: 2, 16>, scalar_prefetch = 0 : i64, scratch_operands = 3 : i64, tpu.core_type = #tpu.core_type<sc_vector_subcore>, window_params = [{transform_indices = #map}, {transform_indices = #map}]} {
    %mul3A = arith.constant 2 : i32
    %mul3A_0 = arith.muli %arg1, %mul3A : i32
    %add3A = arith.addi %mul3A_0, %arg0 : i32
    %mul3A_1 = arith.constant 21 : i32
    %mul3A_2 = arith.muli %add3A, %mul3A_1 : i32
    %add3A_3 = arith.constant 0 : i32
    %add3A_4 = arith.addi %mul3A_2, %add3A_3 : i32
    %jit3A = arith.constant 224 : i32
    %div3A = arith.divsi %add3A_4, %jit3A : i32
    %sign3A = arith.constant 0 : i32
    %sign3A_5 = arith.cmpi sgt, %add3A_4, %sign3A : i32
    %sign3A_6 = arith.extui %sign3A_5 : i1 to i32
    %sign3A_7 = arith.constant 0 : i32
    %sign3A_8 = arith.cmpi slt, %add3A_4, %sign3A_7 : i32
    %sign3A_9 = arith.extui %sign3A_8 : i1 to i32
    %sign3A_10 = arith.subi %sign3A_6, %sign3A_9 : i32
    %sign3A_11 = arith.constant 0 : i32
    %sign3A_12 = arith.cmpi sgt, %jit3A, %sign3A_11 : i32
    %sign3A_13 = arith.extui %sign3A_12 : i1 to i32
    %sign3A_14 = arith.constant 0 : i32
    %sign3A_15 = arith.cmpi slt, %jit3A, %sign3A_14 : i32
    %sign3A_16 = arith.extui %sign3A_15 : i1 to i32
    %sign3A_17 = arith.subi %sign3A_13, %sign3A_16 : i32
    %ne3A = arith.cmpi ne, %sign3A_10, %sign3A_17 : i32
    %rem3A = arith.remsi %add3A_4, %jit3A : i32
    %ne3A_18 = arith.constant 0 : i32
    %ne3A_19 = arith.cmpi ne, %rem3A, %ne3A_18 : i32
    %and3A = arith.andi %ne3A, %ne3A_19 : i1
    %sub3A = arith.constant 1 : i32
    %sub3A_20 = arith.subi %div3A, %sub3A : i32
    %select_n3A = arith.select %and3A, %sub3A_20, %div3A : i32
    %jit3A_21 = arith.constant 224 : i32
    %eq3A = arith.constant 0 : i32
    %eq3A_22 = arith.cmpi eq, %jit3A_21, %eq3A : i32
    %jit3A_23 = arith.constant 1 : i32
    %select_n3A_24 = arith.select %eq3A_22, %jit3A_23, %jit3A_21 : i32
    %rem3A_25 = arith.remsi %add3A_4, %select_n3A_24 : i32
    %ne3A_26 = arith.constant 0 : i32
    %ne3A_27 = arith.cmpi ne, %rem3A_25, %ne3A_26 : i32
    %lt3A = arith.constant 0 : i32
    %lt3A_28 = arith.cmpi slt, %rem3A_25, %lt3A : i32
    %lt3A_29 = arith.constant 0 : i32
    %lt3A_30 = arith.cmpi slt, %select_n3A_24, %lt3A_29 : i32
    %ne3A_31 = arith.xori %lt3A_28, %lt3A_30 : i1
    %and3A_32 = arith.andi %ne3A_31, %ne3A_27 : i1
    %add3A_33 = arith.addi %rem3A_25, %select_n3A_24 : i32
    %select_n3A_34 = arith.select %and3A_32, %add3A_33, %rem3A_25 : i32
    %dma_start3A = arith.constant 0 : i32
    %dma_start3A_35 = arith.constant 0 : i32
    %dma_start3A_36 = arith.constant 0 : i32
    %dma_start3A_37 = arith.constant 0 : i32
    %dma_start3A_38 = tpu.memref_slice %arg4[%dma_start3A, %dma_start3A_36, %dma_start3A_37] : memref<4x224x128xf32, #tpu.memory_space<vmem>> -> memref<1x224x128xf32, #tpu.memory_space<vmem>>
    %dma_start3A_39 = tpu.memref_squeeze %dma_start3A_38 : memref<1x224x128xf32, #tpu.memory_space<vmem>> -> memref<224x128xf32, #tpu.memory_space<vmem>>
    %dma_start3A_40 = arith.constant 0 : i32
    %dma_start3A_41 = arith.constant 0 : i32
    %dma_start3A_42 = tpu.memref_slice %arg2[%select_n3A, %select_n3A_34, %dma_start3A_40, %dma_start3A_41] : memref<3x224x224x128xf32, #tpu.memory_space<hbm>> -> memref<1x1x224x128xf32, #tpu.memory_space<hbm>>
    %dma_start3A_43 = tpu.memref_squeeze %dma_start3A_42 : memref<1x1x224x128xf32, #tpu.memory_space<hbm>> -> memref<224x128xf32, #tpu.memory_space<hbm>>
    %dma_start3A_44 = tpu.memref_slice %arg5[%dma_start3A_35] : memref<4x!tpu.dma_semaphore, #tpu.memory_space<semaphore_mem>> -> memref<1x!tpu.dma_semaphore, #tpu.memory_space<semaphore_mem>>
    %dma_start3A_45 = tpu.memref_squeeze %dma_start3A_44 : memref<1x!tpu.dma_semaphore, #tpu.memory_space<semaphore_mem>> -> memref<!tpu.dma_semaphore, #tpu.memory_space<semaphore_mem>>
    %dma_start3A_46 = arith.constant 0 : i32
    %dma_start3A_47 = arith.constant 0 : i32
    %dma_start3A_48 = tpu.memref_slice %arg4[%dma_start3A, %dma_start3A_46, %dma_start3A_47] : memref<4x224x128xf32, #tpu.memory_space<vmem>> -> memref<1x224x128xf32, #tpu.memory_space<vmem>>
    %dma_start3A_49 = tpu.memref_squeeze %dma_start3A_48 : memref<1x224x128xf32, #tpu.memory_space<vmem>> -> memref<224x128xf32, #tpu.memory_space<vmem>>
    %dma_start3A_50 = arith.constant 0 : i32
    %dma_start3A_51 = arith.constant 0 : i32
    %dma_start3A_52 = tpu.memref_slice %arg2[%select_n3A, %select_n3A_34, %dma_start3A_50, %dma_start3A_51] : memref<3x224x224x128xf32, #tpu.memory_space<hbm>> -> memref<1x1x224x128xf32, #tpu.memory_space<hbm>>
    %dma_start3A_53 = tpu.memref_squeeze %dma_start3A_52 : memref<1x1x224x128xf32, #tpu.memory_space<hbm>> -> memref<224x128xf32, #tpu.memory_space<hbm>>
    tpu.enqueue_dma source(%dma_start3A_53 : memref<224x128xf32, #tpu.memory_space<hbm>>) target(%dma_start3A_49 : memref<224x128xf32, #tpu.memory_space<vmem>>) target_semaphore(%dma_start3A_45 : memref<!tpu.dma_semaphore, #tpu.memory_space<semaphore_mem>>)
    %add3A_54 = arith.constant 1 : i32
    %add3A_55 = arith.addi %mul3A_2, %add3A_54 : i32
    %jit3A_56 = arith.constant 224 : i32
    %div3A_57 = arith.divsi %add3A_55, %jit3A_56 : i32
    %sign3A_58 = arith.constant 0 : i32
    %sign3A_59 = arith.cmpi sgt, %add3A_55, %sign3A_58 : i32
    %sign3A_60 = arith.extui %sign3A_59 : i1 to i32
    %sign3A_61 = arith.constant 0 : i32
    %sign3A_62 = arith.cmpi slt, %add3A_55, %sign3A_61 : i32
    %sign3A_63 = arith.extui %sign3A_62 : i1 to i32
    %sign3A_64 = arith.subi %sign3A_60, %sign3A_63 : i32
    %sign3A_65 = arith.constant 0 : i32
    %sign3A_66 = arith.cmpi sgt, %jit3A_56, %sign3A_65 : i32
    %sign3A_67 = arith.extui %sign3A_66 : i1 to i32
    %sign3A_68 = arith.constant 0 : i32
    %sign3A_69 = arith.cmpi slt, %jit3A_56, %sign3A_68 : i32
    %sign3A_70 = arith.extui %sign3A_69 : i1 to i32
    %sign3A_71 = arith.subi %sign3A_67, %sign3A_70 : i32
    %ne3A_72 = arith.cmpi ne, %sign3A_64, %sign3A_71 : i32
    %rem3A_73 = arith.remsi %add3A_55, %jit3A_56 : i32
    %ne3A_74 = arith.constant 0 : i32
    %ne3A_75 = arith.cmpi ne, %rem3A_73, %ne3A_74 : i32
    %and3A_76 = arith.andi %ne3A_72, %ne3A_75 : i1
    %sub3A_77 = arith.constant 1 : i32
    %sub3A_78 = arith.subi %div3A_57, %sub3A_77 : i32
    %select_n3A_79 = arith.select %and3A_76, %sub3A_78, %div3A_57 : i32
    %jit3A_80 = arith.constant 224 : i32
    %eq3A_81 = arith.constant 0 : i32
    %eq3A_82 = arith.cmpi eq, %jit3A_80, %eq3A_81 : i32
    %jit3A_83 = arith.constant 1 : i32
    %select_n3A_84 = arith.select %eq3A_82, %jit3A_83, %jit3A_80 : i32
    %rem3A_85 = arith.remsi %add3A_55, %select_n3A_84 : i32
    %ne3A_86 = arith.constant 0 : i32
    %ne3A_87 = arith.cmpi ne, %rem3A_85, %ne3A_86 : i32
    %lt3A_88 = arith.constant 0 : i32
    %lt3A_89 = arith.cmpi slt, %rem3A_85, %lt3A_88 : i32
    %lt3A_90 = arith.constant 0 : i32
    %lt3A_91 = arith.cmpi slt, %select_n3A_84, %lt3A_90 : i32
    %ne3A_92 = arith.xori %lt3A_89, %lt3A_91 : i1
    %and3A_93 = arith.andi %ne3A_92, %ne3A_87 : i1
    %add3A_94 = arith.addi %rem3A_85, %select_n3A_84 : i32
    %select_n3A_95 = arith.select %and3A_93, %add3A_94, %rem3A_85 : i32
    %dma_start3A_96 = arith.constant 1 : i32
    %dma_start3A_97 = arith.constant 1 : i32
    %dma_start3A_98 = arith.constant 0 : i32
    %dma_start3A_99 = arith.constant 0 : i32
    %dma_start3A_100 = tpu.memref_slice %arg4[%dma_start3A_96, %dma_start3A_98, %dma_start3A_99] : memref<4x224x128xf32, #tpu.memory_space<vmem>> -> memref<1x224x128xf32, #tpu.memory_space<vmem>>
    %dma_start3A_101 = tpu.memref_squeeze %dma_start3A_100 : memref<1x224x128xf32, #tpu.memory_space<vmem>> -> memref<224x128xf32, #tpu.memory_space<vmem>>
    %dma_start3A_102 = arith.constant 0 : i32
    %dma_start3A_103 = arith.constant 0 : i32
    %dma_start3A_104 = tpu.memref_slice %arg2[%select_n3A_79, %select_n3A_95, %dma_start3A_102, %dma_start3A_103] : memref<3x224x224x128xf32, #tpu.memory_space<hbm>> -> memref<1x1x224x128xf32, #tpu.memory_space<hbm>>
    %dma_start3A_105 = tpu.memref_squeeze %dma_start3A_104 : memref<1x1x224x128xf32, #tpu.memory_space<hbm>> -> memref<224x128xf32, #tpu.memory_space<hbm>>
    %dma_start3A_106 = tpu.memref_slice %arg5[%dma_start3A_97] : memref<4x!tpu.dma_semaphore, #tpu.memory_space<semaphore_mem>> -> memref<1x!tpu.dma_semaphore, #tpu.memory_space<semaphore_mem>>
    %dma_start3A_107 = tpu.memref_squeeze %dma_start3A_106 : memref<1x!tpu.dma_semaphore, #tpu.memory_space<semaphore_mem>> -> memref<!tpu.dma_semaphore, #tpu.memory_space<semaphore_mem>>
    %dma_start3A_108 = arith.constant 0 : i32
    %dma_start3A_109 = arith.constant 0 : i32
    %dma_start3A_110 = tpu.memref_slice %arg4[%dma_start3A_96, %dma_start3A_108, %dma_start3A_109] : memref<4x224x128xf32, #tpu.memory_space<vmem>> -> memref<1x224x128xf32, #tpu.memory_space<vmem>>
    %dma_start3A_111 = tpu.memref_squeeze %dma_start3A_110 : memref<1x224x128xf32, #tpu.memory_space<vmem>> -> memref<224x128xf32, #tpu.memory_space<vmem>>
    %dma_start3A_112 = arith.constant 0 : i32
    %dma_start3A_113 = arith.constant 0 : i32
    %dma_start3A_114 = tpu.memref_slice %arg2[%select_n3A_79, %select_n3A_95, %dma_start3A_112, %dma_start3A_113] : memref<3x224x224x128xf32, #tpu.memory_space<hbm>> -> memref<1x1x224x128xf32, #tpu.memory_space<hbm>>
    %dma_start3A_115 = tpu.memref_squeeze %dma_start3A_114 : memref<1x1x224x128xf32, #tpu.memory_space<hbm>> -> memref<224x128xf32, #tpu.memory_space<hbm>>
    tpu.enqueue_dma source(%dma_start3A_115 : memref<224x128xf32, #tpu.memory_space<hbm>>) target(%dma_start3A_111 : memref<224x128xf32, #tpu.memory_space<vmem>>) target_semaphore(%dma_start3A_107 : memref<!tpu.dma_semaphore, #tpu.memory_space<semaphore_mem>>)
    %add3A_116 = arith.constant 2 : i32
    %add3A_117 = arith.addi %mul3A_2, %add3A_116 : i32
    %jit3A_118 = arith.constant 224 : i32
    %div3A_119 = arith.divsi %add3A_117, %jit3A_118 : i32
    %sign3A_120 = arith.constant 0 : i32
    %sign3A_121 = arith.cmpi sgt, %add3A_117, %sign3A_120 : i32
    %sign3A_122 = arith.extui %sign3A_121 : i1 to i32
    %sign3A_123 = arith.constant 0 : i32
    %sign3A_124 = arith.cmpi slt, %add3A_117, %sign3A_123 : i32
    %sign3A_125 = arith.extui %sign3A_124 : i1 to i32
    %sign3A_126 = arith.subi %sign3A_122, %sign3A_125 : i32
    %sign3A_127 = arith.constant 0 : i32
    %sign3A_128 = arith.cmpi sgt, %jit3A_118, %sign3A_127 : i32
    %sign3A_129 = arith.extui %sign3A_128 : i1 to i32
    %sign3A_130 = arith.constant 0 : i32
    %sign3A_131 = arith.cmpi slt, %jit3A_118, %sign3A_130 : i32
    %sign3A_132 = arith.extui %sign3A_131 : i1 to i32
    %sign3A_133 = arith.subi %sign3A_129, %sign3A_132 : i32
    %ne3A_134 = arith.cmpi ne, %sign3A_126, %sign3A_133 : i32
    %rem3A_135 = arith.remsi %add3A_117, %jit3A_118 : i32
    %ne3A_136 = arith.constant 0 : i32
    %ne3A_137 = arith.cmpi ne, %rem3A_135, %ne3A_136 : i32
    %and3A_138 = arith.andi %ne3A_134, %ne3A_137 : i1
    %sub3A_139 = arith.constant 1 : i32
    %sub3A_140 = arith.subi %div3A_119, %sub3A_139 : i32
    %select_n3A_141 = arith.select %and3A_138, %sub3A_140, %div3A_119 : i32
    %jit3A_142 = arith.constant 224 : i32
    %eq3A_143 = arith.constant 0 : i32
    %eq3A_144 = arith.cmpi eq, %jit3A_142, %eq3A_143 : i32
    %jit3A_145 = arith.constant 1 : i32
    %select_n3A_146 = arith.select %eq3A_144, %jit3A_145, %jit3A_142 : i32
    %rem3A_147 = arith.remsi %add3A_117, %select_n3A_146 : i32
    %ne3A_148 = arith.constant 0 : i32
    %ne3A_149 = arith.cmpi ne, %rem3A_147, %ne3A_148 : i32
    %lt3A_150 = arith.constant 0 : i32
    %lt3A_151 = arith.cmpi slt, %rem3A_147, %lt3A_150 : i32
    %lt3A_152 = arith.constant 0 : i32
    %lt3A_153 = arith.cmpi slt, %select_n3A_146, %lt3A_152 : i32
    %ne3A_154 = arith.xori %lt3A_151, %lt3A_153 : i1
    %and3A_155 = arith.andi %ne3A_154, %ne3A_149 : i1
    %add3A_156 = arith.addi %rem3A_147, %select_n3A_146 : i32
    %select_n3A_157 = arith.select %and3A_155, %add3A_156, %rem3A_147 : i32
    %dma_start3A_158 = arith.constant 2 : i32
    %dma_start3A_159 = arith.constant 2 : i32
    %dma_start3A_160 = arith.constant 0 : i32
    %dma_start3A_161 = arith.constant 0 : i32
    %dma_start3A_162 = tpu.memref_slice %arg4[%dma_start3A_158, %dma_start3A_160, %dma_start3A_161] : memref<4x224x128xf32, #tpu.memory_space<vmem>> -> memref<1x224x128xf32, #tpu.memory_space<vmem>>
    %dma_start3A_163 = tpu.memref_squeeze %dma_start3A_162 : memref<1x224x128xf32, #tpu.memory_space<vmem>> -> memref<224x128xf32, #tpu.memory_space<vmem>>
    %dma_start3A_164 = arith.constant 0 : i32
    %dma_start3A_165 = arith.constant 0 : i32
    %dma_start3A_166 = tpu.memref_slice %arg2[%select_n3A_141, %select_n3A_157, %dma_start3A_164, %dma_start3A_165] : memref<3x224x224x128xf32, #tpu.memory_space<hbm>> -> memref<1x1x224x128xf32, #tpu.memory_space<hbm>>
    %dma_start3A_167 = tpu.memref_squeeze %dma_start3A_166 : memref<1x1x224x128xf32, #tpu.memory_space<hbm>> -> memref<224x128xf32, #tpu.memory_space<hbm>>
    %dma_start3A_168 = tpu.memref_slice %arg5[%dma_start3A_159] : memref<4x!tpu.dma_semaphore, #tpu.memory_space<semaphore_mem>> -> memref<1x!tpu.dma_semaphore, #tpu.memory_space<semaphore_mem>>
    %dma_start3A_169 = tpu.memref_squeeze %dma_start3A_168 : memref<1x!tpu.dma_semaphore, #tpu.memory_space<semaphore_mem>> -> memref<!tpu.dma_semaphore, #tpu.memory_space<semaphore_mem>>
    %dma_start3A_170 = arith.constant 0 : i32
    %dma_start3A_171 = arith.constant 0 : i32
    %dma_start3A_172 = tpu.memref_slice %arg4[%dma_start3A_158, %dma_start3A_170, %dma_start3A_171] : memref<4x224x128xf32, #tpu.memory_space<vmem>> -> memref<1x224x128xf32, #tpu.memory_space<vmem>>
    %dma_start3A_173 = tpu.memref_squeeze %dma_start3A_172 : memref<1x224x128xf32, #tpu.memory_space<vmem>> -> memref<224x128xf32, #tpu.memory_space<vmem>>
    %dma_start3A_174 = arith.constant 0 : i32
    %dma_start3A_175 = arith.constant 0 : i32
    %dma_start3A_176 = tpu.memref_slice %arg2[%select_n3A_141, %select_n3A_157, %dma_start3A_174, %dma_start3A_175] : memref<3x224x224x128xf32, #tpu.memory_space<hbm>> -> memref<1x1x224x128xf32, #tpu.memory_space<hbm>>
    %dma_start3A_177 = tpu.memref_squeeze %dma_start3A_176 : memref<1x1x224x128xf32, #tpu.memory_space<hbm>> -> memref<224x128xf32, #tpu.memory_space<hbm>>
    tpu.enqueue_dma source(%dma_start3A_177 : memref<224x128xf32, #tpu.memory_space<hbm>>) target(%dma_start3A_173 : memref<224x128xf32, #tpu.memory_space<vmem>>) target_semaphore(%dma_start3A_169 : memref<!tpu.dma_semaphore, #tpu.memory_space<semaphore_mem>>)
    %dma_wait3A = arith.constant 0 : i32
    %dma_wait3A_178 = arith.constant 0 : i32
    %dma_wait3A_179 = arith.constant 0 : i32
    %dma_wait3A_180 = arith.constant 0 : i32
    %dma_wait3A_181 = tpu.memref_slice %arg4[%dma_wait3A, %dma_wait3A_179, %dma_wait3A_180] : memref<4x224x128xf32, #tpu.memory_space<vmem>> -> memref<1x224x128xf32, #tpu.memory_space<vmem>>
    %dma_wait3A_182 = tpu.memref_squeeze %dma_wait3A_181 : memref<1x224x128xf32, #tpu.memory_space<vmem>> -> memref<224x128xf32, #tpu.memory_space<vmem>>
    %dma_wait3A_183 = arith.constant 0 : i32
    %dma_wait3A_184 = arith.constant 0 : i32
    %dma_wait3A_185 = tpu.memref_slice %arg2[%select_n3A, %select_n3A_34, %dma_wait3A_183, %dma_wait3A_184] : memref<3x224x224x128xf32, #tpu.memory_space<hbm>> -> memref<1x1x224x128xf32, #tpu.memory_space<hbm>>
    %dma_wait3A_186 = tpu.memref_squeeze %dma_wait3A_185 : memref<1x1x224x128xf32, #tpu.memory_space<hbm>> -> memref<224x128xf32, #tpu.memory_space<hbm>>
    %dma_wait3A_187 = tpu.memref_slice %arg5[%dma_wait3A_178] : memref<4x!tpu.dma_semaphore, #tpu.memory_space<semaphore_mem>> -> memref<1x!tpu.dma_semaphore, #tpu.memory_space<semaphore_mem>>
    %dma_wait3A_188 = tpu.memref_squeeze %dma_wait3A_187 : memref<1x!tpu.dma_semaphore, #tpu.memory_space<semaphore_mem>> -> memref<!tpu.dma_semaphore, #tpu.memory_space<semaphore_mem>>
    %dma_wait3A_189 = arith.constant 0 : i32
    %dma_wait3A_190 = arith.constant 0 : i32
    %dma_wait3A_191 = tpu.memref_slice %arg4[%dma_wait3A, %dma_wait3A_189, %dma_wait3A_190] : memref<4x224x128xf32, #tpu.memory_space<vmem>> -> memref<1x224x128xf32, #tpu.memory_space<vmem>>
    %dma_wait3A_192 = tpu.memref_squeeze %dma_wait3A_191 : memref<1x224x128xf32, #tpu.memory_space<vmem>> -> memref<224x128xf32, #tpu.memory_space<vmem>>
    %dma_wait3A_193 = arith.constant 0 : i32
    %dma_wait3A_194 = arith.constant 0 : i32
    %dma_wait3A_195 = tpu.memref_slice %arg2[%select_n3A, %select_n3A_34, %dma_wait3A_193, %dma_wait3A_194] : memref<3x224x224x128xf32, #tpu.memory_space<hbm>> -> memref<1x1x224x128xf32, #tpu.memory_space<hbm>>
    %dma_wait3A_196 = tpu.memref_squeeze %dma_wait3A_195 : memref<1x1x224x128xf32, #tpu.memory_space<hbm>> -> memref<224x128xf32, #tpu.memory_space<hbm>>
    tpu.wait_dma2 semaphore(%dma_wait3A_188 : memref<!tpu.dma_semaphore, #tpu.memory_space<semaphore_mem>>) src(%dma_wait3A_196 : memref<224x128xf32, #tpu.memory_space<hbm>>) dst(%dma_wait3A_192 : memref<224x128xf32, #tpu.memory_space<vmem>>)
    %add3A_197 = arith.constant 0 : i32
    %add3A_198 = arith.addi %mul3A_2, %add3A_197 : i32
    %jit3A_199 = arith.constant 224 : i32
    %div3A_200 = arith.divsi %add3A_198, %jit3A_199 : i32
    %sign3A_201 = arith.constant 0 : i32
    %sign3A_202 = arith.cmpi sgt, %add3A_198, %sign3A_201 : i32
    %sign3A_203 = arith.extui %sign3A_202 : i1 to i32
    %sign3A_204 = arith.constant 0 : i32
    %sign3A_205 = arith.cmpi slt, %add3A_198, %sign3A_204 : i32
    %sign3A_206 = arith.extui %sign3A_205 : i1 to i32
    %sign3A_207 = arith.subi %sign3A_203, %sign3A_206 : i32
    %sign3A_208 = arith.constant 0 : i32
    %sign3A_209 = arith.cmpi sgt, %jit3A_199, %sign3A_208 : i32
    %sign3A_210 = arith.extui %sign3A_209 : i1 to i32
    %sign3A_211 = arith.constant 0 : i32
    %sign3A_212 = arith.cmpi slt, %jit3A_199, %sign3A_211 : i32
    %sign3A_213 = arith.extui %sign3A_212 : i1 to i32
    %sign3A_214 = arith.subi %sign3A_210, %sign3A_213 : i32
    %ne3A_215 = arith.cmpi ne, %sign3A_207, %sign3A_214 : i32
    %rem3A_216 = arith.remsi %add3A_198, %jit3A_199 : i32
    %ne3A_217 = arith.constant 0 : i32
    %ne3A_218 = arith.cmpi ne, %rem3A_216, %ne3A_217 : i32
    %and3A_219 = arith.andi %ne3A_215, %ne3A_218 : i1
    %sub3A_220 = arith.constant 1 : i32
    %sub3A_221 = arith.subi %div3A_200, %sub3A_220 : i32
    %select_n3A_222 = arith.select %and3A_219, %sub3A_221, %div3A_200 : i32
    %jit3A_223 = arith.constant 224 : i32
    %eq3A_224 = arith.constant 0 : i32
    %eq3A_225 = arith.cmpi eq, %jit3A_223, %eq3A_224 : i32
    %jit3A_226 = arith.constant 1 : i32
    %select_n3A_227 = arith.select %eq3A_225, %jit3A_226, %jit3A_223 : i32
    %rem3A_228 = arith.remsi %add3A_198, %select_n3A_227 : i32
    %ne3A_229 = arith.constant 0 : i32
    %ne3A_230 = arith.cmpi ne, %rem3A_228, %ne3A_229 : i32
    %lt3A_231 = arith.constant 0 : i32
    %lt3A_232 = arith.cmpi slt, %rem3A_228, %lt3A_231 : i32
    %lt3A_233 = arith.constant 0 : i32
    %lt3A_234 = arith.cmpi slt, %select_n3A_227, %lt3A_233 : i32
    %ne3A_235 = arith.xori %lt3A_232, %lt3A_234 : i1
    %and3A_236 = arith.andi %ne3A_235, %ne3A_230 : i1
    %add3A_237 = arith.addi %rem3A_228, %select_n3A_227 : i32
    %select_n3A_238 = arith.select %and3A_236, %add3A_237, %rem3A_228 : i32
    %dma_start3A_239 = arith.constant 0 : i32
    %dma_start3A_240 = arith.constant 0 : i32
    %dma_start3A_241 = arith.constant 0 : i32
    %dma_start3A_242 = arith.constant 0 : i32
    %dma_start3A_243 = tpu.memref_slice %arg4[%dma_start3A_239, %dma_start3A_241, %dma_start3A_242] : memref<4x224x128xf32, #tpu.memory_space<vmem>> -> memref<1x224x128xf32, #tpu.memory_space<vmem>>
    %dma_start3A_244 = tpu.memref_squeeze %dma_start3A_243 : memref<1x224x128xf32, #tpu.memory_space<vmem>> -> memref<224x128xf32, #tpu.memory_space<vmem>>
    %dma_start3A_245 = arith.constant 0 : i32
    %dma_start3A_246 = arith.constant 0 : i32
    %dma_start3A_247 = tpu.memref_slice %arg3[%select_n3A_222, %select_n3A_238, %dma_start3A_245, %dma_start3A_246] : memref<3x224x224x128xf32, #tpu.memory_space<hbm>> -> memref<1x1x224x128xf32, #tpu.memory_space<hbm>>
    %dma_start3A_248 = tpu.memref_squeeze %dma_start3A_247 : memref<1x1x224x128xf32, #tpu.memory_space<hbm>> -> memref<224x128xf32, #tpu.memory_space<hbm>>
    %dma_start3A_249 = tpu.memref_slice %arg6[%dma_start3A_240] : memref<4x!tpu.dma_semaphore, #tpu.memory_space<semaphore_mem>> -> memref<1x!tpu.dma_semaphore, #tpu.memory_space<semaphore_mem>>
    %dma_start3A_250 = tpu.memref_squeeze %dma_start3A_249 : memref<1x!tpu.dma_semaphore, #tpu.memory_space<semaphore_mem>> -> memref<!tpu.dma_semaphore, #tpu.memory_space<semaphore_mem>>
    %dma_start3A_251 = arith.constant 0 : i32
    %dma_start3A_252 = arith.constant 0 : i32
    %dma_start3A_253 = tpu.memref_slice %arg3[%select_n3A_222, %select_n3A_238, %dma_start3A_251, %dma_start3A_252] : memref<3x224x224x128xf32, #tpu.memory_space<hbm>> -> memref<1x1x224x128xf32, #tpu.memory_space<hbm>>
    %dma_start3A_254 = tpu.memref_squeeze %dma_start3A_253 : memref<1x1x224x128xf32, #tpu.memory_space<hbm>> -> memref<224x128xf32, #tpu.memory_space<hbm>>
    %dma_start3A_255 = arith.constant 0 : i32
    %dma_start3A_256 = arith.constant 0 : i32
    %dma_start3A_257 = tpu.memref_slice %arg4[%dma_start3A_239, %dma_start3A_255, %dma_start3A_256] : memref<4x224x128xf32, #tpu.memory_space<vmem>> -> memref<1x224x128xf32, #tpu.memory_space<vmem>>
    %dma_start3A_258 = tpu.memref_squeeze %dma_start3A_257 : memref<1x224x128xf32, #tpu.memory_space<vmem>> -> memref<224x128xf32, #tpu.memory_space<vmem>>
    tpu.enqueue_dma source(%dma_start3A_258 : memref<224x128xf32, #tpu.memory_space<vmem>>) target(%dma_start3A_254 : memref<224x128xf32, #tpu.memory_space<hbm>>) target_semaphore(%dma_start3A_250 : memref<!tpu.dma_semaphore, #tpu.memory_space<semaphore_mem>>)
    %add3A_259 = arith.constant 3 : i32
    %add3A_260 = arith.addi %mul3A_2, %add3A_259 : i32
    %jit3A_261 = arith.constant 224 : i32
    %div3A_262 = arith.divsi %add3A_260, %jit3A_261 : i32
    %sign3A_263 = arith.constant 0 : i32
    %sign3A_264 = arith.cmpi sgt, %add3A_260, %sign3A_263 : i32
    %sign3A_265 = arith.extui %sign3A_264 : i1 to i32
    %sign3A_266 = arith.constant 0 : i32
    %sign3A_267 = arith.cmpi slt, %add3A_260, %sign3A_266 : i32
    %sign3A_268 = arith.extui %sign3A_267 : i1 to i32
    %sign3A_269 = arith.subi %sign3A_265, %sign3A_268 : i32
    %sign3A_270 = arith.constant 0 : i32
    %sign3A_271 = arith.cmpi sgt, %jit3A_261, %sign3A_270 : i32
    %sign3A_272 = arith.extui %sign3A_271 : i1 to i32
    %sign3A_273 = arith.constant 0 : i32
    %sign3A_274 = arith.cmpi slt, %jit3A_261, %sign3A_273 : i32
    %sign3A_275 = arith.extui %sign3A_274 : i1 to i32
    %sign3A_276 = arith.subi %sign3A_272, %sign3A_275 : i32
    %ne3A_277 = arith.cmpi ne, %sign3A_269, %sign3A_276 : i32
    %rem3A_278 = arith.remsi %add3A_260, %jit3A_261 : i32
    %ne3A_279 = arith.constant 0 : i32
    %ne3A_280 = arith.cmpi ne, %rem3A_278, %ne3A_279 : i32
    %and3A_281 = arith.andi %ne3A_277, %ne3A_280 : i1
    %sub3A_282 = arith.constant 1 : i32
    %sub3A_283 = arith.subi %div3A_262, %sub3A_282 : i32
    %select_n3A_284 = arith.select %and3A_281, %sub3A_283, %div3A_262 : i32
    %jit3A_285 = arith.constant 224 : i32
    %eq3A_286 = arith.constant 0 : i32
    %eq3A_287 = arith.cmpi eq, %jit3A_285, %eq3A_286 : i32
    %jit3A_288 = arith.constant 1 : i32
    %select_n3A_289 = arith.select %eq3A_287, %jit3A_288, %jit3A_285 : i32
    %rem3A_290 = arith.remsi %add3A_260, %select_n3A_289 : i32
    %ne3A_291 = arith.constant 0 : i32
    %ne3A_292 = arith.cmpi ne, %rem3A_290, %ne3A_291 : i32
    %lt3A_293 = arith.constant 0 : i32
    %lt3A_294 = arith.cmpi slt, %rem3A_290, %lt3A_293 : i32
    %lt3A_295 = arith.constant 0 : i32
    %lt3A_296 = arith.cmpi slt, %select_n3A_289, %lt3A_295 : i32
    %ne3A_297 = arith.xori %lt3A_294, %lt3A_296 : i1
    %and3A_298 = arith.andi %ne3A_297, %ne3A_292 : i1
    %add3A_299 = arith.addi %rem3A_290, %select_n3A_289 : i32
    %select_n3A_300 = arith.select %and3A_298, %add3A_299, %rem3A_290 : i32
    %dma_start3A_301 = arith.constant 3 : i32
    %dma_start3A_302 = arith.constant 3 : i32
    %dma_start3A_303 = arith.constant 0 : i32
    %dma_start3A_304 = arith.constant 0 : i32
    %dma_start3A_305 = tpu.memref_slice %arg4[%dma_start3A_301, %dma_start3A_303, %dma_start3A_304] : memref<4x224x128xf32, #tpu.memory_space<vmem>> -> memref<1x224x128xf32, #tpu.memory_space<vmem>>
    %dma_start3A_306 = tpu.memref_squeeze %dma_start3A_305 : memref<1x224x128xf32, #tpu.memory_space<vmem>> -> memref<224x128xf32, #tpu.memory_space<vmem>>
    %dma_start3A_307 = arith.constant 0 : i32
    %dma_start3A_308 = arith.constant 0 : i32
    %dma_start3A_309 = tpu.memref_slice %arg2[%select_n3A_284, %select_n3A_300, %dma_start3A_307, %dma_start3A_308] : memref<3x224x224x128xf32, #tpu.memory_space<hbm>> -> memref<1x1x224x128xf32, #tpu.memory_space<hbm>>
    %dma_start3A_310 = tpu.memref_squeeze %dma_start3A_309 : memref<1x1x224x128xf32, #tpu.memory_space<hbm>> -> memref<224x128xf32, #tpu.memory_space<hbm>>
    %dma_start3A_311 = tpu.memref_slice %arg5[%dma_start3A_302] : memref<4x!tpu.dma_semaphore, #tpu.memory_space<semaphore_mem>> -> memref<1x!tpu.dma_semaphore, #tpu.memory_space<semaphore_mem>>
    %dma_start3A_312 = tpu.memref_squeeze %dma_start3A_311 : memref<1x!tpu.dma_semaphore, #tpu.memory_space<semaphore_mem>> -> memref<!tpu.dma_semaphore, #tpu.memory_space<semaphore_mem>>
    %dma_start3A_313 = arith.constant 0 : i32
    %dma_start3A_314 = arith.constant 0 : i32
    %dma_start3A_315 = tpu.memref_slice %arg4[%dma_start3A_301, %dma_start3A_313, %dma_start3A_314] : memref<4x224x128xf32, #tpu.memory_space<vmem>> -> memref<1x224x128xf32, #tpu.memory_space<vmem>>
    %dma_start3A_316 = tpu.memref_squeeze %dma_start3A_315 : memref<1x224x128xf32, #tpu.memory_space<vmem>> -> memref<224x128xf32, #tpu.memory_space<vmem>>
    %dma_start3A_317 = arith.constant 0 : i32
    %dma_start3A_318 = arith.constant 0 : i32
    %dma_start3A_319 = tpu.memref_slice %arg2[%select_n3A_284, %select_n3A_300, %dma_start3A_317, %dma_start3A_318] : memref<3x224x224x128xf32, #tpu.memory_space<hbm>> -> memref<1x1x224x128xf32, #tpu.memory_space<hbm>>
    %dma_start3A_320 = tpu.memref_squeeze %dma_start3A_319 : memref<1x1x224x128xf32, #tpu.memory_space<hbm>> -> memref<224x128xf32, #tpu.memory_space<hbm>>
    tpu.enqueue_dma source(%dma_start3A_320 : memref<224x128xf32, #tpu.memory_space<hbm>>) target(%dma_start3A_316 : memref<224x128xf32, #tpu.memory_space<vmem>>) target_semaphore(%dma_start3A_312 : memref<!tpu.dma_semaphore, #tpu.memory_space<semaphore_mem>>)
    %dma_wait3A_321 = arith.constant 1 : i32
    %dma_wait3A_322 = arith.constant 1 : i32
    %dma_wait3A_323 = arith.constant 0 : i32
    %dma_wait3A_324 = arith.constant 0 : i32
    %dma_wait3A_325 = tpu.memref_slice %arg4[%dma_wait3A_321, %dma_wait3A_323, %dma_wait3A_324] : memref<4x224x128xf32, #tpu.memory_space<vmem>> -> memref<1x224x128xf32, #tpu.memory_space<vmem>>
    %dma_wait3A_326 = tpu.memref_squeeze %dma_wait3A_325 : memref<1x224x128xf32, #tpu.memory_space<vmem>> -> memref<224x128xf32, #tpu.memory_space<vmem>>
    %dma_wait3A_327 = arith.constant 0 : i32
    %dma_wait3A_328 = arith.constant 0 : i32
    %dma_wait3A_329 = tpu.memref_slice %arg2[%select_n3A_79, %select_n3A_95, %dma_wait3A_327, %dma_wait3A_328] : memref<3x224x224x128xf32, #tpu.memory_space<hbm>> -> memref<1x1x224x128xf32, #tpu.memory_space<hbm>>
    %dma_wait3A_330 = tpu.memref_squeeze %dma_wait3A_329 : memref<1x1x224x128xf32, #tpu.memory_space<hbm>> -> memref<224x128xf32, #tpu.memory_space<hbm>>
    %dma_wait3A_331 = tpu.memref_slice %arg5[%dma_wait3A_322] : memref<4x!tpu.dma_semaphore, #tpu.memory_space<semaphore_mem>> -> memref<1x!tpu.dma_semaphore, #tpu.memory_space<semaphore_mem>>
    %dma_wait3A_332 = tpu.memref_squeeze %dma_wait3A_331 : memref<1x!tpu.dma_semaphore, #tpu.memory_space<semaphore_mem>> -> memref<!tpu.dma_semaphore, #tpu.memory_space<semaphore_mem>>
    %dma_wait3A_333 = arith.constant 0 : i32
    %dma_wait3A_334 = arith.constant 0 : i32
    %dma_wait3A_335 = tpu.memref_slice %arg4[%dma_wait3A_321, %dma_wait3A_333, %dma_wait3A_334] : memref<4x224x128xf32, #tpu.memory_space<vmem>> -> memref<1x224x128xf32, #tpu.memory_space<vmem>>
    %dma_wait3A_336 = tpu.memref_squeeze %dma_wait3A_335 : memref<1x224x128xf32, #tpu.memory_space<vmem>> -> memref<224x128xf32, #tpu.memory_space<vmem>>
    %dma_wait3A_337 = arith.constant 0 : i32
    %dma_wait3A_338 = arith.constant 0 : i32
    %dma_wait3A_339 = tpu.memref_slice %arg2[%select_n3A_79, %select_n3A_95, %dma_wait3A_337, %dma_wait3A_338] : memref<3x224x224x128xf32, #tpu.memory_space<hbm>> -> memref<1x1x224x128xf32, #tpu.memory_space<hbm>>
    %dma_wait3A_340 = tpu.memref_squeeze %dma_wait3A_339 : memref<1x1x224x128xf32, #tpu.memory_space<hbm>> -> memref<224x128xf32, #tpu.memory_space<hbm>>
    tpu.wait_dma2 semaphore(%dma_wait3A_332 : memref<!tpu.dma_semaphore, #tpu.memory_space<semaphore_mem>>) src(%dma_wait3A_340 : memref<224x128xf32, #tpu.memory_space<hbm>>) dst(%dma_wait3A_336 : memref<224x128xf32, #tpu.memory_space<vmem>>)
    %add3A_341 = arith.constant 1 : i32
    %add3A_342 = arith.addi %mul3A_2, %add3A_341 : i32
    %jit3A_343 = arith.constant 224 : i32
    %div3A_344 = arith.divsi %add3A_342, %jit3A_343 : i32
    %sign3A_345 = arith.constant 0 : i32
    %sign3A_346 = arith.cmpi sgt, %add3A_342, %sign3A_345 : i32
    %sign3A_347 = arith.extui %sign3A_346 : i1 to i32
    %sign3A_348 = arith.constant 0 : i32
    %sign3A_349 = arith.cmpi slt, %add3A_342, %sign3A_348 : i32
    %sign3A_350 = arith.extui %sign3A_349 : i1 to i32
    %sign3A_351 = arith.subi %sign3A_347, %sign3A_350 : i32
    %sign3A_352 = arith.constant 0 : i32
    %sign3A_353 = arith.cmpi sgt, %jit3A_343, %sign3A_352 : i32
    %sign3A_354 = arith.extui %sign3A_353 : i1 to i32
    %sign3A_355 = arith.constant 0 : i32
    %sign3A_356 = arith.cmpi slt, %jit3A_343, %sign3A_355 : i32
    %sign3A_357 = arith.extui %sign3A_356 : i1 to i32
    %sign3A_358 = arith.subi %sign3A_354, %sign3A_357 : i32
    %ne3A_359 = arith.cmpi ne, %sign3A_351, %sign3A_358 : i32
    %rem3A_360 = arith.remsi %add3A_342, %jit3A_343 : i32
    %ne3A_361 = arith.constant 0 : i32
    %ne3A_362 = arith.cmpi ne, %rem3A_360, %ne3A_361 : i32
    %and3A_363 = arith.andi %ne3A_359, %ne3A_362 : i1
    %sub3A_364 = arith.constant 1 : i32
    %sub3A_365 = arith.subi %div3A_344, %sub3A_364 : i32
    %select_n3A_366 = arith.select %and3A_363, %sub3A_365, %div3A_344 : i32
    %jit3A_367 = arith.constant 224 : i32
    %eq3A_368 = arith.constant 0 : i32
    %eq3A_369 = arith.cmpi eq, %jit3A_367, %eq3A_368 : i32
    %jit3A_370 = arith.constant 1 : i32
    %select_n3A_371 = arith.select %eq3A_369, %jit3A_370, %jit3A_367 : i32
    %rem3A_372 = arith.remsi %add3A_342, %select_n3A_371 : i32
    %ne3A_373 = arith.constant 0 : i32
    %ne3A_374 = arith.cmpi ne, %rem3A_372, %ne3A_373 : i32
    %lt3A_375 = arith.constant 0 : i32
    %lt3A_376 = arith.cmpi slt, %rem3A_372, %lt3A_375 : i32
    %lt3A_377 = arith.constant 0 : i32
    %lt3A_378 = arith.cmpi slt, %select_n3A_371, %lt3A_377 : i32
    %ne3A_379 = arith.xori %lt3A_376, %lt3A_378 : i1
    %and3A_380 = arith.andi %ne3A_379, %ne3A_374 : i1
    %add3A_381 = arith.addi %rem3A_372, %select_n3A_371 : i32
    %select_n3A_382 = arith.select %and3A_380, %add3A_381, %rem3A_372 : i32
    %dma_start3A_383 = arith.constant 1 : i32
    %dma_start3A_384 = arith.constant 1 : i32
    %dma_start3A_385 = arith.constant 0 : i32
    %dma_start3A_386 = arith.constant 0 : i32
    %dma_start3A_387 = tpu.memref_slice %arg4[%dma_start3A_383, %dma_start3A_385, %dma_start3A_386] : memref<4x224x128xf32, #tpu.memory_space<vmem>> -> memref<1x224x128xf32, #tpu.memory_space<vmem>>
    %dma_start3A_388 = tpu.memref_squeeze %dma_start3A_387 : memref<1x224x128xf32, #tpu.memory_space<vmem>> -> memref<224x128xf32, #tpu.memory_space<vmem>>
    %dma_start3A_389 = arith.constant 0 : i32
    %dma_start3A_390 = arith.constant 0 : i32
    %dma_start3A_391 = tpu.memref_slice %arg3[%select_n3A_366, %select_n3A_382, %dma_start3A_389, %dma_start3A_390] : memref<3x224x224x128xf32, #tpu.memory_space<hbm>> -> memref<1x1x224x128xf32, #tpu.memory_space<hbm>>
    %dma_start3A_392 = tpu.memref_squeeze %dma_start3A_391 : memref<1x1x224x128xf32, #tpu.memory_space<hbm>> -> memref<224x128xf32, #tpu.memory_space<hbm>>
    %dma_start3A_393 = tpu.memref_slice %arg6[%dma_start3A_384] : memref<4x!tpu.dma_semaphore, #tpu.memory_space<semaphore_mem>> -> memref<1x!tpu.dma_semaphore, #tpu.memory_space<semaphore_mem>>
    %dma_start3A_394 = tpu.memref_squeeze %dma_start3A_393 : memref<1x!tpu.dma_semaphore, #tpu.memory_space<semaphore_mem>> -> memref<!tpu.dma_semaphore, #tpu.memory_space<semaphore_mem>>
    %dma_start3A_395 = arith.constant 0 : i32
    %dma_start3A_396 = arith.constant 0 : i32
    %dma_start3A_397 = tpu.memref_slice %arg3[%select_n3A_366, %select_n3A_382, %dma_start3A_395, %dma_start3A_396] : memref<3x224x224x128xf32, #tpu.memory_space<hbm>> -> memref<1x1x224x128xf32, #tpu.memory_space<hbm>>
    %dma_start3A_398 = tpu.memref_squeeze %dma_start3A_397 : memref<1x1x224x128xf32, #tpu.memory_space<hbm>> -> memref<224x128xf32, #tpu.memory_space<hbm>>
    %dma_start3A_399 = arith.constant 0 : i32
    %dma_start3A_400 = arith.constant 0 : i32
    %dma_start3A_401 = tpu.memref_slice %arg4[%dma_start3A_383, %dma_start3A_399, %dma_start3A_400] : memref<4x224x128xf32, #tpu.memory_space<vmem>> -> memref<1x224x128xf32, #tpu.memory_space<vmem>>
    %dma_start3A_402 = tpu.memref_squeeze %dma_start3A_401 : memref<1x224x128xf32, #tpu.memory_space<vmem>> -> memref<224x128xf32, #tpu.memory_space<vmem>>
    tpu.enqueue_dma source(%dma_start3A_402 : memref<224x128xf32, #tpu.memory_space<vmem>>) target(%dma_start3A_398 : memref<224x128xf32, #tpu.memory_space<hbm>>) target_semaphore(%dma_start3A_394 : memref<!tpu.dma_semaphore, #tpu.memory_space<semaphore_mem>>)
    %dma_wait3A_403 = arith.constant 0 : i32
    %dma_wait3A_404 = arith.constant 0 : i32
    %dma_wait3A_405 = arith.constant 0 : i32
    %dma_wait3A_406 = arith.constant 0 : i32
    %dma_wait3A_407 = tpu.memref_slice %arg4[%dma_wait3A_403, %dma_wait3A_405, %dma_wait3A_406] : memref<4x224x128xf32, #tpu.memory_space<vmem>> -> memref<1x224x128xf32, #tpu.memory_space<vmem>>
    %dma_wait3A_408 = tpu.memref_squeeze %dma_wait3A_407 : memref<1x224x128xf32, #tpu.memory_space<vmem>> -> memref<224x128xf32, #tpu.memory_space<vmem>>
    %dma_wait3A_409 = arith.constant 0 : i32
    %dma_wait3A_410 = arith.constant 0 : i32
    %dma_wait3A_411 = tpu.memref_slice %arg3[%select_n3A_222, %select_n3A_238, %dma_wait3A_409, %dma_wait3A_410] : memref<3x224x224x128xf32, #tpu.memory_space<hbm>> -> memref<1x1x224x128xf32, #tpu.memory_space<hbm>>
    %dma_wait3A_412 = tpu.memref_squeeze %dma_wait3A_411 : memref<1x1x224x128xf32, #tpu.memory_space<hbm>> -> memref<224x128xf32, #tpu.memory_space<hbm>>
    %dma_wait3A_413 = tpu.memref_slice %arg6[%dma_wait3A_404] : memref<4x!tpu.dma_semaphore, #tpu.memory_space<semaphore_mem>> -> memref<1x!tpu.dma_semaphore, #tpu.memory_space<semaphore_mem>>
    %dma_wait3A_414 = tpu.memref_squeeze %dma_wait3A_413 : memref<1x!tpu.dma_semaphore, #tpu.memory_space<semaphore_mem>> -> memref<!tpu.dma_semaphore, #tpu.memory_space<semaphore_mem>>
    %dma_wait3A_415 = arith.constant 0 : i32
    %dma_wait3A_416 = arith.constant 0 : i32
    %dma_wait3A_417 = tpu.memref_slice %arg3[%select_n3A_222, %select_n3A_238, %dma_wait3A_415, %dma_wait3A_416] : memref<3x224x224x128xf32, #tpu.memory_space<hbm>> -> memref<1x1x224x128xf32, #tpu.memory_space<hbm>>
    %dma_wait3A_418 = tpu.memref_squeeze %dma_wait3A_417 : memref<1x1x224x128xf32, #tpu.memory_space<hbm>> -> memref<224x128xf32, #tpu.memory_space<hbm>>
    %dma_wait3A_419 = arith.constant 0 : i32
    %dma_wait3A_420 = arith.constant 0 : i32
    %dma_wait3A_421 = tpu.memref_slice %arg4[%dma_wait3A_403, %dma_wait3A_419, %dma_wait3A_420] : memref<4x224x128xf32, #tpu.memory_space<vmem>> -> memref<1x224x128xf32, #tpu.memory_space<vmem>>
    %dma_wait3A_422 = tpu.memref_squeeze %dma_wait3A_421 : memref<1x224x128xf32, #tpu.memory_space<vmem>> -> memref<224x128xf32, #tpu.memory_space<vmem>>
    tpu.wait_dma2 semaphore(%dma_wait3A_414 : memref<!tpu.dma_semaphore, #tpu.memory_space<semaphore_mem>>) src(%dma_wait3A_422 : memref<224x128xf32, #tpu.memory_space<vmem>>) dst(%dma_wait3A_418 : memref<224x128xf32, #tpu.memory_space<hbm>>)
    %add3A_423 = arith.constant 4 : i32
    %add3A_424 = arith.addi %mul3A_2, %add3A_423 : i32
    %jit3A_425 = arith.constant 224 : i32
    %div3A_426 = arith.divsi %add3A_424, %jit3A_425 : i32
    %sign3A_427 = arith.constant 0 : i32
    %sign3A_428 = arith.cmpi sgt, %add3A_424, %sign3A_427 : i32
    %sign3A_429 = arith.extui %sign3A_428 : i1 to i32
    %sign3A_430 = arith.constant 0 : i32
    %sign3A_431 = arith.cmpi slt, %add3A_424, %sign3A_430 : i32
    %sign3A_432 = arith.extui %sign3A_431 : i1 to i32
    %sign3A_433 = arith.subi %sign3A_429, %sign3A_432 : i32
    %sign3A_434 = arith.constant 0 : i32
    %sign3A_435 = arith.cmpi sgt, %jit3A_425, %sign3A_434 : i32
    %sign3A_436 = arith.extui %sign3A_435 : i1 to i32
    %sign3A_437 = arith.constant 0 : i32
    %sign3A_438 = arith.cmpi slt, %jit3A_425, %sign3A_437 : i32
    %sign3A_439 = arith.extui %sign3A_438 : i1 to i32
    %sign3A_440 = arith.subi %sign3A_436, %sign3A_439 : i32
    %ne3A_441 = arith.cmpi ne, %sign3A_433, %sign3A_440 : i32
    %rem3A_442 = arith.remsi %add3A_424, %jit3A_425 : i32
    %ne3A_443 = arith.constant 0 : i32
    %ne3A_444 = arith.cmpi ne, %rem3A_442, %ne3A_443 : i32
    %and3A_445 = arith.andi %ne3A_441, %ne3A_444 : i1
    %sub3A_446 = arith.constant 1 : i32
    %sub3A_447 = arith.subi %div3A_426, %sub3A_446 : i32
    %select_n3A_448 = arith.select %and3A_445, %sub3A_447, %div3A_426 : i32
    %jit3A_449 = arith.constant 224 : i32
    %eq3A_450 = arith.constant 0 : i32
    %eq3A_451 = arith.cmpi eq, %jit3A_449, %eq3A_450 : i32
    %jit3A_452 = arith.constant 1 : i32
    %select_n3A_453 = arith.select %eq3A_451, %jit3A_452, %jit3A_449 : i32
    %rem3A_454 = arith.remsi %add3A_424, %select_n3A_453 : i32
    %ne3A_455 = arith.constant 0 : i32
    %ne3A_456 = arith.cmpi ne, %rem3A_454, %ne3A_455 : i32
    %lt3A_457 = arith.constant 0 : i32
    %lt3A_458 = arith.cmpi slt, %rem3A_454, %lt3A_457 : i32
    %lt3A_459 = arith.constant 0 : i32
    %lt3A_460 = arith.cmpi slt, %select_n3A_453, %lt3A_459 : i32
    %ne3A_461 = arith.xori %lt3A_458, %lt3A_460 : i1
    %and3A_462 = arith.andi %ne3A_461, %ne3A_456 : i1
    %add3A_463 = arith.addi %rem3A_454, %select_n3A_453 : i32
    %select_n3A_464 = arith.select %and3A_462, %add3A_463, %rem3A_454 : i32
    %dma_start3A_465 = arith.constant 0 : i32
    %dma_start3A_466 = arith.constant 0 : i32
    %dma_start3A_467 = arith.constant 0 : i32
    %dma_start3A_468 = arith.constant 0 : i32
    %dma_start3A_469 = tpu.memref_slice %arg4[%dma_start3A_465, %dma_start3A_467, %dma_start3A_468] : memref<4x224x128xf32, #tpu.memory_space<vmem>> -> memref<1x224x128xf32, #tpu.memory_space<vmem>>
    %dma_start3A_470 = tpu.memref_squeeze %dma_start3A_469 : memref<1x224x128xf32, #tpu.memory_space<vmem>> -> memref<224x128xf32, #tpu.memory_space<vmem>>
    %dma_start3A_471 = arith.constant 0 : i32
    %dma_start3A_472 = arith.constant 0 : i32
    %dma_start3A_473 = tpu.memref_slice %arg2[%select_n3A_448, %select_n3A_464, %dma_start3A_471, %dma_start3A_472] : memref<3x224x224x128xf32, #tpu.memory_space<hbm>> -> memref<1x1x224x128xf32, #tpu.memory_space<hbm>>
    %dma_start3A_474 = tpu.memref_squeeze %dma_start3A_473 : memref<1x1x224x128xf32, #tpu.memory_space<hbm>> -> memref<224x128xf32, #tpu.memory_space<hbm>>
    %dma_start3A_475 = tpu.memref_slice %arg5[%dma_start3A_466] : memref<4x!tpu.dma_semaphore, #tpu.memory_space<semaphore_mem>> -> memref<1x!tpu.dma_semaphore, #tpu.memory_space<semaphore_mem>>
    %dma_start3A_476 = tpu.memref_squeeze %dma_start3A_475 : memref<1x!tpu.dma_semaphore, #tpu.memory_space<semaphore_mem>> -> memref<!tpu.dma_semaphore, #tpu.memory_space<semaphore_mem>>
    %dma_start3A_477 = arith.constant 0 : i32
    %dma_start3A_478 = arith.constant 0 : i32
    %dma_start3A_479 = tpu.memref_slice %arg4[%dma_start3A_465, %dma_start3A_477, %dma_start3A_478] : memref<4x224x128xf32, #tpu.memory_space<vmem>> -> memref<1x224x128xf32, #tpu.memory_space<vmem>>
    %dma_start3A_480 = tpu.memref_squeeze %dma_start3A_479 : memref<1x224x128xf32, #tpu.memory_space<vmem>> -> memref<224x128xf32, #tpu.memory_space<vmem>>
    %dma_start3A_481 = arith.constant 0 : i32
    %dma_start3A_482 = arith.constant 0 : i32
    %dma_start3A_483 = tpu.memref_slice %arg2[%select_n3A_448, %select_n3A_464, %dma_start3A_481, %dma_start3A_482] : memref<3x224x224x128xf32, #tpu.memory_space<hbm>> -> memref<1x1x224x128xf32, #tpu.memory_space<hbm>>
    %dma_start3A_484 = tpu.memref_squeeze %dma_start3A_483 : memref<1x1x224x128xf32, #tpu.memory_space<hbm>> -> memref<224x128xf32, #tpu.memory_space<hbm>>
    tpu.enqueue_dma source(%dma_start3A_484 : memref<224x128xf32, #tpu.memory_space<hbm>>) target(%dma_start3A_480 : memref<224x128xf32, #tpu.memory_space<vmem>>) target_semaphore(%dma_start3A_476 : memref<!tpu.dma_semaphore, #tpu.memory_space<semaphore_mem>>)
    %dma_wait3A_485 = arith.constant 2 : i32
    %dma_wait3A_486 = arith.constant 2 : i32
    %dma_wait3A_487 = arith.constant 0 : i32
    %dma_wait3A_488 = arith.constant 0 : i32
    %dma_wait3A_489 = tpu.memref_slice %arg4[%dma_wait3A_485, %dma_wait3A_487, %dma_wait3A_488] : memref<4x224x128xf32, #tpu.memory_space<vmem>> -> memref<1x224x128xf32, #tpu.memory_space<vmem>>
    %dma_wait3A_490 = tpu.memref_squeeze %dma_wait3A_489 : memref<1x224x128xf32, #tpu.memory_space<vmem>> -> memref<224x128xf32, #tpu.memory_space<vmem>>
    %dma_wait3A_491 = arith.constant 0 : i32
    %dma_wait3A_492 = arith.constant 0 : i32
    %dma_wait3A_493 = tpu.memref_slice %arg2[%select_n3A_141, %select_n3A_157, %dma_wait3A_491, %dma_wait3A_492] : memref<3x224x224x128xf32, #tpu.memory_space<hbm>> -> memref<1x1x224x128xf32, #tpu.memory_space<hbm>>
    %dma_wait3A_494 = tpu.memref_squeeze %dma_wait3A_493 : memref<1x1x224x128xf32, #tpu.memory_space<hbm>> -> memref<224x128xf32, #tpu.memory_space<hbm>>
    %dma_wait3A_495 = tpu.memref_slice %arg5[%dma_wait3A_486] : memref<4x!tpu.dma_semaphore, #tpu.memory_space<semaphore_mem>> -> memref<1x!tpu.dma_semaphore, #tpu.memory_space<semaphore_mem>>
    %dma_wait3A_496 = tpu.memref_squeeze %dma_wait3A_495 : memref<1x!tpu.dma_semaphore, #tpu.memory_space<semaphore_mem>> -> memref<!tpu.dma_semaphore, #tpu.memory_space<semaphore_mem>>
    %dma_wait3A_497 = arith.constant 0 : i32
    %dma_wait3A_498 = arith.constant 0 : i32
    %dma_wait3A_499 = tpu.memref_slice %arg4[%dma_wait3A_485, %dma_wait3A_497, %dma_wait3A_498] : memref<4x224x128xf32, #tpu.memory_space<vmem>> -> memref<1x224x128xf32, #tpu.memory_space<vmem>>
    %dma_wait3A_500 = tpu.memref_squeeze %dma_wait3A_499 : memref<1x224x128xf32, #tpu.memory_space<vmem>> -> memref<224x128xf32, #tpu.memory_space<vmem>>
    %dma_wait3A_501 = arith.constant 0 : i32
    %dma_wait3A_502 = arith.constant 0 : i32
    %dma_wait3A_503 = tpu.memref_slice %arg2[%select_n3A_141, %select_n3A_157, %dma_wait3A_501, %dma_wait3A_502] : memref<3x224x224x128xf32, #tpu.memory_space<hbm>> -> memref<1x1x224x128xf32, #tpu.memory_space<hbm>>
    %dma_wait3A_504 = tpu.memref_squeeze %dma_wait3A_503 : memref<1x1x224x128xf32, #tpu.memory_space<hbm>> -> memref<224x128xf32, #tpu.memory_space<hbm>>
    tpu.wait_dma2 semaphore(%dma_wait3A_496 : memref<!tpu.dma_semaphore, #tpu.memory_space<semaphore_mem>>) src(%dma_wait3A_504 : memref<224x128xf32, #tpu.memory_space<hbm>>) dst(%dma_wait3A_500 : memref<224x128xf32, #tpu.memory_space<vmem>>)
    %add3A_505 = arith.constant 2 : i32
    %add3A_506 = arith.addi %mul3A_2, %add3A_505 : i32
    %jit3A_507 = arith.constant 224 : i32
    %div3A_508 = arith.divsi %add3A_506, %jit3A_507 : i32
    %sign3A_509 = arith.constant 0 : i32
    %sign3A_510 = arith.cmpi sgt, %add3A_506, %sign3A_509 : i32
    %sign3A_511 = arith.extui %sign3A_510 : i1 to i32
    %sign3A_512 = arith.constant 0 : i32
    %sign3A_513 = arith.cmpi slt, %add3A_506, %sign3A_512 : i32
    %sign3A_514 = arith.extui %sign3A_513 : i1 to i32
    %sign3A_515 = arith.subi %sign3A_511, %sign3A_514 : i32
    %sign3A_516 = arith.constant 0 : i32
    %sign3A_517 = arith.cmpi sgt, %jit3A_507, %sign3A_516 : i32
    %sign3A_518 = arith.extui %sign3A_517 : i1 to i32
    %sign3A_519 = arith.constant 0 : i32
    %sign3A_520 = arith.cmpi slt, %jit3A_507, %sign3A_519 : i32
    %sign3A_521 = arith.extui %sign3A_520 : i1 to i32
    %sign3A_522 = arith.subi %sign3A_518, %sign3A_521 : i32
    %ne3A_523 = arith.cmpi ne, %sign3A_515, %sign3A_522 : i32
    %rem3A_524 = arith.remsi %add3A_506, %jit3A_507 : i32
    %ne3A_525 = arith.constant 0 : i32
    %ne3A_526 = arith.cmpi ne, %rem3A_524, %ne3A_525 : i32
    %and3A_527 = arith.andi %ne3A_523, %ne3A_526 : i1
    %sub3A_528 = arith.constant 1 : i32
    %sub3A_529 = arith.subi %div3A_508, %sub3A_528 : i32
    %select_n3A_530 = arith.select %and3A_527, %sub3A_529, %div3A_508 : i32
    %jit3A_531 = arith.constant 224 : i32
    %eq3A_532 = arith.constant 0 : i32
    %eq3A_533 = arith.cmpi eq, %jit3A_531, %eq3A_532 : i32
    %jit3A_534 = arith.constant 1 : i32
    %select_n3A_535 = arith.select %eq3A_533, %jit3A_534, %jit3A_531 : i32
    %rem3A_536 = arith.remsi %add3A_506, %select_n3A_535 : i32
    %ne3A_537 = arith.constant 0 : i32
    %ne3A_538 = arith.cmpi ne, %rem3A_536, %ne3A_537 : i32
    %lt3A_539 = arith.constant 0 : i32
    %lt3A_540 = arith.cmpi slt, %rem3A_536, %lt3A_539 : i32
    %lt3A_541 = arith.constant 0 : i32
    %lt3A_542 = arith.cmpi slt, %select_n3A_535, %lt3A_541 : i32
    %ne3A_543 = arith.xori %lt3A_540, %lt3A_542 : i1
    %and3A_544 = arith.andi %ne3A_543, %ne3A_538 : i1
    %add3A_545 = arith.addi %rem3A_536, %select_n3A_535 : i32
    %select_n3A_546 = arith.select %and3A_544, %add3A_545, %rem3A_536 : i32
    %dma_start3A_547 = arith.constant 2 : i32
    %dma_start3A_548 = arith.constant 2 : i32
    %dma_start3A_549 = arith.constant 0 : i32
    %dma_start3A_550 = arith.constant 0 : i32
    %dma_start3A_551 = tpu.memref_slice %arg4[%dma_start3A_547, %dma_start3A_549, %dma_start3A_550] : memref<4x224x128xf32, #tpu.memory_space<vmem>> -> memref<1x224x128xf32, #tpu.memory_space<vmem>>
    %dma_start3A_552 = tpu.memref_squeeze %dma_start3A_551 : memref<1x224x128xf32, #tpu.memory_space<vmem>> -> memref<224x128xf32, #tpu.memory_space<vmem>>
    %dma_start3A_553 = arith.constant 0 : i32
    %dma_start3A_554 = arith.constant 0 : i32
    %dma_start3A_555 = tpu.memref_slice %arg3[%select_n3A_530, %select_n3A_546, %dma_start3A_553, %dma_start3A_554] : memref<3x224x224x128xf32, #tpu.memory_space<hbm>> -> memref<1x1x224x128xf32, #tpu.memory_space<hbm>>
    %dma_start3A_556 = tpu.memref_squeeze %dma_start3A_555 : memref<1x1x224x128xf32, #tpu.memory_space<hbm>> -> memref<224x128xf32, #tpu.memory_space<hbm>>
    %dma_start3A_557 = tpu.memref_slice %arg6[%dma_start3A_548] : memref<4x!tpu.dma_semaphore, #tpu.memory_space<semaphore_mem>> -> memref<1x!tpu.dma_semaphore, #tpu.memory_space<semaphore_mem>>
    %dma_start3A_558 = tpu.memref_squeeze %dma_start3A_557 : memref<1x!tpu.dma_semaphore, #tpu.memory_space<semaphore_mem>> -> memref<!tpu.dma_semaphore, #tpu.memory_space<semaphore_mem>>
    %dma_start3A_559 = arith.constant 0 : i32
    %dma_start3A_560 = arith.constant 0 : i32
    %dma_start3A_561 = tpu.memref_slice %arg3[%select_n3A_530, %select_n3A_546, %dma_start3A_559, %dma_start3A_560] : memref<3x224x224x128xf32, #tpu.memory_space<hbm>> -> memref<1x1x224x128xf32, #tpu.memory_space<hbm>>
    %dma_start3A_562 = tpu.memref_squeeze %dma_start3A_561 : memref<1x1x224x128xf32, #tpu.memory_space<hbm>> -> memref<224x128xf32, #tpu.memory_space<hbm>>
    %dma_start3A_563 = arith.constant 0 : i32
    %dma_start3A_564 = arith.constant 0 : i32
    %dma_start3A_565 = tpu.memref_slice %arg4[%dma_start3A_547, %dma_start3A_563, %dma_start3A_564] : memref<4x224x128xf32, #tpu.memory_space<vmem>> -> memref<1x224x128xf32, #tpu.memory_space<vmem>>
    %dma_start3A_566 = tpu.memref_squeeze %dma_start3A_565 : memref<1x224x128xf32, #tpu.memory_space<vmem>> -> memref<224x128xf32, #tpu.memory_space<vmem>>
    tpu.enqueue_dma source(%dma_start3A_566 : memref<224x128xf32, #tpu.memory_space<vmem>>) target(%dma_start3A_562 : memref<224x128xf32, #tpu.memory_space<hbm>>) target_semaphore(%dma_start3A_558 : memref<!tpu.dma_semaphore, #tpu.memory_space<semaphore_mem>>)
    %dma_wait3A_567 = arith.constant 1 : i32
    %dma_wait3A_568 = arith.constant 1 : i32
    %dma_wait3A_569 = arith.constant 0 : i32
    %dma_wait3A_570 = arith.constant 0 : i32
    %dma_wait3A_571 = tpu.memref_slice %arg4[%dma_wait3A_567, %dma_wait3A_569, %dma_wait3A_570] : memref<4x224x128xf32, #tpu.memory_space<vmem>> -> memref<1x224x128xf32, #tpu.memory_space<vmem>>
    %dma_wait3A_572 = tpu.memref_squeeze %dma_wait3A_571 : memref<1x224x128xf32, #tpu.memory_space<vmem>> -> memref<224x128xf32, #tpu.memory_space<vmem>>
    %dma_wait3A_573 = arith.constant 0 : i32
    %dma_wait3A_574 = arith.constant 0 : i32
    %dma_wait3A_575 = tpu.memref_slice %arg3[%select_n3A_366, %select_n3A_382, %dma_wait3A_573, %dma_wait3A_574] : memref<3x224x224x128xf32, #tpu.memory_space<hbm>> -> memref<1x1x224x128xf32, #tpu.memory_space<hbm>>
    %dma_wait3A_576 = tpu.memref_squeeze %dma_wait3A_575 : memref<1x1x224x128xf32, #tpu.memory_space<hbm>> -> memref<224x128xf32, #tpu.memory_space<hbm>>
    %dma_wait3A_577 = tpu.memref_slice %arg6[%dma_wait3A_568] : memref<4x!tpu.dma_semaphore, #tpu.memory_space<semaphore_mem>> -> memref<1x!tpu.dma_semaphore, #tpu.memory_space<semaphore_mem>>
    %dma_wait3A_578 = tpu.memref_squeeze %dma_wait3A_577 : memref<1x!tpu.dma_semaphore, #tpu.memory_space<semaphore_mem>> -> memref<!tpu.dma_semaphore, #tpu.memory_space<semaphore_mem>>
    %dma_wait3A_579 = arith.constant 0 : i32
    %dma_wait3A_580 = arith.constant 0 : i32
    %dma_wait3A_581 = tpu.memref_slice %arg3[%select_n3A_366, %select_n3A_382, %dma_wait3A_579, %dma_wait3A_580] : memref<3x224x224x128xf32, #tpu.memory_space<hbm>> -> memref<1x1x224x128xf32, #tpu.memory_space<hbm>>
    %dma_wait3A_582 = tpu.memref_squeeze %dma_wait3A_581 : memref<1x1x224x128xf32, #tpu.memory_space<hbm>> -> memref<224x128xf32, #tpu.memory_space<hbm>>
    %dma_wait3A_583 = arith.constant 0 : i32
    %dma_wait3A_584 = arith.constant 0 : i32
    %dma_wait3A_585 = tpu.memref_slice %arg4[%dma_wait3A_567, %dma_wait3A_583, %dma_wait3A_584] : memref<4x224x128xf32, #tpu.memory_space<vmem>> -> memref<1x224x128xf32, #tpu.memory_space<vmem>>
    %dma_wait3A_586 = tpu.memref_squeeze %dma_wait3A_585 : memref<1x224x128xf32, #tpu.memory_space<vmem>> -> memref<224x128xf32, #tpu.memory_space<vmem>>
    tpu.wait_dma2 semaphore(%dma_wait3A_578 : memref<!tpu.dma_semaphore, #tpu.memory_space<semaphore_mem>>) src(%dma_wait3A_586 : memref<224x128xf32, #tpu.memory_space<vmem>>) dst(%dma_wait3A_582 : memref<224x128xf32, #tpu.memory_space<hbm>>)
    %add3A_587 = arith.constant 5 : i32
    %add3A_588 = arith.addi %mul3A_2, %add3A_587 : i32
    %jit3A_589 = arith.constant 224 : i32
    %div3A_590 = arith.divsi %add3A_588, %jit3A_589 : i32
    %sign3A_591 = arith.constant 0 : i32
    %sign3A_592 = arith.cmpi sgt, %add3A_588, %sign3A_591 : i32
    %sign3A_593 = arith.extui %sign3A_592 : i1 to i32
    %sign3A_594 = arith.constant 0 : i32
    %sign3A_595 = arith.cmpi slt, %add3A_588, %sign3A_594 : i32
    %sign3A_596 = arith.extui %sign3A_595 : i1 to i32
    %sign3A_597 = arith.subi %sign3A_593, %sign3A_596 : i32
    %sign3A_598 = arith.constant 0 : i32
    %sign3A_599 = arith.cmpi sgt, %jit3A_589, %sign3A_598 : i32
    %sign3A_600 = arith.extui %sign3A_599 : i1 to i32
    %sign3A_601 = arith.constant 0 : i32
    %sign3A_602 = arith.cmpi slt, %jit3A_589, %sign3A_601 : i32
    %sign3A_603 = arith.extui %sign3A_602 : i1 to i32
    %sign3A_604 = arith.subi %sign3A_600, %sign3A_603 : i32
    %ne3A_605 = arith.cmpi ne, %sign3A_597, %sign3A_604 : i32
    %rem3A_606 = arith.remsi %add3A_588, %jit3A_589 : i32
    %ne3A_607 = arith.constant 0 : i32
    %ne3A_608 = arith.cmpi ne, %rem3A_606, %ne3A_607 : i32
    %and3A_609 = arith.andi %ne3A_605, %ne3A_608 : i1
    %sub3A_610 = arith.constant 1 : i32
    %sub3A_611 = arith.subi %div3A_590, %sub3A_610 : i32
    %select_n3A_612 = arith.select %and3A_609, %sub3A_611, %div3A_590 : i32
    %jit3A_613 = arith.constant 224 : i32
    %eq3A_614 = arith.constant 0 : i32
    %eq3A_615 = arith.cmpi eq, %jit3A_613, %eq3A_614 : i32
    %jit3A_616 = arith.constant 1 : i32
    %select_n3A_617 = arith.select %eq3A_615, %jit3A_616, %jit3A_613 : i32
    %rem3A_618 = arith.remsi %add3A_588, %select_n3A_617 : i32
    %ne3A_619 = arith.constant 0 : i32
    %ne3A_620 = arith.cmpi ne, %rem3A_618, %ne3A_619 : i32
    %lt3A_621 = arith.constant 0 : i32
    %lt3A_622 = arith.cmpi slt, %rem3A_618, %lt3A_621 : i32
    %lt3A_623 = arith.constant 0 : i32
    %lt3A_624 = arith.cmpi slt, %select_n3A_617, %lt3A_623 : i32
    %ne3A_625 = arith.xori %lt3A_622, %lt3A_624 : i1
    %and3A_626 = arith.andi %ne3A_625, %ne3A_620 : i1
    %add3A_627 = arith.addi %rem3A_618, %select_n3A_617 : i32
    %select_n3A_628 = arith.select %and3A_626, %add3A_627, %rem3A_618 : i32
    %dma_start3A_629 = arith.constant 1 : i32
    %dma_start3A_630 = arith.constant 1 : i32
    %dma_start3A_631 = arith.constant 0 : i32
    %dma_start3A_632 = arith.constant 0 : i32
    %dma_start3A_633 = tpu.memref_slice %arg4[%dma_start3A_629, %dma_start3A_631, %dma_start3A_632] : memref<4x224x128xf32, #tpu.memory_space<vmem>> -> memref<1x224x128xf32, #tpu.memory_space<vmem>>
    %dma_start3A_634 = tpu.memref_squeeze %dma_start3A_633 : memref<1x224x128xf32, #tpu.memory_space<vmem>> -> memref<224x128xf32, #tpu.memory_space<vmem>>
    %dma_start3A_635 = arith.constant 0 : i32
    %dma_start3A_636 = arith.constant 0 : i32
    %dma_start3A_637 = tpu.memref_slice %arg2[%select_n3A_612, %select_n3A_628, %dma_start3A_635, %dma_start3A_636] : memref<3x224x224x128xf32, #tpu.memory_space<hbm>> -> memref<1x1x224x128xf32, #tpu.memory_space<hbm>>
    %dma_start3A_638 = tpu.memref_squeeze %dma_start3A_637 : memref<1x1x224x128xf32, #tpu.memory_space<hbm>> -> memref<224x128xf32, #tpu.memory_space<hbm>>
    %dma_start3A_639 = tpu.memref_slice %arg5[%dma_start3A_630] : memref<4x!tpu.dma_semaphore, #tpu.memory_space<semaphore_mem>> -> memref<1x!tpu.dma_semaphore, #tpu.memory_space<semaphore_mem>>
    %dma_start3A_640 = tpu.memref_squeeze %dma_start3A_639 : memref<1x!tpu.dma_semaphore, #tpu.memory_space<semaphore_mem>> -> memref<!tpu.dma_semaphore, #tpu.memory_space<semaphore_mem>>
    %dma_start3A_641 = arith.constant 0 : i32
    %dma_start3A_642 = arith.constant 0 : i32
    %dma_start3A_643 = tpu.memref_slice %arg4[%dma_start3A_629, %dma_start3A_641, %dma_start3A_642] : memref<4x224x128xf32, #tpu.memory_space<vmem>> -> memref<1x224x128xf32, #tpu.memory_space<vmem>>
    %dma_start3A_644 = tpu.memref_squeeze %dma_start3A_643 : memref<1x224x128xf32, #tpu.memory_space<vmem>> -> memref<224x128xf32, #tpu.memory_space<vmem>>
    %dma_start3A_645 = arith.constant 0 : i32
    %dma_start3A_646 = arith.constant 0 : i32
    %dma_start3A_647 = tpu.memref_slice %arg2[%select_n3A_612, %select_n3A_628, %dma_start3A_645, %dma_start3A_646] : memref<3x224x224x128xf32, #tpu.memory_space<hbm>> -> memref<1x1x224x128xf32, #tpu.memory_space<hbm>>
    %dma_start3A_648 = tpu.memref_squeeze %dma_start3A_647 : memref<1x1x224x128xf32, #tpu.memory_space<hbm>> -> memref<224x128xf32, #tpu.memory_space<hbm>>
    tpu.enqueue_dma source(%dma_start3A_648 : memref<224x128xf32, #tpu.memory_space<hbm>>) target(%dma_start3A_644 : memref<224x128xf32, #tpu.memory_space<vmem>>) target_semaphore(%dma_start3A_640 : memref<!tpu.dma_semaphore, #tpu.memory_space<semaphore_mem>>)
    %dma_wait3A_649 = arith.constant 3 : i32
    %dma_wait3A_650 = arith.constant 3 : i32
    %dma_wait3A_651 = arith.constant 0 : i32
    %dma_wait3A_652 = arith.constant 0 : i32
    %dma_wait3A_653 = tpu.memref_slice %arg4[%dma_wait3A_649, %dma_wait3A_651, %dma_wait3A_652] : memref<4x224x128xf32, #tpu.memory_space<vmem>> -> memref<1x224x128xf32, #tpu.memory_space<vmem>>
    %dma_wait3A_654 = tpu.memref_squeeze %dma_wait3A_653 : memref<1x224x128xf32, #tpu.memory_space<vmem>> -> memref<224x128xf32, #tpu.memory_space<vmem>>
    %dma_wait3A_655 = arith.constant 0 : i32
    %dma_wait3A_656 = arith.constant 0 : i32
    %dma_wait3A_657 = tpu.memref_slice %arg2[%select_n3A_284, %select_n3A_300, %dma_wait3A_655, %dma_wait3A_656] : memref<3x224x224x128xf32, #tpu.memory_space<hbm>> -> memref<1x1x224x128xf32, #tpu.memory_space<hbm>>
    %dma_wait3A_658 = tpu.memref_squeeze %dma_wait3A_657 : memref<1x1x224x128xf32, #tpu.memory_space<hbm>> -> memref<224x128xf32, #tpu.memory_space<hbm>>
    %dma_wait3A_659 = tpu.memref_slice %arg5[%dma_wait3A_650] : memref<4x!tpu.dma_semaphore, #tpu.memory_space<semaphore_mem>> -> memref<1x!tpu.dma_semaphore, #tpu.memory_space<semaphore_mem>>
    %dma_wait3A_660 = tpu.memref_squeeze %dma_wait3A_659 : memref<1x!tpu.dma_semaphore, #tpu.memory_space<semaphore_mem>> -> memref<!tpu.dma_semaphore, #tpu.memory_space<semaphore_mem>>
    %dma_wait3A_661 = arith.constant 0 : i32
    %dma_wait3A_662 = arith.constant 0 : i32
    %dma_wait3A_663 = tpu.memref_slice %arg4[%dma_wait3A_649, %dma_wait3A_661, %dma_wait3A_662] : memref<4x224x128xf32, #tpu.memory_space<vmem>> -> memref<1x224x128xf32, #tpu.memory_space<vmem>>
    %dma_wait3A_664 = tpu.memref_squeeze %dma_wait3A_663 : memref<1x224x128xf32, #tpu.memory_space<vmem>> -> memref<224x128xf32, #tpu.memory_space<vmem>>
    %dma_wait3A_665 = arith.constant 0 : i32
    %dma_wait3A_666 = arith.constant 0 : i32
    %dma_wait3A_667 = tpu.memref_slice %arg2[%select_n3A_284, %select_n3A_300, %dma_wait3A_665, %dma_wait3A_666] : memref<3x224x224x128xf32, #tpu.memory_space<hbm>> -> memref<1x1x224x128xf32, #tpu.memory_space<hbm>>
    %dma_wait3A_668 = tpu.memref_squeeze %dma_wait3A_667 : memref<1x1x224x128xf32, #tpu.memory_space<hbm>> -> memref<224x128xf32, #tpu.memory_space<hbm>>
    tpu.wait_dma2 semaphore(%dma_wait3A_660 : memref<!tpu.dma_semaphore, #tpu.memory_space<semaphore_mem>>) src(%dma_wait3A_668 : memref<224x128xf32, #tpu.memory_space<hbm>>) dst(%dma_wait3A_664 : memref<224x128xf32, #tpu.memory_space<vmem>>)
    %add3A_669 = arith.constant 3 : i32
    %add3A_670 = arith.addi %mul3A_2, %add3A_669 : i32
    %jit3A_671 = arith.constant 224 : i32
    %div3A_672 = arith.divsi %add3A_670, %jit3A_671 : i32
    %sign3A_673 = arith.constant 0 : i32
    %sign3A_674 = arith.cmpi sgt, %add3A_670, %sign3A_673 : i32
    %sign3A_675 = arith.extui %sign3A_674 : i1 to i32
    %sign3A_676 = arith.constant 0 : i32
    %sign3A_677 = arith.cmpi slt, %add3A_670, %sign3A_676 : i32
    %sign3A_678 = arith.extui %sign3A_677 : i1 to i32
    %sign3A_679 = arith.subi %sign3A_675, %sign3A_678 : i32
    %sign3A_680 = arith.constant 0 : i32
    %sign3A_681 = arith.cmpi sgt, %jit3A_671, %sign3A_680 : i32
    %sign3A_682 = arith.extui %sign3A_681 : i1 to i32
    %sign3A_683 = arith.constant 0 : i32
    %sign3A_684 = arith.cmpi slt, %jit3A_671, %sign3A_683 : i32
    %sign3A_685 = arith.extui %sign3A_684 : i1 to i32
    %sign3A_686 = arith.subi %sign3A_682, %sign3A_685 : i32
    %ne3A_687 = arith.cmpi ne, %sign3A_679, %sign3A_686 : i32
    %rem3A_688 = arith.remsi %add3A_670, %jit3A_671 : i32
    %ne3A_689 = arith.constant 0 : i32
    %ne3A_690 = arith.cmpi ne, %rem3A_688, %ne3A_689 : i32
    %and3A_691 = arith.andi %ne3A_687, %ne3A_690 : i1
    %sub3A_692 = arith.constant 1 : i32
    %sub3A_693 = arith.subi %div3A_672, %sub3A_692 : i32
    %select_n3A_694 = arith.select %and3A_691, %sub3A_693, %div3A_672 : i32
    %jit3A_695 = arith.constant 224 : i32
    %eq3A_696 = arith.constant 0 : i32
    %eq3A_697 = arith.cmpi eq, %jit3A_695, %eq3A_696 : i32
    %jit3A_698 = arith.constant 1 : i32
    %select_n3A_699 = arith.select %eq3A_697, %jit3A_698, %jit3A_695 : i32
    %rem3A_700 = arith.remsi %add3A_670, %select_n3A_699 : i32
    %ne3A_701 = arith.constant 0 : i32
    %ne3A_702 = arith.cmpi ne, %rem3A_700, %ne3A_701 : i32
    %lt3A_703 = arith.constant 0 : i32
    %lt3A_704 = arith.cmpi slt, %rem3A_700, %lt3A_703 : i32
    %lt3A_705 = arith.constant 0 : i32
    %lt3A_706 = arith.cmpi slt, %select_n3A_699, %lt3A_705 : i32
    %ne3A_707 = arith.xori %lt3A_704, %lt3A_706 : i1
    %and3A_708 = arith.andi %ne3A_707, %ne3A_702 : i1
    %add3A_709 = arith.addi %rem3A_700, %select_n3A_699 : i32
    %select_n3A_710 = arith.select %and3A_708, %add3A_709, %rem3A_700 : i32
    %dma_start3A_711 = arith.constant 3 : i32
    %dma_start3A_712 = arith.constant 3 : i32
    %dma_start3A_713 = arith.constant 0 : i32
    %dma_start3A_714 = arith.constant 0 : i32
    %dma_start3A_715 = tpu.memref_slice %arg4[%dma_start3A_711, %dma_start3A_713, %dma_start3A_714] : memref<4x224x128xf32, #tpu.memory_space<vmem>> -> memref<1x224x128xf32, #tpu.memory_space<vmem>>
    %dma_start3A_716 = tpu.memref_squeeze %dma_start3A_715 : memref<1x224x128xf32, #tpu.memory_space<vmem>> -> memref<224x128xf32, #tpu.memory_space<vmem>>
    %dma_start3A_717 = arith.constant 0 : i32
    %dma_start3A_718 = arith.constant 0 : i32
    %dma_start3A_719 = tpu.memref_slice %arg3[%select_n3A_694, %select_n3A_710, %dma_start3A_717, %dma_start3A_718] : memref<3x224x224x128xf32, #tpu.memory_space<hbm>> -> memref<1x1x224x128xf32, #tpu.memory_space<hbm>>
    %dma_start3A_720 = tpu.memref_squeeze %dma_start3A_719 : memref<1x1x224x128xf32, #tpu.memory_space<hbm>> -> memref<224x128xf32, #tpu.memory_space<hbm>>
    %dma_start3A_721 = tpu.memref_slice %arg6[%dma_start3A_712] : memref<4x!tpu.dma_semaphore, #tpu.memory_space<semaphore_mem>> -> memref<1x!tpu.dma_semaphore, #tpu.memory_space<semaphore_mem>>
    %dma_start3A_722 = tpu.memref_squeeze %dma_start3A_721 : memref<1x!tpu.dma_semaphore, #tpu.memory_space<semaphore_mem>> -> memref<!tpu.dma_semaphore, #tpu.memory_space<semaphore_mem>>
    %dma_start3A_723 = arith.constant 0 : i32
    %dma_start3A_724 = arith.constant 0 : i32
    %dma_start3A_725 = tpu.memref_slice %arg3[%select_n3A_694, %select_n3A_710, %dma_start3A_723, %dma_start3A_724] : memref<3x224x224x128xf32, #tpu.memory_space<hbm>> -> memref<1x1x224x128xf32, #tpu.memory_space<hbm>>
    %dma_start3A_726 = tpu.memref_squeeze %dma_start3A_725 : memref<1x1x224x128xf32, #tpu.memory_space<hbm>> -> memref<224x128xf32, #tpu.memory_space<hbm>>
    %dma_start3A_727 = arith.constant 0 : i32
    %dma_start3A_728 = arith.constant 0 : i32
    %dma_start3A_729 = tpu.memref_slice %arg4[%dma_start3A_711, %dma_start3A_727, %dma_start3A_728] : memref<4x224x128xf32, #tpu.memory_space<vmem>> -> memref<1x224x128xf32, #tpu.memory_space<vmem>>
    %dma_start3A_730 = tpu.memref_squeeze %dma_start3A_729 : memref<1x224x128xf32, #tpu.memory_space<vmem>> -> memref<224x128xf32, #tpu.memory_space<vmem>>
    tpu.enqueue_dma source(%dma_start3A_730 : memref<224x128xf32, #tpu.memory_space<vmem>>) target(%dma_start3A_726 : memref<224x128xf32, #tpu.memory_space<hbm>>) target_semaphore(%dma_start3A_722 : memref<!tpu.dma_semaphore, #tpu.memory_space<semaphore_mem>>)
    %dma_wait3A_731 = arith.constant 2 : i32
    %dma_wait3A_732 = arith.constant 2 : i32
    %dma_wait3A_733 = arith.constant 0 : i32
    %dma_wait3A_734 = arith.constant 0 : i32
    %dma_wait3A_735 = tpu.memref_slice %arg4[%dma_wait3A_731, %dma_wait3A_733, %dma_wait3A_734] : memref<4x224x128xf32, #tpu.memory_space<vmem>> -> memref<1x224x128xf32, #tpu.memory_space<vmem>>
    %dma_wait3A_736 = tpu.memref_squeeze %dma_wait3A_735 : memref<1x224x128xf32, #tpu.memory_space<vmem>> -> memref<224x128xf32, #tpu.memory_space<vmem>>
    %dma_wait3A_737 = arith.constant 0 : i32
    %dma_wait3A_738 = arith.constant 0 : i32
    %dma_wait3A_739 = tpu.memref_slice %arg3[%select_n3A_530, %select_n3A_546, %dma_wait3A_737, %dma_wait3A_738] : memref<3x224x224x128xf32, #tpu.memory_space<hbm>> -> memref<1x1x224x128xf32, #tpu.memory_space<hbm>>
    %dma_wait3A_740 = tpu.memref_squeeze %dma_wait3A_739 : memref<1x1x224x128xf32, #tpu.memory_space<hbm>> -> memref<224x128xf32, #tpu.memory_space<hbm>>
    %dma_wait3A_741 = tpu.memref_slice %arg6[%dma_wait3A_732] : memref<4x!tpu.dma_semaphore, #tpu.memory_space<semaphore_mem>> -> memref<1x!tpu.dma_semaphore, #tpu.memory_space<semaphore_mem>>
    %dma_wait3A_742 = tpu.memref_squeeze %dma_wait3A_741 : memref<1x!tpu.dma_semaphore, #tpu.memory_space<semaphore_mem>> -> memref<!tpu.dma_semaphore, #tpu.memory_space<semaphore_mem>>
    %dma_wait3A_743 = arith.constant 0 : i32
    %dma_wait3A_744 = arith.constant 0 : i32
    %dma_wait3A_745 = tpu.memref_slice %arg3[%select_n3A_530, %select_n3A_546, %dma_wait3A_743, %dma_wait3A_744] : memref<3x224x224x128xf32, #tpu.memory_space<hbm>> -> memref<1x1x224x128xf32, #tpu.memory_space<hbm>>
    %dma_wait3A_746 = tpu.memref_squeeze %dma_wait3A_745 : memref<1x1x224x128xf32, #tpu.memory_space<hbm>> -> memref<224x128xf32, #tpu.memory_space<hbm>>
    %dma_wait3A_747 = arith.constant 0 : i32
    %dma_wait3A_748 = arith.constant 0 : i32
    %dma_wait3A_749 = tpu.memref_slice %arg4[%dma_wait3A_731, %dma_wait3A_747, %dma_wait3A_748] : memref<4x224x128xf32, #tpu.memory_space<vmem>> -> memref<1x224x128xf32, #tpu.memory_space<vmem>>
    %dma_wait3A_750 = tpu.memref_squeeze %dma_wait3A_749 : memref<1x224x128xf32, #tpu.memory_space<vmem>> -> memref<224x128xf32, #tpu.memory_space<vmem>>
    tpu.wait_dma2 semaphore(%dma_wait3A_742 : memref<!tpu.dma_semaphore, #tpu.memory_space<semaphore_mem>>) src(%dma_wait3A_750 : memref<224x128xf32, #tpu.memory_space<vmem>>) dst(%dma_wait3A_746 : memref<224x128xf32, #tpu.memory_space<hbm>>)
    %add3A_751 = arith.constant 6 : i32
    %add3A_752 = arith.addi %mul3A_2, %add3A_751 : i32
    %jit3A_753 = arith.constant 224 : i32
    %div3A_754 = arith.divsi %add3A_752, %jit3A_753 : i32
    %sign3A_755 = arith.constant 0 : i32
    %sign3A_756 = arith.cmpi sgt, %add3A_752, %sign3A_755 : i32
    %sign3A_757 = arith.extui %sign3A_756 : i1 to i32
    %sign3A_758 = arith.constant 0 : i32
    %sign3A_759 = arith.cmpi slt, %add3A_752, %sign3A_758 : i32
    %sign3A_760 = arith.extui %sign3A_759 : i1 to i32
    %sign3A_761 = arith.subi %sign3A_757, %sign3A_760 : i32
    %sign3A_762 = arith.constant 0 : i32
    %sign3A_763 = arith.cmpi sgt, %jit3A_753, %sign3A_762 : i32
    %sign3A_764 = arith.extui %sign3A_763 : i1 to i32
    %sign3A_765 = arith.constant 0 : i32
    %sign3A_766 = arith.cmpi slt, %jit3A_753, %sign3A_765 : i32
    %sign3A_767 = arith.extui %sign3A_766 : i1 to i32
    %sign3A_768 = arith.subi %sign3A_764, %sign3A_767 : i32
    %ne3A_769 = arith.cmpi ne, %sign3A_761, %sign3A_768 : i32
    %rem3A_770 = arith.remsi %add3A_752, %jit3A_753 : i32
    %ne3A_771 = arith.constant 0 : i32
    %ne3A_772 = arith.cmpi ne, %rem3A_770, %ne3A_771 : i32
    %and3A_773 = arith.andi %ne3A_769, %ne3A_772 : i1
    %sub3A_774 = arith.constant 1 : i32
    %sub3A_775 = arith.subi %div3A_754, %sub3A_774 : i32
    %select_n3A_776 = arith.select %and3A_773, %sub3A_775, %div3A_754 : i32
    %jit3A_777 = arith.constant 224 : i32
    %eq3A_778 = arith.constant 0 : i32
    %eq3A_779 = arith.cmpi eq, %jit3A_777, %eq3A_778 : i32
    %jit3A_780 = arith.constant 1 : i32
    %select_n3A_781 = arith.select %eq3A_779, %jit3A_780, %jit3A_777 : i32
    %rem3A_782 = arith.remsi %add3A_752, %select_n3A_781 : i32
    %ne3A_783 = arith.constant 0 : i32
    %ne3A_784 = arith.cmpi ne, %rem3A_782, %ne3A_783 : i32
    %lt3A_785 = arith.constant 0 : i32
    %lt3A_786 = arith.cmpi slt, %rem3A_782, %lt3A_785 : i32
    %lt3A_787 = arith.constant 0 : i32
    %lt3A_788 = arith.cmpi slt, %select_n3A_781, %lt3A_787 : i32
    %ne3A_789 = arith.xori %lt3A_786, %lt3A_788 : i1
    %and3A_790 = arith.andi %ne3A_789, %ne3A_784 : i1
    %add3A_791 = arith.addi %rem3A_782, %select_n3A_781 : i32
    %select_n3A_792 = arith.select %and3A_790, %add3A_791, %rem3A_782 : i32
    %dma_start3A_793 = arith.constant 2 : i32
    %dma_start3A_794 = arith.constant 2 : i32
    %dma_start3A_795 = arith.constant 0 : i32
    %dma_start3A_796 = arith.constant 0 : i32
    %dma_start3A_797 = tpu.memref_slice %arg4[%dma_start3A_793, %dma_start3A_795, %dma_start3A_796] : memref<4x224x128xf32, #tpu.memory_space<vmem>> -> memref<1x224x128xf32, #tpu.memory_space<vmem>>
    %dma_start3A_798 = tpu.memref_squeeze %dma_start3A_797 : memref<1x224x128xf32, #tpu.memory_space<vmem>> -> memref<224x128xf32, #tpu.memory_space<vmem>>
    %dma_start3A_799 = arith.constant 0 : i32
    %dma_start3A_800 = arith.constant 0 : i32
    %dma_start3A_801 = tpu.memref_slice %arg2[%select_n3A_776, %select_n3A_792, %dma_start3A_799, %dma_start3A_800] : memref<3x224x224x128xf32, #tpu.memory_space<hbm>> -> memref<1x1x224x128xf32, #tpu.memory_space<hbm>>
    %dma_start3A_802 = tpu.memref_squeeze %dma_start3A_801 : memref<1x1x224x128xf32, #tpu.memory_space<hbm>> -> memref<224x128xf32, #tpu.memory_space<hbm>>
    %dma_start3A_803 = tpu.memref_slice %arg5[%dma_start3A_794] : memref<4x!tpu.dma_semaphore, #tpu.memory_space<semaphore_mem>> -> memref<1x!tpu.dma_semaphore, #tpu.memory_space<semaphore_mem>>
    %dma_start3A_804 = tpu.memref_squeeze %dma_start3A_803 : memref<1x!tpu.dma_semaphore, #tpu.memory_space<semaphore_mem>> -> memref<!tpu.dma_semaphore, #tpu.memory_space<semaphore_mem>>
    %dma_start3A_805 = arith.constant 0 : i32
    %dma_start3A_806 = arith.constant 0 : i32
    %dma_start3A_807 = tpu.memref_slice %arg4[%dma_start3A_793, %dma_start3A_805, %dma_start3A_806] : memref<4x224x128xf32, #tpu.memory_space<vmem>> -> memref<1x224x128xf32, #tpu.memory_space<vmem>>
    %dma_start3A_808 = tpu.memref_squeeze %dma_start3A_807 : memref<1x224x128xf32, #tpu.memory_space<vmem>> -> memref<224x128xf32, #tpu.memory_space<vmem>>
    %dma_start3A_809 = arith.constant 0 : i32
    %dma_start3A_810 = arith.constant 0 : i32
    %dma_start3A_811 = tpu.memref_slice %arg2[%select_n3A_776, %select_n3A_792, %dma_start3A_809, %dma_start3A_810] : memref<3x224x224x128xf32, #tpu.memory_space<hbm>> -> memref<1x1x224x128xf32, #tpu.memory_space<hbm>>
    %dma_start3A_812 = tpu.memref_squeeze %dma_start3A_811 : memref<1x1x224x128xf32, #tpu.memory_space<hbm>> -> memref<224x128xf32, #tpu.memory_space<hbm>>
    tpu.enqueue_dma source(%dma_start3A_812 : memref<224x128xf32, #tpu.memory_space<hbm>>) target(%dma_start3A_808 : memref<224x128xf32, #tpu.memory_space<vmem>>) target_semaphore(%dma_start3A_804 : memref<!tpu.dma_semaphore, #tpu.memory_space<semaphore_mem>>)
    %dma_wait3A_813 = arith.constant 0 : i32
    %dma_wait3A_814 = arith.constant 0 : i32
    %dma_wait3A_815 = arith.constant 0 : i32
    %dma_wait3A_816 = arith.constant 0 : i32
    %dma_wait3A_817 = tpu.memref_slice %arg4[%dma_wait3A_813, %dma_wait3A_815, %dma_wait3A_816] : memref<4x224x128xf32, #tpu.memory_space<vmem>> -> memref<1x224x128xf32, #tpu.memory_space<vmem>>
    %dma_wait3A_818 = tpu.memref_squeeze %dma_wait3A_817 : memref<1x224x128xf32, #tpu.memory_space<vmem>> -> memref<224x128xf32, #tpu.memory_space<vmem>>
    %dma_wait3A_819 = arith.constant 0 : i32
    %dma_wait3A_820 = arith.constant 0 : i32
    %dma_wait3A_821 = tpu.memref_slice %arg2[%select_n3A_448, %select_n3A_464, %dma_wait3A_819, %dma_wait3A_820] : memref<3x224x224x128xf32, #tpu.memory_space<hbm>> -> memref<1x1x224x128xf32, #tpu.memory_space<hbm>>
    %dma_wait3A_822 = tpu.memref_squeeze %dma_wait3A_821 : memref<1x1x224x128xf32, #tpu.memory_space<hbm>> -> memref<224x128xf32, #tpu.memory_space<hbm>>
    %dma_wait3A_823 = tpu.memref_slice %arg5[%dma_wait3A_814] : memref<4x!tpu.dma_semaphore, #tpu.memory_space<semaphore_mem>> -> memref<1x!tpu.dma_semaphore, #tpu.memory_space<semaphore_mem>>
    %dma_wait3A_824 = tpu.memref_squeeze %dma_wait3A_823 : memref<1x!tpu.dma_semaphore, #tpu.memory_space<semaphore_mem>> -> memref<!tpu.dma_semaphore, #tpu.memory_space<semaphore_mem>>
    %dma_wait3A_825 = arith.constant 0 : i32
    %dma_wait3A_826 = arith.constant 0 : i32
    %dma_wait3A_827 = tpu.memref_slice %arg4[%dma_wait3A_813, %dma_wait3A_825, %dma_wait3A_826] : memref<4x224x128xf32, #tpu.memory_space<vmem>> -> memref<1x224x128xf32, #tpu.memory_space<vmem>>
    %dma_wait3A_828 = tpu.memref_squeeze %dma_wait3A_827 : memref<1x224x128xf32, #tpu.memory_space<vmem>> -> memref<224x128xf32, #tpu.memory_space<vmem>>
    %dma_wait3A_829 = arith.constant 0 : i32
    %dma_wait3A_830 = arith.constant 0 : i32
    %dma_wait3A_831 = tpu.memref_slice %arg2[%select_n3A_448, %select_n3A_464, %dma_wait3A_829, %dma_wait3A_830] : memref<3x224x224x128xf32, #tpu.memory_space<hbm>> -> memref<1x1x224x128xf32, #tpu.memory_space<hbm>>
    %dma_wait3A_832 = tpu.memref_squeeze %dma_wait3A_831 : memref<1x1x224x128xf32, #tpu.memory_space<hbm>> -> memref<224x128xf32, #tpu.memory_space<hbm>>
    tpu.wait_dma2 semaphore(%dma_wait3A_824 : memref<!tpu.dma_semaphore, #tpu.memory_space<semaphore_mem>>) src(%dma_wait3A_832 : memref<224x128xf32, #tpu.memory_space<hbm>>) dst(%dma_wait3A_828 : memref<224x128xf32, #tpu.memory_space<vmem>>)
    %add3A_833 = arith.constant 4 : i32
    %add3A_834 = arith.addi %mul3A_2, %add3A_833 : i32
    %jit3A_835 = arith.constant 224 : i32
    %div3A_836 = arith.divsi %add3A_834, %jit3A_835 : i32
    %sign3A_837 = arith.constant 0 : i32
    %sign3A_838 = arith.cmpi sgt, %add3A_834, %sign3A_837 : i32
    %sign3A_839 = arith.extui %sign3A_838 : i1 to i32
    %sign3A_840 = arith.constant 0 : i32
    %sign3A_841 = arith.cmpi slt, %add3A_834, %sign3A_840 : i32
    %sign3A_842 = arith.extui %sign3A_841 : i1 to i32
    %sign3A_843 = arith.subi %sign3A_839, %sign3A_842 : i32
    %sign3A_844 = arith.constant 0 : i32
    %sign3A_845 = arith.cmpi sgt, %jit3A_835, %sign3A_844 : i32
    %sign3A_846 = arith.extui %sign3A_845 : i1 to i32
    %sign3A_847 = arith.constant 0 : i32
    %sign3A_848 = arith.cmpi slt, %jit3A_835, %sign3A_847 : i32
    %sign3A_849 = arith.extui %sign3A_848 : i1 to i32
    %sign3A_850 = arith.subi %sign3A_846, %sign3A_849 : i32
    %ne3A_851 = arith.cmpi ne, %sign3A_843, %sign3A_850 : i32
    %rem3A_852 = arith.remsi %add3A_834, %jit3A_835 : i32
    %ne3A_853 = arith.constant 0 : i32
    %ne3A_854 = arith.cmpi ne, %rem3A_852, %ne3A_853 : i32
    %and3A_855 = arith.andi %ne3A_851, %ne3A_854 : i1
    %sub3A_856 = arith.constant 1 : i32
    %sub3A_857 = arith.subi %div3A_836, %sub3A_856 : i32
    %select_n3A_858 = arith.select %and3A_855, %sub3A_857, %div3A_836 : i32
    %jit3A_859 = arith.constant 224 : i32
    %eq3A_860 = arith.constant 0 : i32
    %eq3A_861 = arith.cmpi eq, %jit3A_859, %eq3A_860 : i32
    %jit3A_862 = arith.constant 1 : i32
    %select_n3A_863 = arith.select %eq3A_861, %jit3A_862, %jit3A_859 : i32
    %rem3A_864 = arith.remsi %add3A_834, %select_n3A_863 : i32
    %ne3A_865 = arith.constant 0 : i32
    %ne3A_866 = arith.cmpi ne, %rem3A_864, %ne3A_865 : i32
    %lt3A_867 = arith.constant 0 : i32
    %lt3A_868 = arith.cmpi slt, %rem3A_864, %lt3A_867 : i32
    %lt3A_869 = arith.constant 0 : i32
    %lt3A_870 = arith.cmpi slt, %select_n3A_863, %lt3A_869 : i32
    %ne3A_871 = arith.xori %lt3A_868, %lt3A_870 : i1
    %and3A_872 = arith.andi %ne3A_871, %ne3A_866 : i1
    %add3A_873 = arith.addi %rem3A_864, %select_n3A_863 : i32
    %select_n3A_874 = arith.select %and3A_872, %add3A_873, %rem3A_864 : i32
    %dma_start3A_875 = arith.constant 0 : i32
    %dma_start3A_876 = arith.constant 0 : i32
    %dma_start3A_877 = arith.constant 0 : i32
    %dma_start3A_878 = arith.constant 0 : i32
    %dma_start3A_879 = tpu.memref_slice %arg4[%dma_start3A_875, %dma_start3A_877, %dma_start3A_878] : memref<4x224x128xf32, #tpu.memory_space<vmem>> -> memref<1x224x128xf32, #tpu.memory_space<vmem>>
    %dma_start3A_880 = tpu.memref_squeeze %dma_start3A_879 : memref<1x224x128xf32, #tpu.memory_space<vmem>> -> memref<224x128xf32, #tpu.memory_space<vmem>>
    %dma_start3A_881 = arith.constant 0 : i32
    %dma_start3A_882 = arith.constant 0 : i32
    %dma_start3A_883 = tpu.memref_slice %arg3[%select_n3A_858, %select_n3A_874, %dma_start3A_881, %dma_start3A_882] : memref<3x224x224x128xf32, #tpu.memory_space<hbm>> -> memref<1x1x224x128xf32, #tpu.memory_space<hbm>>
    %dma_start3A_884 = tpu.memref_squeeze %dma_start3A_883 : memref<1x1x224x128xf32, #tpu.memory_space<hbm>> -> memref<224x128xf32, #tpu.memory_space<hbm>>
    %dma_start3A_885 = tpu.memref_slice %arg6[%dma_start3A_876] : memref<4x!tpu.dma_semaphore, #tpu.memory_space<semaphore_mem>> -> memref<1x!tpu.dma_semaphore, #tpu.memory_space<semaphore_mem>>
    %dma_start3A_886 = tpu.memref_squeeze %dma_start3A_885 : memref<1x!tpu.dma_semaphore, #tpu.memory_space<semaphore_mem>> -> memref<!tpu.dma_semaphore, #tpu.memory_space<semaphore_mem>>
    %dma_start3A_887 = arith.constant 0 : i32
    %dma_start3A_888 = arith.constant 0 : i32
    %dma_start3A_889 = tpu.memref_slice %arg3[%select_n3A_858, %select_n3A_874, %dma_start3A_887, %dma_start3A_888] : memref<3x224x224x128xf32, #tpu.memory_space<hbm>> -> memref<1x1x224x128xf32, #tpu.memory_space<hbm>>
    %dma_start3A_890 = tpu.memref_squeeze %dma_start3A_889 : memref<1x1x224x128xf32, #tpu.memory_space<hbm>> -> memref<224x128xf32, #tpu.memory_space<hbm>>
    %dma_start3A_891 = arith.constant 0 : i32
    %dma_start3A_892 = arith.constant 0 : i32
    %dma_start3A_893 = tpu.memref_slice %arg4[%dma_start3A_875, %dma_start3A_891, %dma_start3A_892] : memref<4x224x128xf32, #tpu.memory_space<vmem>> -> memref<1x224x128xf32, #tpu.memory_space<vmem>>
    %dma_start3A_894 = tpu.memref_squeeze %dma_start3A_893 : memref<1x224x128xf32, #tpu.memory_space<vmem>> -> memref<224x128xf32, #tpu.memory_space<vmem>>
    tpu.enqueue_dma source(%dma_start3A_894 : memref<224x128xf32, #tpu.memory_space<vmem>>) target(%dma_start3A_890 : memref<224x128xf32, #tpu.memory_space<hbm>>) target_semaphore(%dma_start3A_886 : memref<!tpu.dma_semaphore, #tpu.memory_space<semaphore_mem>>)
    %dma_wait3A_895 = arith.constant 3 : i32
    %dma_wait3A_896 = arith.constant 3 : i32
    %dma_wait3A_897 = arith.constant 0 : i32
    %dma_wait3A_898 = arith.constant 0 : i32
    %dma_wait3A_899 = tpu.memref_slice %arg4[%dma_wait3A_895, %dma_wait3A_897, %dma_wait3A_898] : memref<4x224x128xf32, #tpu.memory_space<vmem>> -> memref<1x224x128xf32, #tpu.memory_space<vmem>>
    %dma_wait3A_900 = tpu.memref_squeeze %dma_wait3A_899 : memref<1x224x128xf32, #tpu.memory_space<vmem>> -> memref<224x128xf32, #tpu.memory_space<vmem>>
    %dma_wait3A_901 = arith.constant 0 : i32
    %dma_wait3A_902 = arith.constant 0 : i32
    %dma_wait3A_903 = tpu.memref_slice %arg3[%select_n3A_694, %select_n3A_710, %dma_wait3A_901, %dma_wait3A_902] : memref<3x224x224x128xf32, #tpu.memory_space<hbm>> -> memref<1x1x224x128xf32, #tpu.memory_space<hbm>>
    %dma_wait3A_904 = tpu.memref_squeeze %dma_wait3A_903 : memref<1x1x224x128xf32, #tpu.memory_space<hbm>> -> memref<224x128xf32, #tpu.memory_space<hbm>>
    %dma_wait3A_905 = tpu.memref_slice %arg6[%dma_wait3A_896] : memref<4x!tpu.dma_semaphore, #tpu.memory_space<semaphore_mem>> -> memref<1x!tpu.dma_semaphore, #tpu.memory_space<semaphore_mem>>
    %dma_wait3A_906 = tpu.memref_squeeze %dma_wait3A_905 : memref<1x!tpu.dma_semaphore, #tpu.memory_space<semaphore_mem>> -> memref<!tpu.dma_semaphore, #tpu.memory_space<semaphore_mem>>
    %dma_wait3A_907 = arith.constant 0 : i32
    %dma_wait3A_908 = arith.constant 0 : i32
    %dma_wait3A_909 = tpu.memref_slice %arg3[%select_n3A_694, %select_n3A_710, %dma_wait3A_907, %dma_wait3A_908] : memref<3x224x224x128xf32, #tpu.memory_space<hbm>> -> memref<1x1x224x128xf32, #tpu.memory_space<hbm>>
    %dma_wait3A_910 = tpu.memref_squeeze %dma_wait3A_909 : memref<1x1x224x128xf32, #tpu.memory_space<hbm>> -> memref<224x128xf32, #tpu.memory_space<hbm>>
    %dma_wait3A_911 = arith.constant 0 : i32
    %dma_wait3A_912 = arith.constant 0 : i32
    %dma_wait3A_913 = tpu.memref_slice %arg4[%dma_wait3A_895, %dma_wait3A_911, %dma_wait3A_912] : memref<4x224x128xf32, #tpu.memory_space<vmem>> -> memref<1x224x128xf32, #tpu.memory_space<vmem>>
    %dma_wait3A_914 = tpu.memref_squeeze %dma_wait3A_913 : memref<1x224x128xf32, #tpu.memory_space<vmem>> -> memref<224x128xf32, #tpu.memory_space<vmem>>
    tpu.wait_dma2 semaphore(%dma_wait3A_906 : memref<!tpu.dma_semaphore, #tpu.memory_space<semaphore_mem>>) src(%dma_wait3A_914 : memref<224x128xf32, #tpu.memory_space<vmem>>) dst(%dma_wait3A_910 : memref<224x128xf32, #tpu.memory_space<hbm>>)
    %add3A_915 = arith.constant 7 : i32
    %add3A_916 = arith.addi %mul3A_2, %add3A_915 : i32
    %jit3A_917 = arith.constant 224 : i32
    %div3A_918 = arith.divsi %add3A_916, %jit3A_917 : i32
    %sign3A_919 = arith.constant 0 : i32
    %sign3A_920 = arith.cmpi sgt, %add3A_916, %sign3A_919 : i32
    %sign3A_921 = arith.extui %sign3A_920 : i1 to i32
    %sign3A_922 = arith.constant 0 : i32
    %sign3A_923 = arith.cmpi slt, %add3A_916, %sign3A_922 : i32
    %sign3A_924 = arith.extui %sign3A_923 : i1 to i32
    %sign3A_925 = arith.subi %sign3A_921, %sign3A_924 : i32
    %sign3A_926 = arith.constant 0 : i32
    %sign3A_927 = arith.cmpi sgt, %jit3A_917, %sign3A_926 : i32
    %sign3A_928 = arith.extui %sign3A_927 : i1 to i32
    %sign3A_929 = arith.constant 0 : i32
    %sign3A_930 = arith.cmpi slt, %jit3A_917, %sign3A_929 : i32
    %sign3A_931 = arith.extui %sign3A_930 : i1 to i32
    %sign3A_932 = arith.subi %sign3A_928, %sign3A_931 : i32
    %ne3A_933 = arith.cmpi ne, %sign3A_925, %sign3A_932 : i32
    %rem3A_934 = arith.remsi %add3A_916, %jit3A_917 : i32
    %ne3A_935 = arith.constant 0 : i32
    %ne3A_936 = arith.cmpi ne, %rem3A_934, %ne3A_935 : i32
    %and3A_937 = arith.andi %ne3A_933, %ne3A_936 : i1
    %sub3A_938 = arith.constant 1 : i32
    %sub3A_939 = arith.subi %div3A_918, %sub3A_938 : i32
    %select_n3A_940 = arith.select %and3A_937, %sub3A_939, %div3A_918 : i32
    %jit3A_941 = arith.constant 224 : i32
    %eq3A_942 = arith.constant 0 : i32
    %eq3A_943 = arith.cmpi eq, %jit3A_941, %eq3A_942 : i32
    %jit3A_944 = arith.constant 1 : i32
    %select_n3A_945 = arith.select %eq3A_943, %jit3A_944, %jit3A_941 : i32
    %rem3A_946 = arith.remsi %add3A_916, %select_n3A_945 : i32
    %ne3A_947 = arith.constant 0 : i32
    %ne3A_948 = arith.cmpi ne, %rem3A_946, %ne3A_947 : i32
    %lt3A_949 = arith.constant 0 : i32
    %lt3A_950 = arith.cmpi slt, %rem3A_946, %lt3A_949 : i32
    %lt3A_951 = arith.constant 0 : i32
    %lt3A_952 = arith.cmpi slt, %select_n3A_945, %lt3A_951 : i32
    %ne3A_953 = arith.xori %lt3A_950, %lt3A_952 : i1
    %and3A_954 = arith.andi %ne3A_953, %ne3A_948 : i1
    %add3A_955 = arith.addi %rem3A_946, %select_n3A_945 : i32
    %select_n3A_956 = arith.select %and3A_954, %add3A_955, %rem3A_946 : i32
    %dma_start3A_957 = arith.constant 3 : i32
    %dma_start3A_958 = arith.constant 3 : i32
    %dma_start3A_959 = arith.constant 0 : i32
    %dma_start3A_960 = arith.constant 0 : i32
    %dma_start3A_961 = tpu.memref_slice %arg4[%dma_start3A_957, %dma_start3A_959, %dma_start3A_960] : memref<4x224x128xf32, #tpu.memory_space<vmem>> -> memref<1x224x128xf32, #tpu.memory_space<vmem>>
    %dma_start3A_962 = tpu.memref_squeeze %dma_start3A_961 : memref<1x224x128xf32, #tpu.memory_space<vmem>> -> memref<224x128xf32, #tpu.memory_space<vmem>>
    %dma_start3A_963 = arith.constant 0 : i32
    %dma_start3A_964 = arith.constant 0 : i32
    %dma_start3A_965 = tpu.memref_slice %arg2[%select_n3A_940, %select_n3A_956, %dma_start3A_963, %dma_start3A_964] : memref<3x224x224x128xf32, #tpu.memory_space<hbm>> -> memref<1x1x224x128xf32, #tpu.memory_space<hbm>>
    %dma_start3A_966 = tpu.memref_squeeze %dma_start3A_965 : memref<1x1x224x128xf32, #tpu.memory_space<hbm>> -> memref<224x128xf32, #tpu.memory_space<hbm>>
    %dma_start3A_967 = tpu.memref_slice %arg5[%dma_start3A_958] : memref<4x!tpu.dma_semaphore, #tpu.memory_space<semaphore_mem>> -> memref<1x!tpu.dma_semaphore, #tpu.memory_space<semaphore_mem>>
    %dma_start3A_968 = tpu.memref_squeeze %dma_start3A_967 : memref<1x!tpu.dma_semaphore, #tpu.memory_space<semaphore_mem>> -> memref<!tpu.dma_semaphore, #tpu.memory_space<semaphore_mem>>
    %dma_start3A_969 = arith.constant 0 : i32
    %dma_start3A_970 = arith.constant 0 : i32
    %dma_start3A_971 = tpu.memref_slice %arg4[%dma_start3A_957, %dma_start3A_969, %dma_start3A_970] : memref<4x224x128xf32, #tpu.memory_space<vmem>> -> memref<1x224x128xf32, #tpu.memory_space<vmem>>
    %dma_start3A_972 = tpu.memref_squeeze %dma_start3A_971 : memref<1x224x128xf32, #tpu.memory_space<vmem>> -> memref<224x128xf32, #tpu.memory_space<vmem>>
    %dma_start3A_973 = arith.constant 0 : i32
    %dma_start3A_974 = arith.constant 0 : i32
    %dma_start3A_975 = tpu.memref_slice %arg2[%select_n3A_940, %select_n3A_956, %dma_start3A_973, %dma_start3A_974] : memref<3x224x224x128xf32, #tpu.memory_space<hbm>> -> memref<1x1x224x128xf32, #tpu.memory_space<hbm>>
    %dma_start3A_976 = tpu.memref_squeeze %dma_start3A_975 : memref<1x1x224x128xf32, #tpu.memory_space<hbm>> -> memref<224x128xf32, #tpu.memory_space<hbm>>
    tpu.enqueue_dma source(%dma_start3A_976 : memref<224x128xf32, #tpu.memory_space<hbm>>) target(%dma_start3A_972 : memref<224x128xf32, #tpu.memory_space<vmem>>) target_semaphore(%dma_start3A_968 : memref<!tpu.dma_semaphore, #tpu.memory_space<semaphore_mem>>)
    %dma_wait3A_977 = arith.constant 1 : i32
    %dma_wait3A_978 = arith.constant 1 : i32
    %dma_wait3A_979 = arith.constant 0 : i32
    %dma_wait3A_980 = arith.constant 0 : i32
    %dma_wait3A_981 = tpu.memref_slice %arg4[%dma_wait3A_977, %dma_wait3A_979, %dma_wait3A_980] : memref<4x224x128xf32, #tpu.memory_space<vmem>> -> memref<1x224x128xf32, #tpu.memory_space<vmem>>
    %dma_wait3A_982 = tpu.memref_squeeze %dma_wait3A_981 : memref<1x224x128xf32, #tpu.memory_space<vmem>> -> memref<224x128xf32, #tpu.memory_space<vmem>>
    %dma_wait3A_983 = arith.constant 0 : i32
    %dma_wait3A_984 = arith.constant 0 : i32
    %dma_wait3A_985 = tpu.memref_slice %arg2[%select_n3A_612, %select_n3A_628, %dma_wait3A_983, %dma_wait3A_984] : memref<3x224x224x128xf32, #tpu.memory_space<hbm>> -> memref<1x1x224x128xf32, #tpu.memory_space<hbm>>
    %dma_wait3A_986 = tpu.memref_squeeze %dma_wait3A_985 : memref<1x1x224x128xf32, #tpu.memory_space<hbm>> -> memref<224x128xf32, #tpu.memory_space<hbm>>
    %dma_wait3A_987 = tpu.memref_slice %arg5[%dma_wait3A_978] : memref<4x!tpu.dma_semaphore, #tpu.memory_space<semaphore_mem>> -> memref<1x!tpu.dma_semaphore, #tpu.memory_space<semaphore_mem>>
    %dma_wait3A_988 = tpu.memref_squeeze %dma_wait3A_987 : memref<1x!tpu.dma_semaphore, #tpu.memory_space<semaphore_mem>> -> memref<!tpu.dma_semaphore, #tpu.memory_space<semaphore_mem>>
    %dma_wait3A_989 = arith.constant 0 : i32
    %dma_wait3A_990 = arith.constant 0 : i32
    %dma_wait3A_991 = tpu.memref_slice %arg4[%dma_wait3A_977, %dma_wait3A_989, %dma_wait3A_990] : memref<4x224x128xf32, #tpu.memory_space<vmem>> -> memref<1x224x128xf32, #tpu.memory_space<vmem>>
    %dma_wait3A_992 = tpu.memref_squeeze %dma_wait3A_991 : memref<1x224x128xf32, #tpu.memory_space<vmem>> -> memref<224x128xf32, #tpu.memory_space<vmem>>
    %dma_wait3A_993 = arith.constant 0 : i32
    %dma_wait3A_994 = arith.constant 0 : i32
    %dma_wait3A_995 = tpu.memref_slice %arg2[%select_n3A_612, %select_n3A_628, %dma_wait3A_993, %dma_wait3A_994] : memref<3x224x224x128xf32, #tpu.memory_space<hbm>> -> memref<1x1x224x128xf32, #tpu.memory_space<hbm>>
    %dma_wait3A_996 = tpu.memref_squeeze %dma_wait3A_995 : memref<1x1x224x128xf32, #tpu.memory_space<hbm>> -> memref<224x128xf32, #tpu.memory_space<hbm>>
    tpu.wait_dma2 semaphore(%dma_wait3A_988 : memref<!tpu.dma_semaphore, #tpu.memory_space<semaphore_mem>>) src(%dma_wait3A_996 : memref<224x128xf32, #tpu.memory_space<hbm>>) dst(%dma_wait3A_992 : memref<224x128xf32, #tpu.memory_space<vmem>>)
    %add3A_997 = arith.constant 5 : i32
    %add3A_998 = arith.addi %mul3A_2, %add3A_997 : i32
    %jit3A_999 = arith.constant 224 : i32
    %div3A_1000 = arith.divsi %add3A_998, %jit3A_999 : i32
    %sign3A_1001 = arith.constant 0 : i32
    %sign3A_1002 = arith.cmpi sgt, %add3A_998, %sign3A_1001 : i32
    %sign3A_1003 = arith.extui %sign3A_1002 : i1 to i32
    %sign3A_1004 = arith.constant 0 : i32
    %sign3A_1005 = arith.cmpi slt, %add3A_998, %sign3A_1004 : i32
    %sign3A_1006 = arith.extui %sign3A_1005 : i1 to i32
    %sign3A_1007 = arith.subi %sign3A_1003, %sign3A_1006 : i32
    %sign3A_1008 = arith.constant 0 : i32
    %sign3A_1009 = arith.cmpi sgt, %jit3A_999, %sign3A_1008 : i32
    %sign3A_1010 = arith.extui %sign3A_1009 : i1 to i32
    %sign3A_1011 = arith.constant 0 : i32
    %sign3A_1012 = arith.cmpi slt, %jit3A_999, %sign3A_1011 : i32
    %sign3A_1013 = arith.extui %sign3A_1012 : i1 to i32
    %sign3A_1014 = arith.subi %sign3A_1010, %sign3A_1013 : i32
    %ne3A_1015 = arith.cmpi ne, %sign3A_1007, %sign3A_1014 : i32
    %rem3A_1016 = arith.remsi %add3A_998, %jit3A_999 : i32
    %ne3A_1017 = arith.constant 0 : i32
    %ne3A_1018 = arith.cmpi ne, %rem3A_1016, %ne3A_1017 : i32
    %and3A_1019 = arith.andi %ne3A_1015, %ne3A_1018 : i1
    %sub3A_1020 = arith.constant 1 : i32
    %sub3A_1021 = arith.subi %div3A_1000, %sub3A_1020 : i32
    %select_n3A_1022 = arith.select %and3A_1019, %sub3A_1021, %div3A_1000 : i32
    %jit3A_1023 = arith.constant 224 : i32
    %eq3A_1024 = arith.constant 0 : i32
    %eq3A_1025 = arith.cmpi eq, %jit3A_1023, %eq3A_1024 : i32
    %jit3A_1026 = arith.constant 1 : i32
    %select_n3A_1027 = arith.select %eq3A_1025, %jit3A_1026, %jit3A_1023 : i32
    %rem3A_1028 = arith.remsi %add3A_998, %select_n3A_1027 : i32
    %ne3A_1029 = arith.constant 0 : i32
    %ne3A_1030 = arith.cmpi ne, %rem3A_1028, %ne3A_1029 : i32
    %lt3A_1031 = arith.constant 0 : i32
    %lt3A_1032 = arith.cmpi slt, %rem3A_1028, %lt3A_1031 : i32
    %lt3A_1033 = arith.constant 0 : i32
    %lt3A_1034 = arith.cmpi slt, %select_n3A_1027, %lt3A_1033 : i32
    %ne3A_1035 = arith.xori %lt3A_1032, %lt3A_1034 : i1
    %and3A_1036 = arith.andi %ne3A_1035, %ne3A_1030 : i1
    %add3A_1037 = arith.addi %rem3A_1028, %select_n3A_1027 : i32
    %select_n3A_1038 = arith.select %and3A_1036, %add3A_1037, %rem3A_1028 : i32
    %dma_start3A_1039 = arith.constant 1 : i32
    %dma_start3A_1040 = arith.constant 1 : i32
    %dma_start3A_1041 = arith.constant 0 : i32
    %dma_start3A_1042 = arith.constant 0 : i32
    %dma_start3A_1043 = tpu.memref_slice %arg4[%dma_start3A_1039, %dma_start3A_1041, %dma_start3A_1042] : memref<4x224x128xf32, #tpu.memory_space<vmem>> -> memref<1x224x128xf32, #tpu.memory_space<vmem>>
    %dma_start3A_1044 = tpu.memref_squeeze %dma_start3A_1043 : memref<1x224x128xf32, #tpu.memory_space<vmem>> -> memref<224x128xf32, #tpu.memory_space<vmem>>
    %dma_start3A_1045 = arith.constant 0 : i32
    %dma_start3A_1046 = arith.constant 0 : i32
    %dma_start3A_1047 = tpu.memref_slice %arg3[%select_n3A_1022, %select_n3A_1038, %dma_start3A_1045, %dma_start3A_1046] : memref<3x224x224x128xf32, #tpu.memory_space<hbm>> -> memref<1x1x224x128xf32, #tpu.memory_space<hbm>>
    %dma_start3A_1048 = tpu.memref_squeeze %dma_start3A_1047 : memref<1x1x224x128xf32, #tpu.memory_space<hbm>> -> memref<224x128xf32, #tpu.memory_space<hbm>>
    %dma_start3A_1049 = tpu.memref_slice %arg6[%dma_start3A_1040] : memref<4x!tpu.dma_semaphore, #tpu.memory_space<semaphore_mem>> -> memref<1x!tpu.dma_semaphore, #tpu.memory_space<semaphore_mem>>
    %dma_start3A_1050 = tpu.memref_squeeze %dma_start3A_1049 : memref<1x!tpu.dma_semaphore, #tpu.memory_space<semaphore_mem>> -> memref<!tpu.dma_semaphore, #tpu.memory_space<semaphore_mem>>
    %dma_start3A_1051 = arith.constant 0 : i32
    %dma_start3A_1052 = arith.constant 0 : i32
    %dma_start3A_1053 = tpu.memref_slice %arg3[%select_n3A_1022, %select_n3A_1038, %dma_start3A_1051, %dma_start3A_1052] : memref<3x224x224x128xf32, #tpu.memory_space<hbm>> -> memref<1x1x224x128xf32, #tpu.memory_space<hbm>>
    %dma_start3A_1054 = tpu.memref_squeeze %dma_start3A_1053 : memref<1x1x224x128xf32, #tpu.memory_space<hbm>> -> memref<224x128xf32, #tpu.memory_space<hbm>>
    %dma_start3A_1055 = arith.constant 0 : i32
    %dma_start3A_1056 = arith.constant 0 : i32
    %dma_start3A_1057 = tpu.memref_slice %arg4[%dma_start3A_1039, %dma_start3A_1055, %dma_start3A_1056] : memref<4x224x128xf32, #tpu.memory_space<vmem>> -> memref<1x224x128xf32, #tpu.memory_space<vmem>>
    %dma_start3A_1058 = tpu.memref_squeeze %dma_start3A_1057 : memref<1x224x128xf32, #tpu.memory_space<vmem>> -> memref<224x128xf32, #tpu.memory_space<vmem>>
    tpu.enqueue_dma source(%dma_start3A_1058 : memref<224x128xf32, #tpu.memory_space<vmem>>) target(%dma_start3A_1054 : memref<224x128xf32, #tpu.memory_space<hbm>>) target_semaphore(%dma_start3A_1050 : memref<!tpu.dma_semaphore, #tpu.memory_space<semaphore_mem>>)
    %dma_wait3A_1059 = arith.constant 0 : i32
    %dma_wait3A_1060 = arith.constant 0 : i32
    %dma_wait3A_1061 = arith.constant 0 : i32
    %dma_wait3A_1062 = arith.constant 0 : i32
    %dma_wait3A_1063 = tpu.memref_slice %arg4[%dma_wait3A_1059, %dma_wait3A_1061, %dma_wait3A_1062] : memref<4x224x128xf32, #tpu.memory_space<vmem>> -> memref<1x224x128xf32, #tpu.memory_space<vmem>>
    %dma_wait3A_1064 = tpu.memref_squeeze %dma_wait3A_1063 : memref<1x224x128xf32, #tpu.memory_space<vmem>> -> memref<224x128xf32, #tpu.memory_space<vmem>>
    %dma_wait3A_1065 = arith.constant 0 : i32
    %dma_wait3A_1066 = arith.constant 0 : i32
    %dma_wait3A_1067 = tpu.memref_slice %arg3[%select_n3A_858, %select_n3A_874, %dma_wait3A_1065, %dma_wait3A_1066] : memref<3x224x224x128xf32, #tpu.memory_space<hbm>> -> memref<1x1x224x128xf32, #tpu.memory_space<hbm>>
    %dma_wait3A_1068 = tpu.memref_squeeze %dma_wait3A_1067 : memref<1x1x224x128xf32, #tpu.memory_space<hbm>> -> memref<224x128xf32, #tpu.memory_space<hbm>>
    %dma_wait3A_1069 = tpu.memref_slice %arg6[%dma_wait3A_1060] : memref<4x!tpu.dma_semaphore, #tpu.memory_space<semaphore_mem>> -> memref<1x!tpu.dma_semaphore, #tpu.memory_space<semaphore_mem>>
    %dma_wait3A_1070 = tpu.memref_squeeze %dma_wait3A_1069 : memref<1x!tpu.dma_semaphore, #tpu.memory_space<semaphore_mem>> -> memref<!tpu.dma_semaphore, #tpu.memory_space<semaphore_mem>>
    %dma_wait3A_1071 = arith.constant 0 : i32
    %dma_wait3A_1072 = arith.constant 0 : i32
    %dma_wait3A_1073 = tpu.memref_slice %arg3[%select_n3A_858, %select_n3A_874, %dma_wait3A_1071, %dma_wait3A_1072] : memref<3x224x224x128xf32, #tpu.memory_space<hbm>> -> memref<1x1x224x128xf32, #tpu.memory_space<hbm>>
    %dma_wait3A_1074 = tpu.memref_squeeze %dma_wait3A_1073 : memref<1x1x224x128xf32, #tpu.memory_space<hbm>> -> memref<224x128xf32, #tpu.memory_space<hbm>>
    %dma_wait3A_1075 = arith.constant 0 : i32
    %dma_wait3A_1076 = arith.constant 0 : i32
    %dma_wait3A_1077 = tpu.memref_slice %arg4[%dma_wait3A_1059, %dma_wait3A_1075, %dma_wait3A_1076] : memref<4x224x128xf32, #tpu.memory_space<vmem>> -> memref<1x224x128xf32, #tpu.memory_space<vmem>>
    %dma_wait3A_1078 = tpu.memref_squeeze %dma_wait3A_1077 : memref<1x224x128xf32, #tpu.memory_space<vmem>> -> memref<224x128xf32, #tpu.memory_space<vmem>>
    tpu.wait_dma2 semaphore(%dma_wait3A_1070 : memref<!tpu.dma_semaphore, #tpu.memory_space<semaphore_mem>>) src(%dma_wait3A_1078 : memref<224x128xf32, #tpu.memory_space<vmem>>) dst(%dma_wait3A_1074 : memref<224x128xf32, #tpu.memory_space<hbm>>)
    %add3A_1079 = arith.constant 8 : i32
    %add3A_1080 = arith.addi %mul3A_2, %add3A_1079 : i32
    %jit3A_1081 = arith.constant 224 : i32
    %div3A_1082 = arith.divsi %add3A_1080, %jit3A_1081 : i32
    %sign3A_1083 = arith.constant 0 : i32
    %sign3A_1084 = arith.cmpi sgt, %add3A_1080, %sign3A_1083 : i32
    %sign3A_1085 = arith.extui %sign3A_1084 : i1 to i32
    %sign3A_1086 = arith.constant 0 : i32
    %sign3A_1087 = arith.cmpi slt, %add3A_1080, %sign3A_1086 : i32
    %sign3A_1088 = arith.extui %sign3A_1087 : i1 to i32
    %sign3A_1089 = arith.subi %sign3A_1085, %sign3A_1088 : i32
    %sign3A_1090 = arith.constant 0 : i32
    %sign3A_1091 = arith.cmpi sgt, %jit3A_1081, %sign3A_1090 : i32
    %sign3A_1092 = arith.extui %sign3A_1091 : i1 to i32
    %sign3A_1093 = arith.constant 0 : i32
    %sign3A_1094 = arith.cmpi slt, %jit3A_1081, %sign3A_1093 : i32
    %sign3A_1095 = arith.extui %sign3A_1094 : i1 to i32
    %sign3A_1096 = arith.subi %sign3A_1092, %sign3A_1095 : i32
    %ne3A_1097 = arith.cmpi ne, %sign3A_1089, %sign3A_1096 : i32
    %rem3A_1098 = arith.remsi %add3A_1080, %jit3A_1081 : i32
    %ne3A_1099 = arith.constant 0 : i32
    %ne3A_1100 = arith.cmpi ne, %rem3A_1098, %ne3A_1099 : i32
    %and3A_1101 = arith.andi %ne3A_1097, %ne3A_1100 : i1
    %sub3A_1102 = arith.constant 1 : i32
    %sub3A_1103 = arith.subi %div3A_1082, %sub3A_1102 : i32
    %select_n3A_1104 = arith.select %and3A_1101, %sub3A_1103, %div3A_1082 : i32
    %jit3A_1105 = arith.constant 224 : i32
    %eq3A_1106 = arith.constant 0 : i32
    %eq3A_1107 = arith.cmpi eq, %jit3A_1105, %eq3A_1106 : i32
    %jit3A_1108 = arith.constant 1 : i32
    %select_n3A_1109 = arith.select %eq3A_1107, %jit3A_1108, %jit3A_1105 : i32
    %rem3A_1110 = arith.remsi %add3A_1080, %select_n3A_1109 : i32
    %ne3A_1111 = arith.constant 0 : i32
    %ne3A_1112 = arith.cmpi ne, %rem3A_1110, %ne3A_1111 : i32
    %lt3A_1113 = arith.constant 0 : i32
    %lt3A_1114 = arith.cmpi slt, %rem3A_1110, %lt3A_1113 : i32
    %lt3A_1115 = arith.constant 0 : i32
    %lt3A_1116 = arith.cmpi slt, %select_n3A_1109, %lt3A_1115 : i32
    %ne3A_1117 = arith.xori %lt3A_1114, %lt3A_1116 : i1
    %and3A_1118 = arith.andi %ne3A_1117, %ne3A_1112 : i1
    %add3A_1119 = arith.addi %rem3A_1110, %select_n3A_1109 : i32
    %select_n3A_1120 = arith.select %and3A_1118, %add3A_1119, %rem3A_1110 : i32
    %dma_start3A_1121 = arith.constant 0 : i32
    %dma_start3A_1122 = arith.constant 0 : i32
    %dma_start3A_1123 = arith.constant 0 : i32
    %dma_start3A_1124 = arith.constant 0 : i32
    %dma_start3A_1125 = tpu.memref_slice %arg4[%dma_start3A_1121, %dma_start3A_1123, %dma_start3A_1124] : memref<4x224x128xf32, #tpu.memory_space<vmem>> -> memref<1x224x128xf32, #tpu.memory_space<vmem>>
    %dma_start3A_1126 = tpu.memref_squeeze %dma_start3A_1125 : memref<1x224x128xf32, #tpu.memory_space<vmem>> -> memref<224x128xf32, #tpu.memory_space<vmem>>
    %dma_start3A_1127 = arith.constant 0 : i32
    %dma_start3A_1128 = arith.constant 0 : i32
    %dma_start3A_1129 = tpu.memref_slice %arg2[%select_n3A_1104, %select_n3A_1120, %dma_start3A_1127, %dma_start3A_1128] : memref<3x224x224x128xf32, #tpu.memory_space<hbm>> -> memref<1x1x224x128xf32, #tpu.memory_space<hbm>>
    %dma_start3A_1130 = tpu.memref_squeeze %dma_start3A_1129 : memref<1x1x224x128xf32, #tpu.memory_space<hbm>> -> memref<224x128xf32, #tpu.memory_space<hbm>>
    %dma_start3A_1131 = tpu.memref_slice %arg5[%dma_start3A_1122] : memref<4x!tpu.dma_semaphore, #tpu.memory_space<semaphore_mem>> -> memref<1x!tpu.dma_semaphore, #tpu.memory_space<semaphore_mem>>
    %dma_start3A_1132 = tpu.memref_squeeze %dma_start3A_1131 : memref<1x!tpu.dma_semaphore, #tpu.memory_space<semaphore_mem>> -> memref<!tpu.dma_semaphore, #tpu.memory_space<semaphore_mem>>
    %dma_start3A_1133 = arith.constant 0 : i32
    %dma_start3A_1134 = arith.constant 0 : i32
    %dma_start3A_1135 = tpu.memref_slice %arg4[%dma_start3A_1121, %dma_start3A_1133, %dma_start3A_1134] : memref<4x224x128xf32, #tpu.memory_space<vmem>> -> memref<1x224x128xf32, #tpu.memory_space<vmem>>
    %dma_start3A_1136 = tpu.memref_squeeze %dma_start3A_1135 : memref<1x224x128xf32, #tpu.memory_space<vmem>> -> memref<224x128xf32, #tpu.memory_space<vmem>>
    %dma_start3A_1137 = arith.constant 0 : i32
    %dma_start3A_1138 = arith.constant 0 : i32
    %dma_start3A_1139 = tpu.memref_slice %arg2[%select_n3A_1104, %select_n3A_1120, %dma_start3A_1137, %dma_start3A_1138] : memref<3x224x224x128xf32, #tpu.memory_space<hbm>> -> memref<1x1x224x128xf32, #tpu.memory_space<hbm>>
    %dma_start3A_1140 = tpu.memref_squeeze %dma_start3A_1139 : memref<1x1x224x128xf32, #tpu.memory_space<hbm>> -> memref<224x128xf32, #tpu.memory_space<hbm>>
    tpu.enqueue_dma source(%dma_start3A_1140 : memref<224x128xf32, #tpu.memory_space<hbm>>) target(%dma_start3A_1136 : memref<224x128xf32, #tpu.memory_space<vmem>>) target_semaphore(%dma_start3A_1132 : memref<!tpu.dma_semaphore, #tpu.memory_space<semaphore_mem>>)
    %dma_wait3A_1141 = arith.constant 2 : i32
    %dma_wait3A_1142 = arith.constant 2 : i32
    %dma_wait3A_1143 = arith.constant 0 : i32
    %dma_wait3A_1144 = arith.constant 0 : i32
    %dma_wait3A_1145 = tpu.memref_slice %arg4[%dma_wait3A_1141, %dma_wait3A_1143, %dma_wait3A_1144] : memref<4x224x128xf32, #tpu.memory_space<vmem>> -> memref<1x224x128xf32, #tpu.memory_space<vmem>>
    %dma_wait3A_1146 = tpu.memref_squeeze %dma_wait3A_1145 : memref<1x224x128xf32, #tpu.memory_space<vmem>> -> memref<224x128xf32, #tpu.memory_space<vmem>>
    %dma_wait3A_1147 = arith.constant 0 : i32
    %dma_wait3A_1148 = arith.constant 0 : i32
    %dma_wait3A_1149 = tpu.memref_slice %arg2[%select_n3A_776, %select_n3A_792, %dma_wait3A_1147, %dma_wait3A_1148] : memref<3x224x224x128xf32, #tpu.memory_space<hbm>> -> memref<1x1x224x128xf32, #tpu.memory_space<hbm>>
    %dma_wait3A_1150 = tpu.memref_squeeze %dma_wait3A_1149 : memref<1x1x224x128xf32, #tpu.memory_space<hbm>> -> memref<224x128xf32, #tpu.memory_space<hbm>>
    %dma_wait3A_1151 = tpu.memref_slice %arg5[%dma_wait3A_1142] : memref<4x!tpu.dma_semaphore, #tpu.memory_space<semaphore_mem>> -> memref<1x!tpu.dma_semaphore, #tpu.memory_space<semaphore_mem>>
    %dma_wait3A_1152 = tpu.memref_squeeze %dma_wait3A_1151 : memref<1x!tpu.dma_semaphore, #tpu.memory_space<semaphore_mem>> -> memref<!tpu.dma_semaphore, #tpu.memory_space<semaphore_mem>>
    %dma_wait3A_1153 = arith.constant 0 : i32
    %dma_wait3A_1154 = arith.constant 0 : i32
    %dma_wait3A_1155 = tpu.memref_slice %arg4[%dma_wait3A_1141, %dma_wait3A_1153, %dma_wait3A_1154] : memref<4x224x128xf32, #tpu.memory_space<vmem>> -> memref<1x224x128xf32, #tpu.memory_space<vmem>>
    %dma_wait3A_1156 = tpu.memref_squeeze %dma_wait3A_1155 : memref<1x224x128xf32, #tpu.memory_space<vmem>> -> memref<224x128xf32, #tpu.memory_space<vmem>>
    %dma_wait3A_1157 = arith.constant 0 : i32
    %dma_wait3A_1158 = arith.constant 0 : i32
    %dma_wait3A_1159 = tpu.memref_slice %arg2[%select_n3A_776, %select_n3A_792, %dma_wait3A_1157, %dma_wait3A_1158] : memref<3x224x224x128xf32, #tpu.memory_space<hbm>> -> memref<1x1x224x128xf32, #tpu.memory_space<hbm>>
    %dma_wait3A_1160 = tpu.memref_squeeze %dma_wait3A_1159 : memref<1x1x224x128xf32, #tpu.memory_space<hbm>> -> memref<224x128xf32, #tpu.memory_space<hbm>>
    tpu.wait_dma2 semaphore(%dma_wait3A_1152 : memref<!tpu.dma_semaphore, #tpu.memory_space<semaphore_mem>>) src(%dma_wait3A_1160 : memref<224x128xf32, #tpu.memory_space<hbm>>) dst(%dma_wait3A_1156 : memref<224x128xf32, #tpu.memory_space<vmem>>)
    %add3A_1161 = arith.constant 6 : i32
    %add3A_1162 = arith.addi %mul3A_2, %add3A_1161 : i32
    %jit3A_1163 = arith.constant 224 : i32
    %div3A_1164 = arith.divsi %add3A_1162, %jit3A_1163 : i32
    %sign3A_1165 = arith.constant 0 : i32
    %sign3A_1166 = arith.cmpi sgt, %add3A_1162, %sign3A_1165 : i32
    %sign3A_1167 = arith.extui %sign3A_1166 : i1 to i32
    %sign3A_1168 = arith.constant 0 : i32
    %sign3A_1169 = arith.cmpi slt, %add3A_1162, %sign3A_1168 : i32
    %sign3A_1170 = arith.extui %sign3A_1169 : i1 to i32
    %sign3A_1171 = arith.subi %sign3A_1167, %sign3A_1170 : i32
    %sign3A_1172 = arith.constant 0 : i32
    %sign3A_1173 = arith.cmpi sgt, %jit3A_1163, %sign3A_1172 : i32
    %sign3A_1174 = arith.extui %sign3A_1173 : i1 to i32
    %sign3A_1175 = arith.constant 0 : i32
    %sign3A_1176 = arith.cmpi slt, %jit3A_1163, %sign3A_1175 : i32
    %sign3A_1177 = arith.extui %sign3A_1176 : i1 to i32
    %sign3A_1178 = arith.subi %sign3A_1174, %sign3A_1177 : i32
    %ne3A_1179 = arith.cmpi ne, %sign3A_1171, %sign3A_1178 : i32
    %rem3A_1180 = arith.remsi %add3A_1162, %jit3A_1163 : i32
    %ne3A_1181 = arith.constant 0 : i32
    %ne3A_1182 = arith.cmpi ne, %rem3A_1180, %ne3A_1181 : i32
    %and3A_1183 = arith.andi %ne3A_1179, %ne3A_1182 : i1
    %sub3A_1184 = arith.constant 1 : i32
    %sub3A_1185 = arith.subi %div3A_1164, %sub3A_1184 : i32
    %select_n3A_1186 = arith.select %and3A_1183, %sub3A_1185, %div3A_1164 : i32
    %jit3A_1187 = arith.constant 224 : i32
    %eq3A_1188 = arith.constant 0 : i32
    %eq3A_1189 = arith.cmpi eq, %jit3A_1187, %eq3A_1188 : i32
    %jit3A_1190 = arith.constant 1 : i32
    %select_n3A_1191 = arith.select %eq3A_1189, %jit3A_1190, %jit3A_1187 : i32
    %rem3A_1192 = arith.remsi %add3A_1162, %select_n3A_1191 : i32
    %ne3A_1193 = arith.constant 0 : i32
    %ne3A_1194 = arith.cmpi ne, %rem3A_1192, %ne3A_1193 : i32
    %lt3A_1195 = arith.constant 0 : i32
    %lt3A_1196 = arith.cmpi slt, %rem3A_1192, %lt3A_1195 : i32
    %lt3A_1197 = arith.constant 0 : i32
    %lt3A_1198 = arith.cmpi slt, %select_n3A_1191, %lt3A_1197 : i32
    %ne3A_1199 = arith.xori %lt3A_1196, %lt3A_1198 : i1
    %and3A_1200 = arith.andi %ne3A_1199, %ne3A_1194 : i1
    %add3A_1201 = arith.addi %rem3A_1192, %select_n3A_1191 : i32
    %select_n3A_1202 = arith.select %and3A_1200, %add3A_1201, %rem3A_1192 : i32
    %dma_start3A_1203 = arith.constant 2 : i32
    %dma_start3A_1204 = arith.constant 2 : i32
    %dma_start3A_1205 = arith.constant 0 : i32
    %dma_start3A_1206 = arith.constant 0 : i32
    %dma_start3A_1207 = tpu.memref_slice %arg4[%dma_start3A_1203, %dma_start3A_1205, %dma_start3A_1206] : memref<4x224x128xf32, #tpu.memory_space<vmem>> -> memref<1x224x128xf32, #tpu.memory_space<vmem>>
    %dma_start3A_1208 = tpu.memref_squeeze %dma_start3A_1207 : memref<1x224x128xf32, #tpu.memory_space<vmem>> -> memref<224x128xf32, #tpu.memory_space<vmem>>
    %dma_start3A_1209 = arith.constant 0 : i32
    %dma_start3A_1210 = arith.constant 0 : i32
    %dma_start3A_1211 = tpu.memref_slice %arg3[%select_n3A_1186, %select_n3A_1202, %dma_start3A_1209, %dma_start3A_1210] : memref<3x224x224x128xf32, #tpu.memory_space<hbm>> -> memref<1x1x224x128xf32, #tpu.memory_space<hbm>>
    %dma_start3A_1212 = tpu.memref_squeeze %dma_start3A_1211 : memref<1x1x224x128xf32, #tpu.memory_space<hbm>> -> memref<224x128xf32, #tpu.memory_space<hbm>>
    %dma_start3A_1213 = tpu.memref_slice %arg6[%dma_start3A_1204] : memref<4x!tpu.dma_semaphore, #tpu.memory_space<semaphore_mem>> -> memref<1x!tpu.dma_semaphore, #tpu.memory_space<semaphore_mem>>
    %dma_start3A_1214 = tpu.memref_squeeze %dma_start3A_1213 : memref<1x!tpu.dma_semaphore, #tpu.memory_space<semaphore_mem>> -> memref<!tpu.dma_semaphore, #tpu.memory_space<semaphore_mem>>
    %dma_start3A_1215 = arith.constant 0 : i32
    %dma_start3A_1216 = arith.constant 0 : i32
    %dma_start3A_1217 = tpu.memref_slice %arg3[%select_n3A_1186, %select_n3A_1202, %dma_start3A_1215, %dma_start3A_1216] : memref<3x224x224x128xf32, #tpu.memory_space<hbm>> -> memref<1x1x224x128xf32, #tpu.memory_space<hbm>>
    %dma_start3A_1218 = tpu.memref_squeeze %dma_start3A_1217 : memref<1x1x224x128xf32, #tpu.memory_space<hbm>> -> memref<224x128xf32, #tpu.memory_space<hbm>>
    %dma_start3A_1219 = arith.constant 0 : i32
    %dma_start3A_1220 = arith.constant 0 : i32
    %dma_start3A_1221 = tpu.memref_slice %arg4[%dma_start3A_1203, %dma_start3A_1219, %dma_start3A_1220] : memref<4x224x128xf32, #tpu.memory_space<vmem>> -> memref<1x224x128xf32, #tpu.memory_space<vmem>>
    %dma_start3A_1222 = tpu.memref_squeeze %dma_start3A_1221 : memref<1x224x128xf32, #tpu.memory_space<vmem>> -> memref<224x128xf32, #tpu.memory_space<vmem>>
    tpu.enqueue_dma source(%dma_start3A_1222 : memref<224x128xf32, #tpu.memory_space<vmem>>) target(%dma_start3A_1218 : memref<224x128xf32, #tpu.memory_space<hbm>>) target_semaphore(%dma_start3A_1214 : memref<!tpu.dma_semaphore, #tpu.memory_space<semaphore_mem>>)
    %dma_wait3A_1223 = arith.constant 1 : i32
    %dma_wait3A_1224 = arith.constant 1 : i32
    %dma_wait3A_1225 = arith.constant 0 : i32
    %dma_wait3A_1226 = arith.constant 0 : i32
    %dma_wait3A_1227 = tpu.memref_slice %arg4[%dma_wait3A_1223, %dma_wait3A_1225, %dma_wait3A_1226] : memref<4x224x128xf32, #tpu.memory_space<vmem>> -> memref<1x224x128xf32, #tpu.memory_space<vmem>>
    %dma_wait3A_1228 = tpu.memref_squeeze %dma_wait3A_1227 : memref<1x224x128xf32, #tpu.memory_space<vmem>> -> memref<224x128xf32, #tpu.memory_space<vmem>>
    %dma_wait3A_1229 = arith.constant 0 : i32
    %dma_wait3A_1230 = arith.constant 0 : i32
    %dma_wait3A_1231 = tpu.memref_slice %arg3[%select_n3A_1022, %select_n3A_1038, %dma_wait3A_1229, %dma_wait3A_1230] : memref<3x224x224x128xf32, #tpu.memory_space<hbm>> -> memref<1x1x224x128xf32, #tpu.memory_space<hbm>>
    %dma_wait3A_1232 = tpu.memref_squeeze %dma_wait3A_1231 : memref<1x1x224x128xf32, #tpu.memory_space<hbm>> -> memref<224x128xf32, #tpu.memory_space<hbm>>
    %dma_wait3A_1233 = tpu.memref_slice %arg6[%dma_wait3A_1224] : memref<4x!tpu.dma_semaphore, #tpu.memory_space<semaphore_mem>> -> memref<1x!tpu.dma_semaphore, #tpu.memory_space<semaphore_mem>>
    %dma_wait3A_1234 = tpu.memref_squeeze %dma_wait3A_1233 : memref<1x!tpu.dma_semaphore, #tpu.memory_space<semaphore_mem>> -> memref<!tpu.dma_semaphore, #tpu.memory_space<semaphore_mem>>
    %dma_wait3A_1235 = arith.constant 0 : i32
    %dma_wait3A_1236 = arith.constant 0 : i32
    %dma_wait3A_1237 = tpu.memref_slice %arg3[%select_n3A_1022, %select_n3A_1038, %dma_wait3A_1235, %dma_wait3A_1236] : memref<3x224x224x128xf32, #tpu.memory_space<hbm>> -> memref<1x1x224x128xf32, #tpu.memory_space<hbm>>
    %dma_wait3A_1238 = tpu.memref_squeeze %dma_wait3A_1237 : memref<1x1x224x128xf32, #tpu.memory_space<hbm>> -> memref<224x128xf32, #tpu.memory_space<hbm>>
    %dma_wait3A_1239 = arith.constant 0 : i32
    %dma_wait3A_1240 = arith.constant 0 : i32
    %dma_wait3A_1241 = tpu.memref_slice %arg4[%dma_wait3A_1223, %dma_wait3A_1239, %dma_wait3A_1240] : memref<4x224x128xf32, #tpu.memory_space<vmem>> -> memref<1x224x128xf32, #tpu.memory_space<vmem>>
    %dma_wait3A_1242 = tpu.memref_squeeze %dma_wait3A_1241 : memref<1x224x128xf32, #tpu.memory_space<vmem>> -> memref<224x128xf32, #tpu.memory_space<vmem>>
    tpu.wait_dma2 semaphore(%dma_wait3A_1234 : memref<!tpu.dma_semaphore, #tpu.memory_space<semaphore_mem>>) src(%dma_wait3A_1242 : memref<224x128xf32, #tpu.memory_space<vmem>>) dst(%dma_wait3A_1238 : memref<224x128xf32, #tpu.memory_space<hbm>>)
    %add3A_1243 = arith.constant 9 : i32
    %add3A_1244 = arith.addi %mul3A_2, %add3A_1243 : i32
    %jit3A_1245 = arith.constant 224 : i32
    %div3A_1246 = arith.divsi %add3A_1244, %jit3A_1245 : i32
    %sign3A_1247 = arith.constant 0 : i32
    %sign3A_1248 = arith.cmpi sgt, %add3A_1244, %sign3A_1247 : i32
    %sign3A_1249 = arith.extui %sign3A_1248 : i1 to i32
    %sign3A_1250 = arith.constant 0 : i32
    %sign3A_1251 = arith.cmpi slt, %add3A_1244, %sign3A_1250 : i32
    %sign3A_1252 = arith.extui %sign3A_1251 : i1 to i32
    %sign3A_1253 = arith.subi %sign3A_1249, %sign3A_1252 : i32
    %sign3A_1254 = arith.constant 0 : i32
    %sign3A_1255 = arith.cmpi sgt, %jit3A_1245, %sign3A_1254 : i32
    %sign3A_1256 = arith.extui %sign3A_1255 : i1 to i32
    %sign3A_1257 = arith.constant 0 : i32
    %sign3A_1258 = arith.cmpi slt, %jit3A_1245, %sign3A_1257 : i32
    %sign3A_1259 = arith.extui %sign3A_1258 : i1 to i32
    %sign3A_1260 = arith.subi %sign3A_1256, %sign3A_1259 : i32
    %ne3A_1261 = arith.cmpi ne, %sign3A_1253, %sign3A_1260 : i32
    %rem3A_1262 = arith.remsi %add3A_1244, %jit3A_1245 : i32
    %ne3A_1263 = arith.constant 0 : i32
    %ne3A_1264 = arith.cmpi ne, %rem3A_1262, %ne3A_1263 : i32
    %and3A_1265 = arith.andi %ne3A_1261, %ne3A_1264 : i1
    %sub3A_1266 = arith.constant 1 : i32
    %sub3A_1267 = arith.subi %div3A_1246, %sub3A_1266 : i32
    %select_n3A_1268 = arith.select %and3A_1265, %sub3A_1267, %div3A_1246 : i32
    %jit3A_1269 = arith.constant 224 : i32
    %eq3A_1270 = arith.constant 0 : i32
    %eq3A_1271 = arith.cmpi eq, %jit3A_1269, %eq3A_1270 : i32
    %jit3A_1272 = arith.constant 1 : i32
    %select_n3A_1273 = arith.select %eq3A_1271, %jit3A_1272, %jit3A_1269 : i32
    %rem3A_1274 = arith.remsi %add3A_1244, %select_n3A_1273 : i32
    %ne3A_1275 = arith.constant 0 : i32
    %ne3A_1276 = arith.cmpi ne, %rem3A_1274, %ne3A_1275 : i32
    %lt3A_1277 = arith.constant 0 : i32
    %lt3A_1278 = arith.cmpi slt, %rem3A_1274, %lt3A_1277 : i32
    %lt3A_1279 = arith.constant 0 : i32
    %lt3A_1280 = arith.cmpi slt, %select_n3A_1273, %lt3A_1279 : i32
    %ne3A_1281 = arith.xori %lt3A_1278, %lt3A_1280 : i1
    %and3A_1282 = arith.andi %ne3A_1281, %ne3A_1276 : i1
    %add3A_1283 = arith.addi %rem3A_1274, %select_n3A_1273 : i32
    %select_n3A_1284 = arith.select %and3A_1282, %add3A_1283, %rem3A_1274 : i32
    %dma_start3A_1285 = arith.constant 1 : i32
    %dma_start3A_1286 = arith.constant 1 : i32
    %dma_start3A_1287 = arith.constant 0 : i32
    %dma_start3A_1288 = arith.constant 0 : i32
    %dma_start3A_1289 = tpu.memref_slice %arg4[%dma_start3A_1285, %dma_start3A_1287, %dma_start3A_1288] : memref<4x224x128xf32, #tpu.memory_space<vmem>> -> memref<1x224x128xf32, #tpu.memory_space<vmem>>
    %dma_start3A_1290 = tpu.memref_squeeze %dma_start3A_1289 : memref<1x224x128xf32, #tpu.memory_space<vmem>> -> memref<224x128xf32, #tpu.memory_space<vmem>>
    %dma_start3A_1291 = arith.constant 0 : i32
    %dma_start3A_1292 = arith.constant 0 : i32
    %dma_start3A_1293 = tpu.memref_slice %arg2[%select_n3A_1268, %select_n3A_1284, %dma_start3A_1291, %dma_start3A_1292] : memref<3x224x224x128xf32, #tpu.memory_space<hbm>> -> memref<1x1x224x128xf32, #tpu.memory_space<hbm>>
    %dma_start3A_1294 = tpu.memref_squeeze %dma_start3A_1293 : memref<1x1x224x128xf32, #tpu.memory_space<hbm>> -> memref<224x128xf32, #tpu.memory_space<hbm>>
    %dma_start3A_1295 = tpu.memref_slice %arg5[%dma_start3A_1286] : memref<4x!tpu.dma_semaphore, #tpu.memory_space<semaphore_mem>> -> memref<1x!tpu.dma_semaphore, #tpu.memory_space<semaphore_mem>>
    %dma_start3A_1296 = tpu.memref_squeeze %dma_start3A_1295 : memref<1x!tpu.dma_semaphore, #tpu.memory_space<semaphore_mem>> -> memref<!tpu.dma_semaphore, #tpu.memory_space<semaphore_mem>>
    %dma_start3A_1297 = arith.constant 0 : i32
    %dma_start3A_1298 = arith.constant 0 : i32
    %dma_start3A_1299 = tpu.memref_slice %arg4[%dma_start3A_1285, %dma_start3A_1297, %dma_start3A_1298] : memref<4x224x128xf32, #tpu.memory_space<vmem>> -> memref<1x224x128xf32, #tpu.memory_space<vmem>>
    %dma_start3A_1300 = tpu.memref_squeeze %dma_start3A_1299 : memref<1x224x128xf32, #tpu.memory_space<vmem>> -> memref<224x128xf32, #tpu.memory_space<vmem>>
    %dma_start3A_1301 = arith.constant 0 : i32
    %dma_start3A_1302 = arith.constant 0 : i32
    %dma_start3A_1303 = tpu.memref_slice %arg2[%select_n3A_1268, %select_n3A_1284, %dma_start3A_1301, %dma_start3A_1302] : memref<3x224x224x128xf32, #tpu.memory_space<hbm>> -> memref<1x1x224x128xf32, #tpu.memory_space<hbm>>
    %dma_start3A_1304 = tpu.memref_squeeze %dma_start3A_1303 : memref<1x1x224x128xf32, #tpu.memory_space<hbm>> -> memref<224x128xf32, #tpu.memory_space<hbm>>
    tpu.enqueue_dma source(%dma_start3A_1304 : memref<224x128xf32, #tpu.memory_space<hbm>>) target(%dma_start3A_1300 : memref<224x128xf32, #tpu.memory_space<vmem>>) target_semaphore(%dma_start3A_1296 : memref<!tpu.dma_semaphore, #tpu.memory_space<semaphore_mem>>)
    %dma_wait3A_1305 = arith.constant 3 : i32
    %dma_wait3A_1306 = arith.constant 3 : i32
    %dma_wait3A_1307 = arith.constant 0 : i32
    %dma_wait3A_1308 = arith.constant 0 : i32
    %dma_wait3A_1309 = tpu.memref_slice %arg4[%dma_wait3A_1305, %dma_wait3A_1307, %dma_wait3A_1308] : memref<4x224x128xf32, #tpu.memory_space<vmem>> -> memref<1x224x128xf32, #tpu.memory_space<vmem>>
    %dma_wait3A_1310 = tpu.memref_squeeze %dma_wait3A_1309 : memref<1x224x128xf32, #tpu.memory_space<vmem>> -> memref<224x128xf32, #tpu.memory_space<vmem>>
    %dma_wait3A_1311 = arith.constant 0 : i32
    %dma_wait3A_1312 = arith.constant 0 : i32
    %dma_wait3A_1313 = tpu.memref_slice %arg2[%select_n3A_940, %select_n3A_956, %dma_wait3A_1311, %dma_wait3A_1312] : memref<3x224x224x128xf32, #tpu.memory_space<hbm>> -> memref<1x1x224x128xf32, #tpu.memory_space<hbm>>
    %dma_wait3A_1314 = tpu.memref_squeeze %dma_wait3A_1313 : memref<1x1x224x128xf32, #tpu.memory_space<hbm>> -> memref<224x128xf32, #tpu.memory_space<hbm>>
    %dma_wait3A_1315 = tpu.memref_slice %arg5[%dma_wait3A_1306] : memref<4x!tpu.dma_semaphore, #tpu.memory_space<semaphore_mem>> -> memref<1x!tpu.dma_semaphore, #tpu.memory_space<semaphore_mem>>
    %dma_wait3A_1316 = tpu.memref_squeeze %dma_wait3A_1315 : memref<1x!tpu.dma_semaphore, #tpu.memory_space<semaphore_mem>> -> memref<!tpu.dma_semaphore, #tpu.memory_space<semaphore_mem>>
    %dma_wait3A_1317 = arith.constant 0 : i32
    %dma_wait3A_1318 = arith.constant 0 : i32
    %dma_wait3A_1319 = tpu.memref_slice %arg4[%dma_wait3A_1305, %dma_wait3A_1317, %dma_wait3A_1318] : memref<4x224x128xf32, #tpu.memory_space<vmem>> -> memref<1x224x128xf32, #tpu.memory_space<vmem>>
    %dma_wait3A_1320 = tpu.memref_squeeze %dma_wait3A_1319 : memref<1x224x128xf32, #tpu.memory_space<vmem>> -> memref<224x128xf32, #tpu.memory_space<vmem>>
    %dma_wait3A_1321 = arith.constant 0 : i32
    %dma_wait3A_1322 = arith.constant 0 : i32
    %dma_wait3A_1323 = tpu.memref_slice %arg2[%select_n3A_940, %select_n3A_956, %dma_wait3A_1321, %dma_wait3A_1322] : memref<3x224x224x128xf32, #tpu.memory_space<hbm>> -> memref<1x1x224x128xf32, #tpu.memory_space<hbm>>
    %dma_wait3A_1324 = tpu.memref_squeeze %dma_wait3A_1323 : memref<1x1x224x128xf32, #tpu.memory_space<hbm>> -> memref<224x128xf32, #tpu.memory_space<hbm>>
    tpu.wait_dma2 semaphore(%dma_wait3A_1316 : memref<!tpu.dma_semaphore, #tpu.memory_space<semaphore_mem>>) src(%dma_wait3A_1324 : memref<224x128xf32, #tpu.memory_space<hbm>>) dst(%dma_wait3A_1320 : memref<224x128xf32, #tpu.memory_space<vmem>>)
    %add3A_1325 = arith.constant 7 : i32
    %add3A_1326 = arith.addi %mul3A_2, %add3A_1325 : i32
    %jit3A_1327 = arith.constant 224 : i32
    %div3A_1328 = arith.divsi %add3A_1326, %jit3A_1327 : i32
    %sign3A_1329 = arith.constant 0 : i32
    %sign3A_1330 = arith.cmpi sgt, %add3A_1326, %sign3A_1329 : i32
    %sign3A_1331 = arith.extui %sign3A_1330 : i1 to i32
    %sign3A_1332 = arith.constant 0 : i32
    %sign3A_1333 = arith.cmpi slt, %add3A_1326, %sign3A_1332 : i32
    %sign3A_1334 = arith.extui %sign3A_1333 : i1 to i32
    %sign3A_1335 = arith.subi %sign3A_1331, %sign3A_1334 : i32
    %sign3A_1336 = arith.constant 0 : i32
    %sign3A_1337 = arith.cmpi sgt, %jit3A_1327, %sign3A_1336 : i32
    %sign3A_1338 = arith.extui %sign3A_1337 : i1 to i32
    %sign3A_1339 = arith.constant 0 : i32
    %sign3A_1340 = arith.cmpi slt, %jit3A_1327, %sign3A_1339 : i32
    %sign3A_1341 = arith.extui %sign3A_1340 : i1 to i32
    %sign3A_1342 = arith.subi %sign3A_1338, %sign3A_1341 : i32
    %ne3A_1343 = arith.cmpi ne, %sign3A_1335, %sign3A_1342 : i32
    %rem3A_1344 = arith.remsi %add3A_1326, %jit3A_1327 : i32
    %ne3A_1345 = arith.constant 0 : i32
    %ne3A_1346 = arith.cmpi ne, %rem3A_1344, %ne3A_1345 : i32
    %and3A_1347 = arith.andi %ne3A_1343, %ne3A_1346 : i1
    %sub3A_1348 = arith.constant 1 : i32
    %sub3A_1349 = arith.subi %div3A_1328, %sub3A_1348 : i32
    %select_n3A_1350 = arith.select %and3A_1347, %sub3A_1349, %div3A_1328 : i32
    %jit3A_1351 = arith.constant 224 : i32
    %eq3A_1352 = arith.constant 0 : i32
    %eq3A_1353 = arith.cmpi eq, %jit3A_1351, %eq3A_1352 : i32
    %jit3A_1354 = arith.constant 1 : i32
    %select_n3A_1355 = arith.select %eq3A_1353, %jit3A_1354, %jit3A_1351 : i32
    %rem3A_1356 = arith.remsi %add3A_1326, %select_n3A_1355 : i32
    %ne3A_1357 = arith.constant 0 : i32
    %ne3A_1358 = arith.cmpi ne, %rem3A_1356, %ne3A_1357 : i32
    %lt3A_1359 = arith.constant 0 : i32
    %lt3A_1360 = arith.cmpi slt, %rem3A_1356, %lt3A_1359 : i32
    %lt3A_1361 = arith.constant 0 : i32
    %lt3A_1362 = arith.cmpi slt, %select_n3A_1355, %lt3A_1361 : i32
    %ne3A_1363 = arith.xori %lt3A_1360, %lt3A_1362 : i1
    %and3A_1364 = arith.andi %ne3A_1363, %ne3A_1358 : i1
    %add3A_1365 = arith.addi %rem3A_1356, %select_n3A_1355 : i32
    %select_n3A_1366 = arith.select %and3A_1364, %add3A_1365, %rem3A_1356 : i32
    %dma_start3A_1367 = arith.constant 3 : i32
    %dma_start3A_1368 = arith.constant 3 : i32
    %dma_start3A_1369 = arith.constant 0 : i32
    %dma_start3A_1370 = arith.constant 0 : i32
    %dma_start3A_1371 = tpu.memref_slice %arg4[%dma_start3A_1367, %dma_start3A_1369, %dma_start3A_1370] : memref<4x224x128xf32, #tpu.memory_space<vmem>> -> memref<1x224x128xf32, #tpu.memory_space<vmem>>
    %dma_start3A_1372 = tpu.memref_squeeze %dma_start3A_1371 : memref<1x224x128xf32, #tpu.memory_space<vmem>> -> memref<224x128xf32, #tpu.memory_space<vmem>>
    %dma_start3A_1373 = arith.constant 0 : i32
    %dma_start3A_1374 = arith.constant 0 : i32
    %dma_start3A_1375 = tpu.memref_slice %arg3[%select_n3A_1350, %select_n3A_1366, %dma_start3A_1373, %dma_start3A_1374] : memref<3x224x224x128xf32, #tpu.memory_space<hbm>> -> memref<1x1x224x128xf32, #tpu.memory_space<hbm>>
    %dma_start3A_1376 = tpu.memref_squeeze %dma_start3A_1375 : memref<1x1x224x128xf32, #tpu.memory_space<hbm>> -> memref<224x128xf32, #tpu.memory_space<hbm>>
    %dma_start3A_1377 = tpu.memref_slice %arg6[%dma_start3A_1368] : memref<4x!tpu.dma_semaphore, #tpu.memory_space<semaphore_mem>> -> memref<1x!tpu.dma_semaphore, #tpu.memory_space<semaphore_mem>>
    %dma_start3A_1378 = tpu.memref_squeeze %dma_start3A_1377 : memref<1x!tpu.dma_semaphore, #tpu.memory_space<semaphore_mem>> -> memref<!tpu.dma_semaphore, #tpu.memory_space<semaphore_mem>>
    %dma_start3A_1379 = arith.constant 0 : i32
    %dma_start3A_1380 = arith.constant 0 : i32
    %dma_start3A_1381 = tpu.memref_slice %arg3[%select_n3A_1350, %select_n3A_1366, %dma_start3A_1379, %dma_start3A_1380] : memref<3x224x224x128xf32, #tpu.memory_space<hbm>> -> memref<1x1x224x128xf32, #tpu.memory_space<hbm>>
    %dma_start3A_1382 = tpu.memref_squeeze %dma_start3A_1381 : memref<1x1x224x128xf32, #tpu.memory_space<hbm>> -> memref<224x128xf32, #tpu.memory_space<hbm>>
    %dma_start3A_1383 = arith.constant 0 : i32
    %dma_start3A_1384 = arith.constant 0 : i32
    %dma_start3A_1385 = tpu.memref_slice %arg4[%dma_start3A_1367, %dma_start3A_1383, %dma_start3A_1384] : memref<4x224x128xf32, #tpu.memory_space<vmem>> -> memref<1x224x128xf32, #tpu.memory_space<vmem>>
    %dma_start3A_1386 = tpu.memref_squeeze %dma_start3A_1385 : memref<1x224x128xf32, #tpu.memory_space<vmem>> -> memref<224x128xf32, #tpu.memory_space<vmem>>
    tpu.enqueue_dma source(%dma_start3A_1386 : memref<224x128xf32, #tpu.memory_space<vmem>>) target(%dma_start3A_1382 : memref<224x128xf32, #tpu.memory_space<hbm>>) target_semaphore(%dma_start3A_1378 : memref<!tpu.dma_semaphore, #tpu.memory_space<semaphore_mem>>)
    %dma_wait3A_1387 = arith.constant 2 : i32
    %dma_wait3A_1388 = arith.constant 2 : i32
    %dma_wait3A_1389 = arith.constant 0 : i32
    %dma_wait3A_1390 = arith.constant 0 : i32
    %dma_wait3A_1391 = tpu.memref_slice %arg4[%dma_wait3A_1387, %dma_wait3A_1389, %dma_wait3A_1390] : memref<4x224x128xf32, #tpu.memory_space<vmem>> -> memref<1x224x128xf32, #tpu.memory_space<vmem>>
    %dma_wait3A_1392 = tpu.memref_squeeze %dma_wait3A_1391 : memref<1x224x128xf32, #tpu.memory_space<vmem>> -> memref<224x128xf32, #tpu.memory_space<vmem>>
    %dma_wait3A_1393 = arith.constant 0 : i32
    %dma_wait3A_1394 = arith.constant 0 : i32
    %dma_wait3A_1395 = tpu.memref_slice %arg3[%select_n3A_1186, %select_n3A_1202, %dma_wait3A_1393, %dma_wait3A_1394] : memref<3x224x224x128xf32, #tpu.memory_space<hbm>> -> memref<1x1x224x128xf32, #tpu.memory_space<hbm>>
    %dma_wait3A_1396 = tpu.memref_squeeze %dma_wait3A_1395 : memref<1x1x224x128xf32, #tpu.memory_space<hbm>> -> memref<224x128xf32, #tpu.memory_space<hbm>>
    %dma_wait3A_1397 = tpu.memref_slice %arg6[%dma_wait3A_1388] : memref<4x!tpu.dma_semaphore, #tpu.memory_space<semaphore_mem>> -> memref<1x!tpu.dma_semaphore, #tpu.memory_space<semaphore_mem>>
    %dma_wait3A_1398 = tpu.memref_squeeze %dma_wait3A_1397 : memref<1x!tpu.dma_semaphore, #tpu.memory_space<semaphore_mem>> -> memref<!tpu.dma_semaphore, #tpu.memory_space<semaphore_mem>>
    %dma_wait3A_1399 = arith.constant 0 : i32
    %dma_wait3A_1400 = arith.constant 0 : i32
    %dma_wait3A_1401 = tpu.memref_slice %arg3[%select_n3A_1186, %select_n3A_1202, %dma_wait3A_1399, %dma_wait3A_1400] : memref<3x224x224x128xf32, #tpu.memory_space<hbm>> -> memref<1x1x224x128xf32, #tpu.memory_space<hbm>>
    %dma_wait3A_1402 = tpu.memref_squeeze %dma_wait3A_1401 : memref<1x1x224x128xf32, #tpu.memory_space<hbm>> -> memref<224x128xf32, #tpu.memory_space<hbm>>
    %dma_wait3A_1403 = arith.constant 0 : i32
    %dma_wait3A_1404 = arith.constant 0 : i32
    %dma_wait3A_1405 = tpu.memref_slice %arg4[%dma_wait3A_1387, %dma_wait3A_1403, %dma_wait3A_1404] : memref<4x224x128xf32, #tpu.memory_space<vmem>> -> memref<1x224x128xf32, #tpu.memory_space<vmem>>
    %dma_wait3A_1406 = tpu.memref_squeeze %dma_wait3A_1405 : memref<1x224x128xf32, #tpu.memory_space<vmem>> -> memref<224x128xf32, #tpu.memory_space<vmem>>
    tpu.wait_dma2 semaphore(%dma_wait3A_1398 : memref<!tpu.dma_semaphore, #tpu.memory_space<semaphore_mem>>) src(%dma_wait3A_1406 : memref<224x128xf32, #tpu.memory_space<vmem>>) dst(%dma_wait3A_1402 : memref<224x128xf32, #tpu.memory_space<hbm>>)
    %add3A_1407 = arith.constant 10 : i32
    %add3A_1408 = arith.addi %mul3A_2, %add3A_1407 : i32
    %jit3A_1409 = arith.constant 224 : i32
    %div3A_1410 = arith.divsi %add3A_1408, %jit3A_1409 : i32
    %sign3A_1411 = arith.constant 0 : i32
    %sign3A_1412 = arith.cmpi sgt, %add3A_1408, %sign3A_1411 : i32
    %sign3A_1413 = arith.extui %sign3A_1412 : i1 to i32
    %sign3A_1414 = arith.constant 0 : i32
    %sign3A_1415 = arith.cmpi slt, %add3A_1408, %sign3A_1414 : i32
    %sign3A_1416 = arith.extui %sign3A_1415 : i1 to i32
    %sign3A_1417 = arith.subi %sign3A_1413, %sign3A_1416 : i32
    %sign3A_1418 = arith.constant 0 : i32
    %sign3A_1419 = arith.cmpi sgt, %jit3A_1409, %sign3A_1418 : i32
    %sign3A_1420 = arith.extui %sign3A_1419 : i1 to i32
    %sign3A_1421 = arith.constant 0 : i32
    %sign3A_1422 = arith.cmpi slt, %jit3A_1409, %sign3A_1421 : i32
    %sign3A_1423 = arith.extui %sign3A_1422 : i1 to i32
    %sign3A_1424 = arith.subi %sign3A_1420, %sign3A_1423 : i32
    %ne3A_1425 = arith.cmpi ne, %sign3A_1417, %sign3A_1424 : i32
    %rem3A_1426 = arith.remsi %add3A_1408, %jit3A_1409 : i32
    %ne3A_1427 = arith.constant 0 : i32
    %ne3A_1428 = arith.cmpi ne, %rem3A_1426, %ne3A_1427 : i32
    %and3A_1429 = arith.andi %ne3A_1425, %ne3A_1428 : i1
    %sub3A_1430 = arith.constant 1 : i32
    %sub3A_1431 = arith.subi %div3A_1410, %sub3A_1430 : i32
    %select_n3A_1432 = arith.select %and3A_1429, %sub3A_1431, %div3A_1410 : i32
    %jit3A_1433 = arith.constant 224 : i32
    %eq3A_1434 = arith.constant 0 : i32
    %eq3A_1435 = arith.cmpi eq, %jit3A_1433, %eq3A_1434 : i32
    %jit3A_1436 = arith.constant 1 : i32
    %select_n3A_1437 = arith.select %eq3A_1435, %jit3A_1436, %jit3A_1433 : i32
    %rem3A_1438 = arith.remsi %add3A_1408, %select_n3A_1437 : i32
    %ne3A_1439 = arith.constant 0 : i32
    %ne3A_1440 = arith.cmpi ne, %rem3A_1438, %ne3A_1439 : i32
    %lt3A_1441 = arith.constant 0 : i32
    %lt3A_1442 = arith.cmpi slt, %rem3A_1438, %lt3A_1441 : i32
    %lt3A_1443 = arith.constant 0 : i32
    %lt3A_1444 = arith.cmpi slt, %select_n3A_1437, %lt3A_1443 : i32
    %ne3A_1445 = arith.xori %lt3A_1442, %lt3A_1444 : i1
    %and3A_1446 = arith.andi %ne3A_1445, %ne3A_1440 : i1
    %add3A_1447 = arith.addi %rem3A_1438, %select_n3A_1437 : i32
    %select_n3A_1448 = arith.select %and3A_1446, %add3A_1447, %rem3A_1438 : i32
    %dma_start3A_1449 = arith.constant 2 : i32
    %dma_start3A_1450 = arith.constant 2 : i32
    %dma_start3A_1451 = arith.constant 0 : i32
    %dma_start3A_1452 = arith.constant 0 : i32
    %dma_start3A_1453 = tpu.memref_slice %arg4[%dma_start3A_1449, %dma_start3A_1451, %dma_start3A_1452] : memref<4x224x128xf32, #tpu.memory_space<vmem>> -> memref<1x224x128xf32, #tpu.memory_space<vmem>>
    %dma_start3A_1454 = tpu.memref_squeeze %dma_start3A_1453 : memref<1x224x128xf32, #tpu.memory_space<vmem>> -> memref<224x128xf32, #tpu.memory_space<vmem>>
    %dma_start3A_1455 = arith.constant 0 : i32
    %dma_start3A_1456 = arith.constant 0 : i32
    %dma_start3A_1457 = tpu.memref_slice %arg2[%select_n3A_1432, %select_n3A_1448, %dma_start3A_1455, %dma_start3A_1456] : memref<3x224x224x128xf32, #tpu.memory_space<hbm>> -> memref<1x1x224x128xf32, #tpu.memory_space<hbm>>
    %dma_start3A_1458 = tpu.memref_squeeze %dma_start3A_1457 : memref<1x1x224x128xf32, #tpu.memory_space<hbm>> -> memref<224x128xf32, #tpu.memory_space<hbm>>
    %dma_start3A_1459 = tpu.memref_slice %arg5[%dma_start3A_1450] : memref<4x!tpu.dma_semaphore, #tpu.memory_space<semaphore_mem>> -> memref<1x!tpu.dma_semaphore, #tpu.memory_space<semaphore_mem>>
    %dma_start3A_1460 = tpu.memref_squeeze %dma_start3A_1459 : memref<1x!tpu.dma_semaphore, #tpu.memory_space<semaphore_mem>> -> memref<!tpu.dma_semaphore, #tpu.memory_space<semaphore_mem>>
    %dma_start3A_1461 = arith.constant 0 : i32
    %dma_start3A_1462 = arith.constant 0 : i32
    %dma_start3A_1463 = tpu.memref_slice %arg4[%dma_start3A_1449, %dma_start3A_1461, %dma_start3A_1462] : memref<4x224x128xf32, #tpu.memory_space<vmem>> -> memref<1x224x128xf32, #tpu.memory_space<vmem>>
    %dma_start3A_1464 = tpu.memref_squeeze %dma_start3A_1463 : memref<1x224x128xf32, #tpu.memory_space<vmem>> -> memref<224x128xf32, #tpu.memory_space<vmem>>
    %dma_start3A_1465 = arith.constant 0 : i32
    %dma_start3A_1466 = arith.constant 0 : i32
    %dma_start3A_1467 = tpu.memref_slice %arg2[%select_n3A_1432, %select_n3A_1448, %dma_start3A_1465, %dma_start3A_1466] : memref<3x224x224x128xf32, #tpu.memory_space<hbm>> -> memref<1x1x224x128xf32, #tpu.memory_space<hbm>>
    %dma_start3A_1468 = tpu.memref_squeeze %dma_start3A_1467 : memref<1x1x224x128xf32, #tpu.memory_space<hbm>> -> memref<224x128xf32, #tpu.memory_space<hbm>>
    tpu.enqueue_dma source(%dma_start3A_1468 : memref<224x128xf32, #tpu.memory_space<hbm>>) target(%dma_start3A_1464 : memref<224x128xf32, #tpu.memory_space<vmem>>) target_semaphore(%dma_start3A_1460 : memref<!tpu.dma_semaphore, #tpu.memory_space<semaphore_mem>>)
    %dma_wait3A_1469 = arith.constant 0 : i32
    %dma_wait3A_1470 = arith.constant 0 : i32
    %dma_wait3A_1471 = arith.constant 0 : i32
    %dma_wait3A_1472 = arith.constant 0 : i32
    %dma_wait3A_1473 = tpu.memref_slice %arg4[%dma_wait3A_1469, %dma_wait3A_1471, %dma_wait3A_1472] : memref<4x224x128xf32, #tpu.memory_space<vmem>> -> memref<1x224x128xf32, #tpu.memory_space<vmem>>
    %dma_wait3A_1474 = tpu.memref_squeeze %dma_wait3A_1473 : memref<1x224x128xf32, #tpu.memory_space<vmem>> -> memref<224x128xf32, #tpu.memory_space<vmem>>
    %dma_wait3A_1475 = arith.constant 0 : i32
    %dma_wait3A_1476 = arith.constant 0 : i32
    %dma_wait3A_1477 = tpu.memref_slice %arg2[%select_n3A_1104, %select_n3A_1120, %dma_wait3A_1475, %dma_wait3A_1476] : memref<3x224x224x128xf32, #tpu.memory_space<hbm>> -> memref<1x1x224x128xf32, #tpu.memory_space<hbm>>
    %dma_wait3A_1478 = tpu.memref_squeeze %dma_wait3A_1477 : memref<1x1x224x128xf32, #tpu.memory_space<hbm>> -> memref<224x128xf32, #tpu.memory_space<hbm>>
    %dma_wait3A_1479 = tpu.memref_slice %arg5[%dma_wait3A_1470] : memref<4x!tpu.dma_semaphore, #tpu.memory_space<semaphore_mem>> -> memref<1x!tpu.dma_semaphore, #tpu.memory_space<semaphore_mem>>
    %dma_wait3A_1480 = tpu.memref_squeeze %dma_wait3A_1479 : memref<1x!tpu.dma_semaphore, #tpu.memory_space<semaphore_mem>> -> memref<!tpu.dma_semaphore, #tpu.memory_space<semaphore_mem>>
    %dma_wait3A_1481 = arith.constant 0 : i32
    %dma_wait3A_1482 = arith.constant 0 : i32
    %dma_wait3A_1483 = tpu.memref_slice %arg4[%dma_wait3A_1469, %dma_wait3A_1481, %dma_wait3A_1482] : memref<4x224x128xf32, #tpu.memory_space<vmem>> -> memref<1x224x128xf32, #tpu.memory_space<vmem>>
    %dma_wait3A_1484 = tpu.memref_squeeze %dma_wait3A_1483 : memref<1x224x128xf32, #tpu.memory_space<vmem>> -> memref<224x128xf32, #tpu.memory_space<vmem>>
    %dma_wait3A_1485 = arith.constant 0 : i32
    %dma_wait3A_1486 = arith.constant 0 : i32
    %dma_wait3A_1487 = tpu.memref_slice %arg2[%select_n3A_1104, %select_n3A_1120, %dma_wait3A_1485, %dma_wait3A_1486] : memref<3x224x224x128xf32, #tpu.memory_space<hbm>> -> memref<1x1x224x128xf32, #tpu.memory_space<hbm>>
    %dma_wait3A_1488 = tpu.memref_squeeze %dma_wait3A_1487 : memref<1x1x224x128xf32, #tpu.memory_space<hbm>> -> memref<224x128xf32, #tpu.memory_space<hbm>>
    tpu.wait_dma2 semaphore(%dma_wait3A_1480 : memref<!tpu.dma_semaphore, #tpu.memory_space<semaphore_mem>>) src(%dma_wait3A_1488 : memref<224x128xf32, #tpu.memory_space<hbm>>) dst(%dma_wait3A_1484 : memref<224x128xf32, #tpu.memory_space<vmem>>)
    %add3A_1489 = arith.constant 8 : i32
    %add3A_1490 = arith.addi %mul3A_2, %add3A_1489 : i32
    %jit3A_1491 = arith.constant 224 : i32
    %div3A_1492 = arith.divsi %add3A_1490, %jit3A_1491 : i32
    %sign3A_1493 = arith.constant 0 : i32
    %sign3A_1494 = arith.cmpi sgt, %add3A_1490, %sign3A_1493 : i32
    %sign3A_1495 = arith.extui %sign3A_1494 : i1 to i32
    %sign3A_1496 = arith.constant 0 : i32
    %sign3A_1497 = arith.cmpi slt, %add3A_1490, %sign3A_1496 : i32
    %sign3A_1498 = arith.extui %sign3A_1497 : i1 to i32
    %sign3A_1499 = arith.subi %sign3A_1495, %sign3A_1498 : i32
    %sign3A_1500 = arith.constant 0 : i32
    %sign3A_1501 = arith.cmpi sgt, %jit3A_1491, %sign3A_1500 : i32
    %sign3A_1502 = arith.extui %sign3A_1501 : i1 to i32
    %sign3A_1503 = arith.constant 0 : i32
    %sign3A_1504 = arith.cmpi slt, %jit3A_1491, %sign3A_1503 : i32
    %sign3A_1505 = arith.extui %sign3A_1504 : i1 to i32
    %sign3A_1506 = arith.subi %sign3A_1502, %sign3A_1505 : i32
    %ne3A_1507 = arith.cmpi ne, %sign3A_1499, %sign3A_1506 : i32
    %rem3A_1508 = arith.remsi %add3A_1490, %jit3A_1491 : i32
    %ne3A_1509 = arith.constant 0 : i32
    %ne3A_1510 = arith.cmpi ne, %rem3A_1508, %ne3A_1509 : i32
    %and3A_1511 = arith.andi %ne3A_1507, %ne3A_1510 : i1
    %sub3A_1512 = arith.constant 1 : i32
    %sub3A_1513 = arith.subi %div3A_1492, %sub3A_1512 : i32
    %select_n3A_1514 = arith.select %and3A_1511, %sub3A_1513, %div3A_1492 : i32
    %jit3A_1515 = arith.constant 224 : i32
    %eq3A_1516 = arith.constant 0 : i32
    %eq3A_1517 = arith.cmpi eq, %jit3A_1515, %eq3A_1516 : i32
    %jit3A_1518 = arith.constant 1 : i32
    %select_n3A_1519 = arith.select %eq3A_1517, %jit3A_1518, %jit3A_1515 : i32
    %rem3A_1520 = arith.remsi %add3A_1490, %select_n3A_1519 : i32
    %ne3A_1521 = arith.constant 0 : i32
    %ne3A_1522 = arith.cmpi ne, %rem3A_1520, %ne3A_1521 : i32
    %lt3A_1523 = arith.constant 0 : i32
    %lt3A_1524 = arith.cmpi slt, %rem3A_1520, %lt3A_1523 : i32
    %lt3A_1525 = arith.constant 0 : i32
    %lt3A_1526 = arith.cmpi slt, %select_n3A_1519, %lt3A_1525 : i32
    %ne3A_1527 = arith.xori %lt3A_1524, %lt3A_1526 : i1
    %and3A_1528 = arith.andi %ne3A_1527, %ne3A_1522 : i1
    %add3A_1529 = arith.addi %rem3A_1520, %select_n3A_1519 : i32
    %select_n3A_1530 = arith.select %and3A_1528, %add3A_1529, %rem3A_1520 : i32
    %dma_start3A_1531 = arith.constant 0 : i32
    %dma_start3A_1532 = arith.constant 0 : i32
    %dma_start3A_1533 = arith.constant 0 : i32
    %dma_start3A_1534 = arith.constant 0 : i32
    %dma_start3A_1535 = tpu.memref_slice %arg4[%dma_start3A_1531, %dma_start3A_1533, %dma_start3A_1534] : memref<4x224x128xf32, #tpu.memory_space<vmem>> -> memref<1x224x128xf32, #tpu.memory_space<vmem>>
    %dma_start3A_1536 = tpu.memref_squeeze %dma_start3A_1535 : memref<1x224x128xf32, #tpu.memory_space<vmem>> -> memref<224x128xf32, #tpu.memory_space<vmem>>
    %dma_start3A_1537 = arith.constant 0 : i32
    %dma_start3A_1538 = arith.constant 0 : i32
    %dma_start3A_1539 = tpu.memref_slice %arg3[%select_n3A_1514, %select_n3A_1530, %dma_start3A_1537, %dma_start3A_1538] : memref<3x224x224x128xf32, #tpu.memory_space<hbm>> -> memref<1x1x224x128xf32, #tpu.memory_space<hbm>>
    %dma_start3A_1540 = tpu.memref_squeeze %dma_start3A_1539 : memref<1x1x224x128xf32, #tpu.memory_space<hbm>> -> memref<224x128xf32, #tpu.memory_space<hbm>>
    %dma_start3A_1541 = tpu.memref_slice %arg6[%dma_start3A_1532] : memref<4x!tpu.dma_semaphore, #tpu.memory_space<semaphore_mem>> -> memref<1x!tpu.dma_semaphore, #tpu.memory_space<semaphore_mem>>
    %dma_start3A_1542 = tpu.memref_squeeze %dma_start3A_1541 : memref<1x!tpu.dma_semaphore, #tpu.memory_space<semaphore_mem>> -> memref<!tpu.dma_semaphore, #tpu.memory_space<semaphore_mem>>
    %dma_start3A_1543 = arith.constant 0 : i32
    %dma_start3A_1544 = arith.constant 0 : i32
    %dma_start3A_1545 = tpu.memref_slice %arg3[%select_n3A_1514, %select_n3A_1530, %dma_start3A_1543, %dma_start3A_1544] : memref<3x224x224x128xf32, #tpu.memory_space<hbm>> -> memref<1x1x224x128xf32, #tpu.memory_space<hbm>>
    %dma_start3A_1546 = tpu.memref_squeeze %dma_start3A_1545 : memref<1x1x224x128xf32, #tpu.memory_space<hbm>> -> memref<224x128xf32, #tpu.memory_space<hbm>>
    %dma_start3A_1547 = arith.constant 0 : i32
    %dma_start3A_1548 = arith.constant 0 : i32
    %dma_start3A_1549 = tpu.memref_slice %arg4[%dma_start3A_1531, %dma_start3A_1547, %dma_start3A_1548] : memref<4x224x128xf32, #tpu.memory_space<vmem>> -> memref<1x224x128xf32, #tpu.memory_space<vmem>>
    %dma_start3A_1550 = tpu.memref_squeeze %dma_start3A_1549 : memref<1x224x128xf32, #tpu.memory_space<vmem>> -> memref<224x128xf32, #tpu.memory_space<vmem>>
    tpu.enqueue_dma source(%dma_start3A_1550 : memref<224x128xf32, #tpu.memory_space<vmem>>) target(%dma_start3A_1546 : memref<224x128xf32, #tpu.memory_space<hbm>>) target_semaphore(%dma_start3A_1542 : memref<!tpu.dma_semaphore, #tpu.memory_space<semaphore_mem>>)
    %dma_wait3A_1551 = arith.constant 3 : i32
    %dma_wait3A_1552 = arith.constant 3 : i32
    %dma_wait3A_1553 = arith.constant 0 : i32
    %dma_wait3A_1554 = arith.constant 0 : i32
    %dma_wait3A_1555 = tpu.memref_slice %arg4[%dma_wait3A_1551, %dma_wait3A_1553, %dma_wait3A_1554] : memref<4x224x128xf32, #tpu.memory_space<vmem>> -> memref<1x224x128xf32, #tpu.memory_space<vmem>>
    %dma_wait3A_1556 = tpu.memref_squeeze %dma_wait3A_1555 : memref<1x224x128xf32, #tpu.memory_space<vmem>> -> memref<224x128xf32, #tpu.memory_space<vmem>>
    %dma_wait3A_1557 = arith.constant 0 : i32
    %dma_wait3A_1558 = arith.constant 0 : i32
    %dma_wait3A_1559 = tpu.memref_slice %arg3[%select_n3A_1350, %select_n3A_1366, %dma_wait3A_1557, %dma_wait3A_1558] : memref<3x224x224x128xf32, #tpu.memory_space<hbm>> -> memref<1x1x224x128xf32, #tpu.memory_space<hbm>>
    %dma_wait3A_1560 = tpu.memref_squeeze %dma_wait3A_1559 : memref<1x1x224x128xf32, #tpu.memory_space<hbm>> -> memref<224x128xf32, #tpu.memory_space<hbm>>
    %dma_wait3A_1561 = tpu.memref_slice %arg6[%dma_wait3A_1552] : memref<4x!tpu.dma_semaphore, #tpu.memory_space<semaphore_mem>> -> memref<1x!tpu.dma_semaphore, #tpu.memory_space<semaphore_mem>>
    %dma_wait3A_1562 = tpu.memref_squeeze %dma_wait3A_1561 : memref<1x!tpu.dma_semaphore, #tpu.memory_space<semaphore_mem>> -> memref<!tpu.dma_semaphore, #tpu.memory_space<semaphore_mem>>
    %dma_wait3A_1563 = arith.constant 0 : i32
    %dma_wait3A_1564 = arith.constant 0 : i32
    %dma_wait3A_1565 = tpu.memref_slice %arg3[%select_n3A_1350, %select_n3A_1366, %dma_wait3A_1563, %dma_wait3A_1564] : memref<3x224x224x128xf32, #tpu.memory_space<hbm>> -> memref<1x1x224x128xf32, #tpu.memory_space<hbm>>
    %dma_wait3A_1566 = tpu.memref_squeeze %dma_wait3A_1565 : memref<1x1x224x128xf32, #tpu.memory_space<hbm>> -> memref<224x128xf32, #tpu.memory_space<hbm>>
    %dma_wait3A_1567 = arith.constant 0 : i32
    %dma_wait3A_1568 = arith.constant 0 : i32
    %dma_wait3A_1569 = tpu.memref_slice %arg4[%dma_wait3A_1551, %dma_wait3A_1567, %dma_wait3A_1568] : memref<4x224x128xf32, #tpu.memory_space<vmem>> -> memref<1x224x128xf32, #tpu.memory_space<vmem>>
    %dma_wait3A_1570 = tpu.memref_squeeze %dma_wait3A_1569 : memref<1x224x128xf32, #tpu.memory_space<vmem>> -> memref<224x128xf32, #tpu.memory_space<vmem>>
    tpu.wait_dma2 semaphore(%dma_wait3A_1562 : memref<!tpu.dma_semaphore, #tpu.memory_space<semaphore_mem>>) src(%dma_wait3A_1570 : memref<224x128xf32, #tpu.memory_space<vmem>>) dst(%dma_wait3A_1566 : memref<224x128xf32, #tpu.memory_space<hbm>>)
    %add3A_1571 = arith.constant 11 : i32
    %add3A_1572 = arith.addi %mul3A_2, %add3A_1571 : i32
    %jit3A_1573 = arith.constant 224 : i32
    %div3A_1574 = arith.divsi %add3A_1572, %jit3A_1573 : i32
    %sign3A_1575 = arith.constant 0 : i32
    %sign3A_1576 = arith.cmpi sgt, %add3A_1572, %sign3A_1575 : i32
    %sign3A_1577 = arith.extui %sign3A_1576 : i1 to i32
    %sign3A_1578 = arith.constant 0 : i32
    %sign3A_1579 = arith.cmpi slt, %add3A_1572, %sign3A_1578 : i32
    %sign3A_1580 = arith.extui %sign3A_1579 : i1 to i32
    %sign3A_1581 = arith.subi %sign3A_1577, %sign3A_1580 : i32
    %sign3A_1582 = arith.constant 0 : i32
    %sign3A_1583 = arith.cmpi sgt, %jit3A_1573, %sign3A_1582 : i32
    %sign3A_1584 = arith.extui %sign3A_1583 : i1 to i32
    %sign3A_1585 = arith.constant 0 : i32
    %sign3A_1586 = arith.cmpi slt, %jit3A_1573, %sign3A_1585 : i32
    %sign3A_1587 = arith.extui %sign3A_1586 : i1 to i32
    %sign3A_1588 = arith.subi %sign3A_1584, %sign3A_1587 : i32
    %ne3A_1589 = arith.cmpi ne, %sign3A_1581, %sign3A_1588 : i32
    %rem3A_1590 = arith.remsi %add3A_1572, %jit3A_1573 : i32
    %ne3A_1591 = arith.constant 0 : i32
    %ne3A_1592 = arith.cmpi ne, %rem3A_1590, %ne3A_1591 : i32
    %and3A_1593 = arith.andi %ne3A_1589, %ne3A_1592 : i1
    %sub3A_1594 = arith.constant 1 : i32
    %sub3A_1595 = arith.subi %div3A_1574, %sub3A_1594 : i32
    %select_n3A_1596 = arith.select %and3A_1593, %sub3A_1595, %div3A_1574 : i32
    %jit3A_1597 = arith.constant 224 : i32
    %eq3A_1598 = arith.constant 0 : i32
    %eq3A_1599 = arith.cmpi eq, %jit3A_1597, %eq3A_1598 : i32
    %jit3A_1600 = arith.constant 1 : i32
    %select_n3A_1601 = arith.select %eq3A_1599, %jit3A_1600, %jit3A_1597 : i32
    %rem3A_1602 = arith.remsi %add3A_1572, %select_n3A_1601 : i32
    %ne3A_1603 = arith.constant 0 : i32
    %ne3A_1604 = arith.cmpi ne, %rem3A_1602, %ne3A_1603 : i32
    %lt3A_1605 = arith.constant 0 : i32
    %lt3A_1606 = arith.cmpi slt, %rem3A_1602, %lt3A_1605 : i32
    %lt3A_1607 = arith.constant 0 : i32
    %lt3A_1608 = arith.cmpi slt, %select_n3A_1601, %lt3A_1607 : i32
    %ne3A_1609 = arith.xori %lt3A_1606, %lt3A_1608 : i1
    %and3A_1610 = arith.andi %ne3A_1609, %ne3A_1604 : i1
    %add3A_1611 = arith.addi %rem3A_1602, %select_n3A_1601 : i32
    %select_n3A_1612 = arith.select %and3A_1610, %add3A_1611, %rem3A_1602 : i32
    %dma_start3A_1613 = arith.constant 3 : i32
    %dma_start3A_1614 = arith.constant 3 : i32
    %dma_start3A_1615 = arith.constant 0 : i32
    %dma_start3A_1616 = arith.constant 0 : i32
    %dma_start3A_1617 = tpu.memref_slice %arg4[%dma_start3A_1613, %dma_start3A_1615, %dma_start3A_1616] : memref<4x224x128xf32, #tpu.memory_space<vmem>> -> memref<1x224x128xf32, #tpu.memory_space<vmem>>
    %dma_start3A_1618 = tpu.memref_squeeze %dma_start3A_1617 : memref<1x224x128xf32, #tpu.memory_space<vmem>> -> memref<224x128xf32, #tpu.memory_space<vmem>>
    %dma_start3A_1619 = arith.constant 0 : i32
    %dma_start3A_1620 = arith.constant 0 : i32
    %dma_start3A_1621 = tpu.memref_slice %arg2[%select_n3A_1596, %select_n3A_1612, %dma_start3A_1619, %dma_start3A_1620] : memref<3x224x224x128xf32, #tpu.memory_space<hbm>> -> memref<1x1x224x128xf32, #tpu.memory_space<hbm>>
    %dma_start3A_1622 = tpu.memref_squeeze %dma_start3A_1621 : memref<1x1x224x128xf32, #tpu.memory_space<hbm>> -> memref<224x128xf32, #tpu.memory_space<hbm>>
    %dma_start3A_1623 = tpu.memref_slice %arg5[%dma_start3A_1614] : memref<4x!tpu.dma_semaphore, #tpu.memory_space<semaphore_mem>> -> memref<1x!tpu.dma_semaphore, #tpu.memory_space<semaphore_mem>>
    %dma_start3A_1624 = tpu.memref_squeeze %dma_start3A_1623 : memref<1x!tpu.dma_semaphore, #tpu.memory_space<semaphore_mem>> -> memref<!tpu.dma_semaphore, #tpu.memory_space<semaphore_mem>>
    %dma_start3A_1625 = arith.constant 0 : i32
    %dma_start3A_1626 = arith.constant 0 : i32
    %dma_start3A_1627 = tpu.memref_slice %arg4[%dma_start3A_1613, %dma_start3A_1625, %dma_start3A_1626] : memref<4x224x128xf32, #tpu.memory_space<vmem>> -> memref<1x224x128xf32, #tpu.memory_space<vmem>>
    %dma_start3A_1628 = tpu.memref_squeeze %dma_start3A_1627 : memref<1x224x128xf32, #tpu.memory_space<vmem>> -> memref<224x128xf32, #tpu.memory_space<vmem>>
    %dma_start3A_1629 = arith.constant 0 : i32
    %dma_start3A_1630 = arith.constant 0 : i32
    %dma_start3A_1631 = tpu.memref_slice %arg2[%select_n3A_1596, %select_n3A_1612, %dma_start3A_1629, %dma_start3A_1630] : memref<3x224x224x128xf32, #tpu.memory_space<hbm>> -> memref<1x1x224x128xf32, #tpu.memory_space<hbm>>
    %dma_start3A_1632 = tpu.memref_squeeze %dma_start3A_1631 : memref<1x1x224x128xf32, #tpu.memory_space<hbm>> -> memref<224x128xf32, #tpu.memory_space<hbm>>
    tpu.enqueue_dma source(%dma_start3A_1632 : memref<224x128xf32, #tpu.memory_space<hbm>>) target(%dma_start3A_1628 : memref<224x128xf32, #tpu.memory_space<vmem>>) target_semaphore(%dma_start3A_1624 : memref<!tpu.dma_semaphore, #tpu.memory_space<semaphore_mem>>)
    %dma_wait3A_1633 = arith.constant 1 : i32
    %dma_wait3A_1634 = arith.constant 1 : i32
    %dma_wait3A_1635 = arith.constant 0 : i32
    %dma_wait3A_1636 = arith.constant 0 : i32
    %dma_wait3A_1637 = tpu.memref_slice %arg4[%dma_wait3A_1633, %dma_wait3A_1635, %dma_wait3A_1636] : memref<4x224x128xf32, #tpu.memory_space<vmem>> -> memref<1x224x128xf32, #tpu.memory_space<vmem>>
    %dma_wait3A_1638 = tpu.memref_squeeze %dma_wait3A_1637 : memref<1x224x128xf32, #tpu.memory_space<vmem>> -> memref<224x128xf32, #tpu.memory_space<vmem>>
    %dma_wait3A_1639 = arith.constant 0 : i32
    %dma_wait3A_1640 = arith.constant 0 : i32
    %dma_wait3A_1641 = tpu.memref_slice %arg2[%select_n3A_1268, %select_n3A_1284, %dma_wait3A_1639, %dma_wait3A_1640] : memref<3x224x224x128xf32, #tpu.memory_space<hbm>> -> memref<1x1x224x128xf32, #tpu.memory_space<hbm>>
    %dma_wait3A_1642 = tpu.memref_squeeze %dma_wait3A_1641 : memref<1x1x224x128xf32, #tpu.memory_space<hbm>> -> memref<224x128xf32, #tpu.memory_space<hbm>>
    %dma_wait3A_1643 = tpu.memref_slice %arg5[%dma_wait3A_1634] : memref<4x!tpu.dma_semaphore, #tpu.memory_space<semaphore_mem>> -> memref<1x!tpu.dma_semaphore, #tpu.memory_space<semaphore_mem>>
    %dma_wait3A_1644 = tpu.memref_squeeze %dma_wait3A_1643 : memref<1x!tpu.dma_semaphore, #tpu.memory_space<semaphore_mem>> -> memref<!tpu.dma_semaphore, #tpu.memory_space<semaphore_mem>>
    %dma_wait3A_1645 = arith.constant 0 : i32
    %dma_wait3A_1646 = arith.constant 0 : i32
    %dma_wait3A_1647 = tpu.memref_slice %arg4[%dma_wait3A_1633, %dma_wait3A_1645, %dma_wait3A_1646] : memref<4x224x128xf32, #tpu.memory_space<vmem>> -> memref<1x224x128xf32, #tpu.memory_space<vmem>>
    %dma_wait3A_1648 = tpu.memref_squeeze %dma_wait3A_1647 : memref<1x224x128xf32, #tpu.memory_space<vmem>> -> memref<224x128xf32, #tpu.memory_space<vmem>>
    %dma_wait3A_1649 = arith.constant 0 : i32
    %dma_wait3A_1650 = arith.constant 0 : i32
    %dma_wait3A_1651 = tpu.memref_slice %arg2[%select_n3A_1268, %select_n3A_1284, %dma_wait3A_1649, %dma_wait3A_1650] : memref<3x224x224x128xf32, #tpu.memory_space<hbm>> -> memref<1x1x224x128xf32, #tpu.memory_space<hbm>>
    %dma_wait3A_1652 = tpu.memref_squeeze %dma_wait3A_1651 : memref<1x1x224x128xf32, #tpu.memory_space<hbm>> -> memref<224x128xf32, #tpu.memory_space<hbm>>
    tpu.wait_dma2 semaphore(%dma_wait3A_1644 : memref<!tpu.dma_semaphore, #tpu.memory_space<semaphore_mem>>) src(%dma_wait3A_1652 : memref<224x128xf32, #tpu.memory_space<hbm>>) dst(%dma_wait3A_1648 : memref<224x128xf32, #tpu.memory_space<vmem>>)
    %add3A_1653 = arith.constant 9 : i32
    %add3A_1654 = arith.addi %mul3A_2, %add3A_1653 : i32
    %jit3A_1655 = arith.constant 224 : i32
    %div3A_1656 = arith.divsi %add3A_1654, %jit3A_1655 : i32
    %sign3A_1657 = arith.constant 0 : i32
    %sign3A_1658 = arith.cmpi sgt, %add3A_1654, %sign3A_1657 : i32
    %sign3A_1659 = arith.extui %sign3A_1658 : i1 to i32
    %sign3A_1660 = arith.constant 0 : i32
    %sign3A_1661 = arith.cmpi slt, %add3A_1654, %sign3A_1660 : i32
    %sign3A_1662 = arith.extui %sign3A_1661 : i1 to i32
    %sign3A_1663 = arith.subi %sign3A_1659, %sign3A_1662 : i32
    %sign3A_1664 = arith.constant 0 : i32
    %sign3A_1665 = arith.cmpi sgt, %jit3A_1655, %sign3A_1664 : i32
    %sign3A_1666 = arith.extui %sign3A_1665 : i1 to i32
    %sign3A_1667 = arith.constant 0 : i32
    %sign3A_1668 = arith.cmpi slt, %jit3A_1655, %sign3A_1667 : i32
    %sign3A_1669 = arith.extui %sign3A_1668 : i1 to i32
    %sign3A_1670 = arith.subi %sign3A_1666, %sign3A_1669 : i32
    %ne3A_1671 = arith.cmpi ne, %sign3A_1663, %sign3A_1670 : i32
    %rem3A_1672 = arith.remsi %add3A_1654, %jit3A_1655 : i32
    %ne3A_1673 = arith.constant 0 : i32
    %ne3A_1674 = arith.cmpi ne, %rem3A_1672, %ne3A_1673 : i32
    %and3A_1675 = arith.andi %ne3A_1671, %ne3A_1674 : i1
    %sub3A_1676 = arith.constant 1 : i32
    %sub3A_1677 = arith.subi %div3A_1656, %sub3A_1676 : i32
    %select_n3A_1678 = arith.select %and3A_1675, %sub3A_1677, %div3A_1656 : i32
    %jit3A_1679 = arith.constant 224 : i32
    %eq3A_1680 = arith.constant 0 : i32
    %eq3A_1681 = arith.cmpi eq, %jit3A_1679, %eq3A_1680 : i32
    %jit3A_1682 = arith.constant 1 : i32
    %select_n3A_1683 = arith.select %eq3A_1681, %jit3A_1682, %jit3A_1679 : i32
    %rem3A_1684 = arith.remsi %add3A_1654, %select_n3A_1683 : i32
    %ne3A_1685 = arith.constant 0 : i32
    %ne3A_1686 = arith.cmpi ne, %rem3A_1684, %ne3A_1685 : i32
    %lt3A_1687 = arith.constant 0 : i32
    %lt3A_1688 = arith.cmpi slt, %rem3A_1684, %lt3A_1687 : i32
    %lt3A_1689 = arith.constant 0 : i32
    %lt3A_1690 = arith.cmpi slt, %select_n3A_1683, %lt3A_1689 : i32
    %ne3A_1691 = arith.xori %lt3A_1688, %lt3A_1690 : i1
    %and3A_1692 = arith.andi %ne3A_1691, %ne3A_1686 : i1
    %add3A_1693 = arith.addi %rem3A_1684, %select_n3A_1683 : i32
    %select_n3A_1694 = arith.select %and3A_1692, %add3A_1693, %rem3A_1684 : i32
    %dma_start3A_1695 = arith.constant 1 : i32
    %dma_start3A_1696 = arith.constant 1 : i32
    %dma_start3A_1697 = arith.constant 0 : i32
    %dma_start3A_1698 = arith.constant 0 : i32
    %dma_start3A_1699 = tpu.memref_slice %arg4[%dma_start3A_1695, %dma_start3A_1697, %dma_start3A_1698] : memref<4x224x128xf32, #tpu.memory_space<vmem>> -> memref<1x224x128xf32, #tpu.memory_space<vmem>>
    %dma_start3A_1700 = tpu.memref_squeeze %dma_start3A_1699 : memref<1x224x128xf32, #tpu.memory_space<vmem>> -> memref<224x128xf32, #tpu.memory_space<vmem>>
    %dma_start3A_1701 = arith.constant 0 : i32
    %dma_start3A_1702 = arith.constant 0 : i32
    %dma_start3A_1703 = tpu.memref_slice %arg3[%select_n3A_1678, %select_n3A_1694, %dma_start3A_1701, %dma_start3A_1702] : memref<3x224x224x128xf32, #tpu.memory_space<hbm>> -> memref<1x1x224x128xf32, #tpu.memory_space<hbm>>
    %dma_start3A_1704 = tpu.memref_squeeze %dma_start3A_1703 : memref<1x1x224x128xf32, #tpu.memory_space<hbm>> -> memref<224x128xf32, #tpu.memory_space<hbm>>
    %dma_start3A_1705 = tpu.memref_slice %arg6[%dma_start3A_1696] : memref<4x!tpu.dma_semaphore, #tpu.memory_space<semaphore_mem>> -> memref<1x!tpu.dma_semaphore, #tpu.memory_space<semaphore_mem>>
    %dma_start3A_1706 = tpu.memref_squeeze %dma_start3A_1705 : memref<1x!tpu.dma_semaphore, #tpu.memory_space<semaphore_mem>> -> memref<!tpu.dma_semaphore, #tpu.memory_space<semaphore_mem>>
    %dma_start3A_1707 = arith.constant 0 : i32
    %dma_start3A_1708 = arith.constant 0 : i32
    %dma_start3A_1709 = tpu.memref_slice %arg3[%select_n3A_1678, %select_n3A_1694, %dma_start3A_1707, %dma_start3A_1708] : memref<3x224x224x128xf32, #tpu.memory_space<hbm>> -> memref<1x1x224x128xf32, #tpu.memory_space<hbm>>
    %dma_start3A_1710 = tpu.memref_squeeze %dma_start3A_1709 : memref<1x1x224x128xf32, #tpu.memory_space<hbm>> -> memref<224x128xf32, #tpu.memory_space<hbm>>
    %dma_start3A_1711 = arith.constant 0 : i32
    %dma_start3A_1712 = arith.constant 0 : i32
    %dma_start3A_1713 = tpu.memref_slice %arg4[%dma_start3A_1695, %dma_start3A_1711, %dma_start3A_1712] : memref<4x224x128xf32, #tpu.memory_space<vmem>> -> memref<1x224x128xf32, #tpu.memory_space<vmem>>
    %dma_start3A_1714 = tpu.memref_squeeze %dma_start3A_1713 : memref<1x224x128xf32, #tpu.memory_space<vmem>> -> memref<224x128xf32, #tpu.memory_space<vmem>>
    tpu.enqueue_dma source(%dma_start3A_1714 : memref<224x128xf32, #tpu.memory_space<vmem>>) target(%dma_start3A_1710 : memref<224x128xf32, #tpu.memory_space<hbm>>) target_semaphore(%dma_start3A_1706 : memref<!tpu.dma_semaphore, #tpu.memory_space<semaphore_mem>>)
    %dma_wait3A_1715 = arith.constant 0 : i32
    %dma_wait3A_1716 = arith.constant 0 : i32
    %dma_wait3A_1717 = arith.constant 0 : i32
    %dma_wait3A_1718 = arith.constant 0 : i32
    %dma_wait3A_1719 = tpu.memref_slice %arg4[%dma_wait3A_1715, %dma_wait3A_1717, %dma_wait3A_1718] : memref<4x224x128xf32, #tpu.memory_space<vmem>> -> memref<1x224x128xf32, #tpu.memory_space<vmem>>
    %dma_wait3A_1720 = tpu.memref_squeeze %dma_wait3A_1719 : memref<1x224x128xf32, #tpu.memory_space<vmem>> -> memref<224x128xf32, #tpu.memory_space<vmem>>
    %dma_wait3A_1721 = arith.constant 0 : i32
    %dma_wait3A_1722 = arith.constant 0 : i32
    %dma_wait3A_1723 = tpu.memref_slice %arg3[%select_n3A_1514, %select_n3A_1530, %dma_wait3A_1721, %dma_wait3A_1722] : memref<3x224x224x128xf32, #tpu.memory_space<hbm>> -> memref<1x1x224x128xf32, #tpu.memory_space<hbm>>
    %dma_wait3A_1724 = tpu.memref_squeeze %dma_wait3A_1723 : memref<1x1x224x128xf32, #tpu.memory_space<hbm>> -> memref<224x128xf32, #tpu.memory_space<hbm>>
    %dma_wait3A_1725 = tpu.memref_slice %arg6[%dma_wait3A_1716] : memref<4x!tpu.dma_semaphore, #tpu.memory_space<semaphore_mem>> -> memref<1x!tpu.dma_semaphore, #tpu.memory_space<semaphore_mem>>
    %dma_wait3A_1726 = tpu.memref_squeeze %dma_wait3A_1725 : memref<1x!tpu.dma_semaphore, #tpu.memory_space<semaphore_mem>> -> memref<!tpu.dma_semaphore, #tpu.memory_space<semaphore_mem>>
    %dma_wait3A_1727 = arith.constant 0 : i32
    %dma_wait3A_1728 = arith.constant 0 : i32
    %dma_wait3A_1729 = tpu.memref_slice %arg3[%select_n3A_1514, %select_n3A_1530, %dma_wait3A_1727, %dma_wait3A_1728] : memref<3x224x224x128xf32, #tpu.memory_space<hbm>> -> memref<1x1x224x128xf32, #tpu.memory_space<hbm>>
    %dma_wait3A_1730 = tpu.memref_squeeze %dma_wait3A_1729 : memref<1x1x224x128xf32, #tpu.memory_space<hbm>> -> memref<224x128xf32, #tpu.memory_space<hbm>>
    %dma_wait3A_1731 = arith.constant 0 : i32
    %dma_wait3A_1732 = arith.constant 0 : i32
    %dma_wait3A_1733 = tpu.memref_slice %arg4[%dma_wait3A_1715, %dma_wait3A_1731, %dma_wait3A_1732] : memref<4x224x128xf32, #tpu.memory_space<vmem>> -> memref<1x224x128xf32, #tpu.memory_space<vmem>>
    %dma_wait3A_1734 = tpu.memref_squeeze %dma_wait3A_1733 : memref<1x224x128xf32, #tpu.memory_space<vmem>> -> memref<224x128xf32, #tpu.memory_space<vmem>>
    tpu.wait_dma2 semaphore(%dma_wait3A_1726 : memref<!tpu.dma_semaphore, #tpu.memory_space<semaphore_mem>>) src(%dma_wait3A_1734 : memref<224x128xf32, #tpu.memory_space<vmem>>) dst(%dma_wait3A_1730 : memref<224x128xf32, #tpu.memory_space<hbm>>)
    %add3A_1735 = arith.constant 12 : i32
    %add3A_1736 = arith.addi %mul3A_2, %add3A_1735 : i32
    %jit3A_1737 = arith.constant 224 : i32
    %div3A_1738 = arith.divsi %add3A_1736, %jit3A_1737 : i32
    %sign3A_1739 = arith.constant 0 : i32
    %sign3A_1740 = arith.cmpi sgt, %add3A_1736, %sign3A_1739 : i32
    %sign3A_1741 = arith.extui %sign3A_1740 : i1 to i32
    %sign3A_1742 = arith.constant 0 : i32
    %sign3A_1743 = arith.cmpi slt, %add3A_1736, %sign3A_1742 : i32
    %sign3A_1744 = arith.extui %sign3A_1743 : i1 to i32
    %sign3A_1745 = arith.subi %sign3A_1741, %sign3A_1744 : i32
    %sign3A_1746 = arith.constant 0 : i32
    %sign3A_1747 = arith.cmpi sgt, %jit3A_1737, %sign3A_1746 : i32
    %sign3A_1748 = arith.extui %sign3A_1747 : i1 to i32
    %sign3A_1749 = arith.constant 0 : i32
    %sign3A_1750 = arith.cmpi slt, %jit3A_1737, %sign3A_1749 : i32
    %sign3A_1751 = arith.extui %sign3A_1750 : i1 to i32
    %sign3A_1752 = arith.subi %sign3A_1748, %sign3A_1751 : i32
    %ne3A_1753 = arith.cmpi ne, %sign3A_1745, %sign3A_1752 : i32
    %rem3A_1754 = arith.remsi %add3A_1736, %jit3A_1737 : i32
    %ne3A_1755 = arith.constant 0 : i32
    %ne3A_1756 = arith.cmpi ne, %rem3A_1754, %ne3A_1755 : i32
    %and3A_1757 = arith.andi %ne3A_1753, %ne3A_1756 : i1
    %sub3A_1758 = arith.constant 1 : i32
    %sub3A_1759 = arith.subi %div3A_1738, %sub3A_1758 : i32
    %select_n3A_1760 = arith.select %and3A_1757, %sub3A_1759, %div3A_1738 : i32
    %jit3A_1761 = arith.constant 224 : i32
    %eq3A_1762 = arith.constant 0 : i32
    %eq3A_1763 = arith.cmpi eq, %jit3A_1761, %eq3A_1762 : i32
    %jit3A_1764 = arith.constant 1 : i32
    %select_n3A_1765 = arith.select %eq3A_1763, %jit3A_1764, %jit3A_1761 : i32
    %rem3A_1766 = arith.remsi %add3A_1736, %select_n3A_1765 : i32
    %ne3A_1767 = arith.constant 0 : i32
    %ne3A_1768 = arith.cmpi ne, %rem3A_1766, %ne3A_1767 : i32
    %lt3A_1769 = arith.constant 0 : i32
    %lt3A_1770 = arith.cmpi slt, %rem3A_1766, %lt3A_1769 : i32
    %lt3A_1771 = arith.constant 0 : i32
    %lt3A_1772 = arith.cmpi slt, %select_n3A_1765, %lt3A_1771 : i32
    %ne3A_1773 = arith.xori %lt3A_1770, %lt3A_1772 : i1
    %and3A_1774 = arith.andi %ne3A_1773, %ne3A_1768 : i1
    %add3A_1775 = arith.addi %rem3A_1766, %select_n3A_1765 : i32
    %select_n3A_1776 = arith.select %and3A_1774, %add3A_1775, %rem3A_1766 : i32
    %dma_start3A_1777 = arith.constant 0 : i32
    %dma_start3A_1778 = arith.constant 0 : i32
    %dma_start3A_1779 = arith.constant 0 : i32
    %dma_start3A_1780 = arith.constant 0 : i32
    %dma_start3A_1781 = tpu.memref_slice %arg4[%dma_start3A_1777, %dma_start3A_1779, %dma_start3A_1780] : memref<4x224x128xf32, #tpu.memory_space<vmem>> -> memref<1x224x128xf32, #tpu.memory_space<vmem>>
    %dma_start3A_1782 = tpu.memref_squeeze %dma_start3A_1781 : memref<1x224x128xf32, #tpu.memory_space<vmem>> -> memref<224x128xf32, #tpu.memory_space<vmem>>
    %dma_start3A_1783 = arith.constant 0 : i32
    %dma_start3A_1784 = arith.constant 0 : i32
    %dma_start3A_1785 = tpu.memref_slice %arg2[%select_n3A_1760, %select_n3A_1776, %dma_start3A_1783, %dma_start3A_1784] : memref<3x224x224x128xf32, #tpu.memory_space<hbm>> -> memref<1x1x224x128xf32, #tpu.memory_space<hbm>>
    %dma_start3A_1786 = tpu.memref_squeeze %dma_start3A_1785 : memref<1x1x224x128xf32, #tpu.memory_space<hbm>> -> memref<224x128xf32, #tpu.memory_space<hbm>>
    %dma_start3A_1787 = tpu.memref_slice %arg5[%dma_start3A_1778] : memref<4x!tpu.dma_semaphore, #tpu.memory_space<semaphore_mem>> -> memref<1x!tpu.dma_semaphore, #tpu.memory_space<semaphore_mem>>
    %dma_start3A_1788 = tpu.memref_squeeze %dma_start3A_1787 : memref<1x!tpu.dma_semaphore, #tpu.memory_space<semaphore_mem>> -> memref<!tpu.dma_semaphore, #tpu.memory_space<semaphore_mem>>
    %dma_start3A_1789 = arith.constant 0 : i32
    %dma_start3A_1790 = arith.constant 0 : i32
    %dma_start3A_1791 = tpu.memref_slice %arg4[%dma_start3A_1777, %dma_start3A_1789, %dma_start3A_1790] : memref<4x224x128xf32, #tpu.memory_space<vmem>> -> memref<1x224x128xf32, #tpu.memory_space<vmem>>
    %dma_start3A_1792 = tpu.memref_squeeze %dma_start3A_1791 : memref<1x224x128xf32, #tpu.memory_space<vmem>> -> memref<224x128xf32, #tpu.memory_space<vmem>>
    %dma_start3A_1793 = arith.constant 0 : i32
    %dma_start3A_1794 = arith.constant 0 : i32
    %dma_start3A_1795 = tpu.memref_slice %arg2[%select_n3A_1760, %select_n3A_1776, %dma_start3A_1793, %dma_start3A_1794] : memref<3x224x224x128xf32, #tpu.memory_space<hbm>> -> memref<1x1x224x128xf32, #tpu.memory_space<hbm>>
    %dma_start3A_1796 = tpu.memref_squeeze %dma_start3A_1795 : memref<1x1x224x128xf32, #tpu.memory_space<hbm>> -> memref<224x128xf32, #tpu.memory_space<hbm>>
    tpu.enqueue_dma source(%dma_start3A_1796 : memref<224x128xf32, #tpu.memory_space<hbm>>) target(%dma_start3A_1792 : memref<224x128xf32, #tpu.memory_space<vmem>>) target_semaphore(%dma_start3A_1788 : memref<!tpu.dma_semaphore, #tpu.memory_space<semaphore_mem>>)
    %dma_wait3A_1797 = arith.constant 2 : i32
    %dma_wait3A_1798 = arith.constant 2 : i32
    %dma_wait3A_1799 = arith.constant 0 : i32
    %dma_wait3A_1800 = arith.constant 0 : i32
    %dma_wait3A_1801 = tpu.memref_slice %arg4[%dma_wait3A_1797, %dma_wait3A_1799, %dma_wait3A_1800] : memref<4x224x128xf32, #tpu.memory_space<vmem>> -> memref<1x224x128xf32, #tpu.memory_space<vmem>>
    %dma_wait3A_1802 = tpu.memref_squeeze %dma_wait3A_1801 : memref<1x224x128xf32, #tpu.memory_space<vmem>> -> memref<224x128xf32, #tpu.memory_space<vmem>>
    %dma_wait3A_1803 = arith.constant 0 : i32
    %dma_wait3A_1804 = arith.constant 0 : i32
    %dma_wait3A_1805 = tpu.memref_slice %arg2[%select_n3A_1432, %select_n3A_1448, %dma_wait3A_1803, %dma_wait3A_1804] : memref<3x224x224x128xf32, #tpu.memory_space<hbm>> -> memref<1x1x224x128xf32, #tpu.memory_space<hbm>>
    %dma_wait3A_1806 = tpu.memref_squeeze %dma_wait3A_1805 : memref<1x1x224x128xf32, #tpu.memory_space<hbm>> -> memref<224x128xf32, #tpu.memory_space<hbm>>
    %dma_wait3A_1807 = tpu.memref_slice %arg5[%dma_wait3A_1798] : memref<4x!tpu.dma_semaphore, #tpu.memory_space<semaphore_mem>> -> memref<1x!tpu.dma_semaphore, #tpu.memory_space<semaphore_mem>>
    %dma_wait3A_1808 = tpu.memref_squeeze %dma_wait3A_1807 : memref<1x!tpu.dma_semaphore, #tpu.memory_space<semaphore_mem>> -> memref<!tpu.dma_semaphore, #tpu.memory_space<semaphore_mem>>
    %dma_wait3A_1809 = arith.constant 0 : i32
    %dma_wait3A_1810 = arith.constant 0 : i32
    %dma_wait3A_1811 = tpu.memref_slice %arg4[%dma_wait3A_1797, %dma_wait3A_1809, %dma_wait3A_1810] : memref<4x224x128xf32, #tpu.memory_space<vmem>> -> memref<1x224x128xf32, #tpu.memory_space<vmem>>
    %dma_wait3A_1812 = tpu.memref_squeeze %dma_wait3A_1811 : memref<1x224x128xf32, #tpu.memory_space<vmem>> -> memref<224x128xf32, #tpu.memory_space<vmem>>
    %dma_wait3A_1813 = arith.constant 0 : i32
    %dma_wait3A_1814 = arith.constant 0 : i32
    %dma_wait3A_1815 = tpu.memref_slice %arg2[%select_n3A_1432, %select_n3A_1448, %dma_wait3A_1813, %dma_wait3A_1814] : memref<3x224x224x128xf32, #tpu.memory_space<hbm>> -> memref<1x1x224x128xf32, #tpu.memory_space<hbm>>
    %dma_wait3A_1816 = tpu.memref_squeeze %dma_wait3A_1815 : memref<1x1x224x128xf32, #tpu.memory_space<hbm>> -> memref<224x128xf32, #tpu.memory_space<hbm>>
    tpu.wait_dma2 semaphore(%dma_wait3A_1808 : memref<!tpu.dma_semaphore, #tpu.memory_space<semaphore_mem>>) src(%dma_wait3A_1816 : memref<224x128xf32, #tpu.memory_space<hbm>>) dst(%dma_wait3A_1812 : memref<224x128xf32, #tpu.memory_space<vmem>>)
    %add3A_1817 = arith.constant 10 : i32
    %add3A_1818 = arith.addi %mul3A_2, %add3A_1817 : i32
    %jit3A_1819 = arith.constant 224 : i32
    %div3A_1820 = arith.divsi %add3A_1818, %jit3A_1819 : i32
    %sign3A_1821 = arith.constant 0 : i32
    %sign3A_1822 = arith.cmpi sgt, %add3A_1818, %sign3A_1821 : i32
    %sign3A_1823 = arith.extui %sign3A_1822 : i1 to i32
    %sign3A_1824 = arith.constant 0 : i32
    %sign3A_1825 = arith.cmpi slt, %add3A_1818, %sign3A_1824 : i32
    %sign3A_1826 = arith.extui %sign3A_1825 : i1 to i32
    %sign3A_1827 = arith.subi %sign3A_1823, %sign3A_1826 : i32
    %sign3A_1828 = arith.constant 0 : i32
    %sign3A_1829 = arith.cmpi sgt, %jit3A_1819, %sign3A_1828 : i32
    %sign3A_1830 = arith.extui %sign3A_1829 : i1 to i32
    %sign3A_1831 = arith.constant 0 : i32
    %sign3A_1832 = arith.cmpi slt, %jit3A_1819, %sign3A_1831 : i32
    %sign3A_1833 = arith.extui %sign3A_1832 : i1 to i32
    %sign3A_1834 = arith.subi %sign3A_1830, %sign3A_1833 : i32
    %ne3A_1835 = arith.cmpi ne, %sign3A_1827, %sign3A_1834 : i32
    %rem3A_1836 = arith.remsi %add3A_1818, %jit3A_1819 : i32
    %ne3A_1837 = arith.constant 0 : i32
    %ne3A_1838 = arith.cmpi ne, %rem3A_1836, %ne3A_1837 : i32
    %and3A_1839 = arith.andi %ne3A_1835, %ne3A_1838 : i1
    %sub3A_1840 = arith.constant 1 : i32
    %sub3A_1841 = arith.subi %div3A_1820, %sub3A_1840 : i32
    %select_n3A_1842 = arith.select %and3A_1839, %sub3A_1841, %div3A_1820 : i32
    %jit3A_1843 = arith.constant 224 : i32
    %eq3A_1844 = arith.constant 0 : i32
    %eq3A_1845 = arith.cmpi eq, %jit3A_1843, %eq3A_1844 : i32
    %jit3A_1846 = arith.constant 1 : i32
    %select_n3A_1847 = arith.select %eq3A_1845, %jit3A_1846, %jit3A_1843 : i32
    %rem3A_1848 = arith.remsi %add3A_1818, %select_n3A_1847 : i32
    %ne3A_1849 = arith.constant 0 : i32
    %ne3A_1850 = arith.cmpi ne, %rem3A_1848, %ne3A_1849 : i32
    %lt3A_1851 = arith.constant 0 : i32
    %lt3A_1852 = arith.cmpi slt, %rem3A_1848, %lt3A_1851 : i32
    %lt3A_1853 = arith.constant 0 : i32
    %lt3A_1854 = arith.cmpi slt, %select_n3A_1847, %lt3A_1853 : i32
    %ne3A_1855 = arith.xori %lt3A_1852, %lt3A_1854 : i1
    %and3A_1856 = arith.andi %ne3A_1855, %ne3A_1850 : i1
    %add3A_1857 = arith.addi %rem3A_1848, %select_n3A_1847 : i32
    %select_n3A_1858 = arith.select %and3A_1856, %add3A_1857, %rem3A_1848 : i32
    %dma_start3A_1859 = arith.constant 2 : i32
    %dma_start3A_1860 = arith.constant 2 : i32
    %dma_start3A_1861 = arith.constant 0 : i32
    %dma_start3A_1862 = arith.constant 0 : i32
    %dma_start3A_1863 = tpu.memref_slice %arg4[%dma_start3A_1859, %dma_start3A_1861, %dma_start3A_1862] : memref<4x224x128xf32, #tpu.memory_space<vmem>> -> memref<1x224x128xf32, #tpu.memory_space<vmem>>
    %dma_start3A_1864 = tpu.memref_squeeze %dma_start3A_1863 : memref<1x224x128xf32, #tpu.memory_space<vmem>> -> memref<224x128xf32, #tpu.memory_space<vmem>>
    %dma_start3A_1865 = arith.constant 0 : i32
    %dma_start3A_1866 = arith.constant 0 : i32
    %dma_start3A_1867 = tpu.memref_slice %arg3[%select_n3A_1842, %select_n3A_1858, %dma_start3A_1865, %dma_start3A_1866] : memref<3x224x224x128xf32, #tpu.memory_space<hbm>> -> memref<1x1x224x128xf32, #tpu.memory_space<hbm>>
    %dma_start3A_1868 = tpu.memref_squeeze %dma_start3A_1867 : memref<1x1x224x128xf32, #tpu.memory_space<hbm>> -> memref<224x128xf32, #tpu.memory_space<hbm>>
    %dma_start3A_1869 = tpu.memref_slice %arg6[%dma_start3A_1860] : memref<4x!tpu.dma_semaphore, #tpu.memory_space<semaphore_mem>> -> memref<1x!tpu.dma_semaphore, #tpu.memory_space<semaphore_mem>>
    %dma_start3A_1870 = tpu.memref_squeeze %dma_start3A_1869 : memref<1x!tpu.dma_semaphore, #tpu.memory_space<semaphore_mem>> -> memref<!tpu.dma_semaphore, #tpu.memory_space<semaphore_mem>>
    %dma_start3A_1871 = arith.constant 0 : i32
    %dma_start3A_1872 = arith.constant 0 : i32
    %dma_start3A_1873 = tpu.memref_slice %arg3[%select_n3A_1842, %select_n3A_1858, %dma_start3A_1871, %dma_start3A_1872] : memref<3x224x224x128xf32, #tpu.memory_space<hbm>> -> memref<1x1x224x128xf32, #tpu.memory_space<hbm>>
    %dma_start3A_1874 = tpu.memref_squeeze %dma_start3A_1873 : memref<1x1x224x128xf32, #tpu.memory_space<hbm>> -> memref<224x128xf32, #tpu.memory_space<hbm>>
    %dma_start3A_1875 = arith.constant 0 : i32
    %dma_start3A_1876 = arith.constant 0 : i32
    %dma_start3A_1877 = tpu.memref_slice %arg4[%dma_start3A_1859, %dma_start3A_1875, %dma_start3A_1876] : memref<4x224x128xf32, #tpu.memory_space<vmem>> -> memref<1x224x128xf32, #tpu.memory_space<vmem>>
    %dma_start3A_1878 = tpu.memref_squeeze %dma_start3A_1877 : memref<1x224x128xf32, #tpu.memory_space<vmem>> -> memref<224x128xf32, #tpu.memory_space<vmem>>
    tpu.enqueue_dma source(%dma_start3A_1878 : memref<224x128xf32, #tpu.memory_space<vmem>>) target(%dma_start3A_1874 : memref<224x128xf32, #tpu.memory_space<hbm>>) target_semaphore(%dma_start3A_1870 : memref<!tpu.dma_semaphore, #tpu.memory_space<semaphore_mem>>)
    %dma_wait3A_1879 = arith.constant 1 : i32
    %dma_wait3A_1880 = arith.constant 1 : i32
    %dma_wait3A_1881 = arith.constant 0 : i32
    %dma_wait3A_1882 = arith.constant 0 : i32
    %dma_wait3A_1883 = tpu.memref_slice %arg4[%dma_wait3A_1879, %dma_wait3A_1881, %dma_wait3A_1882] : memref<4x224x128xf32, #tpu.memory_space<vmem>> -> memref<1x224x128xf32, #tpu.memory_space<vmem>>
    %dma_wait3A_1884 = tpu.memref_squeeze %dma_wait3A_1883 : memref<1x224x128xf32, #tpu.memory_space<vmem>> -> memref<224x128xf32, #tpu.memory_space<vmem>>
    %dma_wait3A_1885 = arith.constant 0 : i32
    %dma_wait3A_1886 = arith.constant 0 : i32
    %dma_wait3A_1887 = tpu.memref_slice %arg3[%select_n3A_1678, %select_n3A_1694, %dma_wait3A_1885, %dma_wait3A_1886] : memref<3x224x224x128xf32, #tpu.memory_space<hbm>> -> memref<1x1x224x128xf32, #tpu.memory_space<hbm>>
    %dma_wait3A_1888 = tpu.memref_squeeze %dma_wait3A_1887 : memref<1x1x224x128xf32, #tpu.memory_space<hbm>> -> memref<224x128xf32, #tpu.memory_space<hbm>>
    %dma_wait3A_1889 = tpu.memref_slice %arg6[%dma_wait3A_1880] : memref<4x!tpu.dma_semaphore, #tpu.memory_space<semaphore_mem>> -> memref<1x!tpu.dma_semaphore, #tpu.memory_space<semaphore_mem>>
    %dma_wait3A_1890 = tpu.memref_squeeze %dma_wait3A_1889 : memref<1x!tpu.dma_semaphore, #tpu.memory_space<semaphore_mem>> -> memref<!tpu.dma_semaphore, #tpu.memory_space<semaphore_mem>>
    %dma_wait3A_1891 = arith.constant 0 : i32
    %dma_wait3A_1892 = arith.constant 0 : i32
    %dma_wait3A_1893 = tpu.memref_slice %arg3[%select_n3A_1678, %select_n3A_1694, %dma_wait3A_1891, %dma_wait3A_1892] : memref<3x224x224x128xf32, #tpu.memory_space<hbm>> -> memref<1x1x224x128xf32, #tpu.memory_space<hbm>>
    %dma_wait3A_1894 = tpu.memref_squeeze %dma_wait3A_1893 : memref<1x1x224x128xf32, #tpu.memory_space<hbm>> -> memref<224x128xf32, #tpu.memory_space<hbm>>
    %dma_wait3A_1895 = arith.constant 0 : i32
    %dma_wait3A_1896 = arith.constant 0 : i32
    %dma_wait3A_1897 = tpu.memref_slice %arg4[%dma_wait3A_1879, %dma_wait3A_1895, %dma_wait3A_1896] : memref<4x224x128xf32, #tpu.memory_space<vmem>> -> memref<1x224x128xf32, #tpu.memory_space<vmem>>
    %dma_wait3A_1898 = tpu.memref_squeeze %dma_wait3A_1897 : memref<1x224x128xf32, #tpu.memory_space<vmem>> -> memref<224x128xf32, #tpu.memory_space<vmem>>
    tpu.wait_dma2 semaphore(%dma_wait3A_1890 : memref<!tpu.dma_semaphore, #tpu.memory_space<semaphore_mem>>) src(%dma_wait3A_1898 : memref<224x128xf32, #tpu.memory_space<vmem>>) dst(%dma_wait3A_1894 : memref<224x128xf32, #tpu.memory_space<hbm>>)
    %add3A_1899 = arith.constant 13 : i32
    %add3A_1900 = arith.addi %mul3A_2, %add3A_1899 : i32
    %jit3A_1901 = arith.constant 224 : i32
    %div3A_1902 = arith.divsi %add3A_1900, %jit3A_1901 : i32
    %sign3A_1903 = arith.constant 0 : i32
    %sign3A_1904 = arith.cmpi sgt, %add3A_1900, %sign3A_1903 : i32
    %sign3A_1905 = arith.extui %sign3A_1904 : i1 to i32
    %sign3A_1906 = arith.constant 0 : i32
    %sign3A_1907 = arith.cmpi slt, %add3A_1900, %sign3A_1906 : i32
    %sign3A_1908 = arith.extui %sign3A_1907 : i1 to i32
    %sign3A_1909 = arith.subi %sign3A_1905, %sign3A_1908 : i32
    %sign3A_1910 = arith.constant 0 : i32
    %sign3A_1911 = arith.cmpi sgt, %jit3A_1901, %sign3A_1910 : i32
    %sign3A_1912 = arith.extui %sign3A_1911 : i1 to i32
    %sign3A_1913 = arith.constant 0 : i32
    %sign3A_1914 = arith.cmpi slt, %jit3A_1901, %sign3A_1913 : i32
    %sign3A_1915 = arith.extui %sign3A_1914 : i1 to i32
    %sign3A_1916 = arith.subi %sign3A_1912, %sign3A_1915 : i32
    %ne3A_1917 = arith.cmpi ne, %sign3A_1909, %sign3A_1916 : i32
    %rem3A_1918 = arith.remsi %add3A_1900, %jit3A_1901 : i32
    %ne3A_1919 = arith.constant 0 : i32
    %ne3A_1920 = arith.cmpi ne, %rem3A_1918, %ne3A_1919 : i32
    %and3A_1921 = arith.andi %ne3A_1917, %ne3A_1920 : i1
    %sub3A_1922 = arith.constant 1 : i32
    %sub3A_1923 = arith.subi %div3A_1902, %sub3A_1922 : i32
    %select_n3A_1924 = arith.select %and3A_1921, %sub3A_1923, %div3A_1902 : i32
    %jit3A_1925 = arith.constant 224 : i32
    %eq3A_1926 = arith.constant 0 : i32
    %eq3A_1927 = arith.cmpi eq, %jit3A_1925, %eq3A_1926 : i32
    %jit3A_1928 = arith.constant 1 : i32
    %select_n3A_1929 = arith.select %eq3A_1927, %jit3A_1928, %jit3A_1925 : i32
    %rem3A_1930 = arith.remsi %add3A_1900, %select_n3A_1929 : i32
    %ne3A_1931 = arith.constant 0 : i32
    %ne3A_1932 = arith.cmpi ne, %rem3A_1930, %ne3A_1931 : i32
    %lt3A_1933 = arith.constant 0 : i32
    %lt3A_1934 = arith.cmpi slt, %rem3A_1930, %lt3A_1933 : i32
    %lt3A_1935 = arith.constant 0 : i32
    %lt3A_1936 = arith.cmpi slt, %select_n3A_1929, %lt3A_1935 : i32
    %ne3A_1937 = arith.xori %lt3A_1934, %lt3A_1936 : i1
    %and3A_1938 = arith.andi %ne3A_1937, %ne3A_1932 : i1
    %add3A_1939 = arith.addi %rem3A_1930, %select_n3A_1929 : i32
    %select_n3A_1940 = arith.select %and3A_1938, %add3A_1939, %rem3A_1930 : i32
    %dma_start3A_1941 = arith.constant 1 : i32
    %dma_start3A_1942 = arith.constant 1 : i32
    %dma_start3A_1943 = arith.constant 0 : i32
    %dma_start3A_1944 = arith.constant 0 : i32
    %dma_start3A_1945 = tpu.memref_slice %arg4[%dma_start3A_1941, %dma_start3A_1943, %dma_start3A_1944] : memref<4x224x128xf32, #tpu.memory_space<vmem>> -> memref<1x224x128xf32, #tpu.memory_space<vmem>>
    %dma_start3A_1946 = tpu.memref_squeeze %dma_start3A_1945 : memref<1x224x128xf32, #tpu.memory_space<vmem>> -> memref<224x128xf32, #tpu.memory_space<vmem>>
    %dma_start3A_1947 = arith.constant 0 : i32
    %dma_start3A_1948 = arith.constant 0 : i32
    %dma_start3A_1949 = tpu.memref_slice %arg2[%select_n3A_1924, %select_n3A_1940, %dma_start3A_1947, %dma_start3A_1948] : memref<3x224x224x128xf32, #tpu.memory_space<hbm>> -> memref<1x1x224x128xf32, #tpu.memory_space<hbm>>
    %dma_start3A_1950 = tpu.memref_squeeze %dma_start3A_1949 : memref<1x1x224x128xf32, #tpu.memory_space<hbm>> -> memref<224x128xf32, #tpu.memory_space<hbm>>
    %dma_start3A_1951 = tpu.memref_slice %arg5[%dma_start3A_1942] : memref<4x!tpu.dma_semaphore, #tpu.memory_space<semaphore_mem>> -> memref<1x!tpu.dma_semaphore, #tpu.memory_space<semaphore_mem>>
    %dma_start3A_1952 = tpu.memref_squeeze %dma_start3A_1951 : memref<1x!tpu.dma_semaphore, #tpu.memory_space<semaphore_mem>> -> memref<!tpu.dma_semaphore, #tpu.memory_space<semaphore_mem>>
    %dma_start3A_1953 = arith.constant 0 : i32
    %dma_start3A_1954 = arith.constant 0 : i32
    %dma_start3A_1955 = tpu.memref_slice %arg4[%dma_start3A_1941, %dma_start3A_1953, %dma_start3A_1954] : memref<4x224x128xf32, #tpu.memory_space<vmem>> -> memref<1x224x128xf32, #tpu.memory_space<vmem>>
    %dma_start3A_1956 = tpu.memref_squeeze %dma_start3A_1955 : memref<1x224x128xf32, #tpu.memory_space<vmem>> -> memref<224x128xf32, #tpu.memory_space<vmem>>
    %dma_start3A_1957 = arith.constant 0 : i32
    %dma_start3A_1958 = arith.constant 0 : i32
    %dma_start3A_1959 = tpu.memref_slice %arg2[%select_n3A_1924, %select_n3A_1940, %dma_start3A_1957, %dma_start3A_1958] : memref<3x224x224x128xf32, #tpu.memory_space<hbm>> -> memref<1x1x224x128xf32, #tpu.memory_space<hbm>>
    %dma_start3A_1960 = tpu.memref_squeeze %dma_start3A_1959 : memref<1x1x224x128xf32, #tpu.memory_space<hbm>> -> memref<224x128xf32, #tpu.memory_space<hbm>>
    tpu.enqueue_dma source(%dma_start3A_1960 : memref<224x128xf32, #tpu.memory_space<hbm>>) target(%dma_start3A_1956 : memref<224x128xf32, #tpu.memory_space<vmem>>) target_semaphore(%dma_start3A_1952 : memref<!tpu.dma_semaphore, #tpu.memory_space<semaphore_mem>>)
    %dma_wait3A_1961 = arith.constant 3 : i32
    %dma_wait3A_1962 = arith.constant 3 : i32
    %dma_wait3A_1963 = arith.constant 0 : i32
    %dma_wait3A_1964 = arith.constant 0 : i32
    %dma_wait3A_1965 = tpu.memref_slice %arg4[%dma_wait3A_1961, %dma_wait3A_1963, %dma_wait3A_1964] : memref<4x224x128xf32, #tpu.memory_space<vmem>> -> memref<1x224x128xf32, #tpu.memory_space<vmem>>
    %dma_wait3A_1966 = tpu.memref_squeeze %dma_wait3A_1965 : memref<1x224x128xf32, #tpu.memory_space<vmem>> -> memref<224x128xf32, #tpu.memory_space<vmem>>
    %dma_wait3A_1967 = arith.constant 0 : i32
    %dma_wait3A_1968 = arith.constant 0 : i32
    %dma_wait3A_1969 = tpu.memref_slice %arg2[%select_n3A_1596, %select_n3A_1612, %dma_wait3A_1967, %dma_wait3A_1968] : memref<3x224x224x128xf32, #tpu.memory_space<hbm>> -> memref<1x1x224x128xf32, #tpu.memory_space<hbm>>
    %dma_wait3A_1970 = tpu.memref_squeeze %dma_wait3A_1969 : memref<1x1x224x128xf32, #tpu.memory_space<hbm>> -> memref<224x128xf32, #tpu.memory_space<hbm>>
    %dma_wait3A_1971 = tpu.memref_slice %arg5[%dma_wait3A_1962] : memref<4x!tpu.dma_semaphore, #tpu.memory_space<semaphore_mem>> -> memref<1x!tpu.dma_semaphore, #tpu.memory_space<semaphore_mem>>
    %dma_wait3A_1972 = tpu.memref_squeeze %dma_wait3A_1971 : memref<1x!tpu.dma_semaphore, #tpu.memory_space<semaphore_mem>> -> memref<!tpu.dma_semaphore, #tpu.memory_space<semaphore_mem>>
    %dma_wait3A_1973 = arith.constant 0 : i32
    %dma_wait3A_1974 = arith.constant 0 : i32
    %dma_wait3A_1975 = tpu.memref_slice %arg4[%dma_wait3A_1961, %dma_wait3A_1973, %dma_wait3A_1974] : memref<4x224x128xf32, #tpu.memory_space<vmem>> -> memref<1x224x128xf32, #tpu.memory_space<vmem>>
    %dma_wait3A_1976 = tpu.memref_squeeze %dma_wait3A_1975 : memref<1x224x128xf32, #tpu.memory_space<vmem>> -> memref<224x128xf32, #tpu.memory_space<vmem>>
    %dma_wait3A_1977 = arith.constant 0 : i32
    %dma_wait3A_1978 = arith.constant 0 : i32
    %dma_wait3A_1979 = tpu.memref_slice %arg2[%select_n3A_1596, %select_n3A_1612, %dma_wait3A_1977, %dma_wait3A_1978] : memref<3x224x224x128xf32, #tpu.memory_space<hbm>> -> memref<1x1x224x128xf32, #tpu.memory_space<hbm>>
    %dma_wait3A_1980 = tpu.memref_squeeze %dma_wait3A_1979 : memref<1x1x224x128xf32, #tpu.memory_space<hbm>> -> memref<224x128xf32, #tpu.memory_space<hbm>>
    tpu.wait_dma2 semaphore(%dma_wait3A_1972 : memref<!tpu.dma_semaphore, #tpu.memory_space<semaphore_mem>>) src(%dma_wait3A_1980 : memref<224x128xf32, #tpu.memory_space<hbm>>) dst(%dma_wait3A_1976 : memref<224x128xf32, #tpu.memory_space<vmem>>)
    %add3A_1981 = arith.constant 11 : i32
    %add3A_1982 = arith.addi %mul3A_2, %add3A_1981 : i32
    %jit3A_1983 = arith.constant 224 : i32
    %div3A_1984 = arith.divsi %add3A_1982, %jit3A_1983 : i32
    %sign3A_1985 = arith.constant 0 : i32
    %sign3A_1986 = arith.cmpi sgt, %add3A_1982, %sign3A_1985 : i32
    %sign3A_1987 = arith.extui %sign3A_1986 : i1 to i32
    %sign3A_1988 = arith.constant 0 : i32
    %sign3A_1989 = arith.cmpi slt, %add3A_1982, %sign3A_1988 : i32
    %sign3A_1990 = arith.extui %sign3A_1989 : i1 to i32
    %sign3A_1991 = arith.subi %sign3A_1987, %sign3A_1990 : i32
    %sign3A_1992 = arith.constant 0 : i32
    %sign3A_1993 = arith.cmpi sgt, %jit3A_1983, %sign3A_1992 : i32
    %sign3A_1994 = arith.extui %sign3A_1993 : i1 to i32
    %sign3A_1995 = arith.constant 0 : i32
    %sign3A_1996 = arith.cmpi slt, %jit3A_1983, %sign3A_1995 : i32
    %sign3A_1997 = arith.extui %sign3A_1996 : i1 to i32
    %sign3A_1998 = arith.subi %sign3A_1994, %sign3A_1997 : i32
    %ne3A_1999 = arith.cmpi ne, %sign3A_1991, %sign3A_1998 : i32
    %rem3A_2000 = arith.remsi %add3A_1982, %jit3A_1983 : i32
    %ne3A_2001 = arith.constant 0 : i32
    %ne3A_2002 = arith.cmpi ne, %rem3A_2000, %ne3A_2001 : i32
    %and3A_2003 = arith.andi %ne3A_1999, %ne3A_2002 : i1
    %sub3A_2004 = arith.constant 1 : i32
    %sub3A_2005 = arith.subi %div3A_1984, %sub3A_2004 : i32
    %select_n3A_2006 = arith.select %and3A_2003, %sub3A_2005, %div3A_1984 : i32
    %jit3A_2007 = arith.constant 224 : i32
    %eq3A_2008 = arith.constant 0 : i32
    %eq3A_2009 = arith.cmpi eq, %jit3A_2007, %eq3A_2008 : i32
    %jit3A_2010 = arith.constant 1 : i32
    %select_n3A_2011 = arith.select %eq3A_2009, %jit3A_2010, %jit3A_2007 : i32
    %rem3A_2012 = arith.remsi %add3A_1982, %select_n3A_2011 : i32
    %ne3A_2013 = arith.constant 0 : i32
    %ne3A_2014 = arith.cmpi ne, %rem3A_2012, %ne3A_2013 : i32
    %lt3A_2015 = arith.constant 0 : i32
    %lt3A_2016 = arith.cmpi slt, %rem3A_2012, %lt3A_2015 : i32
    %lt3A_2017 = arith.constant 0 : i32
    %lt3A_2018 = arith.cmpi slt, %select_n3A_2011, %lt3A_2017 : i32
    %ne3A_2019 = arith.xori %lt3A_2016, %lt3A_2018 : i1
    %and3A_2020 = arith.andi %ne3A_2019, %ne3A_2014 : i1
    %add3A_2021 = arith.addi %rem3A_2012, %select_n3A_2011 : i32
    %select_n3A_2022 = arith.select %and3A_2020, %add3A_2021, %rem3A_2012 : i32
    %dma_start3A_2023 = arith.constant 3 : i32
    %dma_start3A_2024 = arith.constant 3 : i32
    %dma_start3A_2025 = arith.constant 0 : i32
    %dma_start3A_2026 = arith.constant 0 : i32
    %dma_start3A_2027 = tpu.memref_slice %arg4[%dma_start3A_2023, %dma_start3A_2025, %dma_start3A_2026] : memref<4x224x128xf32, #tpu.memory_space<vmem>> -> memref<1x224x128xf32, #tpu.memory_space<vmem>>
    %dma_start3A_2028 = tpu.memref_squeeze %dma_start3A_2027 : memref<1x224x128xf32, #tpu.memory_space<vmem>> -> memref<224x128xf32, #tpu.memory_space<vmem>>
    %dma_start3A_2029 = arith.constant 0 : i32
    %dma_start3A_2030 = arith.constant 0 : i32
    %dma_start3A_2031 = tpu.memref_slice %arg3[%select_n3A_2006, %select_n3A_2022, %dma_start3A_2029, %dma_start3A_2030] : memref<3x224x224x128xf32, #tpu.memory_space<hbm>> -> memref<1x1x224x128xf32, #tpu.memory_space<hbm>>
    %dma_start3A_2032 = tpu.memref_squeeze %dma_start3A_2031 : memref<1x1x224x128xf32, #tpu.memory_space<hbm>> -> memref<224x128xf32, #tpu.memory_space<hbm>>
    %dma_start3A_2033 = tpu.memref_slice %arg6[%dma_start3A_2024] : memref<4x!tpu.dma_semaphore, #tpu.memory_space<semaphore_mem>> -> memref<1x!tpu.dma_semaphore, #tpu.memory_space<semaphore_mem>>
    %dma_start3A_2034 = tpu.memref_squeeze %dma_start3A_2033 : memref<1x!tpu.dma_semaphore, #tpu.memory_space<semaphore_mem>> -> memref<!tpu.dma_semaphore, #tpu.memory_space<semaphore_mem>>
    %dma_start3A_2035 = arith.constant 0 : i32
    %dma_start3A_2036 = arith.constant 0 : i32
    %dma_start3A_2037 = tpu.memref_slice %arg3[%select_n3A_2006, %select_n3A_2022, %dma_start3A_2035, %dma_start3A_2036] : memref<3x224x224x128xf32, #tpu.memory_space<hbm>> -> memref<1x1x224x128xf32, #tpu.memory_space<hbm>>
    %dma_start3A_2038 = tpu.memref_squeeze %dma_start3A_2037 : memref<1x1x224x128xf32, #tpu.memory_space<hbm>> -> memref<224x128xf32, #tpu.memory_space<hbm>>
    %dma_start3A_2039 = arith.constant 0 : i32
    %dma_start3A_2040 = arith.constant 0 : i32
    %dma_start3A_2041 = tpu.memref_slice %arg4[%dma_start3A_2023, %dma_start3A_2039, %dma_start3A_2040] : memref<4x224x128xf32, #tpu.memory_space<vmem>> -> memref<1x224x128xf32, #tpu.memory_space<vmem>>
    %dma_start3A_2042 = tpu.memref_squeeze %dma_start3A_2041 : memref<1x224x128xf32, #tpu.memory_space<vmem>> -> memref<224x128xf32, #tpu.memory_space<vmem>>
    tpu.enqueue_dma source(%dma_start3A_2042 : memref<224x128xf32, #tpu.memory_space<vmem>>) target(%dma_start3A_2038 : memref<224x128xf32, #tpu.memory_space<hbm>>) target_semaphore(%dma_start3A_2034 : memref<!tpu.dma_semaphore, #tpu.memory_space<semaphore_mem>>)
    %dma_wait3A_2043 = arith.constant 2 : i32
    %dma_wait3A_2044 = arith.constant 2 : i32
    %dma_wait3A_2045 = arith.constant 0 : i32
    %dma_wait3A_2046 = arith.constant 0 : i32
    %dma_wait3A_2047 = tpu.memref_slice %arg4[%dma_wait3A_2043, %dma_wait3A_2045, %dma_wait3A_2046] : memref<4x224x128xf32, #tpu.memory_space<vmem>> -> memref<1x224x128xf32, #tpu.memory_space<vmem>>
    %dma_wait3A_2048 = tpu.memref_squeeze %dma_wait3A_2047 : memref<1x224x128xf32, #tpu.memory_space<vmem>> -> memref<224x128xf32, #tpu.memory_space<vmem>>
    %dma_wait3A_2049 = arith.constant 0 : i32
    %dma_wait3A_2050 = arith.constant 0 : i32
    %dma_wait3A_2051 = tpu.memref_slice %arg3[%select_n3A_1842, %select_n3A_1858, %dma_wait3A_2049, %dma_wait3A_2050] : memref<3x224x224x128xf32, #tpu.memory_space<hbm>> -> memref<1x1x224x128xf32, #tpu.memory_space<hbm>>
    %dma_wait3A_2052 = tpu.memref_squeeze %dma_wait3A_2051 : memref<1x1x224x128xf32, #tpu.memory_space<hbm>> -> memref<224x128xf32, #tpu.memory_space<hbm>>
    %dma_wait3A_2053 = tpu.memref_slice %arg6[%dma_wait3A_2044] : memref<4x!tpu.dma_semaphore, #tpu.memory_space<semaphore_mem>> -> memref<1x!tpu.dma_semaphore, #tpu.memory_space<semaphore_mem>>
    %dma_wait3A_2054 = tpu.memref_squeeze %dma_wait3A_2053 : memref<1x!tpu.dma_semaphore, #tpu.memory_space<semaphore_mem>> -> memref<!tpu.dma_semaphore, #tpu.memory_space<semaphore_mem>>
    %dma_wait3A_2055 = arith.constant 0 : i32
    %dma_wait3A_2056 = arith.constant 0 : i32
    %dma_wait3A_2057 = tpu.memref_slice %arg3[%select_n3A_1842, %select_n3A_1858, %dma_wait3A_2055, %dma_wait3A_2056] : memref<3x224x224x128xf32, #tpu.memory_space<hbm>> -> memref<1x1x224x128xf32, #tpu.memory_space<hbm>>
    %dma_wait3A_2058 = tpu.memref_squeeze %dma_wait3A_2057 : memref<1x1x224x128xf32, #tpu.memory_space<hbm>> -> memref<224x128xf32, #tpu.memory_space<hbm>>
    %dma_wait3A_2059 = arith.constant 0 : i32
    %dma_wait3A_2060 = arith.constant 0 : i32
    %dma_wait3A_2061 = tpu.memref_slice %arg4[%dma_wait3A_2043, %dma_wait3A_2059, %dma_wait3A_2060] : memref<4x224x128xf32, #tpu.memory_space<vmem>> -> memref<1x224x128xf32, #tpu.memory_space<vmem>>
    %dma_wait3A_2062 = tpu.memref_squeeze %dma_wait3A_2061 : memref<1x224x128xf32, #tpu.memory_space<vmem>> -> memref<224x128xf32, #tpu.memory_space<vmem>>
    tpu.wait_dma2 semaphore(%dma_wait3A_2054 : memref<!tpu.dma_semaphore, #tpu.memory_space<semaphore_mem>>) src(%dma_wait3A_2062 : memref<224x128xf32, #tpu.memory_space<vmem>>) dst(%dma_wait3A_2058 : memref<224x128xf32, #tpu.memory_space<hbm>>)
    %add3A_2063 = arith.constant 14 : i32
    %add3A_2064 = arith.addi %mul3A_2, %add3A_2063 : i32
    %jit3A_2065 = arith.constant 224 : i32
    %div3A_2066 = arith.divsi %add3A_2064, %jit3A_2065 : i32
    %sign3A_2067 = arith.constant 0 : i32
    %sign3A_2068 = arith.cmpi sgt, %add3A_2064, %sign3A_2067 : i32
    %sign3A_2069 = arith.extui %sign3A_2068 : i1 to i32
    %sign3A_2070 = arith.constant 0 : i32
    %sign3A_2071 = arith.cmpi slt, %add3A_2064, %sign3A_2070 : i32
    %sign3A_2072 = arith.extui %sign3A_2071 : i1 to i32
    %sign3A_2073 = arith.subi %sign3A_2069, %sign3A_2072 : i32
    %sign3A_2074 = arith.constant 0 : i32
    %sign3A_2075 = arith.cmpi sgt, %jit3A_2065, %sign3A_2074 : i32
    %sign3A_2076 = arith.extui %sign3A_2075 : i1 to i32
    %sign3A_2077 = arith.constant 0 : i32
    %sign3A_2078 = arith.cmpi slt, %jit3A_2065, %sign3A_2077 : i32
    %sign3A_2079 = arith.extui %sign3A_2078 : i1 to i32
    %sign3A_2080 = arith.subi %sign3A_2076, %sign3A_2079 : i32
    %ne3A_2081 = arith.cmpi ne, %sign3A_2073, %sign3A_2080 : i32
    %rem3A_2082 = arith.remsi %add3A_2064, %jit3A_2065 : i32
    %ne3A_2083 = arith.constant 0 : i32
    %ne3A_2084 = arith.cmpi ne, %rem3A_2082, %ne3A_2083 : i32
    %and3A_2085 = arith.andi %ne3A_2081, %ne3A_2084 : i1
    %sub3A_2086 = arith.constant 1 : i32
    %sub3A_2087 = arith.subi %div3A_2066, %sub3A_2086 : i32
    %select_n3A_2088 = arith.select %and3A_2085, %sub3A_2087, %div3A_2066 : i32
    %jit3A_2089 = arith.constant 224 : i32
    %eq3A_2090 = arith.constant 0 : i32
    %eq3A_2091 = arith.cmpi eq, %jit3A_2089, %eq3A_2090 : i32
    %jit3A_2092 = arith.constant 1 : i32
    %select_n3A_2093 = arith.select %eq3A_2091, %jit3A_2092, %jit3A_2089 : i32
    %rem3A_2094 = arith.remsi %add3A_2064, %select_n3A_2093 : i32
    %ne3A_2095 = arith.constant 0 : i32
    %ne3A_2096 = arith.cmpi ne, %rem3A_2094, %ne3A_2095 : i32
    %lt3A_2097 = arith.constant 0 : i32
    %lt3A_2098 = arith.cmpi slt, %rem3A_2094, %lt3A_2097 : i32
    %lt3A_2099 = arith.constant 0 : i32
    %lt3A_2100 = arith.cmpi slt, %select_n3A_2093, %lt3A_2099 : i32
    %ne3A_2101 = arith.xori %lt3A_2098, %lt3A_2100 : i1
    %and3A_2102 = arith.andi %ne3A_2101, %ne3A_2096 : i1
    %add3A_2103 = arith.addi %rem3A_2094, %select_n3A_2093 : i32
    %select_n3A_2104 = arith.select %and3A_2102, %add3A_2103, %rem3A_2094 : i32
    %dma_start3A_2105 = arith.constant 2 : i32
    %dma_start3A_2106 = arith.constant 2 : i32
    %dma_start3A_2107 = arith.constant 0 : i32
    %dma_start3A_2108 = arith.constant 0 : i32
    %dma_start3A_2109 = tpu.memref_slice %arg4[%dma_start3A_2105, %dma_start3A_2107, %dma_start3A_2108] : memref<4x224x128xf32, #tpu.memory_space<vmem>> -> memref<1x224x128xf32, #tpu.memory_space<vmem>>
    %dma_start3A_2110 = tpu.memref_squeeze %dma_start3A_2109 : memref<1x224x128xf32, #tpu.memory_space<vmem>> -> memref<224x128xf32, #tpu.memory_space<vmem>>
    %dma_start3A_2111 = arith.constant 0 : i32
    %dma_start3A_2112 = arith.constant 0 : i32
    %dma_start3A_2113 = tpu.memref_slice %arg2[%select_n3A_2088, %select_n3A_2104, %dma_start3A_2111, %dma_start3A_2112] : memref<3x224x224x128xf32, #tpu.memory_space<hbm>> -> memref<1x1x224x128xf32, #tpu.memory_space<hbm>>
    %dma_start3A_2114 = tpu.memref_squeeze %dma_start3A_2113 : memref<1x1x224x128xf32, #tpu.memory_space<hbm>> -> memref<224x128xf32, #tpu.memory_space<hbm>>
    %dma_start3A_2115 = tpu.memref_slice %arg5[%dma_start3A_2106] : memref<4x!tpu.dma_semaphore, #tpu.memory_space<semaphore_mem>> -> memref<1x!tpu.dma_semaphore, #tpu.memory_space<semaphore_mem>>
    %dma_start3A_2116 = tpu.memref_squeeze %dma_start3A_2115 : memref<1x!tpu.dma_semaphore, #tpu.memory_space<semaphore_mem>> -> memref<!tpu.dma_semaphore, #tpu.memory_space<semaphore_mem>>
    %dma_start3A_2117 = arith.constant 0 : i32
    %dma_start3A_2118 = arith.constant 0 : i32
    %dma_start3A_2119 = tpu.memref_slice %arg4[%dma_start3A_2105, %dma_start3A_2117, %dma_start3A_2118] : memref<4x224x128xf32, #tpu.memory_space<vmem>> -> memref<1x224x128xf32, #tpu.memory_space<vmem>>
    %dma_start3A_2120 = tpu.memref_squeeze %dma_start3A_2119 : memref<1x224x128xf32, #tpu.memory_space<vmem>> -> memref<224x128xf32, #tpu.memory_space<vmem>>
    %dma_start3A_2121 = arith.constant 0 : i32
    %dma_start3A_2122 = arith.constant 0 : i32
    %dma_start3A_2123 = tpu.memref_slice %arg2[%select_n3A_2088, %select_n3A_2104, %dma_start3A_2121, %dma_start3A_2122] : memref<3x224x224x128xf32, #tpu.memory_space<hbm>> -> memref<1x1x224x128xf32, #tpu.memory_space<hbm>>
    %dma_start3A_2124 = tpu.memref_squeeze %dma_start3A_2123 : memref<1x1x224x128xf32, #tpu.memory_space<hbm>> -> memref<224x128xf32, #tpu.memory_space<hbm>>
    tpu.enqueue_dma source(%dma_start3A_2124 : memref<224x128xf32, #tpu.memory_space<hbm>>) target(%dma_start3A_2120 : memref<224x128xf32, #tpu.memory_space<vmem>>) target_semaphore(%dma_start3A_2116 : memref<!tpu.dma_semaphore, #tpu.memory_space<semaphore_mem>>)
    %dma_wait3A_2125 = arith.constant 0 : i32
    %dma_wait3A_2126 = arith.constant 0 : i32
    %dma_wait3A_2127 = arith.constant 0 : i32
    %dma_wait3A_2128 = arith.constant 0 : i32
    %dma_wait3A_2129 = tpu.memref_slice %arg4[%dma_wait3A_2125, %dma_wait3A_2127, %dma_wait3A_2128] : memref<4x224x128xf32, #tpu.memory_space<vmem>> -> memref<1x224x128xf32, #tpu.memory_space<vmem>>
    %dma_wait3A_2130 = tpu.memref_squeeze %dma_wait3A_2129 : memref<1x224x128xf32, #tpu.memory_space<vmem>> -> memref<224x128xf32, #tpu.memory_space<vmem>>
    %dma_wait3A_2131 = arith.constant 0 : i32
    %dma_wait3A_2132 = arith.constant 0 : i32
    %dma_wait3A_2133 = tpu.memref_slice %arg2[%select_n3A_1760, %select_n3A_1776, %dma_wait3A_2131, %dma_wait3A_2132] : memref<3x224x224x128xf32, #tpu.memory_space<hbm>> -> memref<1x1x224x128xf32, #tpu.memory_space<hbm>>
    %dma_wait3A_2134 = tpu.memref_squeeze %dma_wait3A_2133 : memref<1x1x224x128xf32, #tpu.memory_space<hbm>> -> memref<224x128xf32, #tpu.memory_space<hbm>>
    %dma_wait3A_2135 = tpu.memref_slice %arg5[%dma_wait3A_2126] : memref<4x!tpu.dma_semaphore, #tpu.memory_space<semaphore_mem>> -> memref<1x!tpu.dma_semaphore, #tpu.memory_space<semaphore_mem>>
    %dma_wait3A_2136 = tpu.memref_squeeze %dma_wait3A_2135 : memref<1x!tpu.dma_semaphore, #tpu.memory_space<semaphore_mem>> -> memref<!tpu.dma_semaphore, #tpu.memory_space<semaphore_mem>>
    %dma_wait3A_2137 = arith.constant 0 : i32
    %dma_wait3A_2138 = arith.constant 0 : i32
    %dma_wait3A_2139 = tpu.memref_slice %arg4[%dma_wait3A_2125, %dma_wait3A_2137, %dma_wait3A_2138] : memref<4x224x128xf32, #tpu.memory_space<vmem>> -> memref<1x224x128xf32, #tpu.memory_space<vmem>>
    %dma_wait3A_2140 = tpu.memref_squeeze %dma_wait3A_2139 : memref<1x224x128xf32, #tpu.memory_space<vmem>> -> memref<224x128xf32, #tpu.memory_space<vmem>>
    %dma_wait3A_2141 = arith.constant 0 : i32
    %dma_wait3A_2142 = arith.constant 0 : i32
    %dma_wait3A_2143 = tpu.memref_slice %arg2[%select_n3A_1760, %select_n3A_1776, %dma_wait3A_2141, %dma_wait3A_2142] : memref<3x224x224x128xf32, #tpu.memory_space<hbm>> -> memref<1x1x224x128xf32, #tpu.memory_space<hbm>>
    %dma_wait3A_2144 = tpu.memref_squeeze %dma_wait3A_2143 : memref<1x1x224x128xf32, #tpu.memory_space<hbm>> -> memref<224x128xf32, #tpu.memory_space<hbm>>
    tpu.wait_dma2 semaphore(%dma_wait3A_2136 : memref<!tpu.dma_semaphore, #tpu.memory_space<semaphore_mem>>) src(%dma_wait3A_2144 : memref<224x128xf32, #tpu.memory_space<hbm>>) dst(%dma_wait3A_2140 : memref<224x128xf32, #tpu.memory_space<vmem>>)
    %add3A_2145 = arith.constant 12 : i32
    %add3A_2146 = arith.addi %mul3A_2, %add3A_2145 : i32
    %jit3A_2147 = arith.constant 224 : i32
    %div3A_2148 = arith.divsi %add3A_2146, %jit3A_2147 : i32
    %sign3A_2149 = arith.constant 0 : i32
    %sign3A_2150 = arith.cmpi sgt, %add3A_2146, %sign3A_2149 : i32
    %sign3A_2151 = arith.extui %sign3A_2150 : i1 to i32
    %sign3A_2152 = arith.constant 0 : i32
    %sign3A_2153 = arith.cmpi slt, %add3A_2146, %sign3A_2152 : i32
    %sign3A_2154 = arith.extui %sign3A_2153 : i1 to i32
    %sign3A_2155 = arith.subi %sign3A_2151, %sign3A_2154 : i32
    %sign3A_2156 = arith.constant 0 : i32
    %sign3A_2157 = arith.cmpi sgt, %jit3A_2147, %sign3A_2156 : i32
    %sign3A_2158 = arith.extui %sign3A_2157 : i1 to i32
    %sign3A_2159 = arith.constant 0 : i32
    %sign3A_2160 = arith.cmpi slt, %jit3A_2147, %sign3A_2159 : i32
    %sign3A_2161 = arith.extui %sign3A_2160 : i1 to i32
    %sign3A_2162 = arith.subi %sign3A_2158, %sign3A_2161 : i32
    %ne3A_2163 = arith.cmpi ne, %sign3A_2155, %sign3A_2162 : i32
    %rem3A_2164 = arith.remsi %add3A_2146, %jit3A_2147 : i32
    %ne3A_2165 = arith.constant 0 : i32
    %ne3A_2166 = arith.cmpi ne, %rem3A_2164, %ne3A_2165 : i32
    %and3A_2167 = arith.andi %ne3A_2163, %ne3A_2166 : i1
    %sub3A_2168 = arith.constant 1 : i32
    %sub3A_2169 = arith.subi %div3A_2148, %sub3A_2168 : i32
    %select_n3A_2170 = arith.select %and3A_2167, %sub3A_2169, %div3A_2148 : i32
    %jit3A_2171 = arith.constant 224 : i32
    %eq3A_2172 = arith.constant 0 : i32
    %eq3A_2173 = arith.cmpi eq, %jit3A_2171, %eq3A_2172 : i32
    %jit3A_2174 = arith.constant 1 : i32
    %select_n3A_2175 = arith.select %eq3A_2173, %jit3A_2174, %jit3A_2171 : i32
    %rem3A_2176 = arith.remsi %add3A_2146, %select_n3A_2175 : i32
    %ne3A_2177 = arith.constant 0 : i32
    %ne3A_2178 = arith.cmpi ne, %rem3A_2176, %ne3A_2177 : i32
    %lt3A_2179 = arith.constant 0 : i32
    %lt3A_2180 = arith.cmpi slt, %rem3A_2176, %lt3A_2179 : i32
    %lt3A_2181 = arith.constant 0 : i32
    %lt3A_2182 = arith.cmpi slt, %select_n3A_2175, %lt3A_2181 : i32
    %ne3A_2183 = arith.xori %lt3A_2180, %lt3A_2182 : i1
    %and3A_2184 = arith.andi %ne3A_2183, %ne3A_2178 : i1
    %add3A_2185 = arith.addi %rem3A_2176, %select_n3A_2175 : i32
    %select_n3A_2186 = arith.select %and3A_2184, %add3A_2185, %rem3A_2176 : i32
    %dma_start3A_2187 = arith.constant 0 : i32
    %dma_start3A_2188 = arith.constant 0 : i32
    %dma_start3A_2189 = arith.constant 0 : i32
    %dma_start3A_2190 = arith.constant 0 : i32
    %dma_start3A_2191 = tpu.memref_slice %arg4[%dma_start3A_2187, %dma_start3A_2189, %dma_start3A_2190] : memref<4x224x128xf32, #tpu.memory_space<vmem>> -> memref<1x224x128xf32, #tpu.memory_space<vmem>>
    %dma_start3A_2192 = tpu.memref_squeeze %dma_start3A_2191 : memref<1x224x128xf32, #tpu.memory_space<vmem>> -> memref<224x128xf32, #tpu.memory_space<vmem>>
    %dma_start3A_2193 = arith.constant 0 : i32
    %dma_start3A_2194 = arith.constant 0 : i32
    %dma_start3A_2195 = tpu.memref_slice %arg3[%select_n3A_2170, %select_n3A_2186, %dma_start3A_2193, %dma_start3A_2194] : memref<3x224x224x128xf32, #tpu.memory_space<hbm>> -> memref<1x1x224x128xf32, #tpu.memory_space<hbm>>
    %dma_start3A_2196 = tpu.memref_squeeze %dma_start3A_2195 : memref<1x1x224x128xf32, #tpu.memory_space<hbm>> -> memref<224x128xf32, #tpu.memory_space<hbm>>
    %dma_start3A_2197 = tpu.memref_slice %arg6[%dma_start3A_2188] : memref<4x!tpu.dma_semaphore, #tpu.memory_space<semaphore_mem>> -> memref<1x!tpu.dma_semaphore, #tpu.memory_space<semaphore_mem>>
    %dma_start3A_2198 = tpu.memref_squeeze %dma_start3A_2197 : memref<1x!tpu.dma_semaphore, #tpu.memory_space<semaphore_mem>> -> memref<!tpu.dma_semaphore, #tpu.memory_space<semaphore_mem>>
    %dma_start3A_2199 = arith.constant 0 : i32
    %dma_start3A_2200 = arith.constant 0 : i32
    %dma_start3A_2201 = tpu.memref_slice %arg3[%select_n3A_2170, %select_n3A_2186, %dma_start3A_2199, %dma_start3A_2200] : memref<3x224x224x128xf32, #tpu.memory_space<hbm>> -> memref<1x1x224x128xf32, #tpu.memory_space<hbm>>
    %dma_start3A_2202 = tpu.memref_squeeze %dma_start3A_2201 : memref<1x1x224x128xf32, #tpu.memory_space<hbm>> -> memref<224x128xf32, #tpu.memory_space<hbm>>
    %dma_start3A_2203 = arith.constant 0 : i32
    %dma_start3A_2204 = arith.constant 0 : i32
    %dma_start3A_2205 = tpu.memref_slice %arg4[%dma_start3A_2187, %dma_start3A_2203, %dma_start3A_2204] : memref<4x224x128xf32, #tpu.memory_space<vmem>> -> memref<1x224x128xf32, #tpu.memory_space<vmem>>
    %dma_start3A_2206 = tpu.memref_squeeze %dma_start3A_2205 : memref<1x224x128xf32, #tpu.memory_space<vmem>> -> memref<224x128xf32, #tpu.memory_space<vmem>>
    tpu.enqueue_dma source(%dma_start3A_2206 : memref<224x128xf32, #tpu.memory_space<vmem>>) target(%dma_start3A_2202 : memref<224x128xf32, #tpu.memory_space<hbm>>) target_semaphore(%dma_start3A_2198 : memref<!tpu.dma_semaphore, #tpu.memory_space<semaphore_mem>>)
    %dma_wait3A_2207 = arith.constant 3 : i32
    %dma_wait3A_2208 = arith.constant 3 : i32
    %dma_wait3A_2209 = arith.constant 0 : i32
    %dma_wait3A_2210 = arith.constant 0 : i32
    %dma_wait3A_2211 = tpu.memref_slice %arg4[%dma_wait3A_2207, %dma_wait3A_2209, %dma_wait3A_2210] : memref<4x224x128xf32, #tpu.memory_space<vmem>> -> memref<1x224x128xf32, #tpu.memory_space<vmem>>
    %dma_wait3A_2212 = tpu.memref_squeeze %dma_wait3A_2211 : memref<1x224x128xf32, #tpu.memory_space<vmem>> -> memref<224x128xf32, #tpu.memory_space<vmem>>
    %dma_wait3A_2213 = arith.constant 0 : i32
    %dma_wait3A_2214 = arith.constant 0 : i32
    %dma_wait3A_2215 = tpu.memref_slice %arg3[%select_n3A_2006, %select_n3A_2022, %dma_wait3A_2213, %dma_wait3A_2214] : memref<3x224x224x128xf32, #tpu.memory_space<hbm>> -> memref<1x1x224x128xf32, #tpu.memory_space<hbm>>
    %dma_wait3A_2216 = tpu.memref_squeeze %dma_wait3A_2215 : memref<1x1x224x128xf32, #tpu.memory_space<hbm>> -> memref<224x128xf32, #tpu.memory_space<hbm>>
    %dma_wait3A_2217 = tpu.memref_slice %arg6[%dma_wait3A_2208] : memref<4x!tpu.dma_semaphore, #tpu.memory_space<semaphore_mem>> -> memref<1x!tpu.dma_semaphore, #tpu.memory_space<semaphore_mem>>
    %dma_wait3A_2218 = tpu.memref_squeeze %dma_wait3A_2217 : memref<1x!tpu.dma_semaphore, #tpu.memory_space<semaphore_mem>> -> memref<!tpu.dma_semaphore, #tpu.memory_space<semaphore_mem>>
    %dma_wait3A_2219 = arith.constant 0 : i32
    %dma_wait3A_2220 = arith.constant 0 : i32
    %dma_wait3A_2221 = tpu.memref_slice %arg3[%select_n3A_2006, %select_n3A_2022, %dma_wait3A_2219, %dma_wait3A_2220] : memref<3x224x224x128xf32, #tpu.memory_space<hbm>> -> memref<1x1x224x128xf32, #tpu.memory_space<hbm>>
    %dma_wait3A_2222 = tpu.memref_squeeze %dma_wait3A_2221 : memref<1x1x224x128xf32, #tpu.memory_space<hbm>> -> memref<224x128xf32, #tpu.memory_space<hbm>>
    %dma_wait3A_2223 = arith.constant 0 : i32
    %dma_wait3A_2224 = arith.constant 0 : i32
    %dma_wait3A_2225 = tpu.memref_slice %arg4[%dma_wait3A_2207, %dma_wait3A_2223, %dma_wait3A_2224] : memref<4x224x128xf32, #tpu.memory_space<vmem>> -> memref<1x224x128xf32, #tpu.memory_space<vmem>>
    %dma_wait3A_2226 = tpu.memref_squeeze %dma_wait3A_2225 : memref<1x224x128xf32, #tpu.memory_space<vmem>> -> memref<224x128xf32, #tpu.memory_space<vmem>>
    tpu.wait_dma2 semaphore(%dma_wait3A_2218 : memref<!tpu.dma_semaphore, #tpu.memory_space<semaphore_mem>>) src(%dma_wait3A_2226 : memref<224x128xf32, #tpu.memory_space<vmem>>) dst(%dma_wait3A_2222 : memref<224x128xf32, #tpu.memory_space<hbm>>)
    %add3A_2227 = arith.constant 15 : i32
    %add3A_2228 = arith.addi %mul3A_2, %add3A_2227 : i32
    %jit3A_2229 = arith.constant 224 : i32
    %div3A_2230 = arith.divsi %add3A_2228, %jit3A_2229 : i32
    %sign3A_2231 = arith.constant 0 : i32
    %sign3A_2232 = arith.cmpi sgt, %add3A_2228, %sign3A_2231 : i32
    %sign3A_2233 = arith.extui %sign3A_2232 : i1 to i32
    %sign3A_2234 = arith.constant 0 : i32
    %sign3A_2235 = arith.cmpi slt, %add3A_2228, %sign3A_2234 : i32
    %sign3A_2236 = arith.extui %sign3A_2235 : i1 to i32
    %sign3A_2237 = arith.subi %sign3A_2233, %sign3A_2236 : i32
    %sign3A_2238 = arith.constant 0 : i32
    %sign3A_2239 = arith.cmpi sgt, %jit3A_2229, %sign3A_2238 : i32
    %sign3A_2240 = arith.extui %sign3A_2239 : i1 to i32
    %sign3A_2241 = arith.constant 0 : i32
    %sign3A_2242 = arith.cmpi slt, %jit3A_2229, %sign3A_2241 : i32
    %sign3A_2243 = arith.extui %sign3A_2242 : i1 to i32
    %sign3A_2244 = arith.subi %sign3A_2240, %sign3A_2243 : i32
    %ne3A_2245 = arith.cmpi ne, %sign3A_2237, %sign3A_2244 : i32
    %rem3A_2246 = arith.remsi %add3A_2228, %jit3A_2229 : i32
    %ne3A_2247 = arith.constant 0 : i32
    %ne3A_2248 = arith.cmpi ne, %rem3A_2246, %ne3A_2247 : i32
    %and3A_2249 = arith.andi %ne3A_2245, %ne3A_2248 : i1
    %sub3A_2250 = arith.constant 1 : i32
    %sub3A_2251 = arith.subi %div3A_2230, %sub3A_2250 : i32
    %select_n3A_2252 = arith.select %and3A_2249, %sub3A_2251, %div3A_2230 : i32
    %jit3A_2253 = arith.constant 224 : i32
    %eq3A_2254 = arith.constant 0 : i32
    %eq3A_2255 = arith.cmpi eq, %jit3A_2253, %eq3A_2254 : i32
    %jit3A_2256 = arith.constant 1 : i32
    %select_n3A_2257 = arith.select %eq3A_2255, %jit3A_2256, %jit3A_2253 : i32
    %rem3A_2258 = arith.remsi %add3A_2228, %select_n3A_2257 : i32
    %ne3A_2259 = arith.constant 0 : i32
    %ne3A_2260 = arith.cmpi ne, %rem3A_2258, %ne3A_2259 : i32
    %lt3A_2261 = arith.constant 0 : i32
    %lt3A_2262 = arith.cmpi slt, %rem3A_2258, %lt3A_2261 : i32
    %lt3A_2263 = arith.constant 0 : i32
    %lt3A_2264 = arith.cmpi slt, %select_n3A_2257, %lt3A_2263 : i32
    %ne3A_2265 = arith.xori %lt3A_2262, %lt3A_2264 : i1
    %and3A_2266 = arith.andi %ne3A_2265, %ne3A_2260 : i1
    %add3A_2267 = arith.addi %rem3A_2258, %select_n3A_2257 : i32
    %select_n3A_2268 = arith.select %and3A_2266, %add3A_2267, %rem3A_2258 : i32
    %dma_start3A_2269 = arith.constant 3 : i32
    %dma_start3A_2270 = arith.constant 3 : i32
    %dma_start3A_2271 = arith.constant 0 : i32
    %dma_start3A_2272 = arith.constant 0 : i32
    %dma_start3A_2273 = tpu.memref_slice %arg4[%dma_start3A_2269, %dma_start3A_2271, %dma_start3A_2272] : memref<4x224x128xf32, #tpu.memory_space<vmem>> -> memref<1x224x128xf32, #tpu.memory_space<vmem>>
    %dma_start3A_2274 = tpu.memref_squeeze %dma_start3A_2273 : memref<1x224x128xf32, #tpu.memory_space<vmem>> -> memref<224x128xf32, #tpu.memory_space<vmem>>
    %dma_start3A_2275 = arith.constant 0 : i32
    %dma_start3A_2276 = arith.constant 0 : i32
    %dma_start3A_2277 = tpu.memref_slice %arg2[%select_n3A_2252, %select_n3A_2268, %dma_start3A_2275, %dma_start3A_2276] : memref<3x224x224x128xf32, #tpu.memory_space<hbm>> -> memref<1x1x224x128xf32, #tpu.memory_space<hbm>>
    %dma_start3A_2278 = tpu.memref_squeeze %dma_start3A_2277 : memref<1x1x224x128xf32, #tpu.memory_space<hbm>> -> memref<224x128xf32, #tpu.memory_space<hbm>>
    %dma_start3A_2279 = tpu.memref_slice %arg5[%dma_start3A_2270] : memref<4x!tpu.dma_semaphore, #tpu.memory_space<semaphore_mem>> -> memref<1x!tpu.dma_semaphore, #tpu.memory_space<semaphore_mem>>
    %dma_start3A_2280 = tpu.memref_squeeze %dma_start3A_2279 : memref<1x!tpu.dma_semaphore, #tpu.memory_space<semaphore_mem>> -> memref<!tpu.dma_semaphore, #tpu.memory_space<semaphore_mem>>
    %dma_start3A_2281 = arith.constant 0 : i32
    %dma_start3A_2282 = arith.constant 0 : i32
    %dma_start3A_2283 = tpu.memref_slice %arg4[%dma_start3A_2269, %dma_start3A_2281, %dma_start3A_2282] : memref<4x224x128xf32, #tpu.memory_space<vmem>> -> memref<1x224x128xf32, #tpu.memory_space<vmem>>
    %dma_start3A_2284 = tpu.memref_squeeze %dma_start3A_2283 : memref<1x224x128xf32, #tpu.memory_space<vmem>> -> memref<224x128xf32, #tpu.memory_space<vmem>>
    %dma_start3A_2285 = arith.constant 0 : i32
    %dma_start3A_2286 = arith.constant 0 : i32
    %dma_start3A_2287 = tpu.memref_slice %arg2[%select_n3A_2252, %select_n3A_2268, %dma_start3A_2285, %dma_start3A_2286] : memref<3x224x224x128xf32, #tpu.memory_space<hbm>> -> memref<1x1x224x128xf32, #tpu.memory_space<hbm>>
    %dma_start3A_2288 = tpu.memref_squeeze %dma_start3A_2287 : memref<1x1x224x128xf32, #tpu.memory_space<hbm>> -> memref<224x128xf32, #tpu.memory_space<hbm>>
    tpu.enqueue_dma source(%dma_start3A_2288 : memref<224x128xf32, #tpu.memory_space<hbm>>) target(%dma_start3A_2284 : memref<224x128xf32, #tpu.memory_space<vmem>>) target_semaphore(%dma_start3A_2280 : memref<!tpu.dma_semaphore, #tpu.memory_space<semaphore_mem>>)
    %dma_wait3A_2289 = arith.constant 1 : i32
    %dma_wait3A_2290 = arith.constant 1 : i32
    %dma_wait3A_2291 = arith.constant 0 : i32
    %dma_wait3A_2292 = arith.constant 0 : i32
    %dma_wait3A_2293 = tpu.memref_slice %arg4[%dma_wait3A_2289, %dma_wait3A_2291, %dma_wait3A_2292] : memref<4x224x128xf32, #tpu.memory_space<vmem>> -> memref<1x224x128xf32, #tpu.memory_space<vmem>>
    %dma_wait3A_2294 = tpu.memref_squeeze %dma_wait3A_2293 : memref<1x224x128xf32, #tpu.memory_space<vmem>> -> memref<224x128xf32, #tpu.memory_space<vmem>>
    %dma_wait3A_2295 = arith.constant 0 : i32
    %dma_wait3A_2296 = arith.constant 0 : i32
    %dma_wait3A_2297 = tpu.memref_slice %arg2[%select_n3A_1924, %select_n3A_1940, %dma_wait3A_2295, %dma_wait3A_2296] : memref<3x224x224x128xf32, #tpu.memory_space<hbm>> -> memref<1x1x224x128xf32, #tpu.memory_space<hbm>>
    %dma_wait3A_2298 = tpu.memref_squeeze %dma_wait3A_2297 : memref<1x1x224x128xf32, #tpu.memory_space<hbm>> -> memref<224x128xf32, #tpu.memory_space<hbm>>
    %dma_wait3A_2299 = tpu.memref_slice %arg5[%dma_wait3A_2290] : memref<4x!tpu.dma_semaphore, #tpu.memory_space<semaphore_mem>> -> memref<1x!tpu.dma_semaphore, #tpu.memory_space<semaphore_mem>>
    %dma_wait3A_2300 = tpu.memref_squeeze %dma_wait3A_2299 : memref<1x!tpu.dma_semaphore, #tpu.memory_space<semaphore_mem>> -> memref<!tpu.dma_semaphore, #tpu.memory_space<semaphore_mem>>
    %dma_wait3A_2301 = arith.constant 0 : i32
    %dma_wait3A_2302 = arith.constant 0 : i32
    %dma_wait3A_2303 = tpu.memref_slice %arg4[%dma_wait3A_2289, %dma_wait3A_2301, %dma_wait3A_2302] : memref<4x224x128xf32, #tpu.memory_space<vmem>> -> memref<1x224x128xf32, #tpu.memory_space<vmem>>
    %dma_wait3A_2304 = tpu.memref_squeeze %dma_wait3A_2303 : memref<1x224x128xf32, #tpu.memory_space<vmem>> -> memref<224x128xf32, #tpu.memory_space<vmem>>
    %dma_wait3A_2305 = arith.constant 0 : i32
    %dma_wait3A_2306 = arith.constant 0 : i32
    %dma_wait3A_2307 = tpu.memref_slice %arg2[%select_n3A_1924, %select_n3A_1940, %dma_wait3A_2305, %dma_wait3A_2306] : memref<3x224x224x128xf32, #tpu.memory_space<hbm>> -> memref<1x1x224x128xf32, #tpu.memory_space<hbm>>
    %dma_wait3A_2308 = tpu.memref_squeeze %dma_wait3A_2307 : memref<1x1x224x128xf32, #tpu.memory_space<hbm>> -> memref<224x128xf32, #tpu.memory_space<hbm>>
    tpu.wait_dma2 semaphore(%dma_wait3A_2300 : memref<!tpu.dma_semaphore, #tpu.memory_space<semaphore_mem>>) src(%dma_wait3A_2308 : memref<224x128xf32, #tpu.memory_space<hbm>>) dst(%dma_wait3A_2304 : memref<224x128xf32, #tpu.memory_space<vmem>>)
    %add3A_2309 = arith.constant 13 : i32
    %add3A_2310 = arith.addi %mul3A_2, %add3A_2309 : i32
    %jit3A_2311 = arith.constant 224 : i32
    %div3A_2312 = arith.divsi %add3A_2310, %jit3A_2311 : i32
    %sign3A_2313 = arith.constant 0 : i32
    %sign3A_2314 = arith.cmpi sgt, %add3A_2310, %sign3A_2313 : i32
    %sign3A_2315 = arith.extui %sign3A_2314 : i1 to i32
    %sign3A_2316 = arith.constant 0 : i32
    %sign3A_2317 = arith.cmpi slt, %add3A_2310, %sign3A_2316 : i32
    %sign3A_2318 = arith.extui %sign3A_2317 : i1 to i32
    %sign3A_2319 = arith.subi %sign3A_2315, %sign3A_2318 : i32
    %sign3A_2320 = arith.constant 0 : i32
    %sign3A_2321 = arith.cmpi sgt, %jit3A_2311, %sign3A_2320 : i32
    %sign3A_2322 = arith.extui %sign3A_2321 : i1 to i32
    %sign3A_2323 = arith.constant 0 : i32
    %sign3A_2324 = arith.cmpi slt, %jit3A_2311, %sign3A_2323 : i32
    %sign3A_2325 = arith.extui %sign3A_2324 : i1 to i32
    %sign3A_2326 = arith.subi %sign3A_2322, %sign3A_2325 : i32
    %ne3A_2327 = arith.cmpi ne, %sign3A_2319, %sign3A_2326 : i32
    %rem3A_2328 = arith.remsi %add3A_2310, %jit3A_2311 : i32
    %ne3A_2329 = arith.constant 0 : i32
    %ne3A_2330 = arith.cmpi ne, %rem3A_2328, %ne3A_2329 : i32
    %and3A_2331 = arith.andi %ne3A_2327, %ne3A_2330 : i1
    %sub3A_2332 = arith.constant 1 : i32
    %sub3A_2333 = arith.subi %div3A_2312, %sub3A_2332 : i32
    %select_n3A_2334 = arith.select %and3A_2331, %sub3A_2333, %div3A_2312 : i32
    %jit3A_2335 = arith.constant 224 : i32
    %eq3A_2336 = arith.constant 0 : i32
    %eq3A_2337 = arith.cmpi eq, %jit3A_2335, %eq3A_2336 : i32
    %jit3A_2338 = arith.constant 1 : i32
    %select_n3A_2339 = arith.select %eq3A_2337, %jit3A_2338, %jit3A_2335 : i32
    %rem3A_2340 = arith.remsi %add3A_2310, %select_n3A_2339 : i32
    %ne3A_2341 = arith.constant 0 : i32
    %ne3A_2342 = arith.cmpi ne, %rem3A_2340, %ne3A_2341 : i32
    %lt3A_2343 = arith.constant 0 : i32
    %lt3A_2344 = arith.cmpi slt, %rem3A_2340, %lt3A_2343 : i32
    %lt3A_2345 = arith.constant 0 : i32
    %lt3A_2346 = arith.cmpi slt, %select_n3A_2339, %lt3A_2345 : i32
    %ne3A_2347 = arith.xori %lt3A_2344, %lt3A_2346 : i1
    %and3A_2348 = arith.andi %ne3A_2347, %ne3A_2342 : i1
    %add3A_2349 = arith.addi %rem3A_2340, %select_n3A_2339 : i32
    %select_n3A_2350 = arith.select %and3A_2348, %add3A_2349, %rem3A_2340 : i32
    %dma_start3A_2351 = arith.constant 1 : i32
    %dma_start3A_2352 = arith.constant 1 : i32
    %dma_start3A_2353 = arith.constant 0 : i32
    %dma_start3A_2354 = arith.constant 0 : i32
    %dma_start3A_2355 = tpu.memref_slice %arg4[%dma_start3A_2351, %dma_start3A_2353, %dma_start3A_2354] : memref<4x224x128xf32, #tpu.memory_space<vmem>> -> memref<1x224x128xf32, #tpu.memory_space<vmem>>
    %dma_start3A_2356 = tpu.memref_squeeze %dma_start3A_2355 : memref<1x224x128xf32, #tpu.memory_space<vmem>> -> memref<224x128xf32, #tpu.memory_space<vmem>>
    %dma_start3A_2357 = arith.constant 0 : i32
    %dma_start3A_2358 = arith.constant 0 : i32
    %dma_start3A_2359 = tpu.memref_slice %arg3[%select_n3A_2334, %select_n3A_2350, %dma_start3A_2357, %dma_start3A_2358] : memref<3x224x224x128xf32, #tpu.memory_space<hbm>> -> memref<1x1x224x128xf32, #tpu.memory_space<hbm>>
    %dma_start3A_2360 = tpu.memref_squeeze %dma_start3A_2359 : memref<1x1x224x128xf32, #tpu.memory_space<hbm>> -> memref<224x128xf32, #tpu.memory_space<hbm>>
    %dma_start3A_2361 = tpu.memref_slice %arg6[%dma_start3A_2352] : memref<4x!tpu.dma_semaphore, #tpu.memory_space<semaphore_mem>> -> memref<1x!tpu.dma_semaphore, #tpu.memory_space<semaphore_mem>>
    %dma_start3A_2362 = tpu.memref_squeeze %dma_start3A_2361 : memref<1x!tpu.dma_semaphore, #tpu.memory_space<semaphore_mem>> -> memref<!tpu.dma_semaphore, #tpu.memory_space<semaphore_mem>>
    %dma_start3A_2363 = arith.constant 0 : i32
    %dma_start3A_2364 = arith.constant 0 : i32
    %dma_start3A_2365 = tpu.memref_slice %arg3[%select_n3A_2334, %select_n3A_2350, %dma_start3A_2363, %dma_start3A_2364] : memref<3x224x224x128xf32, #tpu.memory_space<hbm>> -> memref<1x1x224x128xf32, #tpu.memory_space<hbm>>
    %dma_start3A_2366 = tpu.memref_squeeze %dma_start3A_2365 : memref<1x1x224x128xf32, #tpu.memory_space<hbm>> -> memref<224x128xf32, #tpu.memory_space<hbm>>
    %dma_start3A_2367 = arith.constant 0 : i32
    %dma_start3A_2368 = arith.constant 0 : i32
    %dma_start3A_2369 = tpu.memref_slice %arg4[%dma_start3A_2351, %dma_start3A_2367, %dma_start3A_2368] : memref<4x224x128xf32, #tpu.memory_space<vmem>> -> memref<1x224x128xf32, #tpu.memory_space<vmem>>
    %dma_start3A_2370 = tpu.memref_squeeze %dma_start3A_2369 : memref<1x224x128xf32, #tpu.memory_space<vmem>> -> memref<224x128xf32, #tpu.memory_space<vmem>>
    tpu.enqueue_dma source(%dma_start3A_2370 : memref<224x128xf32, #tpu.memory_space<vmem>>) target(%dma_start3A_2366 : memref<224x128xf32, #tpu.memory_space<hbm>>) target_semaphore(%dma_start3A_2362 : memref<!tpu.dma_semaphore, #tpu.memory_space<semaphore_mem>>)
    %dma_wait3A_2371 = arith.constant 0 : i32
    %dma_wait3A_2372 = arith.constant 0 : i32
    %dma_wait3A_2373 = arith.constant 0 : i32
    %dma_wait3A_2374 = arith.constant 0 : i32
    %dma_wait3A_2375 = tpu.memref_slice %arg4[%dma_wait3A_2371, %dma_wait3A_2373, %dma_wait3A_2374] : memref<4x224x128xf32, #tpu.memory_space<vmem>> -> memref<1x224x128xf32, #tpu.memory_space<vmem>>
    %dma_wait3A_2376 = tpu.memref_squeeze %dma_wait3A_2375 : memref<1x224x128xf32, #tpu.memory_space<vmem>> -> memref<224x128xf32, #tpu.memory_space<vmem>>
    %dma_wait3A_2377 = arith.constant 0 : i32
    %dma_wait3A_2378 = arith.constant 0 : i32
    %dma_wait3A_2379 = tpu.memref_slice %arg3[%select_n3A_2170, %select_n3A_2186, %dma_wait3A_2377, %dma_wait3A_2378] : memref<3x224x224x128xf32, #tpu.memory_space<hbm>> -> memref<1x1x224x128xf32, #tpu.memory_space<hbm>>
    %dma_wait3A_2380 = tpu.memref_squeeze %dma_wait3A_2379 : memref<1x1x224x128xf32, #tpu.memory_space<hbm>> -> memref<224x128xf32, #tpu.memory_space<hbm>>
    %dma_wait3A_2381 = tpu.memref_slice %arg6[%dma_wait3A_2372] : memref<4x!tpu.dma_semaphore, #tpu.memory_space<semaphore_mem>> -> memref<1x!tpu.dma_semaphore, #tpu.memory_space<semaphore_mem>>
    %dma_wait3A_2382 = tpu.memref_squeeze %dma_wait3A_2381 : memref<1x!tpu.dma_semaphore, #tpu.memory_space<semaphore_mem>> -> memref<!tpu.dma_semaphore, #tpu.memory_space<semaphore_mem>>
    %dma_wait3A_2383 = arith.constant 0 : i32
    %dma_wait3A_2384 = arith.constant 0 : i32
    %dma_wait3A_2385 = tpu.memref_slice %arg3[%select_n3A_2170, %select_n3A_2186, %dma_wait3A_2383, %dma_wait3A_2384] : memref<3x224x224x128xf32, #tpu.memory_space<hbm>> -> memref<1x1x224x128xf32, #tpu.memory_space<hbm>>
    %dma_wait3A_2386 = tpu.memref_squeeze %dma_wait3A_2385 : memref<1x1x224x128xf32, #tpu.memory_space<hbm>> -> memref<224x128xf32, #tpu.memory_space<hbm>>
    %dma_wait3A_2387 = arith.constant 0 : i32
    %dma_wait3A_2388 = arith.constant 0 : i32
    %dma_wait3A_2389 = tpu.memref_slice %arg4[%dma_wait3A_2371, %dma_wait3A_2387, %dma_wait3A_2388] : memref<4x224x128xf32, #tpu.memory_space<vmem>> -> memref<1x224x128xf32, #tpu.memory_space<vmem>>
    %dma_wait3A_2390 = tpu.memref_squeeze %dma_wait3A_2389 : memref<1x224x128xf32, #tpu.memory_space<vmem>> -> memref<224x128xf32, #tpu.memory_space<vmem>>
    tpu.wait_dma2 semaphore(%dma_wait3A_2382 : memref<!tpu.dma_semaphore, #tpu.memory_space<semaphore_mem>>) src(%dma_wait3A_2390 : memref<224x128xf32, #tpu.memory_space<vmem>>) dst(%dma_wait3A_2386 : memref<224x128xf32, #tpu.memory_space<hbm>>)
    %add3A_2391 = arith.constant 16 : i32
    %add3A_2392 = arith.addi %mul3A_2, %add3A_2391 : i32
    %jit3A_2393 = arith.constant 224 : i32
    %div3A_2394 = arith.divsi %add3A_2392, %jit3A_2393 : i32
    %sign3A_2395 = arith.constant 0 : i32
    %sign3A_2396 = arith.cmpi sgt, %add3A_2392, %sign3A_2395 : i32
    %sign3A_2397 = arith.extui %sign3A_2396 : i1 to i32
    %sign3A_2398 = arith.constant 0 : i32
    %sign3A_2399 = arith.cmpi slt, %add3A_2392, %sign3A_2398 : i32
    %sign3A_2400 = arith.extui %sign3A_2399 : i1 to i32
    %sign3A_2401 = arith.subi %sign3A_2397, %sign3A_2400 : i32
    %sign3A_2402 = arith.constant 0 : i32
    %sign3A_2403 = arith.cmpi sgt, %jit3A_2393, %sign3A_2402 : i32
    %sign3A_2404 = arith.extui %sign3A_2403 : i1 to i32
    %sign3A_2405 = arith.constant 0 : i32
    %sign3A_2406 = arith.cmpi slt, %jit3A_2393, %sign3A_2405 : i32
    %sign3A_2407 = arith.extui %sign3A_2406 : i1 to i32
    %sign3A_2408 = arith.subi %sign3A_2404, %sign3A_2407 : i32
    %ne3A_2409 = arith.cmpi ne, %sign3A_2401, %sign3A_2408 : i32
    %rem3A_2410 = arith.remsi %add3A_2392, %jit3A_2393 : i32
    %ne3A_2411 = arith.constant 0 : i32
    %ne3A_2412 = arith.cmpi ne, %rem3A_2410, %ne3A_2411 : i32
    %and3A_2413 = arith.andi %ne3A_2409, %ne3A_2412 : i1
    %sub3A_2414 = arith.constant 1 : i32
    %sub3A_2415 = arith.subi %div3A_2394, %sub3A_2414 : i32
    %select_n3A_2416 = arith.select %and3A_2413, %sub3A_2415, %div3A_2394 : i32
    %jit3A_2417 = arith.constant 224 : i32
    %eq3A_2418 = arith.constant 0 : i32
    %eq3A_2419 = arith.cmpi eq, %jit3A_2417, %eq3A_2418 : i32
    %jit3A_2420 = arith.constant 1 : i32
    %select_n3A_2421 = arith.select %eq3A_2419, %jit3A_2420, %jit3A_2417 : i32
    %rem3A_2422 = arith.remsi %add3A_2392, %select_n3A_2421 : i32
    %ne3A_2423 = arith.constant 0 : i32
    %ne3A_2424 = arith.cmpi ne, %rem3A_2422, %ne3A_2423 : i32
    %lt3A_2425 = arith.constant 0 : i32
    %lt3A_2426 = arith.cmpi slt, %rem3A_2422, %lt3A_2425 : i32
    %lt3A_2427 = arith.constant 0 : i32
    %lt3A_2428 = arith.cmpi slt, %select_n3A_2421, %lt3A_2427 : i32
    %ne3A_2429 = arith.xori %lt3A_2426, %lt3A_2428 : i1
    %and3A_2430 = arith.andi %ne3A_2429, %ne3A_2424 : i1
    %add3A_2431 = arith.addi %rem3A_2422, %select_n3A_2421 : i32
    %select_n3A_2432 = arith.select %and3A_2430, %add3A_2431, %rem3A_2422 : i32
    %dma_start3A_2433 = arith.constant 0 : i32
    %dma_start3A_2434 = arith.constant 0 : i32
    %dma_start3A_2435 = arith.constant 0 : i32
    %dma_start3A_2436 = arith.constant 0 : i32
    %dma_start3A_2437 = tpu.memref_slice %arg4[%dma_start3A_2433, %dma_start3A_2435, %dma_start3A_2436] : memref<4x224x128xf32, #tpu.memory_space<vmem>> -> memref<1x224x128xf32, #tpu.memory_space<vmem>>
    %dma_start3A_2438 = tpu.memref_squeeze %dma_start3A_2437 : memref<1x224x128xf32, #tpu.memory_space<vmem>> -> memref<224x128xf32, #tpu.memory_space<vmem>>
    %dma_start3A_2439 = arith.constant 0 : i32
    %dma_start3A_2440 = arith.constant 0 : i32
    %dma_start3A_2441 = tpu.memref_slice %arg2[%select_n3A_2416, %select_n3A_2432, %dma_start3A_2439, %dma_start3A_2440] : memref<3x224x224x128xf32, #tpu.memory_space<hbm>> -> memref<1x1x224x128xf32, #tpu.memory_space<hbm>>
    %dma_start3A_2442 = tpu.memref_squeeze %dma_start3A_2441 : memref<1x1x224x128xf32, #tpu.memory_space<hbm>> -> memref<224x128xf32, #tpu.memory_space<hbm>>
    %dma_start3A_2443 = tpu.memref_slice %arg5[%dma_start3A_2434] : memref<4x!tpu.dma_semaphore, #tpu.memory_space<semaphore_mem>> -> memref<1x!tpu.dma_semaphore, #tpu.memory_space<semaphore_mem>>
    %dma_start3A_2444 = tpu.memref_squeeze %dma_start3A_2443 : memref<1x!tpu.dma_semaphore, #tpu.memory_space<semaphore_mem>> -> memref<!tpu.dma_semaphore, #tpu.memory_space<semaphore_mem>>
    %dma_start3A_2445 = arith.constant 0 : i32
    %dma_start3A_2446 = arith.constant 0 : i32
    %dma_start3A_2447 = tpu.memref_slice %arg4[%dma_start3A_2433, %dma_start3A_2445, %dma_start3A_2446] : memref<4x224x128xf32, #tpu.memory_space<vmem>> -> memref<1x224x128xf32, #tpu.memory_space<vmem>>
    %dma_start3A_2448 = tpu.memref_squeeze %dma_start3A_2447 : memref<1x224x128xf32, #tpu.memory_space<vmem>> -> memref<224x128xf32, #tpu.memory_space<vmem>>
    %dma_start3A_2449 = arith.constant 0 : i32
    %dma_start3A_2450 = arith.constant 0 : i32
    %dma_start3A_2451 = tpu.memref_slice %arg2[%select_n3A_2416, %select_n3A_2432, %dma_start3A_2449, %dma_start3A_2450] : memref<3x224x224x128xf32, #tpu.memory_space<hbm>> -> memref<1x1x224x128xf32, #tpu.memory_space<hbm>>
    %dma_start3A_2452 = tpu.memref_squeeze %dma_start3A_2451 : memref<1x1x224x128xf32, #tpu.memory_space<hbm>> -> memref<224x128xf32, #tpu.memory_space<hbm>>
    tpu.enqueue_dma source(%dma_start3A_2452 : memref<224x128xf32, #tpu.memory_space<hbm>>) target(%dma_start3A_2448 : memref<224x128xf32, #tpu.memory_space<vmem>>) target_semaphore(%dma_start3A_2444 : memref<!tpu.dma_semaphore, #tpu.memory_space<semaphore_mem>>)
    %dma_wait3A_2453 = arith.constant 2 : i32
    %dma_wait3A_2454 = arith.constant 2 : i32
    %dma_wait3A_2455 = arith.constant 0 : i32
    %dma_wait3A_2456 = arith.constant 0 : i32
    %dma_wait3A_2457 = tpu.memref_slice %arg4[%dma_wait3A_2453, %dma_wait3A_2455, %dma_wait3A_2456] : memref<4x224x128xf32, #tpu.memory_space<vmem>> -> memref<1x224x128xf32, #tpu.memory_space<vmem>>
    %dma_wait3A_2458 = tpu.memref_squeeze %dma_wait3A_2457 : memref<1x224x128xf32, #tpu.memory_space<vmem>> -> memref<224x128xf32, #tpu.memory_space<vmem>>
    %dma_wait3A_2459 = arith.constant 0 : i32
    %dma_wait3A_2460 = arith.constant 0 : i32
    %dma_wait3A_2461 = tpu.memref_slice %arg2[%select_n3A_2088, %select_n3A_2104, %dma_wait3A_2459, %dma_wait3A_2460] : memref<3x224x224x128xf32, #tpu.memory_space<hbm>> -> memref<1x1x224x128xf32, #tpu.memory_space<hbm>>
    %dma_wait3A_2462 = tpu.memref_squeeze %dma_wait3A_2461 : memref<1x1x224x128xf32, #tpu.memory_space<hbm>> -> memref<224x128xf32, #tpu.memory_space<hbm>>
    %dma_wait3A_2463 = tpu.memref_slice %arg5[%dma_wait3A_2454] : memref<4x!tpu.dma_semaphore, #tpu.memory_space<semaphore_mem>> -> memref<1x!tpu.dma_semaphore, #tpu.memory_space<semaphore_mem>>
    %dma_wait3A_2464 = tpu.memref_squeeze %dma_wait3A_2463 : memref<1x!tpu.dma_semaphore, #tpu.memory_space<semaphore_mem>> -> memref<!tpu.dma_semaphore, #tpu.memory_space<semaphore_mem>>
    %dma_wait3A_2465 = arith.constant 0 : i32
    %dma_wait3A_2466 = arith.constant 0 : i32
    %dma_wait3A_2467 = tpu.memref_slice %arg4[%dma_wait3A_2453, %dma_wait3A_2465, %dma_wait3A_2466] : memref<4x224x128xf32, #tpu.memory_space<vmem>> -> memref<1x224x128xf32, #tpu.memory_space<vmem>>
    %dma_wait3A_2468 = tpu.memref_squeeze %dma_wait3A_2467 : memref<1x224x128xf32, #tpu.memory_space<vmem>> -> memref<224x128xf32, #tpu.memory_space<vmem>>
    %dma_wait3A_2469 = arith.constant 0 : i32
    %dma_wait3A_2470 = arith.constant 0 : i32
    %dma_wait3A_2471 = tpu.memref_slice %arg2[%select_n3A_2088, %select_n3A_2104, %dma_wait3A_2469, %dma_wait3A_2470] : memref<3x224x224x128xf32, #tpu.memory_space<hbm>> -> memref<1x1x224x128xf32, #tpu.memory_space<hbm>>
    %dma_wait3A_2472 = tpu.memref_squeeze %dma_wait3A_2471 : memref<1x1x224x128xf32, #tpu.memory_space<hbm>> -> memref<224x128xf32, #tpu.memory_space<hbm>>
    tpu.wait_dma2 semaphore(%dma_wait3A_2464 : memref<!tpu.dma_semaphore, #tpu.memory_space<semaphore_mem>>) src(%dma_wait3A_2472 : memref<224x128xf32, #tpu.memory_space<hbm>>) dst(%dma_wait3A_2468 : memref<224x128xf32, #tpu.memory_space<vmem>>)
    %add3A_2473 = arith.constant 14 : i32
    %add3A_2474 = arith.addi %mul3A_2, %add3A_2473 : i32
    %jit3A_2475 = arith.constant 224 : i32
    %div3A_2476 = arith.divsi %add3A_2474, %jit3A_2475 : i32
    %sign3A_2477 = arith.constant 0 : i32
    %sign3A_2478 = arith.cmpi sgt, %add3A_2474, %sign3A_2477 : i32
    %sign3A_2479 = arith.extui %sign3A_2478 : i1 to i32
    %sign3A_2480 = arith.constant 0 : i32
    %sign3A_2481 = arith.cmpi slt, %add3A_2474, %sign3A_2480 : i32
    %sign3A_2482 = arith.extui %sign3A_2481 : i1 to i32
    %sign3A_2483 = arith.subi %sign3A_2479, %sign3A_2482 : i32
    %sign3A_2484 = arith.constant 0 : i32
    %sign3A_2485 = arith.cmpi sgt, %jit3A_2475, %sign3A_2484 : i32
    %sign3A_2486 = arith.extui %sign3A_2485 : i1 to i32
    %sign3A_2487 = arith.constant 0 : i32
    %sign3A_2488 = arith.cmpi slt, %jit3A_2475, %sign3A_2487 : i32
    %sign3A_2489 = arith.extui %sign3A_2488 : i1 to i32
    %sign3A_2490 = arith.subi %sign3A_2486, %sign3A_2489 : i32
    %ne3A_2491 = arith.cmpi ne, %sign3A_2483, %sign3A_2490 : i32
    %rem3A_2492 = arith.remsi %add3A_2474, %jit3A_2475 : i32
    %ne3A_2493 = arith.constant 0 : i32
    %ne3A_2494 = arith.cmpi ne, %rem3A_2492, %ne3A_2493 : i32
    %and3A_2495 = arith.andi %ne3A_2491, %ne3A_2494 : i1
    %sub3A_2496 = arith.constant 1 : i32
    %sub3A_2497 = arith.subi %div3A_2476, %sub3A_2496 : i32
    %select_n3A_2498 = arith.select %and3A_2495, %sub3A_2497, %div3A_2476 : i32
    %jit3A_2499 = arith.constant 224 : i32
    %eq3A_2500 = arith.constant 0 : i32
    %eq3A_2501 = arith.cmpi eq, %jit3A_2499, %eq3A_2500 : i32
    %jit3A_2502 = arith.constant 1 : i32
    %select_n3A_2503 = arith.select %eq3A_2501, %jit3A_2502, %jit3A_2499 : i32
    %rem3A_2504 = arith.remsi %add3A_2474, %select_n3A_2503 : i32
    %ne3A_2505 = arith.constant 0 : i32
    %ne3A_2506 = arith.cmpi ne, %rem3A_2504, %ne3A_2505 : i32
    %lt3A_2507 = arith.constant 0 : i32
    %lt3A_2508 = arith.cmpi slt, %rem3A_2504, %lt3A_2507 : i32
    %lt3A_2509 = arith.constant 0 : i32
    %lt3A_2510 = arith.cmpi slt, %select_n3A_2503, %lt3A_2509 : i32
    %ne3A_2511 = arith.xori %lt3A_2508, %lt3A_2510 : i1
    %and3A_2512 = arith.andi %ne3A_2511, %ne3A_2506 : i1
    %add3A_2513 = arith.addi %rem3A_2504, %select_n3A_2503 : i32
    %select_n3A_2514 = arith.select %and3A_2512, %add3A_2513, %rem3A_2504 : i32
    %dma_start3A_2515 = arith.constant 2 : i32
    %dma_start3A_2516 = arith.constant 2 : i32
    %dma_start3A_2517 = arith.constant 0 : i32
    %dma_start3A_2518 = arith.constant 0 : i32
    %dma_start3A_2519 = tpu.memref_slice %arg4[%dma_start3A_2515, %dma_start3A_2517, %dma_start3A_2518] : memref<4x224x128xf32, #tpu.memory_space<vmem>> -> memref<1x224x128xf32, #tpu.memory_space<vmem>>
    %dma_start3A_2520 = tpu.memref_squeeze %dma_start3A_2519 : memref<1x224x128xf32, #tpu.memory_space<vmem>> -> memref<224x128xf32, #tpu.memory_space<vmem>>
    %dma_start3A_2521 = arith.constant 0 : i32
    %dma_start3A_2522 = arith.constant 0 : i32
    %dma_start3A_2523 = tpu.memref_slice %arg3[%select_n3A_2498, %select_n3A_2514, %dma_start3A_2521, %dma_start3A_2522] : memref<3x224x224x128xf32, #tpu.memory_space<hbm>> -> memref<1x1x224x128xf32, #tpu.memory_space<hbm>>
    %dma_start3A_2524 = tpu.memref_squeeze %dma_start3A_2523 : memref<1x1x224x128xf32, #tpu.memory_space<hbm>> -> memref<224x128xf32, #tpu.memory_space<hbm>>
    %dma_start3A_2525 = tpu.memref_slice %arg6[%dma_start3A_2516] : memref<4x!tpu.dma_semaphore, #tpu.memory_space<semaphore_mem>> -> memref<1x!tpu.dma_semaphore, #tpu.memory_space<semaphore_mem>>
    %dma_start3A_2526 = tpu.memref_squeeze %dma_start3A_2525 : memref<1x!tpu.dma_semaphore, #tpu.memory_space<semaphore_mem>> -> memref<!tpu.dma_semaphore, #tpu.memory_space<semaphore_mem>>
    %dma_start3A_2527 = arith.constant 0 : i32
    %dma_start3A_2528 = arith.constant 0 : i32
    %dma_start3A_2529 = tpu.memref_slice %arg3[%select_n3A_2498, %select_n3A_2514, %dma_start3A_2527, %dma_start3A_2528] : memref<3x224x224x128xf32, #tpu.memory_space<hbm>> -> memref<1x1x224x128xf32, #tpu.memory_space<hbm>>
    %dma_start3A_2530 = tpu.memref_squeeze %dma_start3A_2529 : memref<1x1x224x128xf32, #tpu.memory_space<hbm>> -> memref<224x128xf32, #tpu.memory_space<hbm>>
    %dma_start3A_2531 = arith.constant 0 : i32
    %dma_start3A_2532 = arith.constant 0 : i32
    %dma_start3A_2533 = tpu.memref_slice %arg4[%dma_start3A_2515, %dma_start3A_2531, %dma_start3A_2532] : memref<4x224x128xf32, #tpu.memory_space<vmem>> -> memref<1x224x128xf32, #tpu.memory_space<vmem>>
    %dma_start3A_2534 = tpu.memref_squeeze %dma_start3A_2533 : memref<1x224x128xf32, #tpu.memory_space<vmem>> -> memref<224x128xf32, #tpu.memory_space<vmem>>
    tpu.enqueue_dma source(%dma_start3A_2534 : memref<224x128xf32, #tpu.memory_space<vmem>>) target(%dma_start3A_2530 : memref<224x128xf32, #tpu.memory_space<hbm>>) target_semaphore(%dma_start3A_2526 : memref<!tpu.dma_semaphore, #tpu.memory_space<semaphore_mem>>)
    %dma_wait3A_2535 = arith.constant 1 : i32
    %dma_wait3A_2536 = arith.constant 1 : i32
    %dma_wait3A_2537 = arith.constant 0 : i32
    %dma_wait3A_2538 = arith.constant 0 : i32
    %dma_wait3A_2539 = tpu.memref_slice %arg4[%dma_wait3A_2535, %dma_wait3A_2537, %dma_wait3A_2538] : memref<4x224x128xf32, #tpu.memory_space<vmem>> -> memref<1x224x128xf32, #tpu.memory_space<vmem>>
    %dma_wait3A_2540 = tpu.memref_squeeze %dma_wait3A_2539 : memref<1x224x128xf32, #tpu.memory_space<vmem>> -> memref<224x128xf32, #tpu.memory_space<vmem>>
    %dma_wait3A_2541 = arith.constant 0 : i32
    %dma_wait3A_2542 = arith.constant 0 : i32
    %dma_wait3A_2543 = tpu.memref_slice %arg3[%select_n3A_2334, %select_n3A_2350, %dma_wait3A_2541, %dma_wait3A_2542] : memref<3x224x224x128xf32, #tpu.memory_space<hbm>> -> memref<1x1x224x128xf32, #tpu.memory_space<hbm>>
    %dma_wait3A_2544 = tpu.memref_squeeze %dma_wait3A_2543 : memref<1x1x224x128xf32, #tpu.memory_space<hbm>> -> memref<224x128xf32, #tpu.memory_space<hbm>>
    %dma_wait3A_2545 = tpu.memref_slice %arg6[%dma_wait3A_2536] : memref<4x!tpu.dma_semaphore, #tpu.memory_space<semaphore_mem>> -> memref<1x!tpu.dma_semaphore, #tpu.memory_space<semaphore_mem>>
    %dma_wait3A_2546 = tpu.memref_squeeze %dma_wait3A_2545 : memref<1x!tpu.dma_semaphore, #tpu.memory_space<semaphore_mem>> -> memref<!tpu.dma_semaphore, #tpu.memory_space<semaphore_mem>>
    %dma_wait3A_2547 = arith.constant 0 : i32
    %dma_wait3A_2548 = arith.constant 0 : i32
    %dma_wait3A_2549 = tpu.memref_slice %arg3[%select_n3A_2334, %select_n3A_2350, %dma_wait3A_2547, %dma_wait3A_2548] : memref<3x224x224x128xf32, #tpu.memory_space<hbm>> -> memref<1x1x224x128xf32, #tpu.memory_space<hbm>>
    %dma_wait3A_2550 = tpu.memref_squeeze %dma_wait3A_2549 : memref<1x1x224x128xf32, #tpu.memory_space<hbm>> -> memref<224x128xf32, #tpu.memory_space<hbm>>
    %dma_wait3A_2551 = arith.constant 0 : i32
    %dma_wait3A_2552 = arith.constant 0 : i32
    %dma_wait3A_2553 = tpu.memref_slice %arg4[%dma_wait3A_2535, %dma_wait3A_2551, %dma_wait3A_2552] : memref<4x224x128xf32, #tpu.memory_space<vmem>> -> memref<1x224x128xf32, #tpu.memory_space<vmem>>
    %dma_wait3A_2554 = tpu.memref_squeeze %dma_wait3A_2553 : memref<1x224x128xf32, #tpu.memory_space<vmem>> -> memref<224x128xf32, #tpu.memory_space<vmem>>
    tpu.wait_dma2 semaphore(%dma_wait3A_2546 : memref<!tpu.dma_semaphore, #tpu.memory_space<semaphore_mem>>) src(%dma_wait3A_2554 : memref<224x128xf32, #tpu.memory_space<vmem>>) dst(%dma_wait3A_2550 : memref<224x128xf32, #tpu.memory_space<hbm>>)
    %add3A_2555 = arith.constant 17 : i32
    %add3A_2556 = arith.addi %mul3A_2, %add3A_2555 : i32
    %jit3A_2557 = arith.constant 224 : i32
    %div3A_2558 = arith.divsi %add3A_2556, %jit3A_2557 : i32
    %sign3A_2559 = arith.constant 0 : i32
    %sign3A_2560 = arith.cmpi sgt, %add3A_2556, %sign3A_2559 : i32
    %sign3A_2561 = arith.extui %sign3A_2560 : i1 to i32
    %sign3A_2562 = arith.constant 0 : i32
    %sign3A_2563 = arith.cmpi slt, %add3A_2556, %sign3A_2562 : i32
    %sign3A_2564 = arith.extui %sign3A_2563 : i1 to i32
    %sign3A_2565 = arith.subi %sign3A_2561, %sign3A_2564 : i32
    %sign3A_2566 = arith.constant 0 : i32
    %sign3A_2567 = arith.cmpi sgt, %jit3A_2557, %sign3A_2566 : i32
    %sign3A_2568 = arith.extui %sign3A_2567 : i1 to i32
    %sign3A_2569 = arith.constant 0 : i32
    %sign3A_2570 = arith.cmpi slt, %jit3A_2557, %sign3A_2569 : i32
    %sign3A_2571 = arith.extui %sign3A_2570 : i1 to i32
    %sign3A_2572 = arith.subi %sign3A_2568, %sign3A_2571 : i32
    %ne3A_2573 = arith.cmpi ne, %sign3A_2565, %sign3A_2572 : i32
    %rem3A_2574 = arith.remsi %add3A_2556, %jit3A_2557 : i32
    %ne3A_2575 = arith.constant 0 : i32
    %ne3A_2576 = arith.cmpi ne, %rem3A_2574, %ne3A_2575 : i32
    %and3A_2577 = arith.andi %ne3A_2573, %ne3A_2576 : i1
    %sub3A_2578 = arith.constant 1 : i32
    %sub3A_2579 = arith.subi %div3A_2558, %sub3A_2578 : i32
    %select_n3A_2580 = arith.select %and3A_2577, %sub3A_2579, %div3A_2558 : i32
    %jit3A_2581 = arith.constant 224 : i32
    %eq3A_2582 = arith.constant 0 : i32
    %eq3A_2583 = arith.cmpi eq, %jit3A_2581, %eq3A_2582 : i32
    %jit3A_2584 = arith.constant 1 : i32
    %select_n3A_2585 = arith.select %eq3A_2583, %jit3A_2584, %jit3A_2581 : i32
    %rem3A_2586 = arith.remsi %add3A_2556, %select_n3A_2585 : i32
    %ne3A_2587 = arith.constant 0 : i32
    %ne3A_2588 = arith.cmpi ne, %rem3A_2586, %ne3A_2587 : i32
    %lt3A_2589 = arith.constant 0 : i32
    %lt3A_2590 = arith.cmpi slt, %rem3A_2586, %lt3A_2589 : i32
    %lt3A_2591 = arith.constant 0 : i32
    %lt3A_2592 = arith.cmpi slt, %select_n3A_2585, %lt3A_2591 : i32
    %ne3A_2593 = arith.xori %lt3A_2590, %lt3A_2592 : i1
    %and3A_2594 = arith.andi %ne3A_2593, %ne3A_2588 : i1
    %add3A_2595 = arith.addi %rem3A_2586, %select_n3A_2585 : i32
    %select_n3A_2596 = arith.select %and3A_2594, %add3A_2595, %rem3A_2586 : i32
    %dma_start3A_2597 = arith.constant 1 : i32
    %dma_start3A_2598 = arith.constant 1 : i32
    %dma_start3A_2599 = arith.constant 0 : i32
    %dma_start3A_2600 = arith.constant 0 : i32
    %dma_start3A_2601 = tpu.memref_slice %arg4[%dma_start3A_2597, %dma_start3A_2599, %dma_start3A_2600] : memref<4x224x128xf32, #tpu.memory_space<vmem>> -> memref<1x224x128xf32, #tpu.memory_space<vmem>>
    %dma_start3A_2602 = tpu.memref_squeeze %dma_start3A_2601 : memref<1x224x128xf32, #tpu.memory_space<vmem>> -> memref<224x128xf32, #tpu.memory_space<vmem>>
    %dma_start3A_2603 = arith.constant 0 : i32
    %dma_start3A_2604 = arith.constant 0 : i32
    %dma_start3A_2605 = tpu.memref_slice %arg2[%select_n3A_2580, %select_n3A_2596, %dma_start3A_2603, %dma_start3A_2604] : memref<3x224x224x128xf32, #tpu.memory_space<hbm>> -> memref<1x1x224x128xf32, #tpu.memory_space<hbm>>
    %dma_start3A_2606 = tpu.memref_squeeze %dma_start3A_2605 : memref<1x1x224x128xf32, #tpu.memory_space<hbm>> -> memref<224x128xf32, #tpu.memory_space<hbm>>
    %dma_start3A_2607 = tpu.memref_slice %arg5[%dma_start3A_2598] : memref<4x!tpu.dma_semaphore, #tpu.memory_space<semaphore_mem>> -> memref<1x!tpu.dma_semaphore, #tpu.memory_space<semaphore_mem>>
    %dma_start3A_2608 = tpu.memref_squeeze %dma_start3A_2607 : memref<1x!tpu.dma_semaphore, #tpu.memory_space<semaphore_mem>> -> memref<!tpu.dma_semaphore, #tpu.memory_space<semaphore_mem>>
    %dma_start3A_2609 = arith.constant 0 : i32
    %dma_start3A_2610 = arith.constant 0 : i32
    %dma_start3A_2611 = tpu.memref_slice %arg4[%dma_start3A_2597, %dma_start3A_2609, %dma_start3A_2610] : memref<4x224x128xf32, #tpu.memory_space<vmem>> -> memref<1x224x128xf32, #tpu.memory_space<vmem>>
    %dma_start3A_2612 = tpu.memref_squeeze %dma_start3A_2611 : memref<1x224x128xf32, #tpu.memory_space<vmem>> -> memref<224x128xf32, #tpu.memory_space<vmem>>
    %dma_start3A_2613 = arith.constant 0 : i32
    %dma_start3A_2614 = arith.constant 0 : i32
    %dma_start3A_2615 = tpu.memref_slice %arg2[%select_n3A_2580, %select_n3A_2596, %dma_start3A_2613, %dma_start3A_2614] : memref<3x224x224x128xf32, #tpu.memory_space<hbm>> -> memref<1x1x224x128xf32, #tpu.memory_space<hbm>>
    %dma_start3A_2616 = tpu.memref_squeeze %dma_start3A_2615 : memref<1x1x224x128xf32, #tpu.memory_space<hbm>> -> memref<224x128xf32, #tpu.memory_space<hbm>>
    tpu.enqueue_dma source(%dma_start3A_2616 : memref<224x128xf32, #tpu.memory_space<hbm>>) target(%dma_start3A_2612 : memref<224x128xf32, #tpu.memory_space<vmem>>) target_semaphore(%dma_start3A_2608 : memref<!tpu.dma_semaphore, #tpu.memory_space<semaphore_mem>>)
    %dma_wait3A_2617 = arith.constant 3 : i32
    %dma_wait3A_2618 = arith.constant 3 : i32
    %dma_wait3A_2619 = arith.constant 0 : i32
    %dma_wait3A_2620 = arith.constant 0 : i32
    %dma_wait3A_2621 = tpu.memref_slice %arg4[%dma_wait3A_2617, %dma_wait3A_2619, %dma_wait3A_2620] : memref<4x224x128xf32, #tpu.memory_space<vmem>> -> memref<1x224x128xf32, #tpu.memory_space<vmem>>
    %dma_wait3A_2622 = tpu.memref_squeeze %dma_wait3A_2621 : memref<1x224x128xf32, #tpu.memory_space<vmem>> -> memref<224x128xf32, #tpu.memory_space<vmem>>
    %dma_wait3A_2623 = arith.constant 0 : i32
    %dma_wait3A_2624 = arith.constant 0 : i32
    %dma_wait3A_2625 = tpu.memref_slice %arg2[%select_n3A_2252, %select_n3A_2268, %dma_wait3A_2623, %dma_wait3A_2624] : memref<3x224x224x128xf32, #tpu.memory_space<hbm>> -> memref<1x1x224x128xf32, #tpu.memory_space<hbm>>
    %dma_wait3A_2626 = tpu.memref_squeeze %dma_wait3A_2625 : memref<1x1x224x128xf32, #tpu.memory_space<hbm>> -> memref<224x128xf32, #tpu.memory_space<hbm>>
    %dma_wait3A_2627 = tpu.memref_slice %arg5[%dma_wait3A_2618] : memref<4x!tpu.dma_semaphore, #tpu.memory_space<semaphore_mem>> -> memref<1x!tpu.dma_semaphore, #tpu.memory_space<semaphore_mem>>
    %dma_wait3A_2628 = tpu.memref_squeeze %dma_wait3A_2627 : memref<1x!tpu.dma_semaphore, #tpu.memory_space<semaphore_mem>> -> memref<!tpu.dma_semaphore, #tpu.memory_space<semaphore_mem>>
    %dma_wait3A_2629 = arith.constant 0 : i32
    %dma_wait3A_2630 = arith.constant 0 : i32
    %dma_wait3A_2631 = tpu.memref_slice %arg4[%dma_wait3A_2617, %dma_wait3A_2629, %dma_wait3A_2630] : memref<4x224x128xf32, #tpu.memory_space<vmem>> -> memref<1x224x128xf32, #tpu.memory_space<vmem>>
    %dma_wait3A_2632 = tpu.memref_squeeze %dma_wait3A_2631 : memref<1x224x128xf32, #tpu.memory_space<vmem>> -> memref<224x128xf32, #tpu.memory_space<vmem>>
    %dma_wait3A_2633 = arith.constant 0 : i32
    %dma_wait3A_2634 = arith.constant 0 : i32
    %dma_wait3A_2635 = tpu.memref_slice %arg2[%select_n3A_2252, %select_n3A_2268, %dma_wait3A_2633, %dma_wait3A_2634] : memref<3x224x224x128xf32, #tpu.memory_space<hbm>> -> memref<1x1x224x128xf32, #tpu.memory_space<hbm>>
    %dma_wait3A_2636 = tpu.memref_squeeze %dma_wait3A_2635 : memref<1x1x224x128xf32, #tpu.memory_space<hbm>> -> memref<224x128xf32, #tpu.memory_space<hbm>>
    tpu.wait_dma2 semaphore(%dma_wait3A_2628 : memref<!tpu.dma_semaphore, #tpu.memory_space<semaphore_mem>>) src(%dma_wait3A_2636 : memref<224x128xf32, #tpu.memory_space<hbm>>) dst(%dma_wait3A_2632 : memref<224x128xf32, #tpu.memory_space<vmem>>)
    %add3A_2637 = arith.constant 15 : i32
    %add3A_2638 = arith.addi %mul3A_2, %add3A_2637 : i32
    %jit3A_2639 = arith.constant 224 : i32
    %div3A_2640 = arith.divsi %add3A_2638, %jit3A_2639 : i32
    %sign3A_2641 = arith.constant 0 : i32
    %sign3A_2642 = arith.cmpi sgt, %add3A_2638, %sign3A_2641 : i32
    %sign3A_2643 = arith.extui %sign3A_2642 : i1 to i32
    %sign3A_2644 = arith.constant 0 : i32
    %sign3A_2645 = arith.cmpi slt, %add3A_2638, %sign3A_2644 : i32
    %sign3A_2646 = arith.extui %sign3A_2645 : i1 to i32
    %sign3A_2647 = arith.subi %sign3A_2643, %sign3A_2646 : i32
    %sign3A_2648 = arith.constant 0 : i32
    %sign3A_2649 = arith.cmpi sgt, %jit3A_2639, %sign3A_2648 : i32
    %sign3A_2650 = arith.extui %sign3A_2649 : i1 to i32
    %sign3A_2651 = arith.constant 0 : i32
    %sign3A_2652 = arith.cmpi slt, %jit3A_2639, %sign3A_2651 : i32
    %sign3A_2653 = arith.extui %sign3A_2652 : i1 to i32
    %sign3A_2654 = arith.subi %sign3A_2650, %sign3A_2653 : i32
    %ne3A_2655 = arith.cmpi ne, %sign3A_2647, %sign3A_2654 : i32
    %rem3A_2656 = arith.remsi %add3A_2638, %jit3A_2639 : i32
    %ne3A_2657 = arith.constant 0 : i32
    %ne3A_2658 = arith.cmpi ne, %rem3A_2656, %ne3A_2657 : i32
    %and3A_2659 = arith.andi %ne3A_2655, %ne3A_2658 : i1
    %sub3A_2660 = arith.constant 1 : i32
    %sub3A_2661 = arith.subi %div3A_2640, %sub3A_2660 : i32
    %select_n3A_2662 = arith.select %and3A_2659, %sub3A_2661, %div3A_2640 : i32
    %jit3A_2663 = arith.constant 224 : i32
    %eq3A_2664 = arith.constant 0 : i32
    %eq3A_2665 = arith.cmpi eq, %jit3A_2663, %eq3A_2664 : i32
    %jit3A_2666 = arith.constant 1 : i32
    %select_n3A_2667 = arith.select %eq3A_2665, %jit3A_2666, %jit3A_2663 : i32
    %rem3A_2668 = arith.remsi %add3A_2638, %select_n3A_2667 : i32
    %ne3A_2669 = arith.constant 0 : i32
    %ne3A_2670 = arith.cmpi ne, %rem3A_2668, %ne3A_2669 : i32
    %lt3A_2671 = arith.constant 0 : i32
    %lt3A_2672 = arith.cmpi slt, %rem3A_2668, %lt3A_2671 : i32
    %lt3A_2673 = arith.constant 0 : i32
    %lt3A_2674 = arith.cmpi slt, %select_n3A_2667, %lt3A_2673 : i32
    %ne3A_2675 = arith.xori %lt3A_2672, %lt3A_2674 : i1
    %and3A_2676 = arith.andi %ne3A_2675, %ne3A_2670 : i1
    %add3A_2677 = arith.addi %rem3A_2668, %select_n3A_2667 : i32
    %select_n3A_2678 = arith.select %and3A_2676, %add3A_2677, %rem3A_2668 : i32
    %dma_start3A_2679 = arith.constant 3 : i32
    %dma_start3A_2680 = arith.constant 3 : i32
    %dma_start3A_2681 = arith.constant 0 : i32
    %dma_start3A_2682 = arith.constant 0 : i32
    %dma_start3A_2683 = tpu.memref_slice %arg4[%dma_start3A_2679, %dma_start3A_2681, %dma_start3A_2682] : memref<4x224x128xf32, #tpu.memory_space<vmem>> -> memref<1x224x128xf32, #tpu.memory_space<vmem>>
    %dma_start3A_2684 = tpu.memref_squeeze %dma_start3A_2683 : memref<1x224x128xf32, #tpu.memory_space<vmem>> -> memref<224x128xf32, #tpu.memory_space<vmem>>
    %dma_start3A_2685 = arith.constant 0 : i32
    %dma_start3A_2686 = arith.constant 0 : i32
    %dma_start3A_2687 = tpu.memref_slice %arg3[%select_n3A_2662, %select_n3A_2678, %dma_start3A_2685, %dma_start3A_2686] : memref<3x224x224x128xf32, #tpu.memory_space<hbm>> -> memref<1x1x224x128xf32, #tpu.memory_space<hbm>>
    %dma_start3A_2688 = tpu.memref_squeeze %dma_start3A_2687 : memref<1x1x224x128xf32, #tpu.memory_space<hbm>> -> memref<224x128xf32, #tpu.memory_space<hbm>>
    %dma_start3A_2689 = tpu.memref_slice %arg6[%dma_start3A_2680] : memref<4x!tpu.dma_semaphore, #tpu.memory_space<semaphore_mem>> -> memref<1x!tpu.dma_semaphore, #tpu.memory_space<semaphore_mem>>
    %dma_start3A_2690 = tpu.memref_squeeze %dma_start3A_2689 : memref<1x!tpu.dma_semaphore, #tpu.memory_space<semaphore_mem>> -> memref<!tpu.dma_semaphore, #tpu.memory_space<semaphore_mem>>
    %dma_start3A_2691 = arith.constant 0 : i32
    %dma_start3A_2692 = arith.constant 0 : i32
    %dma_start3A_2693 = tpu.memref_slice %arg3[%select_n3A_2662, %select_n3A_2678, %dma_start3A_2691, %dma_start3A_2692] : memref<3x224x224x128xf32, #tpu.memory_space<hbm>> -> memref<1x1x224x128xf32, #tpu.memory_space<hbm>>
    %dma_start3A_2694 = tpu.memref_squeeze %dma_start3A_2693 : memref<1x1x224x128xf32, #tpu.memory_space<hbm>> -> memref<224x128xf32, #tpu.memory_space<hbm>>
    %dma_start3A_2695 = arith.constant 0 : i32
    %dma_start3A_2696 = arith.constant 0 : i32
    %dma_start3A_2697 = tpu.memref_slice %arg4[%dma_start3A_2679, %dma_start3A_2695, %dma_start3A_2696] : memref<4x224x128xf32, #tpu.memory_space<vmem>> -> memref<1x224x128xf32, #tpu.memory_space<vmem>>
    %dma_start3A_2698 = tpu.memref_squeeze %dma_start3A_2697 : memref<1x224x128xf32, #tpu.memory_space<vmem>> -> memref<224x128xf32, #tpu.memory_space<vmem>>
    tpu.enqueue_dma source(%dma_start3A_2698 : memref<224x128xf32, #tpu.memory_space<vmem>>) target(%dma_start3A_2694 : memref<224x128xf32, #tpu.memory_space<hbm>>) target_semaphore(%dma_start3A_2690 : memref<!tpu.dma_semaphore, #tpu.memory_space<semaphore_mem>>)
    %dma_wait3A_2699 = arith.constant 2 : i32
    %dma_wait3A_2700 = arith.constant 2 : i32
    %dma_wait3A_2701 = arith.constant 0 : i32
    %dma_wait3A_2702 = arith.constant 0 : i32
    %dma_wait3A_2703 = tpu.memref_slice %arg4[%dma_wait3A_2699, %dma_wait3A_2701, %dma_wait3A_2702] : memref<4x224x128xf32, #tpu.memory_space<vmem>> -> memref<1x224x128xf32, #tpu.memory_space<vmem>>
    %dma_wait3A_2704 = tpu.memref_squeeze %dma_wait3A_2703 : memref<1x224x128xf32, #tpu.memory_space<vmem>> -> memref<224x128xf32, #tpu.memory_space<vmem>>
    %dma_wait3A_2705 = arith.constant 0 : i32
    %dma_wait3A_2706 = arith.constant 0 : i32
    %dma_wait3A_2707 = tpu.memref_slice %arg3[%select_n3A_2498, %select_n3A_2514, %dma_wait3A_2705, %dma_wait3A_2706] : memref<3x224x224x128xf32, #tpu.memory_space<hbm>> -> memref<1x1x224x128xf32, #tpu.memory_space<hbm>>
    %dma_wait3A_2708 = tpu.memref_squeeze %dma_wait3A_2707 : memref<1x1x224x128xf32, #tpu.memory_space<hbm>> -> memref<224x128xf32, #tpu.memory_space<hbm>>
    %dma_wait3A_2709 = tpu.memref_slice %arg6[%dma_wait3A_2700] : memref<4x!tpu.dma_semaphore, #tpu.memory_space<semaphore_mem>> -> memref<1x!tpu.dma_semaphore, #tpu.memory_space<semaphore_mem>>
    %dma_wait3A_2710 = tpu.memref_squeeze %dma_wait3A_2709 : memref<1x!tpu.dma_semaphore, #tpu.memory_space<semaphore_mem>> -> memref<!tpu.dma_semaphore, #tpu.memory_space<semaphore_mem>>
    %dma_wait3A_2711 = arith.constant 0 : i32
    %dma_wait3A_2712 = arith.constant 0 : i32
    %dma_wait3A_2713 = tpu.memref_slice %arg3[%select_n3A_2498, %select_n3A_2514, %dma_wait3A_2711, %dma_wait3A_2712] : memref<3x224x224x128xf32, #tpu.memory_space<hbm>> -> memref<1x1x224x128xf32, #tpu.memory_space<hbm>>
    %dma_wait3A_2714 = tpu.memref_squeeze %dma_wait3A_2713 : memref<1x1x224x128xf32, #tpu.memory_space<hbm>> -> memref<224x128xf32, #tpu.memory_space<hbm>>
    %dma_wait3A_2715 = arith.constant 0 : i32
    %dma_wait3A_2716 = arith.constant 0 : i32
    %dma_wait3A_2717 = tpu.memref_slice %arg4[%dma_wait3A_2699, %dma_wait3A_2715, %dma_wait3A_2716] : memref<4x224x128xf32, #tpu.memory_space<vmem>> -> memref<1x224x128xf32, #tpu.memory_space<vmem>>
    %dma_wait3A_2718 = tpu.memref_squeeze %dma_wait3A_2717 : memref<1x224x128xf32, #tpu.memory_space<vmem>> -> memref<224x128xf32, #tpu.memory_space<vmem>>
    tpu.wait_dma2 semaphore(%dma_wait3A_2710 : memref<!tpu.dma_semaphore, #tpu.memory_space<semaphore_mem>>) src(%dma_wait3A_2718 : memref<224x128xf32, #tpu.memory_space<vmem>>) dst(%dma_wait3A_2714 : memref<224x128xf32, #tpu.memory_space<hbm>>)
    %add3A_2719 = arith.constant 18 : i32
    %add3A_2720 = arith.addi %mul3A_2, %add3A_2719 : i32
    %jit3A_2721 = arith.constant 224 : i32
    %div3A_2722 = arith.divsi %add3A_2720, %jit3A_2721 : i32
    %sign3A_2723 = arith.constant 0 : i32
    %sign3A_2724 = arith.cmpi sgt, %add3A_2720, %sign3A_2723 : i32
    %sign3A_2725 = arith.extui %sign3A_2724 : i1 to i32
    %sign3A_2726 = arith.constant 0 : i32
    %sign3A_2727 = arith.cmpi slt, %add3A_2720, %sign3A_2726 : i32
    %sign3A_2728 = arith.extui %sign3A_2727 : i1 to i32
    %sign3A_2729 = arith.subi %sign3A_2725, %sign3A_2728 : i32
    %sign3A_2730 = arith.constant 0 : i32
    %sign3A_2731 = arith.cmpi sgt, %jit3A_2721, %sign3A_2730 : i32
    %sign3A_2732 = arith.extui %sign3A_2731 : i1 to i32
    %sign3A_2733 = arith.constant 0 : i32
    %sign3A_2734 = arith.cmpi slt, %jit3A_2721, %sign3A_2733 : i32
    %sign3A_2735 = arith.extui %sign3A_2734 : i1 to i32
    %sign3A_2736 = arith.subi %sign3A_2732, %sign3A_2735 : i32
    %ne3A_2737 = arith.cmpi ne, %sign3A_2729, %sign3A_2736 : i32
    %rem3A_2738 = arith.remsi %add3A_2720, %jit3A_2721 : i32
    %ne3A_2739 = arith.constant 0 : i32
    %ne3A_2740 = arith.cmpi ne, %rem3A_2738, %ne3A_2739 : i32
    %and3A_2741 = arith.andi %ne3A_2737, %ne3A_2740 : i1
    %sub3A_2742 = arith.constant 1 : i32
    %sub3A_2743 = arith.subi %div3A_2722, %sub3A_2742 : i32
    %select_n3A_2744 = arith.select %and3A_2741, %sub3A_2743, %div3A_2722 : i32
    %jit3A_2745 = arith.constant 224 : i32
    %eq3A_2746 = arith.constant 0 : i32
    %eq3A_2747 = arith.cmpi eq, %jit3A_2745, %eq3A_2746 : i32
    %jit3A_2748 = arith.constant 1 : i32
    %select_n3A_2749 = arith.select %eq3A_2747, %jit3A_2748, %jit3A_2745 : i32
    %rem3A_2750 = arith.remsi %add3A_2720, %select_n3A_2749 : i32
    %ne3A_2751 = arith.constant 0 : i32
    %ne3A_2752 = arith.cmpi ne, %rem3A_2750, %ne3A_2751 : i32
    %lt3A_2753 = arith.constant 0 : i32
    %lt3A_2754 = arith.cmpi slt, %rem3A_2750, %lt3A_2753 : i32
    %lt3A_2755 = arith.constant 0 : i32
    %lt3A_2756 = arith.cmpi slt, %select_n3A_2749, %lt3A_2755 : i32
    %ne3A_2757 = arith.xori %lt3A_2754, %lt3A_2756 : i1
    %and3A_2758 = arith.andi %ne3A_2757, %ne3A_2752 : i1
    %add3A_2759 = arith.addi %rem3A_2750, %select_n3A_2749 : i32
    %select_n3A_2760 = arith.select %and3A_2758, %add3A_2759, %rem3A_2750 : i32
    %dma_start3A_2761 = arith.constant 2 : i32
    %dma_start3A_2762 = arith.constant 2 : i32
    %dma_start3A_2763 = arith.constant 0 : i32
    %dma_start3A_2764 = arith.constant 0 : i32
    %dma_start3A_2765 = tpu.memref_slice %arg4[%dma_start3A_2761, %dma_start3A_2763, %dma_start3A_2764] : memref<4x224x128xf32, #tpu.memory_space<vmem>> -> memref<1x224x128xf32, #tpu.memory_space<vmem>>
    %dma_start3A_2766 = tpu.memref_squeeze %dma_start3A_2765 : memref<1x224x128xf32, #tpu.memory_space<vmem>> -> memref<224x128xf32, #tpu.memory_space<vmem>>
    %dma_start3A_2767 = arith.constant 0 : i32
    %dma_start3A_2768 = arith.constant 0 : i32
    %dma_start3A_2769 = tpu.memref_slice %arg2[%select_n3A_2744, %select_n3A_2760, %dma_start3A_2767, %dma_start3A_2768] : memref<3x224x224x128xf32, #tpu.memory_space<hbm>> -> memref<1x1x224x128xf32, #tpu.memory_space<hbm>>
    %dma_start3A_2770 = tpu.memref_squeeze %dma_start3A_2769 : memref<1x1x224x128xf32, #tpu.memory_space<hbm>> -> memref<224x128xf32, #tpu.memory_space<hbm>>
    %dma_start3A_2771 = tpu.memref_slice %arg5[%dma_start3A_2762] : memref<4x!tpu.dma_semaphore, #tpu.memory_space<semaphore_mem>> -> memref<1x!tpu.dma_semaphore, #tpu.memory_space<semaphore_mem>>
    %dma_start3A_2772 = tpu.memref_squeeze %dma_start3A_2771 : memref<1x!tpu.dma_semaphore, #tpu.memory_space<semaphore_mem>> -> memref<!tpu.dma_semaphore, #tpu.memory_space<semaphore_mem>>
    %dma_start3A_2773 = arith.constant 0 : i32
    %dma_start3A_2774 = arith.constant 0 : i32
    %dma_start3A_2775 = tpu.memref_slice %arg4[%dma_start3A_2761, %dma_start3A_2773, %dma_start3A_2774] : memref<4x224x128xf32, #tpu.memory_space<vmem>> -> memref<1x224x128xf32, #tpu.memory_space<vmem>>
    %dma_start3A_2776 = tpu.memref_squeeze %dma_start3A_2775 : memref<1x224x128xf32, #tpu.memory_space<vmem>> -> memref<224x128xf32, #tpu.memory_space<vmem>>
    %dma_start3A_2777 = arith.constant 0 : i32
    %dma_start3A_2778 = arith.constant 0 : i32
    %dma_start3A_2779 = tpu.memref_slice %arg2[%select_n3A_2744, %select_n3A_2760, %dma_start3A_2777, %dma_start3A_2778] : memref<3x224x224x128xf32, #tpu.memory_space<hbm>> -> memref<1x1x224x128xf32, #tpu.memory_space<hbm>>
    %dma_start3A_2780 = tpu.memref_squeeze %dma_start3A_2779 : memref<1x1x224x128xf32, #tpu.memory_space<hbm>> -> memref<224x128xf32, #tpu.memory_space<hbm>>
    tpu.enqueue_dma source(%dma_start3A_2780 : memref<224x128xf32, #tpu.memory_space<hbm>>) target(%dma_start3A_2776 : memref<224x128xf32, #tpu.memory_space<vmem>>) target_semaphore(%dma_start3A_2772 : memref<!tpu.dma_semaphore, #tpu.memory_space<semaphore_mem>>)
    %dma_wait3A_2781 = arith.constant 0 : i32
    %dma_wait3A_2782 = arith.constant 0 : i32
    %dma_wait3A_2783 = arith.constant 0 : i32
    %dma_wait3A_2784 = arith.constant 0 : i32
    %dma_wait3A_2785 = tpu.memref_slice %arg4[%dma_wait3A_2781, %dma_wait3A_2783, %dma_wait3A_2784] : memref<4x224x128xf32, #tpu.memory_space<vmem>> -> memref<1x224x128xf32, #tpu.memory_space<vmem>>
    %dma_wait3A_2786 = tpu.memref_squeeze %dma_wait3A_2785 : memref<1x224x128xf32, #tpu.memory_space<vmem>> -> memref<224x128xf32, #tpu.memory_space<vmem>>
    %dma_wait3A_2787 = arith.constant 0 : i32
    %dma_wait3A_2788 = arith.constant 0 : i32
    %dma_wait3A_2789 = tpu.memref_slice %arg2[%select_n3A_2416, %select_n3A_2432, %dma_wait3A_2787, %dma_wait3A_2788] : memref<3x224x224x128xf32, #tpu.memory_space<hbm>> -> memref<1x1x224x128xf32, #tpu.memory_space<hbm>>
    %dma_wait3A_2790 = tpu.memref_squeeze %dma_wait3A_2789 : memref<1x1x224x128xf32, #tpu.memory_space<hbm>> -> memref<224x128xf32, #tpu.memory_space<hbm>>
    %dma_wait3A_2791 = tpu.memref_slice %arg5[%dma_wait3A_2782] : memref<4x!tpu.dma_semaphore, #tpu.memory_space<semaphore_mem>> -> memref<1x!tpu.dma_semaphore, #tpu.memory_space<semaphore_mem>>
    %dma_wait3A_2792 = tpu.memref_squeeze %dma_wait3A_2791 : memref<1x!tpu.dma_semaphore, #tpu.memory_space<semaphore_mem>> -> memref<!tpu.dma_semaphore, #tpu.memory_space<semaphore_mem>>
    %dma_wait3A_2793 = arith.constant 0 : i32
    %dma_wait3A_2794 = arith.constant 0 : i32
    %dma_wait3A_2795 = tpu.memref_slice %arg4[%dma_wait3A_2781, %dma_wait3A_2793, %dma_wait3A_2794] : memref<4x224x128xf32, #tpu.memory_space<vmem>> -> memref<1x224x128xf32, #tpu.memory_space<vmem>>
    %dma_wait3A_2796 = tpu.memref_squeeze %dma_wait3A_2795 : memref<1x224x128xf32, #tpu.memory_space<vmem>> -> memref<224x128xf32, #tpu.memory_space<vmem>>
    %dma_wait3A_2797 = arith.constant 0 : i32
    %dma_wait3A_2798 = arith.constant 0 : i32
    %dma_wait3A_2799 = tpu.memref_slice %arg2[%select_n3A_2416, %select_n3A_2432, %dma_wait3A_2797, %dma_wait3A_2798] : memref<3x224x224x128xf32, #tpu.memory_space<hbm>> -> memref<1x1x224x128xf32, #tpu.memory_space<hbm>>
    %dma_wait3A_2800 = tpu.memref_squeeze %dma_wait3A_2799 : memref<1x1x224x128xf32, #tpu.memory_space<hbm>> -> memref<224x128xf32, #tpu.memory_space<hbm>>
    tpu.wait_dma2 semaphore(%dma_wait3A_2792 : memref<!tpu.dma_semaphore, #tpu.memory_space<semaphore_mem>>) src(%dma_wait3A_2800 : memref<224x128xf32, #tpu.memory_space<hbm>>) dst(%dma_wait3A_2796 : memref<224x128xf32, #tpu.memory_space<vmem>>)
    %add3A_2801 = arith.constant 16 : i32
    %add3A_2802 = arith.addi %mul3A_2, %add3A_2801 : i32
    %jit3A_2803 = arith.constant 224 : i32
    %div3A_2804 = arith.divsi %add3A_2802, %jit3A_2803 : i32
    %sign3A_2805 = arith.constant 0 : i32
    %sign3A_2806 = arith.cmpi sgt, %add3A_2802, %sign3A_2805 : i32
    %sign3A_2807 = arith.extui %sign3A_2806 : i1 to i32
    %sign3A_2808 = arith.constant 0 : i32
    %sign3A_2809 = arith.cmpi slt, %add3A_2802, %sign3A_2808 : i32
    %sign3A_2810 = arith.extui %sign3A_2809 : i1 to i32
    %sign3A_2811 = arith.subi %sign3A_2807, %sign3A_2810 : i32
    %sign3A_2812 = arith.constant 0 : i32
    %sign3A_2813 = arith.cmpi sgt, %jit3A_2803, %sign3A_2812 : i32
    %sign3A_2814 = arith.extui %sign3A_2813 : i1 to i32
    %sign3A_2815 = arith.constant 0 : i32
    %sign3A_2816 = arith.cmpi slt, %jit3A_2803, %sign3A_2815 : i32
    %sign3A_2817 = arith.extui %sign3A_2816 : i1 to i32
    %sign3A_2818 = arith.subi %sign3A_2814, %sign3A_2817 : i32
    %ne3A_2819 = arith.cmpi ne, %sign3A_2811, %sign3A_2818 : i32
    %rem3A_2820 = arith.remsi %add3A_2802, %jit3A_2803 : i32
    %ne3A_2821 = arith.constant 0 : i32
    %ne3A_2822 = arith.cmpi ne, %rem3A_2820, %ne3A_2821 : i32
    %and3A_2823 = arith.andi %ne3A_2819, %ne3A_2822 : i1
    %sub3A_2824 = arith.constant 1 : i32
    %sub3A_2825 = arith.subi %div3A_2804, %sub3A_2824 : i32
    %select_n3A_2826 = arith.select %and3A_2823, %sub3A_2825, %div3A_2804 : i32
    %jit3A_2827 = arith.constant 224 : i32
    %eq3A_2828 = arith.constant 0 : i32
    %eq3A_2829 = arith.cmpi eq, %jit3A_2827, %eq3A_2828 : i32
    %jit3A_2830 = arith.constant 1 : i32
    %select_n3A_2831 = arith.select %eq3A_2829, %jit3A_2830, %jit3A_2827 : i32
    %rem3A_2832 = arith.remsi %add3A_2802, %select_n3A_2831 : i32
    %ne3A_2833 = arith.constant 0 : i32
    %ne3A_2834 = arith.cmpi ne, %rem3A_2832, %ne3A_2833 : i32
    %lt3A_2835 = arith.constant 0 : i32
    %lt3A_2836 = arith.cmpi slt, %rem3A_2832, %lt3A_2835 : i32
    %lt3A_2837 = arith.constant 0 : i32
    %lt3A_2838 = arith.cmpi slt, %select_n3A_2831, %lt3A_2837 : i32
    %ne3A_2839 = arith.xori %lt3A_2836, %lt3A_2838 : i1
    %and3A_2840 = arith.andi %ne3A_2839, %ne3A_2834 : i1
    %add3A_2841 = arith.addi %rem3A_2832, %select_n3A_2831 : i32
    %select_n3A_2842 = arith.select %and3A_2840, %add3A_2841, %rem3A_2832 : i32
    %dma_start3A_2843 = arith.constant 0 : i32
    %dma_start3A_2844 = arith.constant 0 : i32
    %dma_start3A_2845 = arith.constant 0 : i32
    %dma_start3A_2846 = arith.constant 0 : i32
    %dma_start3A_2847 = tpu.memref_slice %arg4[%dma_start3A_2843, %dma_start3A_2845, %dma_start3A_2846] : memref<4x224x128xf32, #tpu.memory_space<vmem>> -> memref<1x224x128xf32, #tpu.memory_space<vmem>>
    %dma_start3A_2848 = tpu.memref_squeeze %dma_start3A_2847 : memref<1x224x128xf32, #tpu.memory_space<vmem>> -> memref<224x128xf32, #tpu.memory_space<vmem>>
    %dma_start3A_2849 = arith.constant 0 : i32
    %dma_start3A_2850 = arith.constant 0 : i32
    %dma_start3A_2851 = tpu.memref_slice %arg3[%select_n3A_2826, %select_n3A_2842, %dma_start3A_2849, %dma_start3A_2850] : memref<3x224x224x128xf32, #tpu.memory_space<hbm>> -> memref<1x1x224x128xf32, #tpu.memory_space<hbm>>
    %dma_start3A_2852 = tpu.memref_squeeze %dma_start3A_2851 : memref<1x1x224x128xf32, #tpu.memory_space<hbm>> -> memref<224x128xf32, #tpu.memory_space<hbm>>
    %dma_start3A_2853 = tpu.memref_slice %arg6[%dma_start3A_2844] : memref<4x!tpu.dma_semaphore, #tpu.memory_space<semaphore_mem>> -> memref<1x!tpu.dma_semaphore, #tpu.memory_space<semaphore_mem>>
    %dma_start3A_2854 = tpu.memref_squeeze %dma_start3A_2853 : memref<1x!tpu.dma_semaphore, #tpu.memory_space<semaphore_mem>> -> memref<!tpu.dma_semaphore, #tpu.memory_space<semaphore_mem>>
    %dma_start3A_2855 = arith.constant 0 : i32
    %dma_start3A_2856 = arith.constant 0 : i32
    %dma_start3A_2857 = tpu.memref_slice %arg3[%select_n3A_2826, %select_n3A_2842, %dma_start3A_2855, %dma_start3A_2856] : memref<3x224x224x128xf32, #tpu.memory_space<hbm>> -> memref<1x1x224x128xf32, #tpu.memory_space<hbm>>
    %dma_start3A_2858 = tpu.memref_squeeze %dma_start3A_2857 : memref<1x1x224x128xf32, #tpu.memory_space<hbm>> -> memref<224x128xf32, #tpu.memory_space<hbm>>
    %dma_start3A_2859 = arith.constant 0 : i32
    %dma_start3A_2860 = arith.constant 0 : i32
    %dma_start3A_2861 = tpu.memref_slice %arg4[%dma_start3A_2843, %dma_start3A_2859, %dma_start3A_2860] : memref<4x224x128xf32, #tpu.memory_space<vmem>> -> memref<1x224x128xf32, #tpu.memory_space<vmem>>
    %dma_start3A_2862 = tpu.memref_squeeze %dma_start3A_2861 : memref<1x224x128xf32, #tpu.memory_space<vmem>> -> memref<224x128xf32, #tpu.memory_space<vmem>>
    tpu.enqueue_dma source(%dma_start3A_2862 : memref<224x128xf32, #tpu.memory_space<vmem>>) target(%dma_start3A_2858 : memref<224x128xf32, #tpu.memory_space<hbm>>) target_semaphore(%dma_start3A_2854 : memref<!tpu.dma_semaphore, #tpu.memory_space<semaphore_mem>>)
    %dma_wait3A_2863 = arith.constant 3 : i32
    %dma_wait3A_2864 = arith.constant 3 : i32
    %dma_wait3A_2865 = arith.constant 0 : i32
    %dma_wait3A_2866 = arith.constant 0 : i32
    %dma_wait3A_2867 = tpu.memref_slice %arg4[%dma_wait3A_2863, %dma_wait3A_2865, %dma_wait3A_2866] : memref<4x224x128xf32, #tpu.memory_space<vmem>> -> memref<1x224x128xf32, #tpu.memory_space<vmem>>
    %dma_wait3A_2868 = tpu.memref_squeeze %dma_wait3A_2867 : memref<1x224x128xf32, #tpu.memory_space<vmem>> -> memref<224x128xf32, #tpu.memory_space<vmem>>
    %dma_wait3A_2869 = arith.constant 0 : i32
    %dma_wait3A_2870 = arith.constant 0 : i32
    %dma_wait3A_2871 = tpu.memref_slice %arg3[%select_n3A_2662, %select_n3A_2678, %dma_wait3A_2869, %dma_wait3A_2870] : memref<3x224x224x128xf32, #tpu.memory_space<hbm>> -> memref<1x1x224x128xf32, #tpu.memory_space<hbm>>
    %dma_wait3A_2872 = tpu.memref_squeeze %dma_wait3A_2871 : memref<1x1x224x128xf32, #tpu.memory_space<hbm>> -> memref<224x128xf32, #tpu.memory_space<hbm>>
    %dma_wait3A_2873 = tpu.memref_slice %arg6[%dma_wait3A_2864] : memref<4x!tpu.dma_semaphore, #tpu.memory_space<semaphore_mem>> -> memref<1x!tpu.dma_semaphore, #tpu.memory_space<semaphore_mem>>
    %dma_wait3A_2874 = tpu.memref_squeeze %dma_wait3A_2873 : memref<1x!tpu.dma_semaphore, #tpu.memory_space<semaphore_mem>> -> memref<!tpu.dma_semaphore, #tpu.memory_space<semaphore_mem>>
    %dma_wait3A_2875 = arith.constant 0 : i32
    %dma_wait3A_2876 = arith.constant 0 : i32
    %dma_wait3A_2877 = tpu.memref_slice %arg3[%select_n3A_2662, %select_n3A_2678, %dma_wait3A_2875, %dma_wait3A_2876] : memref<3x224x224x128xf32, #tpu.memory_space<hbm>> -> memref<1x1x224x128xf32, #tpu.memory_space<hbm>>
    %dma_wait3A_2878 = tpu.memref_squeeze %dma_wait3A_2877 : memref<1x1x224x128xf32, #tpu.memory_space<hbm>> -> memref<224x128xf32, #tpu.memory_space<hbm>>
    %dma_wait3A_2879 = arith.constant 0 : i32
    %dma_wait3A_2880 = arith.constant 0 : i32
    %dma_wait3A_2881 = tpu.memref_slice %arg4[%dma_wait3A_2863, %dma_wait3A_2879, %dma_wait3A_2880] : memref<4x224x128xf32, #tpu.memory_space<vmem>> -> memref<1x224x128xf32, #tpu.memory_space<vmem>>
    %dma_wait3A_2882 = tpu.memref_squeeze %dma_wait3A_2881 : memref<1x224x128xf32, #tpu.memory_space<vmem>> -> memref<224x128xf32, #tpu.memory_space<vmem>>
    tpu.wait_dma2 semaphore(%dma_wait3A_2874 : memref<!tpu.dma_semaphore, #tpu.memory_space<semaphore_mem>>) src(%dma_wait3A_2882 : memref<224x128xf32, #tpu.memory_space<vmem>>) dst(%dma_wait3A_2878 : memref<224x128xf32, #tpu.memory_space<hbm>>)
    %add3A_2883 = arith.constant 19 : i32
    %add3A_2884 = arith.addi %mul3A_2, %add3A_2883 : i32
    %jit3A_2885 = arith.constant 224 : i32
    %div3A_2886 = arith.divsi %add3A_2884, %jit3A_2885 : i32
    %sign3A_2887 = arith.constant 0 : i32
    %sign3A_2888 = arith.cmpi sgt, %add3A_2884, %sign3A_2887 : i32
    %sign3A_2889 = arith.extui %sign3A_2888 : i1 to i32
    %sign3A_2890 = arith.constant 0 : i32
    %sign3A_2891 = arith.cmpi slt, %add3A_2884, %sign3A_2890 : i32
    %sign3A_2892 = arith.extui %sign3A_2891 : i1 to i32
    %sign3A_2893 = arith.subi %sign3A_2889, %sign3A_2892 : i32
    %sign3A_2894 = arith.constant 0 : i32
    %sign3A_2895 = arith.cmpi sgt, %jit3A_2885, %sign3A_2894 : i32
    %sign3A_2896 = arith.extui %sign3A_2895 : i1 to i32
    %sign3A_2897 = arith.constant 0 : i32
    %sign3A_2898 = arith.cmpi slt, %jit3A_2885, %sign3A_2897 : i32
    %sign3A_2899 = arith.extui %sign3A_2898 : i1 to i32
    %sign3A_2900 = arith.subi %sign3A_2896, %sign3A_2899 : i32
    %ne3A_2901 = arith.cmpi ne, %sign3A_2893, %sign3A_2900 : i32
    %rem3A_2902 = arith.remsi %add3A_2884, %jit3A_2885 : i32
    %ne3A_2903 = arith.constant 0 : i32
    %ne3A_2904 = arith.cmpi ne, %rem3A_2902, %ne3A_2903 : i32
    %and3A_2905 = arith.andi %ne3A_2901, %ne3A_2904 : i1
    %sub3A_2906 = arith.constant 1 : i32
    %sub3A_2907 = arith.subi %div3A_2886, %sub3A_2906 : i32
    %select_n3A_2908 = arith.select %and3A_2905, %sub3A_2907, %div3A_2886 : i32
    %jit3A_2909 = arith.constant 224 : i32
    %eq3A_2910 = arith.constant 0 : i32
    %eq3A_2911 = arith.cmpi eq, %jit3A_2909, %eq3A_2910 : i32
    %jit3A_2912 = arith.constant 1 : i32
    %select_n3A_2913 = arith.select %eq3A_2911, %jit3A_2912, %jit3A_2909 : i32
    %rem3A_2914 = arith.remsi %add3A_2884, %select_n3A_2913 : i32
    %ne3A_2915 = arith.constant 0 : i32
    %ne3A_2916 = arith.cmpi ne, %rem3A_2914, %ne3A_2915 : i32
    %lt3A_2917 = arith.constant 0 : i32
    %lt3A_2918 = arith.cmpi slt, %rem3A_2914, %lt3A_2917 : i32
    %lt3A_2919 = arith.constant 0 : i32
    %lt3A_2920 = arith.cmpi slt, %select_n3A_2913, %lt3A_2919 : i32
    %ne3A_2921 = arith.xori %lt3A_2918, %lt3A_2920 : i1
    %and3A_2922 = arith.andi %ne3A_2921, %ne3A_2916 : i1
    %add3A_2923 = arith.addi %rem3A_2914, %select_n3A_2913 : i32
    %select_n3A_2924 = arith.select %and3A_2922, %add3A_2923, %rem3A_2914 : i32
    %dma_start3A_2925 = arith.constant 3 : i32
    %dma_start3A_2926 = arith.constant 3 : i32
    %dma_start3A_2927 = arith.constant 0 : i32
    %dma_start3A_2928 = arith.constant 0 : i32
    %dma_start3A_2929 = tpu.memref_slice %arg4[%dma_start3A_2925, %dma_start3A_2927, %dma_start3A_2928] : memref<4x224x128xf32, #tpu.memory_space<vmem>> -> memref<1x224x128xf32, #tpu.memory_space<vmem>>
    %dma_start3A_2930 = tpu.memref_squeeze %dma_start3A_2929 : memref<1x224x128xf32, #tpu.memory_space<vmem>> -> memref<224x128xf32, #tpu.memory_space<vmem>>
    %dma_start3A_2931 = arith.constant 0 : i32
    %dma_start3A_2932 = arith.constant 0 : i32
    %dma_start3A_2933 = tpu.memref_slice %arg2[%select_n3A_2908, %select_n3A_2924, %dma_start3A_2931, %dma_start3A_2932] : memref<3x224x224x128xf32, #tpu.memory_space<hbm>> -> memref<1x1x224x128xf32, #tpu.memory_space<hbm>>
    %dma_start3A_2934 = tpu.memref_squeeze %dma_start3A_2933 : memref<1x1x224x128xf32, #tpu.memory_space<hbm>> -> memref<224x128xf32, #tpu.memory_space<hbm>>
    %dma_start3A_2935 = tpu.memref_slice %arg5[%dma_start3A_2926] : memref<4x!tpu.dma_semaphore, #tpu.memory_space<semaphore_mem>> -> memref<1x!tpu.dma_semaphore, #tpu.memory_space<semaphore_mem>>
    %dma_start3A_2936 = tpu.memref_squeeze %dma_start3A_2935 : memref<1x!tpu.dma_semaphore, #tpu.memory_space<semaphore_mem>> -> memref<!tpu.dma_semaphore, #tpu.memory_space<semaphore_mem>>
    %dma_start3A_2937 = arith.constant 0 : i32
    %dma_start3A_2938 = arith.constant 0 : i32
    %dma_start3A_2939 = tpu.memref_slice %arg4[%dma_start3A_2925, %dma_start3A_2937, %dma_start3A_2938] : memref<4x224x128xf32, #tpu.memory_space<vmem>> -> memref<1x224x128xf32, #tpu.memory_space<vmem>>
    %dma_start3A_2940 = tpu.memref_squeeze %dma_start3A_2939 : memref<1x224x128xf32, #tpu.memory_space<vmem>> -> memref<224x128xf32, #tpu.memory_space<vmem>>
    %dma_start3A_2941 = arith.constant 0 : i32
    %dma_start3A_2942 = arith.constant 0 : i32
    %dma_start3A_2943 = tpu.memref_slice %arg2[%select_n3A_2908, %select_n3A_2924, %dma_start3A_2941, %dma_start3A_2942] : memref<3x224x224x128xf32, #tpu.memory_space<hbm>> -> memref<1x1x224x128xf32, #tpu.memory_space<hbm>>
    %dma_start3A_2944 = tpu.memref_squeeze %dma_start3A_2943 : memref<1x1x224x128xf32, #tpu.memory_space<hbm>> -> memref<224x128xf32, #tpu.memory_space<hbm>>
    tpu.enqueue_dma source(%dma_start3A_2944 : memref<224x128xf32, #tpu.memory_space<hbm>>) target(%dma_start3A_2940 : memref<224x128xf32, #tpu.memory_space<vmem>>) target_semaphore(%dma_start3A_2936 : memref<!tpu.dma_semaphore, #tpu.memory_space<semaphore_mem>>)
    %dma_wait3A_2945 = arith.constant 1 : i32
    %dma_wait3A_2946 = arith.constant 1 : i32
    %dma_wait3A_2947 = arith.constant 0 : i32
    %dma_wait3A_2948 = arith.constant 0 : i32
    %dma_wait3A_2949 = tpu.memref_slice %arg4[%dma_wait3A_2945, %dma_wait3A_2947, %dma_wait3A_2948] : memref<4x224x128xf32, #tpu.memory_space<vmem>> -> memref<1x224x128xf32, #tpu.memory_space<vmem>>
    %dma_wait3A_2950 = tpu.memref_squeeze %dma_wait3A_2949 : memref<1x224x128xf32, #tpu.memory_space<vmem>> -> memref<224x128xf32, #tpu.memory_space<vmem>>
    %dma_wait3A_2951 = arith.constant 0 : i32
    %dma_wait3A_2952 = arith.constant 0 : i32
    %dma_wait3A_2953 = tpu.memref_slice %arg2[%select_n3A_2580, %select_n3A_2596, %dma_wait3A_2951, %dma_wait3A_2952] : memref<3x224x224x128xf32, #tpu.memory_space<hbm>> -> memref<1x1x224x128xf32, #tpu.memory_space<hbm>>
    %dma_wait3A_2954 = tpu.memref_squeeze %dma_wait3A_2953 : memref<1x1x224x128xf32, #tpu.memory_space<hbm>> -> memref<224x128xf32, #tpu.memory_space<hbm>>
    %dma_wait3A_2955 = tpu.memref_slice %arg5[%dma_wait3A_2946] : memref<4x!tpu.dma_semaphore, #tpu.memory_space<semaphore_mem>> -> memref<1x!tpu.dma_semaphore, #tpu.memory_space<semaphore_mem>>
    %dma_wait3A_2956 = tpu.memref_squeeze %dma_wait3A_2955 : memref<1x!tpu.dma_semaphore, #tpu.memory_space<semaphore_mem>> -> memref<!tpu.dma_semaphore, #tpu.memory_space<semaphore_mem>>
    %dma_wait3A_2957 = arith.constant 0 : i32
    %dma_wait3A_2958 = arith.constant 0 : i32
    %dma_wait3A_2959 = tpu.memref_slice %arg4[%dma_wait3A_2945, %dma_wait3A_2957, %dma_wait3A_2958] : memref<4x224x128xf32, #tpu.memory_space<vmem>> -> memref<1x224x128xf32, #tpu.memory_space<vmem>>
    %dma_wait3A_2960 = tpu.memref_squeeze %dma_wait3A_2959 : memref<1x224x128xf32, #tpu.memory_space<vmem>> -> memref<224x128xf32, #tpu.memory_space<vmem>>
    %dma_wait3A_2961 = arith.constant 0 : i32
    %dma_wait3A_2962 = arith.constant 0 : i32
    %dma_wait3A_2963 = tpu.memref_slice %arg2[%select_n3A_2580, %select_n3A_2596, %dma_wait3A_2961, %dma_wait3A_2962] : memref<3x224x224x128xf32, #tpu.memory_space<hbm>> -> memref<1x1x224x128xf32, #tpu.memory_space<hbm>>
    %dma_wait3A_2964 = tpu.memref_squeeze %dma_wait3A_2963 : memref<1x1x224x128xf32, #tpu.memory_space<hbm>> -> memref<224x128xf32, #tpu.memory_space<hbm>>
    tpu.wait_dma2 semaphore(%dma_wait3A_2956 : memref<!tpu.dma_semaphore, #tpu.memory_space<semaphore_mem>>) src(%dma_wait3A_2964 : memref<224x128xf32, #tpu.memory_space<hbm>>) dst(%dma_wait3A_2960 : memref<224x128xf32, #tpu.memory_space<vmem>>)
    %add3A_2965 = arith.constant 17 : i32
    %add3A_2966 = arith.addi %mul3A_2, %add3A_2965 : i32
    %jit3A_2967 = arith.constant 224 : i32
    %div3A_2968 = arith.divsi %add3A_2966, %jit3A_2967 : i32
    %sign3A_2969 = arith.constant 0 : i32
    %sign3A_2970 = arith.cmpi sgt, %add3A_2966, %sign3A_2969 : i32
    %sign3A_2971 = arith.extui %sign3A_2970 : i1 to i32
    %sign3A_2972 = arith.constant 0 : i32
    %sign3A_2973 = arith.cmpi slt, %add3A_2966, %sign3A_2972 : i32
    %sign3A_2974 = arith.extui %sign3A_2973 : i1 to i32
    %sign3A_2975 = arith.subi %sign3A_2971, %sign3A_2974 : i32
    %sign3A_2976 = arith.constant 0 : i32
    %sign3A_2977 = arith.cmpi sgt, %jit3A_2967, %sign3A_2976 : i32
    %sign3A_2978 = arith.extui %sign3A_2977 : i1 to i32
    %sign3A_2979 = arith.constant 0 : i32
    %sign3A_2980 = arith.cmpi slt, %jit3A_2967, %sign3A_2979 : i32
    %sign3A_2981 = arith.extui %sign3A_2980 : i1 to i32
    %sign3A_2982 = arith.subi %sign3A_2978, %sign3A_2981 : i32
    %ne3A_2983 = arith.cmpi ne, %sign3A_2975, %sign3A_2982 : i32
    %rem3A_2984 = arith.remsi %add3A_2966, %jit3A_2967 : i32
    %ne3A_2985 = arith.constant 0 : i32
    %ne3A_2986 = arith.cmpi ne, %rem3A_2984, %ne3A_2985 : i32
    %and3A_2987 = arith.andi %ne3A_2983, %ne3A_2986 : i1
    %sub3A_2988 = arith.constant 1 : i32
    %sub3A_2989 = arith.subi %div3A_2968, %sub3A_2988 : i32
    %select_n3A_2990 = arith.select %and3A_2987, %sub3A_2989, %div3A_2968 : i32
    %jit3A_2991 = arith.constant 224 : i32
    %eq3A_2992 = arith.constant 0 : i32
    %eq3A_2993 = arith.cmpi eq, %jit3A_2991, %eq3A_2992 : i32
    %jit3A_2994 = arith.constant 1 : i32
    %select_n3A_2995 = arith.select %eq3A_2993, %jit3A_2994, %jit3A_2991 : i32
    %rem3A_2996 = arith.remsi %add3A_2966, %select_n3A_2995 : i32
    %ne3A_2997 = arith.constant 0 : i32
    %ne3A_2998 = arith.cmpi ne, %rem3A_2996, %ne3A_2997 : i32
    %lt3A_2999 = arith.constant 0 : i32
    %lt3A_3000 = arith.cmpi slt, %rem3A_2996, %lt3A_2999 : i32
    %lt3A_3001 = arith.constant 0 : i32
    %lt3A_3002 = arith.cmpi slt, %select_n3A_2995, %lt3A_3001 : i32
    %ne3A_3003 = arith.xori %lt3A_3000, %lt3A_3002 : i1
    %and3A_3004 = arith.andi %ne3A_3003, %ne3A_2998 : i1
    %add3A_3005 = arith.addi %rem3A_2996, %select_n3A_2995 : i32
    %select_n3A_3006 = arith.select %and3A_3004, %add3A_3005, %rem3A_2996 : i32
    %dma_start3A_3007 = arith.constant 1 : i32
    %dma_start3A_3008 = arith.constant 1 : i32
    %dma_start3A_3009 = arith.constant 0 : i32
    %dma_start3A_3010 = arith.constant 0 : i32
    %dma_start3A_3011 = tpu.memref_slice %arg4[%dma_start3A_3007, %dma_start3A_3009, %dma_start3A_3010] : memref<4x224x128xf32, #tpu.memory_space<vmem>> -> memref<1x224x128xf32, #tpu.memory_space<vmem>>
    %dma_start3A_3012 = tpu.memref_squeeze %dma_start3A_3011 : memref<1x224x128xf32, #tpu.memory_space<vmem>> -> memref<224x128xf32, #tpu.memory_space<vmem>>
    %dma_start3A_3013 = arith.constant 0 : i32
    %dma_start3A_3014 = arith.constant 0 : i32
    %dma_start3A_3015 = tpu.memref_slice %arg3[%select_n3A_2990, %select_n3A_3006, %dma_start3A_3013, %dma_start3A_3014] : memref<3x224x224x128xf32, #tpu.memory_space<hbm>> -> memref<1x1x224x128xf32, #tpu.memory_space<hbm>>
    %dma_start3A_3016 = tpu.memref_squeeze %dma_start3A_3015 : memref<1x1x224x128xf32, #tpu.memory_space<hbm>> -> memref<224x128xf32, #tpu.memory_space<hbm>>
    %dma_start3A_3017 = tpu.memref_slice %arg6[%dma_start3A_3008] : memref<4x!tpu.dma_semaphore, #tpu.memory_space<semaphore_mem>> -> memref<1x!tpu.dma_semaphore, #tpu.memory_space<semaphore_mem>>
    %dma_start3A_3018 = tpu.memref_squeeze %dma_start3A_3017 : memref<1x!tpu.dma_semaphore, #tpu.memory_space<semaphore_mem>> -> memref<!tpu.dma_semaphore, #tpu.memory_space<semaphore_mem>>
    %dma_start3A_3019 = arith.constant 0 : i32
    %dma_start3A_3020 = arith.constant 0 : i32
    %dma_start3A_3021 = tpu.memref_slice %arg3[%select_n3A_2990, %select_n3A_3006, %dma_start3A_3019, %dma_start3A_3020] : memref<3x224x224x128xf32, #tpu.memory_space<hbm>> -> memref<1x1x224x128xf32, #tpu.memory_space<hbm>>
    %dma_start3A_3022 = tpu.memref_squeeze %dma_start3A_3021 : memref<1x1x224x128xf32, #tpu.memory_space<hbm>> -> memref<224x128xf32, #tpu.memory_space<hbm>>
    %dma_start3A_3023 = arith.constant 0 : i32
    %dma_start3A_3024 = arith.constant 0 : i32
    %dma_start3A_3025 = tpu.memref_slice %arg4[%dma_start3A_3007, %dma_start3A_3023, %dma_start3A_3024] : memref<4x224x128xf32, #tpu.memory_space<vmem>> -> memref<1x224x128xf32, #tpu.memory_space<vmem>>
    %dma_start3A_3026 = tpu.memref_squeeze %dma_start3A_3025 : memref<1x224x128xf32, #tpu.memory_space<vmem>> -> memref<224x128xf32, #tpu.memory_space<vmem>>
    tpu.enqueue_dma source(%dma_start3A_3026 : memref<224x128xf32, #tpu.memory_space<vmem>>) target(%dma_start3A_3022 : memref<224x128xf32, #tpu.memory_space<hbm>>) target_semaphore(%dma_start3A_3018 : memref<!tpu.dma_semaphore, #tpu.memory_space<semaphore_mem>>)
    %dma_wait3A_3027 = arith.constant 0 : i32
    %dma_wait3A_3028 = arith.constant 0 : i32
    %dma_wait3A_3029 = arith.constant 0 : i32
    %dma_wait3A_3030 = arith.constant 0 : i32
    %dma_wait3A_3031 = tpu.memref_slice %arg4[%dma_wait3A_3027, %dma_wait3A_3029, %dma_wait3A_3030] : memref<4x224x128xf32, #tpu.memory_space<vmem>> -> memref<1x224x128xf32, #tpu.memory_space<vmem>>
    %dma_wait3A_3032 = tpu.memref_squeeze %dma_wait3A_3031 : memref<1x224x128xf32, #tpu.memory_space<vmem>> -> memref<224x128xf32, #tpu.memory_space<vmem>>
    %dma_wait3A_3033 = arith.constant 0 : i32
    %dma_wait3A_3034 = arith.constant 0 : i32
    %dma_wait3A_3035 = tpu.memref_slice %arg3[%select_n3A_2826, %select_n3A_2842, %dma_wait3A_3033, %dma_wait3A_3034] : memref<3x224x224x128xf32, #tpu.memory_space<hbm>> -> memref<1x1x224x128xf32, #tpu.memory_space<hbm>>
    %dma_wait3A_3036 = tpu.memref_squeeze %dma_wait3A_3035 : memref<1x1x224x128xf32, #tpu.memory_space<hbm>> -> memref<224x128xf32, #tpu.memory_space<hbm>>
    %dma_wait3A_3037 = tpu.memref_slice %arg6[%dma_wait3A_3028] : memref<4x!tpu.dma_semaphore, #tpu.memory_space<semaphore_mem>> -> memref<1x!tpu.dma_semaphore, #tpu.memory_space<semaphore_mem>>
    %dma_wait3A_3038 = tpu.memref_squeeze %dma_wait3A_3037 : memref<1x!tpu.dma_semaphore, #tpu.memory_space<semaphore_mem>> -> memref<!tpu.dma_semaphore, #tpu.memory_space<semaphore_mem>>
    %dma_wait3A_3039 = arith.constant 0 : i32
    %dma_wait3A_3040 = arith.constant 0 : i32
    %dma_wait3A_3041 = tpu.memref_slice %arg3[%select_n3A_2826, %select_n3A_2842, %dma_wait3A_3039, %dma_wait3A_3040] : memref<3x224x224x128xf32, #tpu.memory_space<hbm>> -> memref<1x1x224x128xf32, #tpu.memory_space<hbm>>
    %dma_wait3A_3042 = tpu.memref_squeeze %dma_wait3A_3041 : memref<1x1x224x128xf32, #tpu.memory_space<hbm>> -> memref<224x128xf32, #tpu.memory_space<hbm>>
    %dma_wait3A_3043 = arith.constant 0 : i32
    %dma_wait3A_3044 = arith.constant 0 : i32
    %dma_wait3A_3045 = tpu.memref_slice %arg4[%dma_wait3A_3027, %dma_wait3A_3043, %dma_wait3A_3044] : memref<4x224x128xf32, #tpu.memory_space<vmem>> -> memref<1x224x128xf32, #tpu.memory_space<vmem>>
    %dma_wait3A_3046 = tpu.memref_squeeze %dma_wait3A_3045 : memref<1x224x128xf32, #tpu.memory_space<vmem>> -> memref<224x128xf32, #tpu.memory_space<vmem>>
    tpu.wait_dma2 semaphore(%dma_wait3A_3038 : memref<!tpu.dma_semaphore, #tpu.memory_space<semaphore_mem>>) src(%dma_wait3A_3046 : memref<224x128xf32, #tpu.memory_space<vmem>>) dst(%dma_wait3A_3042 : memref<224x128xf32, #tpu.memory_space<hbm>>)
    %add3A_3047 = arith.constant 20 : i32
    %add3A_3048 = arith.addi %mul3A_2, %add3A_3047 : i32
    %jit3A_3049 = arith.constant 224 : i32
    %div3A_3050 = arith.divsi %add3A_3048, %jit3A_3049 : i32
    %sign3A_3051 = arith.constant 0 : i32
    %sign3A_3052 = arith.cmpi sgt, %add3A_3048, %sign3A_3051 : i32
    %sign3A_3053 = arith.extui %sign3A_3052 : i1 to i32
    %sign3A_3054 = arith.constant 0 : i32
    %sign3A_3055 = arith.cmpi slt, %add3A_3048, %sign3A_3054 : i32
    %sign3A_3056 = arith.extui %sign3A_3055 : i1 to i32
    %sign3A_3057 = arith.subi %sign3A_3053, %sign3A_3056 : i32
    %sign3A_3058 = arith.constant 0 : i32
    %sign3A_3059 = arith.cmpi sgt, %jit3A_3049, %sign3A_3058 : i32
    %sign3A_3060 = arith.extui %sign3A_3059 : i1 to i32
    %sign3A_3061 = arith.constant 0 : i32
    %sign3A_3062 = arith.cmpi slt, %jit3A_3049, %sign3A_3061 : i32
    %sign3A_3063 = arith.extui %sign3A_3062 : i1 to i32
    %sign3A_3064 = arith.subi %sign3A_3060, %sign3A_3063 : i32
    %ne3A_3065 = arith.cmpi ne, %sign3A_3057, %sign3A_3064 : i32
    %rem3A_3066 = arith.remsi %add3A_3048, %jit3A_3049 : i32
    %ne3A_3067 = arith.constant 0 : i32
    %ne3A_3068 = arith.cmpi ne, %rem3A_3066, %ne3A_3067 : i32
    %and3A_3069 = arith.andi %ne3A_3065, %ne3A_3068 : i1
    %sub3A_3070 = arith.constant 1 : i32
    %sub3A_3071 = arith.subi %div3A_3050, %sub3A_3070 : i32
    %select_n3A_3072 = arith.select %and3A_3069, %sub3A_3071, %div3A_3050 : i32
    %jit3A_3073 = arith.constant 224 : i32
    %eq3A_3074 = arith.constant 0 : i32
    %eq3A_3075 = arith.cmpi eq, %jit3A_3073, %eq3A_3074 : i32
    %jit3A_3076 = arith.constant 1 : i32
    %select_n3A_3077 = arith.select %eq3A_3075, %jit3A_3076, %jit3A_3073 : i32
    %rem3A_3078 = arith.remsi %add3A_3048, %select_n3A_3077 : i32
    %ne3A_3079 = arith.constant 0 : i32
    %ne3A_3080 = arith.cmpi ne, %rem3A_3078, %ne3A_3079 : i32
    %lt3A_3081 = arith.constant 0 : i32
    %lt3A_3082 = arith.cmpi slt, %rem3A_3078, %lt3A_3081 : i32
    %lt3A_3083 = arith.constant 0 : i32
    %lt3A_3084 = arith.cmpi slt, %select_n3A_3077, %lt3A_3083 : i32
    %ne3A_3085 = arith.xori %lt3A_3082, %lt3A_3084 : i1
    %and3A_3086 = arith.andi %ne3A_3085, %ne3A_3080 : i1
    %add3A_3087 = arith.addi %rem3A_3078, %select_n3A_3077 : i32
    %select_n3A_3088 = arith.select %and3A_3086, %add3A_3087, %rem3A_3078 : i32
    %dma_start3A_3089 = arith.constant 0 : i32
    %dma_start3A_3090 = arith.constant 0 : i32
    %dma_start3A_3091 = arith.constant 0 : i32
    %dma_start3A_3092 = arith.constant 0 : i32
    %dma_start3A_3093 = tpu.memref_slice %arg4[%dma_start3A_3089, %dma_start3A_3091, %dma_start3A_3092] : memref<4x224x128xf32, #tpu.memory_space<vmem>> -> memref<1x224x128xf32, #tpu.memory_space<vmem>>
    %dma_start3A_3094 = tpu.memref_squeeze %dma_start3A_3093 : memref<1x224x128xf32, #tpu.memory_space<vmem>> -> memref<224x128xf32, #tpu.memory_space<vmem>>
    %dma_start3A_3095 = arith.constant 0 : i32
    %dma_start3A_3096 = arith.constant 0 : i32
    %dma_start3A_3097 = tpu.memref_slice %arg2[%select_n3A_3072, %select_n3A_3088, %dma_start3A_3095, %dma_start3A_3096] : memref<3x224x224x128xf32, #tpu.memory_space<hbm>> -> memref<1x1x224x128xf32, #tpu.memory_space<hbm>>
    %dma_start3A_3098 = tpu.memref_squeeze %dma_start3A_3097 : memref<1x1x224x128xf32, #tpu.memory_space<hbm>> -> memref<224x128xf32, #tpu.memory_space<hbm>>
    %dma_start3A_3099 = tpu.memref_slice %arg5[%dma_start3A_3090] : memref<4x!tpu.dma_semaphore, #tpu.memory_space<semaphore_mem>> -> memref<1x!tpu.dma_semaphore, #tpu.memory_space<semaphore_mem>>
    %dma_start3A_3100 = tpu.memref_squeeze %dma_start3A_3099 : memref<1x!tpu.dma_semaphore, #tpu.memory_space<semaphore_mem>> -> memref<!tpu.dma_semaphore, #tpu.memory_space<semaphore_mem>>
    %dma_start3A_3101 = arith.constant 0 : i32
    %dma_start3A_3102 = arith.constant 0 : i32
    %dma_start3A_3103 = tpu.memref_slice %arg4[%dma_start3A_3089, %dma_start3A_3101, %dma_start3A_3102] : memref<4x224x128xf32, #tpu.memory_space<vmem>> -> memref<1x224x128xf32, #tpu.memory_space<vmem>>
    %dma_start3A_3104 = tpu.memref_squeeze %dma_start3A_3103 : memref<1x224x128xf32, #tpu.memory_space<vmem>> -> memref<224x128xf32, #tpu.memory_space<vmem>>
    %dma_start3A_3105 = arith.constant 0 : i32
    %dma_start3A_3106 = arith.constant 0 : i32
    %dma_start3A_3107 = tpu.memref_slice %arg2[%select_n3A_3072, %select_n3A_3088, %dma_start3A_3105, %dma_start3A_3106] : memref<3x224x224x128xf32, #tpu.memory_space<hbm>> -> memref<1x1x224x128xf32, #tpu.memory_space<hbm>>
    %dma_start3A_3108 = tpu.memref_squeeze %dma_start3A_3107 : memref<1x1x224x128xf32, #tpu.memory_space<hbm>> -> memref<224x128xf32, #tpu.memory_space<hbm>>
    tpu.enqueue_dma source(%dma_start3A_3108 : memref<224x128xf32, #tpu.memory_space<hbm>>) target(%dma_start3A_3104 : memref<224x128xf32, #tpu.memory_space<vmem>>) target_semaphore(%dma_start3A_3100 : memref<!tpu.dma_semaphore, #tpu.memory_space<semaphore_mem>>)
    %dma_wait3A_3109 = arith.constant 2 : i32
    %dma_wait3A_3110 = arith.constant 2 : i32
    %dma_wait3A_3111 = arith.constant 0 : i32
    %dma_wait3A_3112 = arith.constant 0 : i32
    %dma_wait3A_3113 = tpu.memref_slice %arg4[%dma_wait3A_3109, %dma_wait3A_3111, %dma_wait3A_3112] : memref<4x224x128xf32, #tpu.memory_space<vmem>> -> memref<1x224x128xf32, #tpu.memory_space<vmem>>
    %dma_wait3A_3114 = tpu.memref_squeeze %dma_wait3A_3113 : memref<1x224x128xf32, #tpu.memory_space<vmem>> -> memref<224x128xf32, #tpu.memory_space<vmem>>
    %dma_wait3A_3115 = arith.constant 0 : i32
    %dma_wait3A_3116 = arith.constant 0 : i32
    %dma_wait3A_3117 = tpu.memref_slice %arg2[%select_n3A_2744, %select_n3A_2760, %dma_wait3A_3115, %dma_wait3A_3116] : memref<3x224x224x128xf32, #tpu.memory_space<hbm>> -> memref<1x1x224x128xf32, #tpu.memory_space<hbm>>
    %dma_wait3A_3118 = tpu.memref_squeeze %dma_wait3A_3117 : memref<1x1x224x128xf32, #tpu.memory_space<hbm>> -> memref<224x128xf32, #tpu.memory_space<hbm>>
    %dma_wait3A_3119 = tpu.memref_slice %arg5[%dma_wait3A_3110] : memref<4x!tpu.dma_semaphore, #tpu.memory_space<semaphore_mem>> -> memref<1x!tpu.dma_semaphore, #tpu.memory_space<semaphore_mem>>
    %dma_wait3A_3120 = tpu.memref_squeeze %dma_wait3A_3119 : memref<1x!tpu.dma_semaphore, #tpu.memory_space<semaphore_mem>> -> memref<!tpu.dma_semaphore, #tpu.memory_space<semaphore_mem>>
    %dma_wait3A_3121 = arith.constant 0 : i32
    %dma_wait3A_3122 = arith.constant 0 : i32
    %dma_wait3A_3123 = tpu.memref_slice %arg4[%dma_wait3A_3109, %dma_wait3A_3121, %dma_wait3A_3122] : memref<4x224x128xf32, #tpu.memory_space<vmem>> -> memref<1x224x128xf32, #tpu.memory_space<vmem>>
    %dma_wait3A_3124 = tpu.memref_squeeze %dma_wait3A_3123 : memref<1x224x128xf32, #tpu.memory_space<vmem>> -> memref<224x128xf32, #tpu.memory_space<vmem>>
    %dma_wait3A_3125 = arith.constant 0 : i32
    %dma_wait3A_3126 = arith.constant 0 : i32
    %dma_wait3A_3127 = tpu.memref_slice %arg2[%select_n3A_2744, %select_n3A_2760, %dma_wait3A_3125, %dma_wait3A_3126] : memref<3x224x224x128xf32, #tpu.memory_space<hbm>> -> memref<1x1x224x128xf32, #tpu.memory_space<hbm>>
    %dma_wait3A_3128 = tpu.memref_squeeze %dma_wait3A_3127 : memref<1x1x224x128xf32, #tpu.memory_space<hbm>> -> memref<224x128xf32, #tpu.memory_space<hbm>>
    tpu.wait_dma2 semaphore(%dma_wait3A_3120 : memref<!tpu.dma_semaphore, #tpu.memory_space<semaphore_mem>>) src(%dma_wait3A_3128 : memref<224x128xf32, #tpu.memory_space<hbm>>) dst(%dma_wait3A_3124 : memref<224x128xf32, #tpu.memory_space<vmem>>)
    %add3A_3129 = arith.constant 18 : i32
    %add3A_3130 = arith.addi %mul3A_2, %add3A_3129 : i32
    %jit3A_3131 = arith.constant 224 : i32
    %div3A_3132 = arith.divsi %add3A_3130, %jit3A_3131 : i32
    %sign3A_3133 = arith.constant 0 : i32
    %sign3A_3134 = arith.cmpi sgt, %add3A_3130, %sign3A_3133 : i32
    %sign3A_3135 = arith.extui %sign3A_3134 : i1 to i32
    %sign3A_3136 = arith.constant 0 : i32
    %sign3A_3137 = arith.cmpi slt, %add3A_3130, %sign3A_3136 : i32
    %sign3A_3138 = arith.extui %sign3A_3137 : i1 to i32
    %sign3A_3139 = arith.subi %sign3A_3135, %sign3A_3138 : i32
    %sign3A_3140 = arith.constant 0 : i32
    %sign3A_3141 = arith.cmpi sgt, %jit3A_3131, %sign3A_3140 : i32
    %sign3A_3142 = arith.extui %sign3A_3141 : i1 to i32
    %sign3A_3143 = arith.constant 0 : i32
    %sign3A_3144 = arith.cmpi slt, %jit3A_3131, %sign3A_3143 : i32
    %sign3A_3145 = arith.extui %sign3A_3144 : i1 to i32
    %sign3A_3146 = arith.subi %sign3A_3142, %sign3A_3145 : i32
    %ne3A_3147 = arith.cmpi ne, %sign3A_3139, %sign3A_3146 : i32
    %rem3A_3148 = arith.remsi %add3A_3130, %jit3A_3131 : i32
    %ne3A_3149 = arith.constant 0 : i32
    %ne3A_3150 = arith.cmpi ne, %rem3A_3148, %ne3A_3149 : i32
    %and3A_3151 = arith.andi %ne3A_3147, %ne3A_3150 : i1
    %sub3A_3152 = arith.constant 1 : i32
    %sub3A_3153 = arith.subi %div3A_3132, %sub3A_3152 : i32
    %select_n3A_3154 = arith.select %and3A_3151, %sub3A_3153, %div3A_3132 : i32
    %jit3A_3155 = arith.constant 224 : i32
    %eq3A_3156 = arith.constant 0 : i32
    %eq3A_3157 = arith.cmpi eq, %jit3A_3155, %eq3A_3156 : i32
    %jit3A_3158 = arith.constant 1 : i32
    %select_n3A_3159 = arith.select %eq3A_3157, %jit3A_3158, %jit3A_3155 : i32
    %rem3A_3160 = arith.remsi %add3A_3130, %select_n3A_3159 : i32
    %ne3A_3161 = arith.constant 0 : i32
    %ne3A_3162 = arith.cmpi ne, %rem3A_3160, %ne3A_3161 : i32
    %lt3A_3163 = arith.constant 0 : i32
    %lt3A_3164 = arith.cmpi slt, %rem3A_3160, %lt3A_3163 : i32
    %lt3A_3165 = arith.constant 0 : i32
    %lt3A_3166 = arith.cmpi slt, %select_n3A_3159, %lt3A_3165 : i32
    %ne3A_3167 = arith.xori %lt3A_3164, %lt3A_3166 : i1
    %and3A_3168 = arith.andi %ne3A_3167, %ne3A_3162 : i1
    %add3A_3169 = arith.addi %rem3A_3160, %select_n3A_3159 : i32
    %select_n3A_3170 = arith.select %and3A_3168, %add3A_3169, %rem3A_3160 : i32
    %dma_start3A_3171 = arith.constant 2 : i32
    %dma_start3A_3172 = arith.constant 2 : i32
    %dma_start3A_3173 = arith.constant 0 : i32
    %dma_start3A_3174 = arith.constant 0 : i32
    %dma_start3A_3175 = tpu.memref_slice %arg4[%dma_start3A_3171, %dma_start3A_3173, %dma_start3A_3174] : memref<4x224x128xf32, #tpu.memory_space<vmem>> -> memref<1x224x128xf32, #tpu.memory_space<vmem>>
    %dma_start3A_3176 = tpu.memref_squeeze %dma_start3A_3175 : memref<1x224x128xf32, #tpu.memory_space<vmem>> -> memref<224x128xf32, #tpu.memory_space<vmem>>
    %dma_start3A_3177 = arith.constant 0 : i32
    %dma_start3A_3178 = arith.constant 0 : i32
    %dma_start3A_3179 = tpu.memref_slice %arg3[%select_n3A_3154, %select_n3A_3170, %dma_start3A_3177, %dma_start3A_3178] : memref<3x224x224x128xf32, #tpu.memory_space<hbm>> -> memref<1x1x224x128xf32, #tpu.memory_space<hbm>>
    %dma_start3A_3180 = tpu.memref_squeeze %dma_start3A_3179 : memref<1x1x224x128xf32, #tpu.memory_space<hbm>> -> memref<224x128xf32, #tpu.memory_space<hbm>>
    %dma_start3A_3181 = tpu.memref_slice %arg6[%dma_start3A_3172] : memref<4x!tpu.dma_semaphore, #tpu.memory_space<semaphore_mem>> -> memref<1x!tpu.dma_semaphore, #tpu.memory_space<semaphore_mem>>
    %dma_start3A_3182 = tpu.memref_squeeze %dma_start3A_3181 : memref<1x!tpu.dma_semaphore, #tpu.memory_space<semaphore_mem>> -> memref<!tpu.dma_semaphore, #tpu.memory_space<semaphore_mem>>
    %dma_start3A_3183 = arith.constant 0 : i32
    %dma_start3A_3184 = arith.constant 0 : i32
    %dma_start3A_3185 = tpu.memref_slice %arg3[%select_n3A_3154, %select_n3A_3170, %dma_start3A_3183, %dma_start3A_3184] : memref<3x224x224x128xf32, #tpu.memory_space<hbm>> -> memref<1x1x224x128xf32, #tpu.memory_space<hbm>>
    %dma_start3A_3186 = tpu.memref_squeeze %dma_start3A_3185 : memref<1x1x224x128xf32, #tpu.memory_space<hbm>> -> memref<224x128xf32, #tpu.memory_space<hbm>>
    %dma_start3A_3187 = arith.constant 0 : i32
    %dma_start3A_3188 = arith.constant 0 : i32
    %dma_start3A_3189 = tpu.memref_slice %arg4[%dma_start3A_3171, %dma_start3A_3187, %dma_start3A_3188] : memref<4x224x128xf32, #tpu.memory_space<vmem>> -> memref<1x224x128xf32, #tpu.memory_space<vmem>>
    %dma_start3A_3190 = tpu.memref_squeeze %dma_start3A_3189 : memref<1x224x128xf32, #tpu.memory_space<vmem>> -> memref<224x128xf32, #tpu.memory_space<vmem>>
    tpu.enqueue_dma source(%dma_start3A_3190 : memref<224x128xf32, #tpu.memory_space<vmem>>) target(%dma_start3A_3186 : memref<224x128xf32, #tpu.memory_space<hbm>>) target_semaphore(%dma_start3A_3182 : memref<!tpu.dma_semaphore, #tpu.memory_space<semaphore_mem>>)
    %dma_wait3A_3191 = arith.constant 3 : i32
    %dma_wait3A_3192 = arith.constant 3 : i32
    %dma_wait3A_3193 = arith.constant 0 : i32
    %dma_wait3A_3194 = arith.constant 0 : i32
    %dma_wait3A_3195 = tpu.memref_slice %arg4[%dma_wait3A_3191, %dma_wait3A_3193, %dma_wait3A_3194] : memref<4x224x128xf32, #tpu.memory_space<vmem>> -> memref<1x224x128xf32, #tpu.memory_space<vmem>>
    %dma_wait3A_3196 = tpu.memref_squeeze %dma_wait3A_3195 : memref<1x224x128xf32, #tpu.memory_space<vmem>> -> memref<224x128xf32, #tpu.memory_space<vmem>>
    %dma_wait3A_3197 = arith.constant 0 : i32
    %dma_wait3A_3198 = arith.constant 0 : i32
    %dma_wait3A_3199 = tpu.memref_slice %arg2[%select_n3A_2908, %select_n3A_2924, %dma_wait3A_3197, %dma_wait3A_3198] : memref<3x224x224x128xf32, #tpu.memory_space<hbm>> -> memref<1x1x224x128xf32, #tpu.memory_space<hbm>>
    %dma_wait3A_3200 = tpu.memref_squeeze %dma_wait3A_3199 : memref<1x1x224x128xf32, #tpu.memory_space<hbm>> -> memref<224x128xf32, #tpu.memory_space<hbm>>
    %dma_wait3A_3201 = tpu.memref_slice %arg5[%dma_wait3A_3192] : memref<4x!tpu.dma_semaphore, #tpu.memory_space<semaphore_mem>> -> memref<1x!tpu.dma_semaphore, #tpu.memory_space<semaphore_mem>>
    %dma_wait3A_3202 = tpu.memref_squeeze %dma_wait3A_3201 : memref<1x!tpu.dma_semaphore, #tpu.memory_space<semaphore_mem>> -> memref<!tpu.dma_semaphore, #tpu.memory_space<semaphore_mem>>
    %dma_wait3A_3203 = arith.constant 0 : i32
    %dma_wait3A_3204 = arith.constant 0 : i32
    %dma_wait3A_3205 = tpu.memref_slice %arg4[%dma_wait3A_3191, %dma_wait3A_3203, %dma_wait3A_3204] : memref<4x224x128xf32, #tpu.memory_space<vmem>> -> memref<1x224x128xf32, #tpu.memory_space<vmem>>
    %dma_wait3A_3206 = tpu.memref_squeeze %dma_wait3A_3205 : memref<1x224x128xf32, #tpu.memory_space<vmem>> -> memref<224x128xf32, #tpu.memory_space<vmem>>
    %dma_wait3A_3207 = arith.constant 0 : i32
    %dma_wait3A_3208 = arith.constant 0 : i32
    %dma_wait3A_3209 = tpu.memref_slice %arg2[%select_n3A_2908, %select_n3A_2924, %dma_wait3A_3207, %dma_wait3A_3208] : memref<3x224x224x128xf32, #tpu.memory_space<hbm>> -> memref<1x1x224x128xf32, #tpu.memory_space<hbm>>
    %dma_wait3A_3210 = tpu.memref_squeeze %dma_wait3A_3209 : memref<1x1x224x128xf32, #tpu.memory_space<hbm>> -> memref<224x128xf32, #tpu.memory_space<hbm>>
    tpu.wait_dma2 semaphore(%dma_wait3A_3202 : memref<!tpu.dma_semaphore, #tpu.memory_space<semaphore_mem>>) src(%dma_wait3A_3210 : memref<224x128xf32, #tpu.memory_space<hbm>>) dst(%dma_wait3A_3206 : memref<224x128xf32, #tpu.memory_space<vmem>>)
    %add3A_3211 = arith.constant 19 : i32
    %add3A_3212 = arith.addi %mul3A_2, %add3A_3211 : i32
    %jit3A_3213 = arith.constant 224 : i32
    %div3A_3214 = arith.divsi %add3A_3212, %jit3A_3213 : i32
    %sign3A_3215 = arith.constant 0 : i32
    %sign3A_3216 = arith.cmpi sgt, %add3A_3212, %sign3A_3215 : i32
    %sign3A_3217 = arith.extui %sign3A_3216 : i1 to i32
    %sign3A_3218 = arith.constant 0 : i32
    %sign3A_3219 = arith.cmpi slt, %add3A_3212, %sign3A_3218 : i32
    %sign3A_3220 = arith.extui %sign3A_3219 : i1 to i32
    %sign3A_3221 = arith.subi %sign3A_3217, %sign3A_3220 : i32
    %sign3A_3222 = arith.constant 0 : i32
    %sign3A_3223 = arith.cmpi sgt, %jit3A_3213, %sign3A_3222 : i32
    %sign3A_3224 = arith.extui %sign3A_3223 : i1 to i32
    %sign3A_3225 = arith.constant 0 : i32
    %sign3A_3226 = arith.cmpi slt, %jit3A_3213, %sign3A_3225 : i32
    %sign3A_3227 = arith.extui %sign3A_3226 : i1 to i32
    %sign3A_3228 = arith.subi %sign3A_3224, %sign3A_3227 : i32
    %ne3A_3229 = arith.cmpi ne, %sign3A_3221, %sign3A_3228 : i32
    %rem3A_3230 = arith.remsi %add3A_3212, %jit3A_3213 : i32
    %ne3A_3231 = arith.constant 0 : i32
    %ne3A_3232 = arith.cmpi ne, %rem3A_3230, %ne3A_3231 : i32
    %and3A_3233 = arith.andi %ne3A_3229, %ne3A_3232 : i1
    %sub3A_3234 = arith.constant 1 : i32
    %sub3A_3235 = arith.subi %div3A_3214, %sub3A_3234 : i32
    %select_n3A_3236 = arith.select %and3A_3233, %sub3A_3235, %div3A_3214 : i32
    %jit3A_3237 = arith.constant 224 : i32
    %eq3A_3238 = arith.constant 0 : i32
    %eq3A_3239 = arith.cmpi eq, %jit3A_3237, %eq3A_3238 : i32
    %jit3A_3240 = arith.constant 1 : i32
    %select_n3A_3241 = arith.select %eq3A_3239, %jit3A_3240, %jit3A_3237 : i32
    %rem3A_3242 = arith.remsi %add3A_3212, %select_n3A_3241 : i32
    %ne3A_3243 = arith.constant 0 : i32
    %ne3A_3244 = arith.cmpi ne, %rem3A_3242, %ne3A_3243 : i32
    %lt3A_3245 = arith.constant 0 : i32
    %lt3A_3246 = arith.cmpi slt, %rem3A_3242, %lt3A_3245 : i32
    %lt3A_3247 = arith.constant 0 : i32
    %lt3A_3248 = arith.cmpi slt, %select_n3A_3241, %lt3A_3247 : i32
    %ne3A_3249 = arith.xori %lt3A_3246, %lt3A_3248 : i1
    %and3A_3250 = arith.andi %ne3A_3249, %ne3A_3244 : i1
    %add3A_3251 = arith.addi %rem3A_3242, %select_n3A_3241 : i32
    %select_n3A_3252 = arith.select %and3A_3250, %add3A_3251, %rem3A_3242 : i32
    %dma_start3A_3253 = arith.constant 3 : i32
    %dma_start3A_3254 = arith.constant 3 : i32
    %dma_start3A_3255 = arith.constant 0 : i32
    %dma_start3A_3256 = arith.constant 0 : i32
    %dma_start3A_3257 = tpu.memref_slice %arg4[%dma_start3A_3253, %dma_start3A_3255, %dma_start3A_3256] : memref<4x224x128xf32, #tpu.memory_space<vmem>> -> memref<1x224x128xf32, #tpu.memory_space<vmem>>
    %dma_start3A_3258 = tpu.memref_squeeze %dma_start3A_3257 : memref<1x224x128xf32, #tpu.memory_space<vmem>> -> memref<224x128xf32, #tpu.memory_space<vmem>>
    %dma_start3A_3259 = arith.constant 0 : i32
    %dma_start3A_3260 = arith.constant 0 : i32
    %dma_start3A_3261 = tpu.memref_slice %arg3[%select_n3A_3236, %select_n3A_3252, %dma_start3A_3259, %dma_start3A_3260] : memref<3x224x224x128xf32, #tpu.memory_space<hbm>> -> memref<1x1x224x128xf32, #tpu.memory_space<hbm>>
    %dma_start3A_3262 = tpu.memref_squeeze %dma_start3A_3261 : memref<1x1x224x128xf32, #tpu.memory_space<hbm>> -> memref<224x128xf32, #tpu.memory_space<hbm>>
    %dma_start3A_3263 = tpu.memref_slice %arg6[%dma_start3A_3254] : memref<4x!tpu.dma_semaphore, #tpu.memory_space<semaphore_mem>> -> memref<1x!tpu.dma_semaphore, #tpu.memory_space<semaphore_mem>>
    %dma_start3A_3264 = tpu.memref_squeeze %dma_start3A_3263 : memref<1x!tpu.dma_semaphore, #tpu.memory_space<semaphore_mem>> -> memref<!tpu.dma_semaphore, #tpu.memory_space<semaphore_mem>>
    %dma_start3A_3265 = arith.constant 0 : i32
    %dma_start3A_3266 = arith.constant 0 : i32
    %dma_start3A_3267 = tpu.memref_slice %arg3[%select_n3A_3236, %select_n3A_3252, %dma_start3A_3265, %dma_start3A_3266] : memref<3x224x224x128xf32, #tpu.memory_space<hbm>> -> memref<1x1x224x128xf32, #tpu.memory_space<hbm>>
    %dma_start3A_3268 = tpu.memref_squeeze %dma_start3A_3267 : memref<1x1x224x128xf32, #tpu.memory_space<hbm>> -> memref<224x128xf32, #tpu.memory_space<hbm>>
    %dma_start3A_3269 = arith.constant 0 : i32
    %dma_start3A_3270 = arith.constant 0 : i32
    %dma_start3A_3271 = tpu.memref_slice %arg4[%dma_start3A_3253, %dma_start3A_3269, %dma_start3A_3270] : memref<4x224x128xf32, #tpu.memory_space<vmem>> -> memref<1x224x128xf32, #tpu.memory_space<vmem>>
    %dma_start3A_3272 = tpu.memref_squeeze %dma_start3A_3271 : memref<1x224x128xf32, #tpu.memory_space<vmem>> -> memref<224x128xf32, #tpu.memory_space<vmem>>
    tpu.enqueue_dma source(%dma_start3A_3272 : memref<224x128xf32, #tpu.memory_space<vmem>>) target(%dma_start3A_3268 : memref<224x128xf32, #tpu.memory_space<hbm>>) target_semaphore(%dma_start3A_3264 : memref<!tpu.dma_semaphore, #tpu.memory_space<semaphore_mem>>)
    %dma_wait3A_3273 = arith.constant 0 : i32
    %dma_wait3A_3274 = arith.constant 0 : i32
    %dma_wait3A_3275 = arith.constant 0 : i32
    %dma_wait3A_3276 = arith.constant 0 : i32
    %dma_wait3A_3277 = tpu.memref_slice %arg4[%dma_wait3A_3273, %dma_wait3A_3275, %dma_wait3A_3276] : memref<4x224x128xf32, #tpu.memory_space<vmem>> -> memref<1x224x128xf32, #tpu.memory_space<vmem>>
    %dma_wait3A_3278 = tpu.memref_squeeze %dma_wait3A_3277 : memref<1x224x128xf32, #tpu.memory_space<vmem>> -> memref<224x128xf32, #tpu.memory_space<vmem>>
    %dma_wait3A_3279 = arith.constant 0 : i32
    %dma_wait3A_3280 = arith.constant 0 : i32
    %dma_wait3A_3281 = tpu.memref_slice %arg2[%select_n3A_3072, %select_n3A_3088, %dma_wait3A_3279, %dma_wait3A_3280] : memref<3x224x224x128xf32, #tpu.memory_space<hbm>> -> memref<1x1x224x128xf32, #tpu.memory_space<hbm>>
    %dma_wait3A_3282 = tpu.memref_squeeze %dma_wait3A_3281 : memref<1x1x224x128xf32, #tpu.memory_space<hbm>> -> memref<224x128xf32, #tpu.memory_space<hbm>>
    %dma_wait3A_3283 = tpu.memref_slice %arg5[%dma_wait3A_3274] : memref<4x!tpu.dma_semaphore, #tpu.memory_space<semaphore_mem>> -> memref<1x!tpu.dma_semaphore, #tpu.memory_space<semaphore_mem>>
    %dma_wait3A_3284 = tpu.memref_squeeze %dma_wait3A_3283 : memref<1x!tpu.dma_semaphore, #tpu.memory_space<semaphore_mem>> -> memref<!tpu.dma_semaphore, #tpu.memory_space<semaphore_mem>>
    %dma_wait3A_3285 = arith.constant 0 : i32
    %dma_wait3A_3286 = arith.constant 0 : i32
    %dma_wait3A_3287 = tpu.memref_slice %arg4[%dma_wait3A_3273, %dma_wait3A_3285, %dma_wait3A_3286] : memref<4x224x128xf32, #tpu.memory_space<vmem>> -> memref<1x224x128xf32, #tpu.memory_space<vmem>>
    %dma_wait3A_3288 = tpu.memref_squeeze %dma_wait3A_3287 : memref<1x224x128xf32, #tpu.memory_space<vmem>> -> memref<224x128xf32, #tpu.memory_space<vmem>>
    %dma_wait3A_3289 = arith.constant 0 : i32
    %dma_wait3A_3290 = arith.constant 0 : i32
    %dma_wait3A_3291 = tpu.memref_slice %arg2[%select_n3A_3072, %select_n3A_3088, %dma_wait3A_3289, %dma_wait3A_3290] : memref<3x224x224x128xf32, #tpu.memory_space<hbm>> -> memref<1x1x224x128xf32, #tpu.memory_space<hbm>>
    %dma_wait3A_3292 = tpu.memref_squeeze %dma_wait3A_3291 : memref<1x1x224x128xf32, #tpu.memory_space<hbm>> -> memref<224x128xf32, #tpu.memory_space<hbm>>
    tpu.wait_dma2 semaphore(%dma_wait3A_3284 : memref<!tpu.dma_semaphore, #tpu.memory_space<semaphore_mem>>) src(%dma_wait3A_3292 : memref<224x128xf32, #tpu.memory_space<hbm>>) dst(%dma_wait3A_3288 : memref<224x128xf32, #tpu.memory_space<vmem>>)
    %add3A_3293 = arith.constant 20 : i32
    %add3A_3294 = arith.addi %mul3A_2, %add3A_3293 : i32
    %jit3A_3295 = arith.constant 224 : i32
    %div3A_3296 = arith.divsi %add3A_3294, %jit3A_3295 : i32
    %sign3A_3297 = arith.constant 0 : i32
    %sign3A_3298 = arith.cmpi sgt, %add3A_3294, %sign3A_3297 : i32
    %sign3A_3299 = arith.extui %sign3A_3298 : i1 to i32
    %sign3A_3300 = arith.constant 0 : i32
    %sign3A_3301 = arith.cmpi slt, %add3A_3294, %sign3A_3300 : i32
    %sign3A_3302 = arith.extui %sign3A_3301 : i1 to i32
    %sign3A_3303 = arith.subi %sign3A_3299, %sign3A_3302 : i32
    %sign3A_3304 = arith.constant 0 : i32
    %sign3A_3305 = arith.cmpi sgt, %jit3A_3295, %sign3A_3304 : i32
    %sign3A_3306 = arith.extui %sign3A_3305 : i1 to i32
    %sign3A_3307 = arith.constant 0 : i32
    %sign3A_3308 = arith.cmpi slt, %jit3A_3295, %sign3A_3307 : i32
    %sign3A_3309 = arith.extui %sign3A_3308 : i1 to i32
    %sign3A_3310 = arith.subi %sign3A_3306, %sign3A_3309 : i32
    %ne3A_3311 = arith.cmpi ne, %sign3A_3303, %sign3A_3310 : i32
    %rem3A_3312 = arith.remsi %add3A_3294, %jit3A_3295 : i32
    %ne3A_3313 = arith.constant 0 : i32
    %ne3A_3314 = arith.cmpi ne, %rem3A_3312, %ne3A_3313 : i32
    %and3A_3315 = arith.andi %ne3A_3311, %ne3A_3314 : i1
    %sub3A_3316 = arith.constant 1 : i32
    %sub3A_3317 = arith.subi %div3A_3296, %sub3A_3316 : i32
    %select_n3A_3318 = arith.select %and3A_3315, %sub3A_3317, %div3A_3296 : i32
    %jit3A_3319 = arith.constant 224 : i32
    %eq3A_3320 = arith.constant 0 : i32
    %eq3A_3321 = arith.cmpi eq, %jit3A_3319, %eq3A_3320 : i32
    %jit3A_3322 = arith.constant 1 : i32
    %select_n3A_3323 = arith.select %eq3A_3321, %jit3A_3322, %jit3A_3319 : i32
    %rem3A_3324 = arith.remsi %add3A_3294, %select_n3A_3323 : i32
    %ne3A_3325 = arith.constant 0 : i32
    %ne3A_3326 = arith.cmpi ne, %rem3A_3324, %ne3A_3325 : i32
    %lt3A_3327 = arith.constant 0 : i32
    %lt3A_3328 = arith.cmpi slt, %rem3A_3324, %lt3A_3327 : i32
    %lt3A_3329 = arith.constant 0 : i32
    %lt3A_3330 = arith.cmpi slt, %select_n3A_3323, %lt3A_3329 : i32
    %ne3A_3331 = arith.xori %lt3A_3328, %lt3A_3330 : i1
    %and3A_3332 = arith.andi %ne3A_3331, %ne3A_3326 : i1
    %add3A_3333 = arith.addi %rem3A_3324, %select_n3A_3323 : i32
    %select_n3A_3334 = arith.select %and3A_3332, %add3A_3333, %rem3A_3324 : i32
    %dma_start3A_3335 = arith.constant 0 : i32
    %dma_start3A_3336 = arith.constant 0 : i32
    %dma_start3A_3337 = arith.constant 0 : i32
    %dma_start3A_3338 = arith.constant 0 : i32
    %dma_start3A_3339 = tpu.memref_slice %arg4[%dma_start3A_3335, %dma_start3A_3337, %dma_start3A_3338] : memref<4x224x128xf32, #tpu.memory_space<vmem>> -> memref<1x224x128xf32, #tpu.memory_space<vmem>>
    %dma_start3A_3340 = tpu.memref_squeeze %dma_start3A_3339 : memref<1x224x128xf32, #tpu.memory_space<vmem>> -> memref<224x128xf32, #tpu.memory_space<vmem>>
    %dma_start3A_3341 = arith.constant 0 : i32
    %dma_start3A_3342 = arith.constant 0 : i32
    %dma_start3A_3343 = tpu.memref_slice %arg3[%select_n3A_3318, %select_n3A_3334, %dma_start3A_3341, %dma_start3A_3342] : memref<3x224x224x128xf32, #tpu.memory_space<hbm>> -> memref<1x1x224x128xf32, #tpu.memory_space<hbm>>
    %dma_start3A_3344 = tpu.memref_squeeze %dma_start3A_3343 : memref<1x1x224x128xf32, #tpu.memory_space<hbm>> -> memref<224x128xf32, #tpu.memory_space<hbm>>
    %dma_start3A_3345 = tpu.memref_slice %arg6[%dma_start3A_3336] : memref<4x!tpu.dma_semaphore, #tpu.memory_space<semaphore_mem>> -> memref<1x!tpu.dma_semaphore, #tpu.memory_space<semaphore_mem>>
    %dma_start3A_3346 = tpu.memref_squeeze %dma_start3A_3345 : memref<1x!tpu.dma_semaphore, #tpu.memory_space<semaphore_mem>> -> memref<!tpu.dma_semaphore, #tpu.memory_space<semaphore_mem>>
    %dma_start3A_3347 = arith.constant 0 : i32
    %dma_start3A_3348 = arith.constant 0 : i32
    %dma_start3A_3349 = tpu.memref_slice %arg3[%select_n3A_3318, %select_n3A_3334, %dma_start3A_3347, %dma_start3A_3348] : memref<3x224x224x128xf32, #tpu.memory_space<hbm>> -> memref<1x1x224x128xf32, #tpu.memory_space<hbm>>
    %dma_start3A_3350 = tpu.memref_squeeze %dma_start3A_3349 : memref<1x1x224x128xf32, #tpu.memory_space<hbm>> -> memref<224x128xf32, #tpu.memory_space<hbm>>
    %dma_start3A_3351 = arith.constant 0 : i32
    %dma_start3A_3352 = arith.constant 0 : i32
    %dma_start3A_3353 = tpu.memref_slice %arg4[%dma_start3A_3335, %dma_start3A_3351, %dma_start3A_3352] : memref<4x224x128xf32, #tpu.memory_space<vmem>> -> memref<1x224x128xf32, #tpu.memory_space<vmem>>
    %dma_start3A_3354 = tpu.memref_squeeze %dma_start3A_3353 : memref<1x224x128xf32, #tpu.memory_space<vmem>> -> memref<224x128xf32, #tpu.memory_space<vmem>>
    tpu.enqueue_dma source(%dma_start3A_3354 : memref<224x128xf32, #tpu.memory_space<vmem>>) target(%dma_start3A_3350 : memref<224x128xf32, #tpu.memory_space<hbm>>) target_semaphore(%dma_start3A_3346 : memref<!tpu.dma_semaphore, #tpu.memory_space<semaphore_mem>>)
    %dma_wait3A_3355 = arith.constant 1 : i32
    %dma_wait3A_3356 = arith.constant 1 : i32
    %dma_wait3A_3357 = arith.constant 0 : i32
    %dma_wait3A_3358 = arith.constant 0 : i32
    %dma_wait3A_3359 = tpu.memref_slice %arg4[%dma_wait3A_3355, %dma_wait3A_3357, %dma_wait3A_3358] : memref<4x224x128xf32, #tpu.memory_space<vmem>> -> memref<1x224x128xf32, #tpu.memory_space<vmem>>
    %dma_wait3A_3360 = tpu.memref_squeeze %dma_wait3A_3359 : memref<1x224x128xf32, #tpu.memory_space<vmem>> -> memref<224x128xf32, #tpu.memory_space<vmem>>
    %dma_wait3A_3361 = arith.constant 0 : i32
    %dma_wait3A_3362 = arith.constant 0 : i32
    %dma_wait3A_3363 = tpu.memref_slice %arg3[%select_n3A_2990, %select_n3A_3006, %dma_wait3A_3361, %dma_wait3A_3362] : memref<3x224x224x128xf32, #tpu.memory_space<hbm>> -> memref<1x1x224x128xf32, #tpu.memory_space<hbm>>
    %dma_wait3A_3364 = tpu.memref_squeeze %dma_wait3A_3363 : memref<1x1x224x128xf32, #tpu.memory_space<hbm>> -> memref<224x128xf32, #tpu.memory_space<hbm>>
    %dma_wait3A_3365 = tpu.memref_slice %arg6[%dma_wait3A_3356] : memref<4x!tpu.dma_semaphore, #tpu.memory_space<semaphore_mem>> -> memref<1x!tpu.dma_semaphore, #tpu.memory_space<semaphore_mem>>
    %dma_wait3A_3366 = tpu.memref_squeeze %dma_wait3A_3365 : memref<1x!tpu.dma_semaphore, #tpu.memory_space<semaphore_mem>> -> memref<!tpu.dma_semaphore, #tpu.memory_space<semaphore_mem>>
    %dma_wait3A_3367 = arith.constant 0 : i32
    %dma_wait3A_3368 = arith.constant 0 : i32
    %dma_wait3A_3369 = tpu.memref_slice %arg3[%select_n3A_2990, %select_n3A_3006, %dma_wait3A_3367, %dma_wait3A_3368] : memref<3x224x224x128xf32, #tpu.memory_space<hbm>> -> memref<1x1x224x128xf32, #tpu.memory_space<hbm>>
    %dma_wait3A_3370 = tpu.memref_squeeze %dma_wait3A_3369 : memref<1x1x224x128xf32, #tpu.memory_space<hbm>> -> memref<224x128xf32, #tpu.memory_space<hbm>>
    %dma_wait3A_3371 = arith.constant 0 : i32
    %dma_wait3A_3372 = arith.constant 0 : i32
    %dma_wait3A_3373 = tpu.memref_slice %arg4[%dma_wait3A_3355, %dma_wait3A_3371, %dma_wait3A_3372] : memref<4x224x128xf32, #tpu.memory_space<vmem>> -> memref<1x224x128xf32, #tpu.memory_space<vmem>>
    %dma_wait3A_3374 = tpu.memref_squeeze %dma_wait3A_3373 : memref<1x224x128xf32, #tpu.memory_space<vmem>> -> memref<224x128xf32, #tpu.memory_space<vmem>>
    tpu.wait_dma2 semaphore(%dma_wait3A_3366 : memref<!tpu.dma_semaphore, #tpu.memory_space<semaphore_mem>>) src(%dma_wait3A_3374 : memref<224x128xf32, #tpu.memory_space<vmem>>) dst(%dma_wait3A_3370 : memref<224x128xf32, #tpu.memory_space<hbm>>)
    %dma_wait3A_3375 = arith.constant 2 : i32
    %dma_wait3A_3376 = arith.constant 2 : i32
    %dma_wait3A_3377 = arith.constant 0 : i32
    %dma_wait3A_3378 = arith.constant 0 : i32
    %dma_wait3A_3379 = tpu.memref_slice %arg4[%dma_wait3A_3375, %dma_wait3A_3377, %dma_wait3A_3378] : memref<4x224x128xf32, #tpu.memory_space<vmem>> -> memref<1x224x128xf32, #tpu.memory_space<vmem>>
    %dma_wait3A_3380 = tpu.memref_squeeze %dma_wait3A_3379 : memref<1x224x128xf32, #tpu.memory_space<vmem>> -> memref<224x128xf32, #tpu.memory_space<vmem>>
    %dma_wait3A_3381 = arith.constant 0 : i32
    %dma_wait3A_3382 = arith.constant 0 : i32
    %dma_wait3A_3383 = tpu.memref_slice %arg3[%select_n3A_3154, %select_n3A_3170, %dma_wait3A_3381, %dma_wait3A_3382] : memref<3x224x224x128xf32, #tpu.memory_space<hbm>> -> memref<1x1x224x128xf32, #tpu.memory_space<hbm>>
    %dma_wait3A_3384 = tpu.memref_squeeze %dma_wait3A_3383 : memref<1x1x224x128xf32, #tpu.memory_space<hbm>> -> memref<224x128xf32, #tpu.memory_space<hbm>>
    %dma_wait3A_3385 = tpu.memref_slice %arg6[%dma_wait3A_3376] : memref<4x!tpu.dma_semaphore, #tpu.memory_space<semaphore_mem>> -> memref<1x!tpu.dma_semaphore, #tpu.memory_space<semaphore_mem>>
    %dma_wait3A_3386 = tpu.memref_squeeze %dma_wait3A_3385 : memref<1x!tpu.dma_semaphore, #tpu.memory_space<semaphore_mem>> -> memref<!tpu.dma_semaphore, #tpu.memory_space<semaphore_mem>>
    %dma_wait3A_3387 = arith.constant 0 : i32
    %dma_wait3A_3388 = arith.constant 0 : i32
    %dma_wait3A_3389 = tpu.memref_slice %arg3[%select_n3A_3154, %select_n3A_3170, %dma_wait3A_3387, %dma_wait3A_3388] : memref<3x224x224x128xf32, #tpu.memory_space<hbm>> -> memref<1x1x224x128xf32, #tpu.memory_space<hbm>>
    %dma_wait3A_3390 = tpu.memref_squeeze %dma_wait3A_3389 : memref<1x1x224x128xf32, #tpu.memory_space<hbm>> -> memref<224x128xf32, #tpu.memory_space<hbm>>
    %dma_wait3A_3391 = arith.constant 0 : i32
    %dma_wait3A_3392 = arith.constant 0 : i32
    %dma_wait3A_3393 = tpu.memref_slice %arg4[%dma_wait3A_3375, %dma_wait3A_3391, %dma_wait3A_3392] : memref<4x224x128xf32, #tpu.memory_space<vmem>> -> memref<1x224x128xf32, #tpu.memory_space<vmem>>
    %dma_wait3A_3394 = tpu.memref_squeeze %dma_wait3A_3393 : memref<1x224x128xf32, #tpu.memory_space<vmem>> -> memref<224x128xf32, #tpu.memory_space<vmem>>
    tpu.wait_dma2 semaphore(%dma_wait3A_3386 : memref<!tpu.dma_semaphore, #tpu.memory_space<semaphore_mem>>) src(%dma_wait3A_3394 : memref<224x128xf32, #tpu.memory_space<vmem>>) dst(%dma_wait3A_3390 : memref<224x128xf32, #tpu.memory_space<hbm>>)
    %dma_wait3A_3395 = arith.constant 3 : i32
    %dma_wait3A_3396 = arith.constant 3 : i32
    %dma_wait3A_3397 = arith.constant 0 : i32
    %dma_wait3A_3398 = arith.constant 0 : i32
    %dma_wait3A_3399 = tpu.memref_slice %arg4[%dma_wait3A_3395, %dma_wait3A_3397, %dma_wait3A_3398] : memref<4x224x128xf32, #tpu.memory_space<vmem>> -> memref<1x224x128xf32, #tpu.memory_space<vmem>>
    %dma_wait3A_3400 = tpu.memref_squeeze %dma_wait3A_3399 : memref<1x224x128xf32, #tpu.memory_space<vmem>> -> memref<224x128xf32, #tpu.memory_space<vmem>>
    %dma_wait3A_3401 = arith.constant 0 : i32
    %dma_wait3A_3402 = arith.constant 0 : i32
    %dma_wait3A_3403 = tpu.memref_slice %arg3[%select_n3A_3236, %select_n3A_3252, %dma_wait3A_3401, %dma_wait3A_3402] : memref<3x224x224x128xf32, #tpu.memory_space<hbm>> -> memref<1x1x224x128xf32, #tpu.memory_space<hbm>>
    %dma_wait3A_3404 = tpu.memref_squeeze %dma_wait3A_3403 : memref<1x1x224x128xf32, #tpu.memory_space<hbm>> -> memref<224x128xf32, #tpu.memory_space<hbm>>
    %dma_wait3A_3405 = tpu.memref_slice %arg6[%dma_wait3A_3396] : memref<4x!tpu.dma_semaphore, #tpu.memory_space<semaphore_mem>> -> memref<1x!tpu.dma_semaphore, #tpu.memory_space<semaphore_mem>>
    %dma_wait3A_3406 = tpu.memref_squeeze %dma_wait3A_3405 : memref<1x!tpu.dma_semaphore, #tpu.memory_space<semaphore_mem>> -> memref<!tpu.dma_semaphore, #tpu.memory_space<semaphore_mem>>
    %dma_wait3A_3407 = arith.constant 0 : i32
    %dma_wait3A_3408 = arith.constant 0 : i32
    %dma_wait3A_3409 = tpu.memref_slice %arg3[%select_n3A_3236, %select_n3A_3252, %dma_wait3A_3407, %dma_wait3A_3408] : memref<3x224x224x128xf32, #tpu.memory_space<hbm>> -> memref<1x1x224x128xf32, #tpu.memory_space<hbm>>
    %dma_wait3A_3410 = tpu.memref_squeeze %dma_wait3A_3409 : memref<1x1x224x128xf32, #tpu.memory_space<hbm>> -> memref<224x128xf32, #tpu.memory_space<hbm>>
    %dma_wait3A_3411 = arith.constant 0 : i32
    %dma_wait3A_3412 = arith.constant 0 : i32
    %dma_wait3A_3413 = tpu.memref_slice %arg4[%dma_wait3A_3395, %dma_wait3A_3411, %dma_wait3A_3412] : memref<4x224x128xf32, #tpu.memory_space<vmem>> -> memref<1x224x128xf32, #tpu.memory_space<vmem>>
    %dma_wait3A_3414 = tpu.memref_squeeze %dma_wait3A_3413 : memref<1x224x128xf32, #tpu.memory_space<vmem>> -> memref<224x128xf32, #tpu.memory_space<vmem>>
    tpu.wait_dma2 semaphore(%dma_wait3A_3406 : memref<!tpu.dma_semaphore, #tpu.memory_space<semaphore_mem>>) src(%dma_wait3A_3414 : memref<224x128xf32, #tpu.memory_space<vmem>>) dst(%dma_wait3A_3410 : memref<224x128xf32, #tpu.memory_space<hbm>>)
    %dma_wait3A_3415 = arith.constant 0 : i32
    %dma_wait3A_3416 = arith.constant 0 : i32
    %dma_wait3A_3417 = arith.constant 0 : i32
    %dma_wait3A_3418 = arith.constant 0 : i32
    %dma_wait3A_3419 = tpu.memref_slice %arg4[%dma_wait3A_3415, %dma_wait3A_3417, %dma_wait3A_3418] : memref<4x224x128xf32, #tpu.memory_space<vmem>> -> memref<1x224x128xf32, #tpu.memory_space<vmem>>
    %dma_wait3A_3420 = tpu.memref_squeeze %dma_wait3A_3419 : memref<1x224x128xf32, #tpu.memory_space<vmem>> -> memref<224x128xf32, #tpu.memory_space<vmem>>
    %dma_wait3A_3421 = arith.constant 0 : i32
    %dma_wait3A_3422 = arith.constant 0 : i32
    %dma_wait3A_3423 = tpu.memref_slice %arg3[%select_n3A_3318, %select_n3A_3334, %dma_wait3A_3421, %dma_wait3A_3422] : memref<3x224x224x128xf32, #tpu.memory_space<hbm>> -> memref<1x1x224x128xf32, #tpu.memory_space<hbm>>
    %dma_wait3A_3424 = tpu.memref_squeeze %dma_wait3A_3423 : memref<1x1x224x128xf32, #tpu.memory_space<hbm>> -> memref<224x128xf32, #tpu.memory_space<hbm>>
    %dma_wait3A_3425 = tpu.memref_slice %arg6[%dma_wait3A_3416] : memref<4x!tpu.dma_semaphore, #tpu.memory_space<semaphore_mem>> -> memref<1x!tpu.dma_semaphore, #tpu.memory_space<semaphore_mem>>
    %dma_wait3A_3426 = tpu.memref_squeeze %dma_wait3A_3425 : memref<1x!tpu.dma_semaphore, #tpu.memory_space<semaphore_mem>> -> memref<!tpu.dma_semaphore, #tpu.memory_space<semaphore_mem>>
    %dma_wait3A_3427 = arith.constant 0 : i32
    %dma_wait3A_3428 = arith.constant 0 : i32
    %dma_wait3A_3429 = tpu.memref_slice %arg3[%select_n3A_3318, %select_n3A_3334, %dma_wait3A_3427, %dma_wait3A_3428] : memref<3x224x224x128xf32, #tpu.memory_space<hbm>> -> memref<1x1x224x128xf32, #tpu.memory_space<hbm>>
    %dma_wait3A_3430 = tpu.memref_squeeze %dma_wait3A_3429 : memref<1x1x224x128xf32, #tpu.memory_space<hbm>> -> memref<224x128xf32, #tpu.memory_space<hbm>>
    %dma_wait3A_3431 = arith.constant 0 : i32
    %dma_wait3A_3432 = arith.constant 0 : i32
    %dma_wait3A_3433 = tpu.memref_slice %arg4[%dma_wait3A_3415, %dma_wait3A_3431, %dma_wait3A_3432] : memref<4x224x128xf32, #tpu.memory_space<vmem>> -> memref<1x224x128xf32, #tpu.memory_space<vmem>>
    %dma_wait3A_3434 = tpu.memref_squeeze %dma_wait3A_3433 : memref<1x224x128xf32, #tpu.memory_space<vmem>> -> memref<224x128xf32, #tpu.memory_space<vmem>>
    tpu.wait_dma2 semaphore(%dma_wait3A_3426 : memref<!tpu.dma_semaphore, #tpu.memory_space<semaphore_mem>>) src(%dma_wait3A_3434 : memref<224x128xf32, #tpu.memory_space<vmem>>) dst(%dma_wait3A_3430 : memref<224x128xf32, #tpu.memory_space<hbm>>)
    return
  }
}

</mosaic_0001>

<sc_bundles>
// kernel: kernel.3.cloned.1.call-start
scs
__scs_entry_jumppad:
0x0: {  	(pc) =	sbr.rel $0x88, $3  }
0x1: {  	(tag) =	ssettag $0x0;
	lr =	simm.s32 $0x1  }
0x2: {  	[smem:$0x3FA0] =	sst lr;
	_ =	strace $0xD0000000  }
0x3: {  	_ = 	snop  }
0x4: {  	_ = 	snop  }
0x5: {  	_ = 	snop  }
0x6: {  	_ = 	snop  }
0x7: {  	_ = 	snop  }
__scs_overlays_trampoline_lowered:
0x8: {  	[smem:$0x3FAF] =	sst s0  }
0x9: {  	[smem:$0x3FB0] =	sst s1  }
0xa: {  	[smem:$0x3FB1] =	sst s2  }
0xb: {  	[smem:$0x3FB2] =	sst s3  }
0xc: {  	[smem:$0x3FB3] =	sst s4  }
0xd: {  	[smem:$0x3FB4] =	sst s5  }
0xe: {  	[smem:$0x3FB5] =	sst s6  }
0xf: {  	[smem:$0x3FB6] =	sst s7  }
0x10: {  	[smem:$0x3FB7] =	sst s8  }
0x11: {  	[smem:$0x3FB8] =	sst s9;
	s0 =	simm.s32 @!p0 $0x0  }
0x12: {  	s1 =	sld [smem:$0x3F9E];
	s0 =	simm.s32 @p0 $0x1  }
0x13: {  	[smem:$0x3FB9] =	sst s0;
	s0 =	simm.s32 @!p1 $0x0  }
0x14: {  	s2 =	sld [smem:$0x3F9D];
	s0 =	simm.s32 @p1 $0x1  }
0x15: {  	[smem:$0x3FBA] =	sst s0;
	s0 =	simm.s32 @!p2 $0x0  }
0x16: {  	s3 =	sld [smem:$0x3FDB];
	s0 =	simm.s32 @p2 $0x1  }
0x17: {  	s4 =	simm.s32 $0x1BF5;
	[smem:$0x3FBC] =	sst s0  }
0x18: {  	s0 =	sld [smem:$0x3F9F];
	_ =	swait.ge [sflag:s4], $0x0  }
0x19: {  	s7 =	sld [smem:$0x3FA0]  }
0x1a: {  	s8 =	sadd.s32 $0xFFFFE003, lr  }
0x1b: {  	s9 =	sadd.s32 $0xFFFFFEF7, lr;
	s5 =	simm.s32 $0xFFFFFFFF;
	p2 =	slt.u32 s8, $0xFFFFF086  }
0x1c: {  	p1 =	slt.u32 s9, $0xF7A;
	s5 =	simm.s32 @!p2 $0x0  }
0x1d: {  	s5 =	simm.s32 @p1 $0x1;
	p0 =	seq.s32 s7, s2  }
0x1e: {  	s7 =	smul.u32 @!p0 $0xF7A, s2;
	p2 =	seq.s32 @!p0 s5, $0x0  }
0x1f: {  	s9 =	smul.u32 $0xF7A, s1;
	s8 =	simm.s32 @!p0 $0x1BF5;
	p2 =	por !p2, p0  }
0x20: {  	[sflag:s8] =	ssyncset.s32 @!p0 $0xFFFFF086;
	s6 =	sadd.s32 @!p0 s3, s7;
	s7 =	simm.s32 @!p0 $0x108  }
0x21: {  	s3 =	sadd.s32 s3, s9;
	s6 =	sadd.s32 @!p0 $0x88, s6;
	s7 =	simm.s32 @p2 $0x1082  }
0x22: {  	[simem:s7], [sflag:s8] =	dma.local @!p0 [hbm:s6], $0xF7A  }
0x23: {  	s9 =	sor.u32 $0xD0000000, s2;
	s6 =	simm.s32 $0x108;
	_ =	swait.ge @!p0 [sflag:s8], $0x0  }
0x24: {  	s3 =	sadd.s32 $0x88, s3;
	s6 =	simm.s32 @!p1 $0x1082;
	[sflag:s4] =	ssyncset.s32 $0xFFFFF086  }
0x25: {  	[simem:s6], [sflag:s4] =	dma.local [hbm:s3], $0xF7A  }
0x26: {  	[smem:$0x3FA0] =	sst s1;
	(tag) =	ssettag s2;
	_ =	strace s9  }
0x27: {  	s1 =	sld [smem:$0x3FB0]  }
0x28: {  	s2 =	sld [smem:$0x3FB1]  }
0x29: {  	s4 =	sld [smem:$0x3FB3]  }
0x2a: {  	p0 =	seq.s32 s5, $0x0;
	s5 =	sld [smem:$0x3FB4]  }
0x2b: {  	s6 =	sld [smem:$0x3FB5]  }
0x2c: {  	s7 =	sld [smem:$0x3FB6]  }
0x2d: {  	s3 =	simm.s32 $0x108;
	s8 =	sld [smem:$0x3FB7]  }
0x2e: {  	s3 =	simm.s32 @!p0 $0x1082;
	s9 =	sld [smem:$0x3FB8]  }
0x2f: {  	lr =	sadd.s32 s0, s3;
	s0 =	sld [smem:$0x3FAF]  }
0x30: {  	s3 =	sld [smem:$0x3FB2]  }
0x31: {  	[smem:$0x3FBB] =	sst s10  }
0x32: {  	s10 =	sld [smem:$0x3FB9];
	_ =	sdelay $0x3  }
0x33: {  	p0 =	seq.s32 s10, $0x1;
	s10 =	sld [smem:$0x3FBB];
	_ =	sdelay $0x3  }
0x34: {  	[smem:$0x3FBB] =	sst s10  }
0x35: {  	s10 =	sld [smem:$0x3FBA];
	_ =	sdelay $0x3  }
0x36: {  	p1 =	seq.s32 s10, $0x1;
	s10 =	sld [smem:$0x3FBB];
	_ =	sdelay $0x3  }
0x37: {  	[smem:$0x3FBB] =	sst s10  }
0x38: {  	s10 =	sld [smem:$0x3FBC]  }
0x39: {  	_ = 	snop;
	(pc) =	sbr.ind lr, $3  }
0x3a: {  	_ = 	snop  }
0x3b: {  	_ = 	snop  }
0x3c: {  	p2 =	seq.s32 s10, $0x1;
	s10 =	sld [smem:$0x3FBB]  }
0x3d: {  	_ =	shalt  }
0x3e: {  	_ =	shalt  }
0x3f: {  	_ =	shalt  }
0x40: {  	_ =	shalt  }
0x41: {  	_ =	shalt  }
0x42: {  	_ =	shalt  }
0x43: {  	_ =	shalt  }
0x44: {  	_ =	shalt  }
0x45: {  	_ =	shalt  }
0x46: {  	_ =	shalt  }
0x47: {  	_ =	shalt  }
0x48: {  	_ =	shalt  }
0x49: {  	_ =	shalt  }
0x4a: {  	_ =	shalt  }
0x4b: {  	_ =	shalt  }
0x4c: {  	_ =	shalt  }
0x4d: {  	_ =	shalt  }
0x4e: {  	_ =	shalt  }
0x4f: {  	_ =	shalt  }
0x50: {  	_ =	shalt  }
0x51: {  	_ =	shalt  }
0x52: {  	_ =	shalt  }
0x53: {  	_ =	shalt  }
0x54: {  	_ =	shalt  }
0x55: {  	_ =	shalt  }
0x56: {  	_ =	shalt  }
0x57: {  	_ =	shalt  }
0x58: {  	_ =	shalt  }
0x59: {  	_ =	shalt  }
0x5a: {  	_ =	shalt  }
0x5b: {  	_ =	shalt  }
0x5c: {  	_ =	shalt  }
0x5d: {  	_ =	shalt  }
0x5e: {  	_ =	shalt  }
0x5f: {  	_ =	shalt  }
0x60: {  	_ =	shalt  }
0x61: {  	_ =	shalt  }
0x62: {  	_ =	shalt  }
0x63: {  	_ =	shalt  }
0x64: {  	_ =	shalt  }
0x65: {  	_ =	shalt  }
0x66: {  	_ =	shalt  }
0x67: {  	_ =	shalt  }
0x68: {  	_ =	shalt  }
0x69: {  	_ =	shalt  }
0x6a: {  	_ =	shalt  }
0x6b: {  	_ =	shalt  }
0x6c: {  	_ =	shalt  }
0x6d: {  	_ =	shalt  }
0x6e: {  	_ =	shalt  }
0x6f: {  	_ =	shalt  }
0x70: {  	_ =	shalt  }
0x71: {  	_ =	shalt  }
0x72: {  	_ =	shalt  }
0x73: {  	_ =	shalt  }
0x74: {  	_ =	shalt  }
0x75: {  	_ =	shalt  }
0x76: {  	_ =	shalt  }
0x77: {  	_ =	shalt  }
0x78: {  	_ =	shalt  }
0x79: {  	_ =	shalt  }
0x7a: {  	_ =	shalt  }
0x7b: {  	_ =	shalt  }
0x7c: {  	_ =	shalt  }
0x7d: {  	_ =	shalt  }
0x7e: {  	_ =	shalt  }
0x7f: {  	_ =	shalt  }
0x80: {  	_ =	shalt  }
0x81: {  	_ =	shalt  }
0x82: {  	_ =	shalt  }
0x83: {  	_ =	shalt  }
0x84: {  	_ =	shalt  }
0x85: {  	_ =	shalt  }
0x86: {  	_ =	shalt  }
0x87: {  	_ =	shalt  }
.Lfunc_end0:
.L_simem_size_0:
called_computation_lowered:
.L_overlay_start_0:
0x88: {  	s2 =	sld [smem:$0x3FD9]  }
0x89: {  	s3 =	sld [smem:$0x3FFE];
	_ =	sdelay $0x1  }
0x8a: {  	s1 =	srdreg.scid  }
0x8b: {  	s0 =	sand.u32 $0x1, s1  }
0x8c: {  	s18 =	sshll.u32 s0, $0xA;
	s2 =	sadd.s32 s3, s2  }
0x8d: {  	s2 =	sadd.s32 s2, s18  }
0x8e: {  	[smem:$0x3FC7] =	sst s2  }
0x8f: {  	_ = 	snop  }
0x90: {  	s2 =	sld [smem:$0x3FC9]  }
0x91: {  	s19 =	sld [smem:$0x3FD0];
	(tm) =	ssettm $0x1  }
0x92: {  	s4 =	sld [smem:$0x3FFB];
	_ =	sdelay $0x3  }
0x93: {  	_ =	strace s4  }
0x94: {  	s4 =	sld [smem:$0x3FFC];
	_ =	sdelay $0x3  }
0x95: {  	_ =	strace s4  }
0x96: {  	s4 =	sld [smem:$0x3FFD];
	_ =	sdelay $0x3  }
0x97: {  	_ =	strace s4  }
0x98: {  	_ =	strace $0x8FFFFFFF  }
0x99: {  	s20 =	sld [smem:$0x3FDB];
	_ =	sdelay $0x1  }
0x9a: {  	s5 =	simm.s32 $_scs_section_size  }
0x9b: {  	s6 =	simm.s32 $_size__tile_overlayer_lowered;
	s7 =	simm.s32 $_tile_overlayer_lowered  }
0x9c: {  	s23 =	simm.s32 $0x1BFF;
	s22 =	sshll.u32 s7, $0x1;
	s4 =	sadd.s32 s5, s20  }
0x9d: {  	s8 =	simm.s32 $0x0;
	s21 =	sshll.u32 s6, $0x1;
	s6 =	sadd.s32 s22, s4  }
0x9e: {  	[timem:s8], [sflag:s23] =	dma.local [hbm:s6], s21  }
0x9f: {  	_ =	swait.ge [sflag:s23], s21  }
0xa0: {  	s5 =	ssub.s32 $0x0, s21;
	[sflag:s23] =	ssyncset.done $0x0  }
0xa1: {  	[sflag:s23] =	ssyncadd.s32 s5;
	_ =	sdelay $0x1  }
0xa2: {  	s24 =	simm.s32 $0x1B8B  }
0xa3: {  	_ =	swait.ge [sflag:s24], $0x1  }
0xa4: {  	[sflag:s24] =	ssyncset.done $0x0  }
0xa5: {  	s25 =	simm.s32 $0x1B8E;
	[sflag:s24] =	ssyncadd.s32 $0xFFFFFFFF  }
0xa6: {  	s26 =	simm.s32 $execute0_lowered;
	[smem:$0x3FD2] =	sst s25  }
0xa7: {  	s5 =	sshll.u32 s26, $0x1;
	_ =	strace $0x80000046;
	[dreg:$0x1] =	wrdreg $0xFFFFFFFF  }
0xa8: {  	s28 =	simm.s32 $_size_execute0_lowered;
	s4 =	sadd.s32 s4, s5;
	[dreg:$0x0] =	wrdreg $0x0  }
0xa9: {  	s5 =	sshll.u32 s28, $0x1;
	[dreg:$0x2] =	wrdreg s4  }
0xaa: {  	[dreg:$0x3] =	wrdreg s5  }
0xab: {  	[dreg:$0x4] =	wrdreg $0xC0  }
0xac: {  	_ =	task [dreg:s8], $0x5FFFF  }
0xad: {  	[dreg:$0x1] =	wrdreg $0xFFFFFFFF  }
0xae: {  	[dreg:$0x0] =	wrdreg $0x60  }
0xaf: {  	[dreg:$0x2] =	wrdreg s2  }
0xb0: {  	[dreg:$0x3] =	wrdreg s19  }
0xb1: {  	[dreg:$0x4] =	wrdreg $0x9  }
0xb2: {  	_ =	task.clear_ibuf [dreg:s8], $0x5FFFF;
	_ =	strace $0x90000046  }
0xb3: {  	s29 =	simm.s32 $0x9;
	_ =	strace $0x80000048  }
0xb4: {  	_ =	swait.ge [sflag:s29], $0x1  }
0xb5: {  	[sflag:s29] =	ssyncadd.s32 $0xFFFFFFFF  }
0xb6: {  	_ =	strace $0x90000048  }
0xb7: {  	_ =	sfence  }
0xb8: {  	s30 =	sld [smem:$0x0];
	_ =	sdelay $0x2  }
0xb9: {  	s31 =	sshll.u32 s1, $0xD;
	s1 =	sshrl.u32 s1, $0x2  }
0xba: {  	s3 =	sand.u32 $0x4000, s31;
	s1 =	sadd.s32 s1, s30  }
0xbb: {  	s0 =	sor.u32 s3, s0;
	s1 =	sshll.u32 s1, $0x11  }
0xbc: {  	s0 =	sor.u32 s1, s0  }
0xbd: {  	s0 =	sadd.s32 $0x8F2B, s0  }
0xbe: {  	[sflag:s0] =	ssyncadd.remote.s32 $0x1  }
0xbf: {  	_ =	sfence.sel $0xFFFF  }
0xc0: {  	[dreg:$0x0] =	wrdreg $0xFFFFFFFF;
	(pc) =	sbr.abs _section_cstart, $3  }
0xc1: {  	[dreg:$0x1] =	wrdreg $0xFFFFFFFF  }
0xc2: {  	_ =	task.clear_ibuf [dreg:s8], $0x2FFFF;
	_ =	strace $0x9FFFFFFF  }
0xc3: {  	(tm) =	ssettm $0x7FFFFFFF  }
tec
execute0_lowered:
.L_overlay_start_1:
0x0: {  	(tag) =	ssettag $0x1  }
0x1: {  	s0 =	srdreg.scid;
	s1 =	stileid.u32  }
0x2: {  	s3 =	sand.u32 $0x1, s0;
	s12 =	sshll.u32 s1, $0x1  }
0x3: {  	s0 =	sor.u32 s3, s12  }
0x4: {  	s2 =	smul.u32 $0x600F, s0  }
0x5: {  	s7 =	rddreg [dreg:$0x1];
	s9 =	smul.u32 $0xC009, s0  }
0x6: {  	s31 =	simm.s32 $0x2;
	s8 =	smul.u32 $0x15, s0;
	s2 =	sshrl.u32 s2, $0x12  }
0x7: {  	p0 =	por $0x0, $0x0;
	s4 =	sadd.s32 $0x925, s9;
	s13 =	smul.u32 $0xE0, s2  }
0x8: {  	s10 =	sadd.s32 $0x124A, s9;
	s5 =	smul.u32 $0x620000, s2;
	s4 =	sshrl.u32 s4, $0x13  }
0x9: {  	s30 =	simm.s32 $0x3;
	s10 =	sshrl.u32 s10, $0x13;
	s6 =	smul.u32 $0xE0, s4  }
0xa: {  	s1 =	rddreg [dreg:$0x0];
	s3 =	ssub.s32 $0x2, s3;
	s11 =	smul.u32 $0xE0, s10  }
0xb: {  	s16 =	sadd.s32 $0x1B6F, s9;
	s22 =	sadd.s32 $0x2494, s9;
	s4 =	smul.u32 $0x620000, s4  }
0xc: {  	s2 =	simm.s32 $0x0;
	s18 =	sshrl.u32 s16, $0x13;
	s10 =	smul.u32 $0x620000, s10  }
0xd: {  	[smem:$0x7FF] =	sst s2;
	s12 =	smul.u32 $0xE0, s18;
	s0 =	ssub.s32 s8, s13  }
0xe: {  	s0 =	sand.u32 $0xFFFF, s0;
	s6 =	ssub.s32 s8, s6;
	s15 =	ssub.s32 s8, s11  }
0xf: {  	s21 =	ssub.s32 s8, s12;
	s12 =	sshrl.u32 s22, $0x13;
	s0 =	smul.u32 $0x7000, s0  }
0x10: {  	s14 =	sadd.s32 $0x1, s6;
	s6 =	sadd.s32 $0x2, s15;
	s13 =	smul.u32 $0xE0, s12  }
0x11: {  	_ =	strace $0x80000047;
	s26 =	smul.u32 $0x620000, s12;
	s6 =	sand.u32 $0xFFFF, s6  }
0x12: {  	s0 =	sadd.s32 s0, s5;
	s5 =	sand.u32 $0xFFFF, s14;
	s17 =	smul.u32 $0x7000, s6  }
0x13: {  	s6 =	smul.u32 $0x620000, s18;
	s24 =	ssub.s32 s8, s13;
	s13 =	sadd.s32 $0x2DB9, s9  }
0x14: {  	s0 =	sshrl.u32 s0, $0x3;
	s5 =	smul.u32 $0x7000, s5;
	s12 =	sshrl.u32 s13, $0x13  }
0x15: {  	s25 =	sadd.s32 $0x4, s24;
	s19 =	sadd.s32 s1, s0;
	s15 =	smul.u32 $0xE0, s12  }
0x16: {  	s0 =	sadd.s32 s7, s0;
	s12 =	smul.u32 $0x620000, s12;
	s4 =	sadd.s32 s5, s4  }
0x17: {  	[dreg:$0x3] =	wrdreg s19;
	s5 =	sadd.s32 s17, s10;
	s10 =	sadd.s32 $0x3, s21  }
0x18: {  	[dreg:$0x6] =	wrdreg s0;
	s19 =	sadd.s32 $0x36DE, s9;
	s4 =	sshrl.u32 s4, $0x3  }
0x19: {  	s5 =	sshrl.u32 s5, $0x3;
	s10 =	sand.u32 $0xFFFF, s10;
	s18 =	ssub.s32 s8, s15  }
0x1a: {  	s11 =	sshrl.u32 s19, $0x13;
	s15 =	sadd.s32 $0x4928, s9;
	s20 =	sadd.s32 s1, s4  }
0x1b: {  	s19 =	sadd.s32 $0x524D, s9;
	s23 =	sadd.s32 s1, s5;
	[dreg:$0x4] =	wrdreg s20  }
0x1c: {  	s10 =	smul.u32 $0x7000, s10;
	s16 =	sadd.s32 s7, s4;
	[dreg:$0x5] =	wrdreg s23  }
0x1d: {  	s5 =	sadd.s32 s7, s5;
	s20 =	smul.u32 $0xE0, s11;
	[dreg:$0x8] =	wrdreg s16  }
0x1e: {  	s11 =	smul.u32 $0x620000, s11;
	s6 =	sadd.s32 s10, s6;
	s10 =	sand.u32 $0xFFFF, s25  }
0x1f: {  	s6 =	sshrl.u32 s6, $0x3;
	s10 =	smul.u32 $0x7000, s10;
	s22 =	ssub.s32 s8, s20  }
0x20: {  	[dreg:$0xa] =	wrdreg s5;
	s14 =	sadd.s32 s1, s6;
	s0 =	sadd.s32 $0x6, s22  }
0x21: {  	[dreg:$0x7] =	wrdreg s14;
	s17 =	sadd.s32 s10, s26;
	s10 =	sadd.s32 $0x5, s18  }
0x22: {  	s0 =	sand.u32 $0xFFFF, s0;
	s26 =	sadd.s32 s7, s6;
	s4 =	sshrl.u32 s17, $0x3  }
0x23: {  	s10 =	sand.u32 $0xFFFF, s10;
	s0 =	smul.u32 $0x7000, s0;
	[dreg:$0xc] =	wrdreg s26  }
0x24: {  	s21 =	sadd.s32 s1, s4;
	s10 =	smul.u32 $0x7000, s10;
	s4 =	sadd.s32 s7, s4  }
0x25: {  	[dreg:$0x9] =	wrdreg s21;
	s0 =	sadd.s32 s0, s11;
	s11 =	sshrl.u32 s15, $0x13  }
0x26: {  	s23 =	sadd.s32 $0x4003, s9;
	[dreg:$0xe] =	wrdreg s4;
	s16 =	smul.u32 $0xE0, s11  }
0x27: {  	s10 =	sadd.s32 s10, s12;
	s12 =	sshrl.u32 s23, $0x13;
	s11 =	smul.u32 $0x620000, s11  }
0x28: {  	s15 =	sadd.s32 $0x6497, s9;
	s0 =	sshrl.u32 s0, $0x3;
	s25 =	smul.u32 $0xE0, s12  }
0x29: {  	s10 =	sshrl.u32 s10, $0x3;
	s12 =	smul.u32 $0x620000, s12;
	s18 =	ssub.s32 s8, s16  }
0x2a: {  	s17 =	sadd.s32 s1, s0;
	s0 =	sadd.s32 s7, s0;
	s5 =	sadd.s32 $0x8, s18  }
0x2b: {  	s24 =	sadd.s32 s1, s10;
	s14 =	ssub.s32 s8, s25;
	s5 =	sand.u32 $0xFFFF, s5  }
0x2c: {  	[dreg:$0xd] =	wrdreg s17;
	s6 =	sadd.s32 $0x7, s14;
	s5 =	smul.u32 $0x7000, s5  }
0x2d: {  	[dreg:$0xb] =	wrdreg s24;
	s24 =	sadd.s32 $0x5B72, s9;
	s6 =	sand.u32 $0xFFFF, s6  }
0x2e: {  	s6 =	smul.u32 $0x7000, s6;
	s5 =	sadd.s32 s5, s11;
	s11 =	sshrl.u32 s24, $0x13  }
0x2f: {  	s22 =	sadd.s32 s7, s10;
	[dreg:$0x12] =	wrdreg s0;
	s25 =	smul.u32 $0xE0, s11  }
0x30: {  	s6 =	sadd.s32 s6, s12;
	s12 =	sshrl.u32 s19, $0x13;
	s11 =	smul.u32 $0x620000, s11  }
0x31: {  	[dreg:$0x10] =	wrdreg s22;
	s5 =	sshrl.u32 s5, $0x3;
	s21 =	smul.u32 $0xE0, s12  }
0x32: {  	s6 =	sshrl.u32 s6, $0x3;
	s12 =	smul.u32 $0x620000, s12;
	s26 =	sadd.s32 s1, s5  }
0x33: {  	s5 =	sadd.s32 s7, s5;
	s20 =	sadd.s32 s1, s6;
	s14 =	ssub.s32 s8, s25  }
0x34: {  	[dreg:$0x11] =	wrdreg s26;
	s23 =	ssub.s32 s8, s21;
	s4 =	sadd.s32 $0xA, s14  }
0x35: {  	s25 =	sadd.s32 $0x76E1, s9;
	s10 =	sadd.s32 $0x9, s23;
	s4 =	sand.u32 $0xFFFF, s4  }
0x36: {  	[dreg:$0xf] =	wrdreg s20;
	s10 =	sand.u32 $0xFFFF, s10;
	s4 =	smul.u32 $0x7000, s4  }
0x37: {  	s20 =	sadd.s32 $0x6DBC, s9;
	s26 =	sshrl.u32 s25, $0x13;
	s10 =	smul.u32 $0x7000, s10  }
0x38: {  	s4 =	sadd.s32 s4, s11;
	s11 =	sshrl.u32 s20, $0x13;
	s20 =	smul.u32 $0x620000, s26  }
0x39: {  	s18 =	sadd.s32 s7, s6;
	[dreg:$0x16] =	wrdreg s5;
	s21 =	smul.u32 $0xE0, s11  }
0x3a: {  	[dreg:$0x14] =	wrdreg s18;
	s14 =	sshrl.u32 s3, $0x1;
	s24 =	smul.u32 $0x620000, s11  }
0x3b: {  	s10 =	sadd.s32 s10, s12;
	s12 =	sshrl.u32 s15, $0x13;
	s15 =	smul.u32 $0xE0, s26  }
0x3c: {  	s4 =	sshrl.u32 s4, $0x3;
	s11 =	ssub.s32 s3, s14;
	s17 =	smul.u32 $0xE0, s12  }
0x3d: {  	s10 =	sshrl.u32 s10, $0x3;
	s12 =	smul.u32 $0x620000, s12;
	s22 =	sadd.s32 s1, s4  }
0x3e: {  	s4 =	sadd.s32 s7, s4;
	s16 =	sadd.s32 s1, s10;
	[dreg:$0x15] =	wrdreg s22  }
0x3f: {  	s23 =	ssub.s32 s8, s21;
	s18 =	ssub.s32 s8, s15;
	s21 =	sadd.s32 $0x8006, s9  }
0x40: {  	s19 =	ssub.s32 s8, s17;
	s17 =	sadd.s32 s7, s10;
	s10 =	sshrl.u32 s21, $0x13  }
0x41: {  	[dreg:$0x1a] =	wrdreg s4;
	s0 =	sadd.s32 $0xC, s23;
	s23 =	smul.u32 $0xE0, s10  }
0x42: {  	s6 =	sadd.s32 $0xB, s19;
	s0 =	sand.u32 $0xFFFF, s0;
	s10 =	smul.u32 $0x620000, s10  }
0x43: {  	s19 =	sadd.s32 $0xD, s18;
	s6 =	sand.u32 $0xFFFF, s6;
	s0 =	smul.u32 $0x7000, s0  }
0x44: {  	[dreg:$0x13] =	wrdreg s16;
	s3 =	sand.u32 $0xFFFF, s19;
	s6 =	smul.u32 $0x7000, s6  }
0x45: {  	[dreg:$0x18] =	wrdreg s17;
	s18 =	sadd.s32 $0x9250, s9;
	s3 =	smul.u32 $0x7000, s3  }
0x46: {  	s0 =	sadd.s32 s0, s24;
	s24 =	sadd.s32 $0x892B, s9;
	s6 =	sadd.s32 s6, s12  }
0x47: {  	s0 =	sshrl.u32 s0, $0x3;
	s3 =	sadd.s32 s3, s20;
	s25 =	sshrl.u32 s24, $0x13  }
0x48: {  	s12 =	ssub.s32 s8, s23;
	s20 =	sshrl.u32 s18, $0x13;
	s14 =	smul.u32 $0xE0, s25  }
0x49: {  	s6 =	sshrl.u32 s6, $0x3;
	s22 =	sadd.s32 s1, s0;
	s17 =	smul.u32 $0x620000, s25  }
0x4a: {  	s26 =	sshrl.u32 s3, $0x3;
	s3 =	sadd.s32 $0xE, s12;
	s21 =	smul.u32 $0xE0, s20  }
0x4b: {  	s25 =	sadd.s32 $0xA49A, s9;
	s16 =	sadd.s32 s1, s6;
	[dreg:$0x19] =	wrdreg s22  }
0x4c: {  	s3 =	sand.u32 $0xFFFF, s3;
	s5 =	sadd.s32 s7, s6;
	s22 =	sadd.s32 $0x9B75, s9  }
0x4d: {  	s9 =	sadd.s32 $0xADBF, s9;
	[dreg:$0x17] =	wrdreg s16;
	s3 =	smul.u32 $0x7000, s3  }
0x4e: {  	s12 =	ssub.s32 s8, s14;
	s14 =	smul.u32 $0x620000, s20;
	s9 =	sshrl.u32 s9, $0x13  }
0x4f: {  	s6 =	ssub.s32 s8, s21;
	s16 =	sadd.s32 $0xF, s12;
	s21 =	smul.u32 $0xE0, s9  }
0x50: {  	s15 =	sadd.s32 s1, s26;
	s9 =	smul.u32 $0x620000, s9;
	s4 =	sand.u32 $0xFFFF, s16  }
0x51: {  	[dreg:$0x1b] =	wrdreg s15;
	s3 =	sadd.s32 s3, s10;
	s19 =	smul.u32 $0x7000, s4  }
0x52: {  	s15 =	sshrl.u32 s3, $0x3;
	s3 =	sadd.s32 s7, s0;
	s0 =	sshrl.u32 s22, $0x13  }
0x53: {  	s20 =	sadd.s32 $0x14, s8;
	s23 =	sadd.s32 $0x10, s6;
	s16 =	smul.u32 $0xE0, s0  }
0x54: {  	s4 =	sadd.s32 s1, s15;
	s0 =	smul.u32 $0x620000, s0;
	s10 =	sadd.s32 s19, s17  }
0x55: {  	s12 =	sshrl.u32 s10, $0x3;
	s10 =	sand.u32 $0xFFFF, s23;
	s23 =	smul.u32 $0x925, s20  }
0x56: {  	s24 =	ssub.s32 s8, s16;
	s16 =	sshrl.u32 s25, $0x13;
	s17 =	smul.u32 $0x7000, s10  }
0x57: {  	s6 =	sadd.s32 s1, s12;
	s10 =	sadd.s32 $0x11, s24;
	s19 =	smul.u32 $0xE0, s16  }
0x58: {  	s16 =	smul.u32 $0x620000, s16;
	s28 =	sadd.s32 s7, s12;
	s18 =	sand.u32 $0xFFFF, s10  }
0x59: {  	s10 =	sadd.s32 s7, s26;
	s26 =	smul.u32 $0x7000, s18;
	s19 =	ssub.s32 s8, s19  }
0x5a: {  	s14 =	sadd.s32 s17, s14;
	s8 =	ssub.s32 s8, s21;
	s18 =	sshrl.u32 s23, $0x13  }
0x5b: {  	s21 =	sadd.s32 s7, s15;
	s22 =	sadd.s32 $0x12, s19;
	s14 =	sshrl.u32 s14, $0x3  }
0x5c: {  	s8 =	sadd.s32 $0x13, s8;
	s24 =	smul.u32 $0xE0, s18;
	s17 =	sand.u32 $0xFFFF, s22  }
0x5d: {  	s22 =	sadd.s32 s1, s14;
	s8 =	sand.u32 $0xFFFF, s8;
	s0 =	sadd.s32 s26, s0  }
0x5e: {  	s26 =	smul.u32 $0x620000, s18;
	s23 =	sadd.s32 s7, s14;
	s14 =	simm.s32 $0x7  }
0x5f: {  	s17 =	smul.u32 $0x7000, s17;
	s25 =	ssub.s32 s20, s24;
	s0 =	sshrl.u32 s0, $0x3  }
0x60: {  	s8 =	smul.u32 $0x7000, s8;
	s13 =	sand.u32 $0xFFFF, s25;
	s29 =	sadd.s32 s1, s0  }
0x61: {  	s19 =	sadd.s32 s7, s0;
	s0 =	rddreg [dreg:$0x3];
	s13 =	smul.u32 $0x7000, s13  }
0x62: {  	s16 =	sadd.s32 s17, s16;
	s8 =	sadd.s32 s8, s9;
	s17 =	simm.s32 $0x6  }
0x63: {  	s18 =	sshrl.u32 s16, $0x3;
	s25 =	sadd.s32 s13, s26;
	s26 =	smax.u32 s11, $0x1  }
0x64: {  	s8 =	sshrl.u32 s8, $0x3;
	s16 =	simm.s32 $0x15000;
	p1 =	sne.s32 s26, $0x1  }
.Ltmp0:
0x65: {  	s24 =	sadd.s32 s1, s18;
	s20 =	sadd.s32 s1, s8;
	(pc) =	sbr.rel @!p1 .LBB2_3-.Ltmp0, $4  }
0x66: {  	s12 =	sadd.s32 s7, s18;
	s9 =	sadd.s32 s7, s8;
	s18 =	simm.s32 $0xE000  }
0x67: {  	s11 =	simm.s32 $0x1;
	s13 =	sshrl.u32 s25, $0x3;
	s25 =	simm.s32 $0x7000  }
0x68: {  	s15 =	sadd.s32 s1, s13;
	s8 =	sadd.s32 s7, s13;
	s1 =	sadd.s32 $0xFFFFFFFF, s26  }
0x69: {  	s7 =	simm.s32 $0x5;
	s26 =	simm.s32 $0x4;
	s13 =	simm.s32 $0x8  }
0x6a: {  	[dreg:$0x1c] =	wrdreg s1  }
0x6b: {  	[tilespmem:s2], [sflag:$0x1] =	stream.linear.gather [hbm4b:s0+s2], $0x7000, $0x38;
	[tilespmem:$0x1C000] =	vst v63  }
0x6c: {  	s1 =	rddreg [dreg:$0x4]  }
0x6d: {  	[tilespmem:s25], [sflag:$0x2] =	stream.linear.gather [hbm4b:s1+s2], $0x7000, $0x38;
	[tilespmem:$0x1C000] =	vst v63  }
0x6e: {  	s0 =	rddreg [dreg:$0x5]  }
0x6f: {  	[tilespmem:s18], [sflag:$0x3] =	stream.linear.gather [hbm4b:s0+s2], $0x7000, $0x38;
	[tilespmem:$0x1C000] =	vst v63  }
0x70: {  	_ =	swait.ge [sflag:s11], $0x7000  }
0x71: {  	[sflag:s11] =	ssyncset.done $0x0  }
0x72: {  	s0 =	rddreg [dreg:$0x6];
	[sflag:s11] =	ssyncadd.s32 $0xFFFF9000  }
0x73: {  	[hbm4b:s0+s2] =	stream.linear.scatter [tilespmem:s2], [sflag:$0x5], $0x7000, $0x38;
	[tilespmem:$0x1C000] =	vst v63  }
0x74: {  	s1 =	rddreg [dreg:$0x7]  }
0x75: {  	[tilespmem:s16], [sflag:$0x4] =	stream.linear.gather [hbm4b:s1+s2], $0x7000, $0x38;
	[tilespmem:$0x1C000] =	vst v63  }
0x76: {  	_ =	swait.ge [sflag:s31], $0x7000  }
0x77: {  	[sflag:s31] =	ssyncset.done $0x0  }
0x78: {  	s1 =	rddreg [dreg:$0x8];
	[sflag:s31] =	ssyncadd.s32 $0xFFFF9000  }
0x79: {  	[hbm4b:s1+s2] =	stream.linear.scatter [tilespmem:s25], [sflag:$0x6], $0x7000, $0x38;
	[tilespmem:$0x1C000] =	vst v63  }
0x7a: {  	_ =	swait.ge [sflag:s7], $0x7000  }
0x7b: {  	[sflag:s7] =	ssyncset.done $0x0  }
0x7c: {  	s1 =	rddreg [dreg:$0x9];
	[sflag:s7] =	ssyncadd.s32 $0xFFFF9000  }
0x7d: {  	[tilespmem:s2], [sflag:$0x1] =	stream.linear.gather [hbm4b:s1+s2], $0x7000, $0x38;
	[tilespmem:$0x1C000] =	vst v63  }
0x7e: {  	_ =	swait.ge [sflag:s30], $0x7000  }
0x7f: {  	[sflag:s30] =	ssyncset.done $0x0  }
0x80: {  	s1 =	rddreg [dreg:$0xa];
	[sflag:s30] =	ssyncadd.s32 $0xFFFF9000  }
0x81: {  	[hbm4b:s1+s2] =	stream.linear.scatter [tilespmem:s18], [sflag:$0x7], $0x7000, $0x38;
	[tilespmem:$0x1C000] =	vst v63  }
0x82: {  	_ =	swait.ge [sflag:s17], $0x7000  }
0x83: {  	[sflag:s17] =	ssyncset.done $0x0  }
0x84: {  	s1 =	rddreg [dreg:$0xb];
	[sflag:s17] =	ssyncadd.s32 $0xFFFF9000  }
0x85: {  	[tilespmem:s25], [sflag:$0x2] =	stream.linear.gather [hbm4b:s1+s2], $0x7000, $0x38;
	[tilespmem:$0x1C000] =	vst v63  }
0x86: {  	_ =	swait.ge [sflag:s26], $0x7000  }
0x87: {  	[sflag:s26] =	ssyncset.done $0x0  }
0x88: {  	s1 =	rddreg [dreg:$0xc];
	[sflag:s26] =	ssyncadd.s32 $0xFFFF9000  }
0x89: {  	[hbm4b:s1+s2] =	stream.linear.scatter [tilespmem:s16], [sflag:$0x8], $0x7000, $0x38;
	[tilespmem:$0x1C000] =	vst v63  }
0x8a: {  	_ =	swait.ge [sflag:s14], $0x7000  }
0x8b: {  	[sflag:s14] =	ssyncset.done $0x0  }
0x8c: {  	s1 =	rddreg [dreg:$0xd];
	[sflag:s14] =	ssyncadd.s32 $0xFFFF9000  }
0x8d: {  	[tilespmem:s18], [sflag:$0x3] =	stream.linear.gather [hbm4b:s1+s2], $0x7000, $0x38;
	[tilespmem:$0x1C000] =	vst v63  }
0x8e: {  	_ =	swait.ge [sflag:s11], $0x7000  }
0x8f: {  	[sflag:s11] =	ssyncset.done $0x0  }
0x90: {  	s1 =	rddreg [dreg:$0xe];
	[sflag:s11] =	ssyncadd.s32 $0xFFFF9000  }
0x91: {  	[hbm4b:s1+s2] =	stream.linear.scatter [tilespmem:s2], [sflag:$0x5], $0x7000, $0x38;
	[tilespmem:$0x1C000] =	vst v63  }
0x92: {  	_ =	swait.ge [sflag:s13], $0x7000  }
0x93: {  	[sflag:s13] =	ssyncset.done $0x0  }
0x94: {  	s1 =	rddreg [dreg:$0xf];
	[sflag:s13] =	ssyncadd.s32 $0xFFFF9000  }
0x95: {  	[tilespmem:s16], [sflag:$0x4] =	stream.linear.gather [hbm4b:s1+s2], $0x7000, $0x38;
	[tilespmem:$0x1C000] =	vst v63  }
0x96: {  	_ =	swait.ge [sflag:s31], $0x7000  }
0x97: {  	[sflag:s31] =	ssyncset.done $0x0  }
0x98: {  	s1 =	rddreg [dreg:$0x10];
	[sflag:s31] =	ssyncadd.s32 $0xFFFF9000  }
0x99: {  	[hbm4b:s1+s2] =	stream.linear.scatter [tilespmem:s25], [sflag:$0x6], $0x7000, $0x38;
	[tilespmem:$0x1C000] =	vst v63  }
0x9a: {  	_ =	swait.ge [sflag:s7], $0x7000  }
0x9b: {  	[sflag:s7] =	ssyncset.done $0x0  }
0x9c: {  	s1 =	rddreg [dreg:$0x11];
	[sflag:s7] =	ssyncadd.s32 $0xFFFF9000  }
0x9d: {  	[tilespmem:s2], [sflag:$0x1] =	stream.linear.gather [hbm4b:s1+s2], $0x7000, $0x38;
	[tilespmem:$0x1C000] =	vst v63  }
0x9e: {  	_ =	swait.ge [sflag:s30], $0x7000  }
0x9f: {  	[sflag:s30] =	ssyncset.done $0x0  }
0xa0: {  	s1 =	rddreg [dreg:$0x12];
	[sflag:s30] =	ssyncadd.s32 $0xFFFF9000  }
0xa1: {  	[hbm4b:s1+s2] =	stream.linear.scatter [tilespmem:s18], [sflag:$0x7], $0x7000, $0x38;
	[tilespmem:$0x1C000] =	vst v63  }
0xa2: {  	_ =	swait.ge [sflag:s17], $0x7000  }
0xa3: {  	[sflag:s17] =	ssyncset.done $0x0  }
0xa4: {  	s1 =	rddreg [dreg:$0x13];
	[sflag:s17] =	ssyncadd.s32 $0xFFFF9000  }
0xa5: {  	[tilespmem:s25], [sflag:$0x2] =	stream.linear.gather [hbm4b:s1+s2], $0x7000, $0x38;
	[tilespmem:$0x1C000] =	vst v63  }
0xa6: {  	_ =	swait.ge [sflag:s26], $0x7000  }
0xa7: {  	[sflag:s26] =	ssyncset.done $0x0  }
0xa8: {  	s1 =	rddreg [dreg:$0x14];
	[sflag:s26] =	ssyncadd.s32 $0xFFFF9000  }
0xa9: {  	[hbm4b:s1+s2] =	stream.linear.scatter [tilespmem:s16], [sflag:$0x8], $0x7000, $0x38;
	[tilespmem:$0x1C000] =	vst v63  }
0xaa: {  	_ =	swait.ge [sflag:s14], $0x7000  }
0xab: {  	[sflag:s14] =	ssyncset.done $0x0  }
0xac: {  	s1 =	rddreg [dreg:$0x15];
	[sflag:s14] =	ssyncadd.s32 $0xFFFF9000  }
0xad: {  	[tilespmem:s18], [sflag:$0x3] =	stream.linear.gather [hbm4b:s1+s2], $0x7000, $0x38;
	[tilespmem:$0x1C000] =	vst v63  }
0xae: {  	_ =	swait.ge [sflag:s11], $0x7000  }
0xaf: {  	[sflag:s11] =	ssyncset.done $0x0  }
0xb0: {  	s1 =	rddreg [dreg:$0x16];
	[sflag:s11] =	ssyncadd.s32 $0xFFFF9000  }
0xb1: {  	[hbm4b:s1+s2] =	stream.linear.scatter [tilespmem:s2], [sflag:$0x5], $0x7000, $0x38;
	[tilespmem:$0x1C000] =	vst v63  }
0xb2: {  	_ =	swait.ge [sflag:s13], $0x7000  }
0xb3: {  	[sflag:s13] =	ssyncset.done $0x0  }
0xb4: {  	s1 =	rddreg [dreg:$0x17];
	[sflag:s13] =	ssyncadd.s32 $0xFFFF9000  }
0xb5: {  	[tilespmem:s16], [sflag:$0x4] =	stream.linear.gather [hbm4b:s1+s2], $0x7000, $0x38;
	[tilespmem:$0x1C000] =	vst v63  }
0xb6: {  	_ =	swait.ge [sflag:s31], $0x7000  }
0xb7: {  	[sflag:s31] =	ssyncset.done $0x0  }
0xb8: {  	s1 =	rddreg [dreg:$0x18];
	[sflag:s31] =	ssyncadd.s32 $0xFFFF9000  }
0xb9: {  	[hbm4b:s1+s2] =	stream.linear.scatter [tilespmem:s25], [sflag:$0x6], $0x7000, $0x38;
	[tilespmem:$0x1C000] =	vst v63  }
0xba: {  	_ =	swait.ge [sflag:s7], $0x7000  }
0xbb: {  	[sflag:s7] =	ssyncset.done $0x0  }
0xbc: {  	s1 =	rddreg [dreg:$0x19];
	[sflag:s7] =	ssyncadd.s32 $0xFFFF9000  }
0xbd: {  	[tilespmem:s2], [sflag:$0x1] =	stream.linear.gather [hbm4b:s1+s2], $0x7000, $0x38;
	[tilespmem:$0x1C000] =	vst v63  }
0xbe: {  	_ =	swait.ge [sflag:s30], $0x7000  }
0xbf: {  	[sflag:s30] =	ssyncset.done $0x0  }
0xc0: {  	s1 =	rddreg [dreg:$0x1a];
	[sflag:s30] =	ssyncadd.s32 $0xFFFF9000  }
0xc1: {  	[hbm4b:s1+s2] =	stream.linear.scatter [tilespmem:s18], [sflag:$0x7], $0x7000, $0x38;
	[tilespmem:$0x1C000] =	vst v63  }
0xc2: {  	_ =	swait.ge [sflag:s17], $0x7000  }
0xc3: {  	[sflag:s17] =	ssyncset.done $0x0  }
0xc4: {  	s1 =	rddreg [dreg:$0x1b];
	[sflag:s17] =	ssyncadd.s32 $0xFFFF9000  }
0xc5: {  	[tilespmem:s25], [sflag:$0x2] =	stream.linear.gather [hbm4b:s1+s2], $0x7000, $0x38;
	[tilespmem:$0x1C000] =	vst v63  }
0xc6: {  	_ =	swait.ge [sflag:s26], $0x7000  }
0xc7: {  	[sflag:s26] =	ssyncset.done $0x0  }
0xc8: {  	[sflag:s26] =	ssyncadd.s32 $0xFFFF9000  }
0xc9: {  	[hbm4b:s5+s2] =	stream.linear.scatter [tilespmem:s16], [sflag:$0x8], $0x7000, $0x38;
	[tilespmem:$0x1C000] =	vst v63  }
0xca: {  	_ =	swait.ge [sflag:s14], $0x7000  }
0xcb: {  	[sflag:s14] =	ssyncset.done $0x0  }
0xcc: {  	[sflag:s14] =	ssyncadd.s32 $0xFFFF9000  }
0xcd: {  	[tilespmem:s18], [sflag:$0x3] =	stream.linear.gather [hbm4b:s4+s2], $0x7000, $0x38;
	[tilespmem:$0x1C000] =	vst v63  }
0xce: {  	_ =	swait.ge [sflag:s11], $0x7000  }
0xcf: {  	[sflag:s11] =	ssyncset.done $0x0  }
0xd0: {  	[sflag:s11] =	ssyncadd.s32 $0xFFFF9000  }
0xd1: {  	[hbm4b:s3+s2] =	stream.linear.scatter [tilespmem:s2], [sflag:$0x5], $0x7000, $0x38;
	[tilespmem:$0x1C000] =	vst v63  }
0xd2: {  	_ =	swait.ge [sflag:s13], $0x7000  }
0xd3: {  	[sflag:s13] =	ssyncset.done $0x0  }
0xd4: {  	[sflag:s13] =	ssyncadd.s32 $0xFFFF9000  }
0xd5: {  	[tilespmem:s16], [sflag:$0x4] =	stream.linear.gather [hbm4b:s6+s2], $0x7000, $0x38;
	[tilespmem:$0x1C000] =	vst v63  }
0xd6: {  	_ =	swait.ge [sflag:s31], $0x7000  }
0xd7: {  	[sflag:s31] =	ssyncset.done $0x0  }
0xd8: {  	[sflag:s31] =	ssyncadd.s32 $0xFFFF9000  }
0xd9: {  	[hbm4b:s10+s2] =	stream.linear.scatter [tilespmem:s25], [sflag:$0x6], $0x7000, $0x38;
	[tilespmem:$0x1C000] =	vst v63  }
0xda: {  	_ =	swait.ge [sflag:s7], $0x7000  }
0xdb: {  	[sflag:s7] =	ssyncset.done $0x0  }
0xdc: {  	[sflag:s7] =	ssyncadd.s32 $0xFFFF9000  }
0xdd: {  	[tilespmem:s2], [sflag:$0x1] =	stream.linear.gather [hbm4b:s22+s2], $0x7000, $0x38;
	[tilespmem:$0x1C000] =	vst v63  }
0xde: {  	_ =	swait.ge [sflag:s30], $0x7000  }
0xdf: {  	[sflag:s30] =	ssyncset.done $0x0  }
0xe0: {  	[sflag:s30] =	ssyncadd.s32 $0xFFFF9000  }
0xe1: {  	[hbm4b:s21+s2] =	stream.linear.scatter [tilespmem:s18], [sflag:$0x7], $0x7000, $0x38;
	[tilespmem:$0x1C000] =	vst v63  }
0xe2: {  	_ =	swait.ge [sflag:s17], $0x7000  }
0xe3: {  	[sflag:s17] =	ssyncset.done $0x0  }
0xe4: {  	[sflag:s17] =	ssyncadd.s32 $0xFFFF9000  }
0xe5: {  	[tilespmem:s25], [sflag:$0x2] =	stream.linear.gather [hbm4b:s29+s2], $0x7000, $0x38;
	[tilespmem:$0x1C000] =	vst v63  }
0xe6: {  	_ =	swait.ge [sflag:s26], $0x7000  }
0xe7: {  	[sflag:s26] =	ssyncset.done $0x0  }
0xe8: {  	[sflag:s26] =	ssyncadd.s32 $0xFFFF9000  }
0xe9: {  	[hbm4b:s28+s2] =	stream.linear.scatter [tilespmem:s16], [sflag:$0x8], $0x7000, $0x38;
	[tilespmem:$0x1C000] =	vst v63  }
0xea: {  	_ =	swait.ge [sflag:s14], $0x7000  }
0xeb: {  	[sflag:s14] =	ssyncset.done $0x0  }
0xec: {  	[sflag:s14] =	ssyncadd.s32 $0xFFFF9000  }
0xed: {  	[tilespmem:s18], [sflag:$0x3] =	stream.linear.gather [hbm4b:s24+s2], $0x7000, $0x38;
	[tilespmem:$0x1C000] =	vst v63  }
0xee: {  	_ =	swait.ge [sflag:s11], $0x7000  }
0xef: {  	[sflag:s11] =	ssyncset.done $0x0  }
0xf0: {  	[sflag:s11] =	ssyncadd.s32 $0xFFFF9000  }
0xf1: {  	[hbm4b:s23+s2] =	stream.linear.scatter [tilespmem:s2], [sflag:$0x5], $0x7000, $0x38;
	[tilespmem:$0x1C000] =	vst v63  }
0xf2: {  	_ =	swait.ge [sflag:s13], $0x7000  }
0xf3: {  	[sflag:s13] =	ssyncset.done $0x0  }
0xf4: {  	[sflag:s13] =	ssyncadd.s32 $0xFFFF9000  }
0xf5: {  	[tilespmem:s16], [sflag:$0x4] =	stream.linear.gather [hbm4b:s20+s2], $0x7000, $0x38;
	[tilespmem:$0x1C000] =	vst v63  }
0xf6: {  	_ =	swait.ge [sflag:s31], $0x7000  }
0xf7: {  	[sflag:s31] =	ssyncset.done $0x0  }
0xf8: {  	[sflag:s31] =	ssyncadd.s32 $0xFFFF9000  }
0xf9: {  	[hbm4b:s19+s2] =	stream.linear.scatter [tilespmem:s25], [sflag:$0x6], $0x7000, $0x38;
	[tilespmem:$0x1C000] =	vst v63  }
0xfa: {  	_ =	swait.ge [sflag:s7], $0x7000  }
0xfb: {  	[sflag:s7] =	ssyncset.done $0x0  }
0xfc: {  	[sflag:s7] =	ssyncadd.s32 $0xFFFF9000  }
0xfd: {  	[tilespmem:s2], [sflag:$0x1] =	stream.linear.gather [hbm4b:s15+s2], $0x7000, $0x38;
	[tilespmem:$0x1C000] =	vst v63  }
0xfe: {  	_ =	swait.ge [sflag:s30], $0x7000  }
0xff: {  	[sflag:s30] =	ssyncset.done $0x0  }
0x100: {  	[sflag:s30] =	ssyncadd.s32 $0xFFFF9000  }
0x101: {  	[hbm4b:s12+s2] =	stream.linear.scatter [tilespmem:s18], [sflag:$0x7], $0x7000, $0x38;
	[tilespmem:$0x1C000] =	vst v63  }
0x102: {  	_ =	swait.ge [sflag:s26], $0x7000  }
0x103: {  	[sflag:s26] =	ssyncset.done $0x0  }
0x104: {  	[sflag:s26] =	ssyncadd.s32 $0xFFFF9000  }
0x105: {  	[hbm4b:s9+s2] =	stream.linear.scatter [tilespmem:s16], [sflag:$0x8], $0x7000, $0x38;
	[tilespmem:$0x1C000] =	vst v63  }
0x106: {  	_ =	swait.ge [sflag:s11], $0x7000  }
0x107: {  	[sflag:s11] =	ssyncset.done $0x0  }
0x108: {  	[sflag:s11] =	ssyncadd.s32 $0xFFFF9000  }
0x109: {  	[hbm4b:s8+s2] =	stream.linear.scatter [tilespmem:s2], [sflag:$0x5], $0x7000, $0x38;
	[tilespmem:$0x1C000] =	vst v63  }
0x10a: {  	_ =	swait.ge [sflag:s17], $0x7000  }
0x10b: {  	[sflag:s17] =	ssyncset.done $0x0  }
0x10c: {  	[sflag:s17] =	ssyncadd.s32 $0xFFFF9000  }
0x10d: {  	_ =	swait.ge [sflag:s14], $0x7000  }
0x10e: {  	[sflag:s14] =	ssyncset.done $0x0  }
0x10f: {  	[sflag:s14] =	ssyncadd.s32 $0xFFFF9000  }
0x110: {  	_ =	swait.ge [sflag:s13], $0x7000  }
0x111: {  	s1 =	rddreg [dreg:$0x1c]  }
0x112: {  	p1 =	sne.s32 s1, $0x1  }
.Ltmp1:
0x113: {  	_ = 	snop;
	(pc) =	sbr.rel @!p1 .LBB2_3-.Ltmp1, $4  }
0x114: {  	[sflag:s13] =	ssyncset.done $0x0  }
0x115: {  	[sflag:s13] =	ssyncadd.s32 $0xFFFF9000  }
0x116: {  	p0 =	por $0x1, $0x1;
	_ =	swait.ge [sflag:s7], $0x7000  }
0x117: {  	s1 =	sadd.s32 $0xFFFFFFFF, s1;
	s0 =	rddreg [dreg:$0x3];
	[sflag:s7] =	ssyncset.done $0x0  }
.LBB2_2:
0x118: {  	[sflag:s7] =	ssyncadd.s32 $0xFFFF9000;
	s13 =	simm.s32 $0x7000  }
0x119: {  	s16 =	smov.u32 s29;
	s29 =	smov.u32 s28;
	s28 =	smov.u32 s24  }
0x11a: {  	s24 =	smov.u32 s23;
	s23 =	smov.u32 s22;
	s22 =	smov.u32 s21  }
0x11b: {  	s21 =	smov.u32 s20;
	s20 =	smov.u32 s19;
	s19 =	smov.u32 s15  }
0x11c: {  	s15 =	smov.u32 s12;
	s12 =	smov.u32 s10;
	s10 =	smov.u32 s9  }
0x11d: {  	s9 =	smov.u32 s8;
	s8 =	smov.u32 s6;
	s6 =	smov.u32 s5  }
0x11e: {  	[tilespmem:s2], [sflag:$0x1] =	stream.linear.gather [hbm4b:s0+s2], $0x7000, $0x38;
	[tilespmem:$0x1C000] =	vst v63  }
0x11f: {  	s5 =	smov.u32 s4;
	s4 =	smov.u32 s3;
	s3 =	rddreg [dreg:$0x4]  }
0x120: {  	[tilespmem:s13], [sflag:$0x2] =	stream.linear.gather [hbm4b:s3+s2], $0x7000, $0x38;
	[tilespmem:$0x1C000] =	vst v63  }
0x121: {  	s25 =	simm.s32 $0xE000;
	s0 =	rddreg [dreg:$0x5]  }
0x122: {  	[tilespmem:s25], [sflag:$0x3] =	stream.linear.gather [hbm4b:s0+s2], $0x7000, $0x38;
	[tilespmem:$0x1C000] =	vst v63  }
0x123: {  	_ =	swait.ge [sflag:s11], $0x7000  }
0x124: {  	[sflag:s11] =	ssyncset.done $0x0  }
0x125: {  	s0 =	rddreg [dreg:$0x6];
	[sflag:s11] =	ssyncadd.s32 $0xFFFF9000  }
0x126: {  	[hbm4b:s0+s2] =	stream.linear.scatter [tilespmem:s2], [sflag:$0x5], $0x7000, $0x38;
	[tilespmem:$0x1C000] =	vst v63  }
0x127: {  	s18 =	simm.s32 $0x15000;
	s3 =	rddreg [dreg:$0x7]  }
0x128: {  	[tilespmem:s18], [sflag:$0x4] =	stream.linear.gather [hbm4b:s3+s2], $0x7000, $0x38;
	[tilespmem:$0x1C000] =	vst v63  }
0x129: {  	_ =	swait.ge [sflag:s31], $0x7000  }
0x12a: {  	[sflag:s31] =	ssyncset.done $0x0  }
0x12b: {  	s25 =	simm.s32 $0x7000;
	s0 =	rddreg [dreg:$0x8];
	[sflag:s31] =	ssyncadd.s32 $0xFFFF9000  }
0x12c: {  	[hbm4b:s0+s2] =	stream.linear.scatter [tilespmem:s25], [sflag:$0x6], $0x7000, $0x38;
	[tilespmem:$0x1C000] =	vst v63  }
0x12d: {  	s18 =	simm.s32 $0xE000;
	_ =	swait.ge [sflag:s7], $0x7000  }
0x12e: {  	s3 =	smov.u32 s4;
	s4 =	smov.u32 s5;
	[sflag:s7] =	ssyncset.done $0x0  }
0x12f: {  	s5 =	smov.u32 s6;
	s0 =	rddreg [dreg:$0x9];
	[sflag:s7] =	ssyncadd.s32 $0xFFFF9000  }
0x130: {  	[tilespmem:s2], [sflag:$0x1] =	stream.linear.gather [hbm4b:s0+s2], $0x7000, $0x38;
	[tilespmem:$0x1C000] =	vst v63  }
0x131: {  	s6 =	smov.u32 s8;
	s8 =	smov.u32 s9;
	_ =	swait.ge [sflag:s30], $0x7000  }
0x132: {  	s9 =	smov.u32 s10;
	s10 =	smov.u32 s12;
	[sflag:s30] =	ssyncset.done $0x0  }
0x133: {  	s12 =	smov.u32 s15;
	s0 =	rddreg [dreg:$0xa];
	[sflag:s30] =	ssyncadd.s32 $0xFFFF9000  }
0x134: {  	[hbm4b:s0+s2] =	stream.linear.scatter [tilespmem:s18], [sflag:$0x7], $0x7000, $0x38;
	[tilespmem:$0x1C000] =	vst v63  }
0x135: {  	s15 =	smov.u32 s19;
	s19 =	smov.u32 s20;
	_ =	swait.ge [sflag:s17], $0x7000  }
0x136: {  	s20 =	smov.u32 s21;
	s21 =	smov.u32 s22;
	[sflag:s17] =	ssyncset.done $0x0  }
0x137: {  	s22 =	smov.u32 s23;
	s0 =	rddreg [dreg:$0xb];
	[sflag:s17] =	ssyncadd.s32 $0xFFFF9000  }
0x138: {  	[tilespmem:s25], [sflag:$0x2] =	stream.linear.gather [hbm4b:s0+s2], $0x7000, $0x38;
	[tilespmem:$0x1C000] =	vst v63  }
0x139: {  	s23 =	smov.u32 s24;
	s24 =	smov.u32 s28;
	_ =	swait.ge [sflag:s26], $0x7000  }
0x13a: {  	s28 =	smov.u32 s29;
	s29 =	smov.u32 s16;
	[sflag:s26] =	ssyncset.done $0x0  }
0x13b: {  	s16 =	simm.s32 $0x15000;
	s0 =	rddreg [dreg:$0xc];
	[sflag:s26] =	ssyncadd.s32 $0xFFFF9000  }
0x13c: {  	[hbm4b:s0+s2] =	stream.linear.scatter [tilespmem:s16], [sflag:$0x8], $0x7000, $0x38;
	[tilespmem:$0x1C000] =	vst v63  }
0x13d: {  	_ =	swait.ge [sflag:s14], $0x7000  }
0x13e: {  	[sflag:s14] =	ssyncset.done $0x0  }
0x13f: {  	s0 =	rddreg [dreg:$0xd];
	[sflag:s14] =	ssyncadd.s32 $0xFFFF9000  }
0x140: {  	[tilespmem:s18], [sflag:$0x3] =	stream.linear.gather [hbm4b:s0+s2], $0x7000, $0x38;
	[tilespmem:$0x1C000] =	vst v63  }
0x141: {  	_ =	swait.ge [sflag:s11], $0x7000  }
0x142: {  	[sflag:s11] =	ssyncset.done $0x0  }
0x143: {  	s13 =	simm.s32 $0x8;
	s0 =	rddreg [dreg:$0xe];
	[sflag:s11] =	ssyncadd.s32 $0xFFFF9000  }
0x144: {  	[hbm4b:s0+s2] =	stream.linear.scatter [tilespmem:s2], [sflag:$0x5], $0x7000, $0x38;
	[tilespmem:$0x1C000] =	vst v63  }
0x145: {  	_ =	swait.ge [sflag:s13], $0x7000  }
0x146: {  	[sflag:s13] =	ssyncset.done $0x0  }
0x147: {  	s0 =	rddreg [dreg:$0xf];
	[sflag:s13] =	ssyncadd.s32 $0xFFFF9000  }
0x148: {  	[tilespmem:s16], [sflag:$0x4] =	stream.linear.gather [hbm4b:s0+s2], $0x7000, $0x38;
	[tilespmem:$0x1C000] =	vst v63  }
0x149: {  	_ =	swait.ge [sflag:s31], $0x7000  }
0x14a: {  	[sflag:s31] =	ssyncset.done $0x0  }
0x14b: {  	s0 =	rddreg [dreg:$0x10];
	[sflag:s31] =	ssyncadd.s32 $0xFFFF9000  }
0x14c: {  	[hbm4b:s0+s2] =	stream.linear.scatter [tilespmem:s25], [sflag:$0x6], $0x7000, $0x38;
	[tilespmem:$0x1C000] =	vst v63  }
0x14d: {  	_ =	swait.ge [sflag:s7], $0x7000  }
0x14e: {  	[sflag:s7] =	ssyncset.done $0x0  }
0x14f: {  	s0 =	rddreg [dreg:$0x11];
	[sflag:s7] =	ssyncadd.s32 $0xFFFF9000  }
0x150: {  	[tilespmem:s2], [sflag:$0x1] =	stream.linear.gather [hbm4b:s0+s2], $0x7000, $0x38;
	[tilespmem:$0x1C000] =	vst v63  }
0x151: {  	_ =	swait.ge [sflag:s30], $0x7000  }
0x152: {  	[sflag:s30] =	ssyncset.done $0x0  }
0x153: {  	s0 =	rddreg [dreg:$0x12];
	[sflag:s30] =	ssyncadd.s32 $0xFFFF9000  }
0x154: {  	[hbm4b:s0+s2] =	stream.linear.scatter [tilespmem:s18], [sflag:$0x7], $0x7000, $0x38;
	[tilespmem:$0x1C000] =	vst v63  }
0x155: {  	_ =	swait.ge [sflag:s17], $0x7000  }
0x156: {  	[sflag:s17] =	ssyncset.done $0x0  }
0x157: {  	s0 =	rddreg [dreg:$0x13];
	[sflag:s17] =	ssyncadd.s32 $0xFFFF9000  }
0x158: {  	[tilespmem:s25], [sflag:$0x2] =	stream.linear.gather [hbm4b:s0+s2], $0x7000, $0x38;
	[tilespmem:$0x1C000] =	vst v63  }
0x159: {  	_ =	swait.ge [sflag:s26], $0x7000  }
0x15a: {  	[sflag:s26] =	ssyncset.done $0x0  }
0x15b: {  	s0 =	rddreg [dreg:$0x14];
	[sflag:s26] =	ssyncadd.s32 $0xFFFF9000  }
0x15c: {  	[hbm4b:s0+s2] =	stream.linear.scatter [tilespmem:s16], [sflag:$0x8], $0x7000, $0x38;
	[tilespmem:$0x1C000] =	vst v63  }
0x15d: {  	_ =	swait.ge [sflag:s14], $0x7000  }
0x15e: {  	[sflag:s14] =	ssyncset.done $0x0  }
0x15f: {  	s0 =	rddreg [dreg:$0x15];
	[sflag:s14] =	ssyncadd.s32 $0xFFFF9000  }
0x160: {  	[tilespmem:s18], [sflag:$0x3] =	stream.linear.gather [hbm4b:s0+s2], $0x7000, $0x38;
	[tilespmem:$0x1C000] =	vst v63  }
0x161: {  	_ =	swait.ge [sflag:s11], $0x7000  }
0x162: {  	[sflag:s11] =	ssyncset.done $0x0  }
0x163: {  	s0 =	rddreg [dreg:$0x16];
	[sflag:s11] =	ssyncadd.s32 $0xFFFF9000  }
0x164: {  	[hbm4b:s0+s2] =	stream.linear.scatter [tilespmem:s2], [sflag:$0x5], $0x7000, $0x38;
	[tilespmem:$0x1C000] =	vst v63  }
0x165: {  	_ =	swait.ge [sflag:s13], $0x7000  }
0x166: {  	[sflag:s13] =	ssyncset.done $0x0  }
0x167: {  	s0 =	rddreg [dreg:$0x17];
	[sflag:s13] =	ssyncadd.s32 $0xFFFF9000  }
0x168: {  	[tilespmem:s16], [sflag:$0x4] =	stream.linear.gather [hbm4b:s0+s2], $0x7000, $0x38;
	[tilespmem:$0x1C000] =	vst v63  }
0x169: {  	_ =	swait.ge [sflag:s31], $0x7000  }
0x16a: {  	[sflag:s31] =	ssyncset.done $0x0  }
0x16b: {  	s0 =	rddreg [dreg:$0x18];
	[sflag:s31] =	ssyncadd.s32 $0xFFFF9000  }
0x16c: {  	[hbm4b:s0+s2] =	stream.linear.scatter [tilespmem:s25], [sflag:$0x6], $0x7000, $0x38;
	[tilespmem:$0x1C000] =	vst v63  }
0x16d: {  	_ =	swait.ge [sflag:s7], $0x7000  }
0x16e: {  	[sflag:s7] =	ssyncset.done $0x0  }
0x16f: {  	s0 =	rddreg [dreg:$0x19];
	[sflag:s7] =	ssyncadd.s32 $0xFFFF9000  }
0x170: {  	[tilespmem:s2], [sflag:$0x1] =	stream.linear.gather [hbm4b:s0+s2], $0x7000, $0x38;
	[tilespmem:$0x1C000] =	vst v63  }
0x171: {  	_ =	swait.ge [sflag:s30], $0x7000  }
0x172: {  	[sflag:s30] =	ssyncset.done $0x0  }
0x173: {  	s0 =	rddreg [dreg:$0x1a];
	[sflag:s30] =	ssyncadd.s32 $0xFFFF9000  }
0x174: {  	[hbm4b:s0+s2] =	stream.linear.scatter [tilespmem:s18], [sflag:$0x7], $0x7000, $0x38;
	[tilespmem:$0x1C000] =	vst v63  }
0x175: {  	_ =	swait.ge [sflag:s17], $0x7000  }
0x176: {  	[sflag:s17] =	ssyncset.done $0x0  }
0x177: {  	s0 =	rddreg [dreg:$0x1b];
	[sflag:s17] =	ssyncadd.s32 $0xFFFF9000  }
0x178: {  	[tilespmem:s25], [sflag:$0x2] =	stream.linear.gather [hbm4b:s0+s2], $0x7000, $0x38;
	[tilespmem:$0x1C000] =	vst v63  }
0x179: {  	_ =	swait.ge [sflag:s26], $0x7000  }
0x17a: {  	[sflag:s26] =	ssyncset.done $0x0  }
0x17b: {  	[sflag:s26] =	ssyncadd.s32 $0xFFFF9000  }
0x17c: {  	[hbm4b:s5+s2] =	stream.linear.scatter [tilespmem:s16], [sflag:$0x8], $0x7000, $0x38;
	[tilespmem:$0x1C000] =	vst v63  }
0x17d: {  	_ =	swait.ge [sflag:s14], $0x7000  }
0x17e: {  	[sflag:s14] =	ssyncset.done $0x0  }
0x17f: {  	[sflag:s14] =	ssyncadd.s32 $0xFFFF9000  }
0x180: {  	[tilespmem:s18], [sflag:$0x3] =	stream.linear.gather [hbm4b:s4+s2], $0x7000, $0x38;
	[tilespmem:$0x1C000] =	vst v63  }
0x181: {  	_ =	swait.ge [sflag:s11], $0x7000  }
0x182: {  	[sflag:s11] =	ssyncset.done $0x0  }
0x183: {  	[sflag:s11] =	ssyncadd.s32 $0xFFFF9000  }
0x184: {  	[hbm4b:s3+s2] =	stream.linear.scatter [tilespmem:s2], [sflag:$0x5], $0x7000, $0x38;
	[tilespmem:$0x1C000] =	vst v63  }
0x185: {  	_ =	swait.ge [sflag:s13], $0x7000  }
0x186: {  	[sflag:s13] =	ssyncset.done $0x0  }
0x187: {  	[sflag:s13] =	ssyncadd.s32 $0xFFFF9000  }
0x188: {  	[tilespmem:s16], [sflag:$0x4] =	stream.linear.gather [hbm4b:s6+s2], $0x7000, $0x38;
	[tilespmem:$0x1C000] =	vst v63  }
0x189: {  	_ =	swait.ge [sflag:s31], $0x7000  }
0x18a: {  	[sflag:s31] =	ssyncset.done $0x0  }
0x18b: {  	[sflag:s31] =	ssyncadd.s32 $0xFFFF9000  }
0x18c: {  	[hbm4b:s10+s2] =	stream.linear.scatter [tilespmem:s25], [sflag:$0x6], $0x7000, $0x38;
	[tilespmem:$0x1C000] =	vst v63  }
0x18d: {  	_ =	swait.ge [sflag:s7], $0x7000  }
0x18e: {  	[sflag:s7] =	ssyncset.done $0x0  }
0x18f: {  	[sflag:s7] =	ssyncadd.s32 $0xFFFF9000  }
0x190: {  	[tilespmem:s2], [sflag:$0x1] =	stream.linear.gather [hbm4b:s22+s2], $0x7000, $0x38;
	[tilespmem:$0x1C000] =	vst v63  }
0x191: {  	_ =	swait.ge [sflag:s30], $0x7000  }
0x192: {  	[sflag:s30] =	ssyncset.done $0x0  }
0x193: {  	[sflag:s30] =	ssyncadd.s32 $0xFFFF9000  }
0x194: {  	[hbm4b:s21+s2] =	stream.linear.scatter [tilespmem:s18], [sflag:$0x7], $0x7000, $0x38;
	[tilespmem:$0x1C000] =	vst v63  }
0x195: {  	_ =	swait.ge [sflag:s17], $0x7000  }
0x196: {  	[sflag:s17] =	ssyncset.done $0x0  }
0x197: {  	[sflag:s17] =	ssyncadd.s32 $0xFFFF9000  }
0x198: {  	[tilespmem:s25], [sflag:$0x2] =	stream.linear.gather [hbm4b:s29+s2], $0x7000, $0x38;
	[tilespmem:$0x1C000] =	vst v63  }
0x199: {  	_ =	swait.ge [sflag:s26], $0x7000  }
0x19a: {  	[sflag:s26] =	ssyncset.done $0x0  }
0x19b: {  	[sflag:s26] =	ssyncadd.s32 $0xFFFF9000  }
0x19c: {  	[hbm4b:s28+s2] =	stream.linear.scatter [tilespmem:s16], [sflag:$0x8], $0x7000, $0x38;
	[tilespmem:$0x1C000] =	vst v63  }
0x19d: {  	_ =	swait.ge [sflag:s14], $0x7000  }
0x19e: {  	[sflag:s14] =	ssyncset.done $0x0  }
0x19f: {  	[sflag:s14] =	ssyncadd.s32 $0xFFFF9000  }
0x1a0: {  	[tilespmem:s18], [sflag:$0x3] =	stream.linear.gather [hbm4b:s24+s2], $0x7000, $0x38;
	[tilespmem:$0x1C000] =	vst v63  }
0x1a1: {  	_ =	swait.ge [sflag:s11], $0x7000  }
0x1a2: {  	[sflag:s11] =	ssyncset.done $0x0  }
0x1a3: {  	[sflag:s11] =	ssyncadd.s32 $0xFFFF9000  }
0x1a4: {  	[hbm4b:s23+s2] =	stream.linear.scatter [tilespmem:s2], [sflag:$0x5], $0x7000, $0x38;
	[tilespmem:$0x1C000] =	vst v63  }
0x1a5: {  	_ =	swait.ge [sflag:s13], $0x7000  }
0x1a6: {  	[sflag:s13] =	ssyncset.done $0x0  }
0x1a7: {  	[sflag:s13] =	ssyncadd.s32 $0xFFFF9000  }
0x1a8: {  	[tilespmem:s16], [sflag:$0x4] =	stream.linear.gather [hbm4b:s20+s2], $0x7000, $0x38;
	[tilespmem:$0x1C000] =	vst v63  }
0x1a9: {  	_ =	swait.ge [sflag:s31], $0x7000  }
0x1aa: {  	[sflag:s31] =	ssyncset.done $0x0  }
0x1ab: {  	[sflag:s31] =	ssyncadd.s32 $0xFFFF9000  }
0x1ac: {  	[hbm4b:s19+s2] =	stream.linear.scatter [tilespmem:s25], [sflag:$0x6], $0x7000, $0x38;
	[tilespmem:$0x1C000] =	vst v63  }
0x1ad: {  	_ =	swait.ge [sflag:s7], $0x7000  }
0x1ae: {  	[sflag:s7] =	ssyncset.done $0x0  }
0x1af: {  	[sflag:s7] =	ssyncadd.s32 $0xFFFF9000  }
0x1b0: {  	[tilespmem:s2], [sflag:$0x1] =	stream.linear.gather [hbm4b:s15+s2], $0x7000, $0x38;
	[tilespmem:$0x1C000] =	vst v63  }
0x1b1: {  	_ =	swait.ge [sflag:s30], $0x7000  }
0x1b2: {  	[sflag:s30] =	ssyncset.done $0x0  }
0x1b3: {  	[sflag:s30] =	ssyncadd.s32 $0xFFFF9000  }
0x1b4: {  	[hbm4b:s12+s2] =	stream.linear.scatter [tilespmem:s18], [sflag:$0x7], $0x7000, $0x38;
	[tilespmem:$0x1C000] =	vst v63  }
0x1b5: {  	_ =	swait.ge [sflag:s26], $0x7000  }
0x1b6: {  	[sflag:s26] =	ssyncset.done $0x0  }
0x1b7: {  	[sflag:s26] =	ssyncadd.s32 $0xFFFF9000  }
0x1b8: {  	[hbm4b:s9+s2] =	stream.linear.scatter [tilespmem:s16], [sflag:$0x8], $0x7000, $0x38;
	[tilespmem:$0x1C000] =	vst v63  }
0x1b9: {  	_ =	swait.ge [sflag:s11], $0x7000  }
0x1ba: {  	[sflag:s11] =	ssyncset.done $0x0  }
0x1bb: {  	[sflag:s11] =	ssyncadd.s32 $0xFFFF9000  }
0x1bc: {  	[hbm4b:s8+s2] =	stream.linear.scatter [tilespmem:s2], [sflag:$0x5], $0x7000, $0x38;
	[tilespmem:$0x1C000] =	vst v63  }
0x1bd: {  	_ =	swait.ge [sflag:s17], $0x7000  }
0x1be: {  	[sflag:s17] =	ssyncset.done $0x0  }
0x1bf: {  	[sflag:s17] =	ssyncadd.s32 $0xFFFF9000  }
0x1c0: {  	_ =	swait.ge [sflag:s14], $0x7000  }
0x1c1: {  	[sflag:s14] =	ssyncset.done $0x0  }
0x1c2: {  	p1 =	sne.s32 s1, $0x1;
	[sflag:s14] =	ssyncadd.s32 $0xFFFF9000  }
.Ltmp2:
0x1c3: {  	_ =	swait.ge [sflag:s13], $0x7000;
	(pc) =	sbr.rel @p1 .LBB2_2-.Ltmp2, $4  }
0x1c4: {  	[sflag:s13] =	ssyncset.done $0x0  }
0x1c5: {  	[sflag:s13] =	ssyncadd.s32 $0xFFFF9000  }
0x1c6: {  	_ =	swait.ge [sflag:s7], $0x7000  }
0x1c7: {  	s1 =	sadd.s32 $0xFFFFFFFF, s1;
	s0 =	rddreg [dreg:$0x3];
	[sflag:s7] =	ssyncset.done $0x0  }
.LBB2_3:
0x1c8: {  	[sflag:s7] =	ssyncadd.s32 @p0 $0xFFFF9000  }
0x1c9: {  	[tilespmem:s2], [sflag:$0x1] =	stream.linear.gather [hbm4b:s0+s2], $0x7000, $0x38;
	[tilespmem:$0x1C000] =	vst v63  }
0x1ca: {  	s1 =	rddreg [dreg:$0x4]  }
0x1cb: {  	[tilespmem:s25], [sflag:$0x2] =	stream.linear.gather [hbm4b:s1+s2], $0x7000, $0x38;
	[tilespmem:$0x1C000] =	vst v63  }
0x1cc: {  	s0 =	rddreg [dreg:$0x5]  }
0x1cd: {  	[tilespmem:s18], [sflag:$0x3] =	stream.linear.gather [hbm4b:s0+s2], $0x7000, $0x38;
	[tilespmem:$0x1C000] =	vst v63  }
0x1ce: {  	_ =	swait.ge [sflag:s11], $0x7000  }
0x1cf: {  	[sflag:s11] =	ssyncset.done $0x0  }
0x1d0: {  	s0 =	rddreg [dreg:$0x6];
	[sflag:s11] =	ssyncadd.s32 $0xFFFF9000  }
0x1d1: {  	[hbm4b:s0+s2] =	stream.linear.scatter [tilespmem:s2], [sflag:$0x5], $0x7000, $0x38;
	[tilespmem:$0x1C000] =	vst v63  }
0x1d2: {  	s1 =	rddreg [dreg:$0x7]  }
0x1d3: {  	[tilespmem:s16], [sflag:$0x4] =	stream.linear.gather [hbm4b:s1+s2], $0x7000, $0x38;
	[tilespmem:$0x1C000] =	vst v63  }
0x1d4: {  	_ =	swait.ge [sflag:s31], $0x7000  }
0x1d5: {  	[sflag:s31] =	ssyncset.done $0x0  }
0x1d6: {  	s1 =	rddreg [dreg:$0x8];
	[sflag:s31] =	ssyncadd.s32 $0xFFFF9000  }
0x1d7: {  	[hbm4b:s1+s2] =	stream.linear.scatter [tilespmem:s25], [sflag:$0x6], $0x7000, $0x38;
	[tilespmem:$0x1C000] =	vst v63  }
0x1d8: {  	_ =	swait.ge [sflag:s7], $0x7000  }
0x1d9: {  	[sflag:s7] =	ssyncset.done $0x0  }
0x1da: {  	s1 =	rddreg [dreg:$0x9];
	[sflag:s7] =	ssyncadd.s32 $0xFFFF9000  }
0x1db: {  	[tilespmem:s2], [sflag:$0x1] =	stream.linear.gather [hbm4b:s1+s2], $0x7000, $0x38;
	[tilespmem:$0x1C000] =	vst v63  }
0x1dc: {  	_ =	swait.ge [sflag:s30], $0x7000  }
0x1dd: {  	[sflag:s30] =	ssyncset.done $0x0  }
0x1de: {  	s1 =	rddreg [dreg:$0xa];
	[sflag:s30] =	ssyncadd.s32 $0xFFFF9000  }
0x1df: {  	[hbm4b:s1+s2] =	stream.linear.scatter [tilespmem:s18], [sflag:$0x7], $0x7000, $0x38;
	[tilespmem:$0x1C000] =	vst v63  }
0x1e0: {  	_ =	swait.ge [sflag:s17], $0x7000  }
0x1e1: {  	[sflag:s17] =	ssyncset.done $0x0  }
0x1e2: {  	s1 =	rddreg [dreg:$0xb];
	[sflag:s17] =	ssyncadd.s32 $0xFFFF9000  }
0x1e3: {  	[tilespmem:s25], [sflag:$0x2] =	stream.linear.gather [hbm4b:s1+s2], $0x7000, $0x38;
	[tilespmem:$0x1C000] =	vst v63  }
0x1e4: {  	_ =	swait.ge [sflag:s26], $0x7000  }
0x1e5: {  	[sflag:s26] =	ssyncset.done $0x0  }
0x1e6: {  	s1 =	rddreg [dreg:$0xc];
	[sflag:s26] =	ssyncadd.s32 $0xFFFF9000  }
0x1e7: {  	[hbm4b:s1+s2] =	stream.linear.scatter [tilespmem:s16], [sflag:$0x8], $0x7000, $0x38;
	[tilespmem:$0x1C000] =	vst v63  }
0x1e8: {  	_ =	swait.ge [sflag:s14], $0x7000  }
0x1e9: {  	[sflag:s14] =	ssyncset.done $0x0  }
0x1ea: {  	s1 =	rddreg [dreg:$0xd];
	[sflag:s14] =	ssyncadd.s32 $0xFFFF9000  }
0x1eb: {  	[tilespmem:s18], [sflag:$0x3] =	stream.linear.gather [hbm4b:s1+s2], $0x7000, $0x38;
	[tilespmem:$0x1C000] =	vst v63  }
0x1ec: {  	_ =	swait.ge [sflag:s11], $0x7000  }
0x1ed: {  	[sflag:s11] =	ssyncset.done $0x0  }
0x1ee: {  	s1 =	rddreg [dreg:$0xe];
	[sflag:s11] =	ssyncadd.s32 $0xFFFF9000  }
0x1ef: {  	[hbm4b:s1+s2] =	stream.linear.scatter [tilespmem:s2], [sflag:$0x5], $0x7000, $0x38;
	[tilespmem:$0x1C000] =	vst v63  }
0x1f0: {  	_ =	swait.ge [sflag:s13], $0x7000  }
0x1f1: {  	[sflag:s13] =	ssyncset.done $0x0  }
0x1f2: {  	s1 =	rddreg [dreg:$0xf];
	[sflag:s13] =	ssyncadd.s32 $0xFFFF9000  }
0x1f3: {  	[tilespmem:s16], [sflag:$0x4] =	stream.linear.gather [hbm4b:s1+s2], $0x7000, $0x38;
	[tilespmem:$0x1C000] =	vst v63  }
0x1f4: {  	_ =	swait.ge [sflag:s31], $0x7000  }
0x1f5: {  	[sflag:s31] =	ssyncset.done $0x0  }
0x1f6: {  	s1 =	rddreg [dreg:$0x10];
	[sflag:s31] =	ssyncadd.s32 $0xFFFF9000  }
0x1f7: {  	[hbm4b:s1+s2] =	stream.linear.scatter [tilespmem:s25], [sflag:$0x6], $0x7000, $0x38;
	[tilespmem:$0x1C000] =	vst v63  }
0x1f8: {  	_ =	swait.ge [sflag:s7], $0x7000  }
0x1f9: {  	[sflag:s7] =	ssyncset.done $0x0  }
0x1fa: {  	s1 =	rddreg [dreg:$0x11];
	[sflag:s7] =	ssyncadd.s32 $0xFFFF9000  }
0x1fb: {  	[tilespmem:s2], [sflag:$0x1] =	stream.linear.gather [hbm4b:s1+s2], $0x7000, $0x38;
	[tilespmem:$0x1C000] =	vst v63  }
0x1fc: {  	_ =	swait.ge [sflag:s30], $0x7000  }
0x1fd: {  	[sflag:s30] =	ssyncset.done $0x0  }
0x1fe: {  	s1 =	rddreg [dreg:$0x12];
	[sflag:s30] =	ssyncadd.s32 $0xFFFF9000  }
0x1ff: {  	[hbm4b:s1+s2] =	stream.linear.scatter [tilespmem:s18], [sflag:$0x7], $0x7000, $0x38;
	[tilespmem:$0x1C000] =	vst v63  }
0x200: {  	_ =	swait.ge [sflag:s17], $0x7000  }
0x201: {  	[sflag:s17] =	ssyncset.done $0x0  }
0x202: {  	s1 =	rddreg [dreg:$0x13];
	[sflag:s17] =	ssyncadd.s32 $0xFFFF9000  }
0x203: {  	[tilespmem:s25], [sflag:$0x2] =	stream.linear.gather [hbm4b:s1+s2], $0x7000, $0x38;
	[tilespmem:$0x1C000] =	vst v63  }
0x204: {  	_ =	swait.ge [sflag:s26], $0x7000  }
0x205: {  	[sflag:s26] =	ssyncset.done $0x0  }
0x206: {  	s1 =	rddreg [dreg:$0x14];
	[sflag:s26] =	ssyncadd.s32 $0xFFFF9000  }
0x207: {  	[hbm4b:s1+s2] =	stream.linear.scatter [tilespmem:s16], [sflag:$0x8], $0x7000, $0x38;
	[tilespmem:$0x1C000] =	vst v63  }
0x208: {  	_ =	swait.ge [sflag:s14], $0x7000  }
0x209: {  	[sflag:s14] =	ssyncset.done $0x0  }
0x20a: {  	s1 =	rddreg [dreg:$0x15];
	[sflag:s14] =	ssyncadd.s32 $0xFFFF9000  }
0x20b: {  	[tilespmem:s18], [sflag:$0x3] =	stream.linear.gather [hbm4b:s1+s2], $0x7000, $0x38;
	[tilespmem:$0x1C000] =	vst v63  }
0x20c: {  	_ =	swait.ge [sflag:s11], $0x7000  }
0x20d: {  	[sflag:s11] =	ssyncset.done $0x0  }
0x20e: {  	s1 =	rddreg [dreg:$0x16];
	[sflag:s11] =	ssyncadd.s32 $0xFFFF9000  }
0x20f: {  	[hbm4b:s1+s2] =	stream.linear.scatter [tilespmem:s2], [sflag:$0x5], $0x7000, $0x38;
	[tilespmem:$0x1C000] =	vst v63  }
0x210: {  	_ =	swait.ge [sflag:s13], $0x7000  }
0x211: {  	[sflag:s13] =	ssyncset.done $0x0  }
0x212: {  	s1 =	rddreg [dreg:$0x17];
	[sflag:s13] =	ssyncadd.s32 $0xFFFF9000  }
0x213: {  	[tilespmem:s16], [sflag:$0x4] =	stream.linear.gather [hbm4b:s1+s2], $0x7000, $0x38;
	[tilespmem:$0x1C000] =	vst v63  }
0x214: {  	_ =	swait.ge [sflag:s31], $0x7000  }
0x215: {  	[sflag:s31] =	ssyncset.done $0x0  }
0x216: {  	s1 =	rddreg [dreg:$0x18];
	[sflag:s31] =	ssyncadd.s32 $0xFFFF9000  }
0x217: {  	[hbm4b:s1+s2] =	stream.linear.scatter [tilespmem:s25], [sflag:$0x6], $0x7000, $0x38;
	[tilespmem:$0x1C000] =	vst v63  }
0x218: {  	_ =	swait.ge [sflag:s7], $0x7000  }
0x219: {  	[sflag:s7] =	ssyncset.done $0x0  }
0x21a: {  	s1 =	rddreg [dreg:$0x19];
	[sflag:s7] =	ssyncadd.s32 $0xFFFF9000  }
0x21b: {  	[tilespmem:s2], [sflag:$0x1] =	stream.linear.gather [hbm4b:s1+s2], $0x7000, $0x38;
	[tilespmem:$0x1C000] =	vst v63  }
0x21c: {  	_ =	swait.ge [sflag:s30], $0x7000  }
0x21d: {  	[sflag:s30] =	ssyncset.done $0x0  }
0x21e: {  	s1 =	rddreg [dreg:$0x1a];
	[sflag:s30] =	ssyncadd.s32 $0xFFFF9000  }
0x21f: {  	[hbm4b:s1+s2] =	stream.linear.scatter [tilespmem:s18], [sflag:$0x7], $0x7000, $0x38;
	[tilespmem:$0x1C000] =	vst v63  }
0x220: {  	_ =	swait.ge [sflag:s17], $0x7000  }
0x221: {  	[sflag:s17] =	ssyncset.done $0x0  }
0x222: {  	s1 =	rddreg [dreg:$0x1b];
	[sflag:s17] =	ssyncadd.s32 $0xFFFF9000  }
0x223: {  	[tilespmem:s25], [sflag:$0x2] =	stream.linear.gather [hbm4b:s1+s2], $0x7000, $0x38;
	[tilespmem:$0x1C000] =	vst v63  }
0x224: {  	_ =	swait.ge [sflag:s26], $0x7000  }
0x225: {  	[sflag:s26] =	ssyncset.done $0x0  }
0x226: {  	[sflag:s26] =	ssyncadd.s32 $0xFFFF9000  }
0x227: {  	[hbm4b:s5+s2] =	stream.linear.scatter [tilespmem:s16], [sflag:$0x8], $0x7000, $0x38;
	[tilespmem:$0x1C000] =	vst v63  }
0x228: {  	_ =	swait.ge [sflag:s14], $0x7000  }
0x229: {  	[sflag:s14] =	ssyncset.done $0x0  }
0x22a: {  	[sflag:s14] =	ssyncadd.s32 $0xFFFF9000  }
0x22b: {  	[tilespmem:s18], [sflag:$0x3] =	stream.linear.gather [hbm4b:s4+s2], $0x7000, $0x38;
	[tilespmem:$0x1C000] =	vst v63  }
0x22c: {  	_ =	swait.ge [sflag:s11], $0x7000  }
0x22d: {  	[sflag:s11] =	ssyncset.done $0x0  }
0x22e: {  	[sflag:s11] =	ssyncadd.s32 $0xFFFF9000  }
0x22f: {  	[hbm4b:s3+s2] =	stream.linear.scatter [tilespmem:s2], [sflag:$0x5], $0x7000, $0x38;
	[tilespmem:$0x1C000] =	vst v63  }
0x230: {  	_ =	swait.ge [sflag:s13], $0x7000  }
0x231: {  	[sflag:s13] =	ssyncset.done $0x0  }
0x232: {  	[sflag:s13] =	ssyncadd.s32 $0xFFFF9000  }
0x233: {  	[tilespmem:s16], [sflag:$0x4] =	stream.linear.gather [hbm4b:s6+s2], $0x7000, $0x38;
	[tilespmem:$0x1C000] =	vst v63  }
0x234: {  	_ =	swait.ge [sflag:s31], $0x7000  }
0x235: {  	[sflag:s31] =	ssyncset.done $0x0  }
0x236: {  	[sflag:s31] =	ssyncadd.s32 $0xFFFF9000  }
0x237: {  	[hbm4b:s10+s2] =	stream.linear.scatter [tilespmem:s25], [sflag:$0x6], $0x7000, $0x38;
	[tilespmem:$0x1C000] =	vst v63  }
0x238: {  	_ =	swait.ge [sflag:s7], $0x7000  }
0x239: {  	[sflag:s7] =	ssyncset.done $0x0  }
0x23a: {  	[sflag:s7] =	ssyncadd.s32 $0xFFFF9000  }
0x23b: {  	[tilespmem:s2], [sflag:$0x1] =	stream.linear.gather [hbm4b:s22+s2], $0x7000, $0x38;
	[tilespmem:$0x1C000] =	vst v63  }
0x23c: {  	_ =	swait.ge [sflag:s30], $0x7000  }
0x23d: {  	[sflag:s30] =	ssyncset.done $0x0  }
0x23e: {  	[sflag:s30] =	ssyncadd.s32 $0xFFFF9000  }
0x23f: {  	[hbm4b:s21+s2] =	stream.linear.scatter [tilespmem:s18], [sflag:$0x7], $0x7000, $0x38;
	[tilespmem:$0x1C000] =	vst v63  }
0x240: {  	_ =	swait.ge [sflag:s17], $0x7000  }
0x241: {  	[sflag:s17] =	ssyncset.done $0x0  }
0x242: {  	[sflag:s17] =	ssyncadd.s32 $0xFFFF9000  }
0x243: {  	[tilespmem:s25], [sflag:$0x2] =	stream.linear.gather [hbm4b:s29+s2], $0x7000, $0x38;
	[tilespmem:$0x1C000] =	vst v63  }
0x244: {  	_ =	swait.ge [sflag:s26], $0x7000  }
0x245: {  	[sflag:s26] =	ssyncset.done $0x0  }
0x246: {  	[sflag:s26] =	ssyncadd.s32 $0xFFFF9000  }
0x247: {  	[hbm4b:s28+s2] =	stream.linear.scatter [tilespmem:s16], [sflag:$0x8], $0x7000, $0x38;
	[tilespmem:$0x1C000] =	vst v63  }
0x248: {  	_ =	swait.ge [sflag:s14], $0x7000  }
0x249: {  	[sflag:s14] =	ssyncset.done $0x0  }
0x24a: {  	[sflag:s14] =	ssyncadd.s32 $0xFFFF9000  }
0x24b: {  	[tilespmem:s18], [sflag:$0x3] =	stream.linear.gather [hbm4b:s24+s2], $0x7000, $0x38;
	[tilespmem:$0x1C000] =	vst v63  }
0x24c: {  	_ =	swait.ge [sflag:s11], $0x7000  }
0x24d: {  	[sflag:s11] =	ssyncset.done $0x0  }
0x24e: {  	[sflag:s11] =	ssyncadd.s32 $0xFFFF9000  }
0x24f: {  	[hbm4b:s23+s2] =	stream.linear.scatter [tilespmem:s2], [sflag:$0x5], $0x7000, $0x38;
	[tilespmem:$0x1C000] =	vst v63  }
0x250: {  	_ =	swait.ge [sflag:s13], $0x7000  }
0x251: {  	[sflag:s13] =	ssyncset.done $0x0  }
0x252: {  	[sflag:s13] =	ssyncadd.s32 $0xFFFF9000  }
0x253: {  	[tilespmem:s16], [sflag:$0x4] =	stream.linear.gather [hbm4b:s20+s2], $0x7000, $0x38;
	[tilespmem:$0x1C000] =	vst v63  }
0x254: {  	_ =	swait.ge [sflag:s31], $0x7000  }
0x255: {  	[sflag:s31] =	ssyncset.done $0x0  }
0x256: {  	[sflag:s31] =	ssyncadd.s32 $0xFFFF9000  }
0x257: {  	[hbm4b:s19+s2] =	stream.linear.scatter [tilespmem:s25], [sflag:$0x6], $0x7000, $0x38;
	[tilespmem:$0x1C000] =	vst v63  }
0x258: {  	_ =	swait.ge [sflag:s7], $0x7000  }
0x259: {  	[sflag:s7] =	ssyncset.done $0x0  }
0x25a: {  	[sflag:s7] =	ssyncadd.s32 $0xFFFF9000  }
0x25b: {  	[tilespmem:s2], [sflag:$0x1] =	stream.linear.gather [hbm4b:s15+s2], $0x7000, $0x38;
	[tilespmem:$0x1C000] =	vst v63  }
0x25c: {  	_ =	swait.ge [sflag:s30], $0x7000  }
0x25d: {  	[sflag:s30] =	ssyncset.done $0x0  }
0x25e: {  	[sflag:s30] =	ssyncadd.s32 $0xFFFF9000  }
0x25f: {  	[hbm4b:s12+s2] =	stream.linear.scatter [tilespmem:s18], [sflag:$0x7], $0x7000, $0x38;
	[tilespmem:$0x1C000] =	vst v63  }
0x260: {  	_ =	swait.ge [sflag:s26], $0x7000  }
0x261: {  	[sflag:s26] =	ssyncset.done $0x0  }
0x262: {  	[sflag:s26] =	ssyncadd.s32 $0xFFFF9000  }
0x263: {  	[hbm4b:s9+s2] =	stream.linear.scatter [tilespmem:s16], [sflag:$0x8], $0x7000, $0x38;
	[tilespmem:$0x1C000] =	vst v63  }
0x264: {  	_ =	swait.ge [sflag:s11], $0x7000  }
0x265: {  	[sflag:s11] =	ssyncset.done $0x0  }
0x266: {  	[sflag:s11] =	ssyncadd.s32 $0xFFFF9000  }
0x267: {  	[hbm4b:s8+s2] =	stream.linear.scatter [tilespmem:s2], [sflag:$0x5], $0x7000, $0x38;
	[tilespmem:$0x1C000] =	vst v63  }
0x268: {  	_ =	swait.ge [sflag:s17], $0x7000  }
0x269: {  	[sflag:s17] =	ssyncset.done $0x0  }
0x26a: {  	[sflag:s17] =	ssyncadd.s32 $0xFFFF9000  }
0x26b: {  	_ =	swait.ge [sflag:s14], $0x7000  }
0x26c: {  	[sflag:s14] =	ssyncset.done $0x0  }
0x26d: {  	[sflag:s14] =	ssyncadd.s32 $0xFFFF9000  }
0x26e: {  	_ =	swait.ge [sflag:s13], $0x7000  }
0x26f: {  	[sflag:s13] =	ssyncset.done $0x0  }
0x270: {  	[sflag:s13] =	ssyncadd.s32 $0xFFFF9000  }
0x271: {  	_ =	swait.ge [sflag:s7], $0x7000  }
0x272: {  	[sflag:s7] =	ssyncset.done $0x0  }
0x273: {  	[sflag:s7] =	ssyncadd.s32 $0xFFFF9000  }
0x274: {  	_ =	sfence.sel $0x180000  }
0x275: {  	[bflag:$0x0] =	sbarrier.arrive $0xFFFF  }
0x276: {  	_ =	strace $0x90000047  }
0x277: {  	s31 =	stileid.u32;
	[bflag:$0x2] =	sbarrier.arrive $0xFFFF  }
0x278: {  	p0 =	sne.s32 s31, $0x0;
	s0 =	rddreg [dreg:$0x2]  }
0x279: {  	s0 =	sadd.s32 @!p0 $0x100000, s0  }
0x27a: {  	[sflag:s0] =	ssyncadd.tile.s32 @!p0 $0x1;
	_ =	shalt  }
.Lfunc_end2:
_tile_overlayer_lowered:
.L_overlay_start_2:
0x27b: {  	(tag) =	ssettag $0x2  }
0x27c: {  	s0 =	rddreg [dreg:$0x0];
	s2 =	stileid.u32  }
0x27d: {  	s1 =	rddreg [dreg:$0x1];
	p0 =	sne.s32 s2, $0x0  }
0x27e: {  	s3 =	rddreg [dreg:$0x2];
	[bflag:$0x3] =	sbarrier.arrive $0xFFFF;
	s2 =	simm.s32 @!p0 $0x1C09  }
0x27f: {  	[timem:s3], [sflag:s2] =	dma.local @!p0 [hbm:s0], s1  }
0x280: {  	s0 =	simm.s32 @!p0 $0x9  }
0x281: {  	_ =	swait.ge @!p0 [sflag:s0], s1  }
0x282: {  	s1 =	ssub.s32 @!p0 $0x0, s1;
	[sflag:s0] =	ssyncset.done @!p0 $0x0  }
0x283: {  	[sflag:s0] =	ssyncadd.s32 @!p0 s1  }
0x284: {  	[bflag:$0x3] =	sbarrier.arrive $0xFFFF  }
0x285: {  	_ =	shalt  }

</sc_bundles>
